<compile_context>
chip_gen: v7x
topology: tpu7x:2x2x1
jax: 0.10.2.dev20260603
libtpu: 0.0.44.dev20260713+nightly
codegen_flags: <defaults>
</compile_context>

<pallas_src>
import functools

import jax
import jax.numpy as jnp
from jax import lax
from jax.experimental import pallas as pl
from jax.experimental.pallas import tpu as pltpu
from jax.experimental.pallas import tpu_sc as plsc

N = 10000
D = 128
E = 320000
NC = 2
NS = 16
NW = NC * NS
EPW = E // NW
K = 80
NCHUNK = EPW // K
RPT = 624
RTAIL = N - NS * RPT


def _sc_scatter_body(r_hbm, src_hbm, dst_hbm, out_hbm,
                     q0, q1, q2, q3,
                     rows0, rows1, rows2, rows3, acc_sh,
                     qs0, qs1, qs2, qs3, gs0, gs1, gs2, gs3,
                     ss0, ss1, ss2, ss3):
    c = lax.axis_index("c")
    s = lax.axis_index("s")
    w = s * NC + c
    ebase = w * EPW
    Q = (q0, q1, q2, q3)
    SQ = tuple(q.at[0] for q in Q)
    DQ = tuple(q.at[1] for q in Q)
    QS = (qs0, qs1, qs2, qs3)
    R = (rows0, rows1, rows2, rows3)
    GS = (gs0, gs1, gs2, gs3)
    SS = (ss0, ss1, ss2, ss3)
    LAST = NCHUNK - 1

    def q_start(i, k):
        base = pl.multiple_of(ebase + i * K, 8)
        pltpu.async_copy(src_hbm.at[pl.ds(base, K)], SQ[k], QS[k])
        pltpu.async_copy(dst_hbm.at[pl.ds(base, K)], DQ[k], QS[k])

    def q_wait(k):
        pltpu.make_async_copy(src_hbm.at[pl.ds(0, K)], SQ[k], QS[k]).wait()
        pltpu.make_async_copy(dst_hbm.at[pl.ds(0, K)], DQ[k], QS[k]).wait()

    def g_start(i, k):
        pltpu.async_copy(r_hbm.at[SQ[k]], R[k], GS[k])

    def g_wait(k):
        pltpu.make_async_copy(r_hbm.at[SQ[k]], R[k], GS[k]).wait()

    def s_start(k):
        pltpu.async_copy(R[k], acc_sh.at[DQ[k]], SS[k], add=True)

    def s_wait(k):
        pltpu.make_async_copy(R[k], acc_sh.at[DQ[k]], SS[k]).wait()

    q_start(0, 0)
    q_start(1, 1)
    q_start(2, 2)

    zv = jnp.zeros((16,), jnp.float32)

    def zrow(i, carry):
        for b in range(D // 16):
            rows1[i, pl.ds(b * 16, 16)] = zv
        return carry

    lax.fori_loop(0, K, zrow, 0)
    r0 = pl.multiple_of(s * RPT, 8)
    ZREM = RPT - (RPT // K) * K
    for t in range(RPT // K):
        pltpu.async_copy(rows1, acc_sh.at[pl.ds(r0 + t * K, K)], ss0)
    pltpu.async_copy(rows1.at[pl.ds(0, ZREM)],
                     acc_sh.at[pl.ds(r0 + (RPT // K) * K, ZREM)], ss0)

    @pl.when(s == 0)
    def _zero_tail():
        pltpu.sync_copy(rows1.at[pl.ds(0, RTAIL)],
                        acc_sh.at[pl.ds(NS * RPT, RTAIL)])

    q_wait(0)
    g_start(0, 0)
    for t in range(RPT // K):
        pltpu.make_async_copy(rows1, acc_sh.at[pl.ds(r0 + t * K, K)], ss0).wait()
    pltpu.make_async_copy(rows1.at[pl.ds(0, ZREM)],
                          acc_sh.at[pl.ds(r0 + (RPT // K) * K, ZREM)], ss0).wait()
    plsc.subcore_barrier()

    q_wait(1); g_start(1, 1); g_wait(0); s_start(0); q_start(3, 3)
    q_wait(2); g_start(2, 2); g_wait(1); s_start(1); s_wait(0); q_start(4, 0)
    q_wait(3); g_start(3, 3); g_wait(2); s_start(2); s_wait(1); q_start(5, 1)

    def quad(j, carry):
        i0 = 3 + 4 * j
        for b in range(4):
            i = i0 + b
            k = (3 + b) % 4
            q_wait((k + 1) % 4)
            g_start(i + 1, (k + 1) % 4)
            g_wait(k)
            s_start(k)
            s_wait((k + 3) % 4)
            q_start(jnp.minimum(i + 3, LAST), (k + 3) % 4)
        return carry

    lax.fori_loop(0, (NCHUNK - 5) // 4, quad, 0)
    q_wait(0); g_start(LAST, 0); g_wait(3); s_start(3); s_wait(2)
    g_wait(0); s_start(0); s_wait(3)
    s_wait(0)
    q_wait(1)
    plsc.subcore_barrier()

    pltpu.sync_copy(acc_sh.at[pl.ds(r0, RPT)], out_hbm.at[c, pl.ds(r0, RPT)])

    @pl.when(s == 0)
    def _write_tail():
        pltpu.sync_copy(acc_sh.at[pl.ds(NS * RPT, RTAIL)],
                        out_hbm.at[c, pl.ds(NS * RPT, RTAIL)])


@functools.cache
def _make_sc_scatter():
    return pl.kernel(
        _sc_scatter_body,
        out_type=jax.ShapeDtypeStruct((NC, N, D), jnp.float32),
        mesh=plsc.VectorSubcoreMesh(core_axis_name="c", subcore_axis_name="s",
                                    num_cores=NC, num_subcores=NS),
        scratch_types=[
            pltpu.VMEM((2, K), jnp.int32),
            pltpu.VMEM((2, K), jnp.int32),
            pltpu.VMEM((2, K), jnp.int32),
            pltpu.VMEM((2, K), jnp.int32),
            pltpu.VMEM((K, D), jnp.float32),
            pltpu.VMEM((K, D), jnp.float32),
            pltpu.VMEM((K, D), jnp.float32),
            pltpu.VMEM((K, D), jnp.float32),
            pltpu.VMEM_SHARED((N, D), jnp.float32),
        ] + [pltpu.SemaphoreType.DMA] * 12,
    )


def _sc_scatter(r, src, dst):
    return _make_sc_scatter()(r, src, dst)


def _relu_body(x_ref, o_ref):
    o_ref[...] = jnp.maximum(x_ref[...], 0.0)


def _relu(x):
    return pl.pallas_call(
        _relu_body,
        out_shape=jax.ShapeDtypeStruct((N, D), jnp.float32),
        grid=(10,),
        in_specs=[pl.BlockSpec((N // 10, D), lambda i: (i, 0))],
        out_specs=pl.BlockSpec((N // 10, D), lambda i: (i, 0)),
    )(x)


def _split_body(ei_ref, src_ref, dst_ref):
    src_ref[...] = ei_ref[0]
    dst_ref[...] = ei_ref[1]


def _split(edge_index):
    return pl.pallas_call(
        _split_body,
        out_shape=(jax.ShapeDtypeStruct((E,), jnp.int32),
                   jax.ShapeDtypeStruct((E,), jnp.int32)),
    )(edge_index)


def _mlp_body(h_ref, parts_ref, eps_ref, W1_ref, b1_ref, g1_ref,
              be1_ref, W2_ref, b2_ref, go_ref, bo_ref, o_ref, *, final_relu):
    z = (1.0 + eps_ref[0]) * h_ref[...] + (parts_ref[0] + parts_ref[1])
    z1 = jnp.dot(z, W1_ref[...], preferred_element_type=jnp.float32) + b1_ref[...]
    m1 = jnp.mean(z1, axis=0, keepdims=True)
    v1 = jnp.mean((z1 - m1) ** 2, axis=0, keepdims=True)
    z1 = (z1 - m1) * lax.rsqrt(v1 + 1e-5) * g1_ref[...] + be1_ref[...]
    z1 = jnp.maximum(z1, 0.0)
    z2 = jnp.dot(z1, W2_ref[...], preferred_element_type=jnp.float32) + b2_ref[...]
    m2 = jnp.mean(z2, axis=0, keepdims=True)
    v2 = jnp.mean((z2 - m2) ** 2, axis=0, keepdims=True)
    z2 = (z2 - m2) * lax.rsqrt(v2 + 1e-5) * go_ref[...] + bo_ref[...]
    if final_relu:
        z2 = jnp.maximum(z2, 0.0)
    o_ref[...] = z2


def _mlp(h, parts, eps, W1, b1, g1, be1, W2, b2, go, bo, final_relu):
    vec = lambda v: v.reshape(1, D)
    return pl.pallas_call(
        functools.partial(_mlp_body, final_relu=final_relu),
        out_shape=jax.ShapeDtypeStruct((N, D), jnp.float32),
        in_specs=[pl.BlockSpec(memory_space=pltpu.VMEM)] * 2
                 + [pl.BlockSpec(memory_space=pltpu.SMEM)]
                 + [pl.BlockSpec(memory_space=pltpu.VMEM)] * 8,
        out_specs=pl.BlockSpec(memory_space=pltpu.VMEM),
    )(h, parts, eps.reshape(1), W1, vec(b1), vec(g1), vec(be1),
      W2, vec(b2), vec(go), vec(bo))


def kernel(x, edge_index, batch,
           W1_0, b1_0, g1_0, be1_0, W2_0, b2_0, eps_0, go_0, bo_0,
           W1_1, b1_1, g1_1, be1_1, W2_1, b2_1, eps_1, go_1, bo_1):
    src, dst = _split(edge_index)
    r0 = _relu(x)
    parts0 = _sc_scatter(r0, src, dst)
    h1 = _mlp(x, parts0, eps_0,
              W1_0, b1_0, g1_0, be1_0, W2_0, b2_0, go_0, bo_0,
              final_relu=True)
    parts1 = _sc_scatter(h1, src, dst)
    h2 = _mlp(h1, parts1, eps_1,
              W1_1, b1_1, g1_1, be1_1, W2_1, b2_1, go_1, bo_1,
              final_relu=False)
    return h2

# --- scband reference (transcript-rebuilt; emitter-appended) ---
"""Pipeline reference for scband-gin-28879360098945 (READ-ONLY COPY).

The authoritative reference and input builder live on the scoring server;
editing this copy changes nothing except your own understanding.
"""

import jax, jax.numpy as jnp
import numpy as np

N = 10000
E = 320000
D = 128
H = 128
L = 2

def setup_inputs(seed: int = 0) -> dict:
    key = jax.random.key(seed)
    ks = jax.random.split(key, 16)
    inp = {
        "x": jax.random.normal(ks[0], (N, D), dtype=jnp.float32),
        "edge_index": jax.random.randint(ks[1], (2, E), 0, N).astype(jnp.int32),
        "batch": jnp.zeros((N,), dtype=jnp.int32),
    }
    i = 2
    for l in range(L):
        din = D if l == 0 else H
        inp[f"W1_{l}"] = jax.random.normal(ks[i], (din, H), dtype=jnp.float32) * 0.05; i += 1
        inp[f"b1_{l}"] = jnp.zeros((H,), dtype=jnp.float32)
        inp[f"g1_{l}"] = jnp.ones((H,), dtype=jnp.float32)
        inp[f"be1_{l}"] = jnp.zeros((H,), dtype=jnp.float32)
        inp[f"W2_{l}"] = jax.random.normal(ks[i], (H, H), dtype=jnp.float32) * 0.05; i += 1
        inp[f"b2_{l}"] = jnp.zeros((H,), dtype=jnp.float32)
        inp[f"eps_{l}"] = jnp.zeros((), dtype=jnp.float32)
        inp[f"go_{l}"] = jnp.ones((H,), dtype=jnp.float32)
        inp[f"bo_{l}"] = jnp.zeros((H,), dtype=jnp.float32)
    return inp

def _bn(x, g, b):
    m = jnp.mean(x, axis=0)
    v = jnp.var(x, axis=0)
    return (x - m) / jnp.sqrt(v + 1e-5) * g + b

def reference(x, edge_index, batch,
              W1_0, b1_0, g1_0, be1_0, W2_0, b2_0, eps_0, go_0, bo_0,
              W1_1, b1_1, g1_1, be1_1, W2_1, b2_1, eps_1, go_1, bo_1):
    p = {
        "W1_0": W1_0, "b1_0": b1_0, "g1_0": g1_0, "be1_0": be1_0,
        "W2_0": W2_0, "b2_0": b2_0, "eps_0": eps_0, "go_0": go_0, "bo_0": bo_0,
        "W1_1": W1_1, "b1_1": b1_1, "g1_1": g1_1, "be1_1": be1_1,
        "W2_1": W2_1, "b2_1": b2_1, "eps_1": eps_1, "go_1": go_1, "bo_1": bo_1,
    }
    src = edge_index[0]
    dst = edge_index[1]
    h = x
    for l in range(L):
        # GINConv.propagate: message = relu(x_j), aggr='add' (scatter-add to dst)
        msg = jax.nn.relu(h[src])
        agg = jax.ops.segment_sum(msg, dst, num_segments=N)
        z = (1.0 + p[f"eps_{l}"]) * h + agg
        # mlp: Linear -> BatchNorm (batch stats) -> ReLU -> Linear
        z = z @ p[f"W1_{l}"] + p[f"b1_{l}"]
        z = _bn(z, p[f"g1_{l}"], p[f"be1_{l}"])
        z = jax.nn.relu(z)
        z = z @ p[f"W2_{l}"] + p[f"b2_{l}"]
        # outer BatchNorm
        z = _bn(z, p[f"go_{l}"], p[f"bo_{l}"])
        # dropout treated as identity (eval); relu on all but last layer
        if l < L - 1:
            z = jax.nn.relu(z)
        h = z
    return h

if __name__ == "__main__":
    import jax
    _d = setup_inputs()
    print(jax.jit(kernel)(*tuple(_d.values())))

</pallas_src>

<mosaic_0001>
#map = affine_map<(d0, d1) -> (0, 0)>
#map1 = affine_map<(d0, d1) -> (0)>
#map2 = affine_map<(d0, d1) -> (0, 0, 0)>
module attributes {stable_mosaic.version = 14 : i64} {
  func.func @_sc_scatter_body(%arg0: i32, %arg1: i32, %arg2: memref<10000x128xf32, #tpu.memory_space<hbm>>, %arg3: memref<320000xi32, #tpu.memory_space<hbm>>, %arg4: memref<320000xi32, #tpu.memory_space<hbm>>, %arg5: memref<2x10000x128xf32, #tpu.memory_space<hbm>>, %arg6: memref<2x80xi32, #tpu.memory_space<vmem>>, %arg7: memref<2x80xi32, #tpu.memory_space<vmem>>, %arg8: memref<2x80xi32, #tpu.memory_space<vmem>>, %arg9: memref<2x80xi32, #tpu.memory_space<vmem>>, %arg10: memref<80x128xf32, #tpu.memory_space<vmem>>, %arg11: memref<80x128xf32, #tpu.memory_space<vmem>>, %arg12: memref<80x128xf32, #tpu.memory_space<vmem>>, %arg13: memref<80x128xf32, #tpu.memory_space<vmem>>, %arg14: memref<10000x128xf32, #tpu.memory_space<vmem_shared>>, %arg15: memref<!tpu.dma_semaphore, #tpu.memory_space<semaphore_mem>>, %arg16: memref<!tpu.dma_semaphore, #tpu.memory_space<semaphore_mem>>, %arg17: memref<!tpu.dma_semaphore, #tpu.memory_space<semaphore_mem>>, %arg18: memref<!tpu.dma_semaphore, #tpu.memory_space<semaphore_mem>>, %arg19: memref<!tpu.dma_semaphore, #tpu.memory_space<semaphore_mem>>, %arg20: memref<!tpu.dma_semaphore, #tpu.memory_space<semaphore_mem>>, %arg21: memref<!tpu.dma_semaphore, #tpu.memory_space<semaphore_mem>>, %arg22: memref<!tpu.dma_semaphore, #tpu.memory_space<semaphore_mem>>, %arg23: memref<!tpu.dma_semaphore, #tpu.memory_space<semaphore_mem>>, %arg24: memref<!tpu.dma_semaphore, #tpu.memory_space<semaphore_mem>>, %arg25: memref<!tpu.dma_semaphore, #tpu.memory_space<semaphore_mem>>, %arg26: memref<!tpu.dma_semaphore, #tpu.memory_space<semaphore_mem>>) attributes {dimension_semantics = [#tpu.dimension_semantics<core_parallel>, #tpu.dimension_semantics<subcore_parallel>], iteration_bounds = array<i64: 2, 16>, scalar_prefetch = 0 : i64, scratch_operands = 21 : i64, tpu.core_type = #tpu.core_type<sc_vector_subcore>, window_params = [{transform_indices = #map}, {transform_indices = #map1}, {transform_indices = #map1}, {transform_indices = #map2}]} {
    %mul3A = arith.constant 2 : i32
    %mul3A_0 = arith.muli %arg1, %mul3A : i32
    %add3A = arith.addi %mul3A_0, %arg0 : i32
    %mul3A_1 = arith.constant 10000 : i32
    %mul3A_2 = arith.muli %add3A, %mul3A_1 : i32
    %add3A_3 = arith.constant 0 : i32
    %add3A_4 = arith.addi %mul3A_2, %add3A_3 : i32
    %multiple_of3A = tpu.assume_multiple %add3A_4, 8 : i32
    %dma_start3A = arith.constant 0 : i32
    %dma_start3A_5 = arith.constant 0 : i32
    %dma_start3A_6 = tpu.memref_slice %arg6[%dma_start3A, %dma_start3A_5] : memref<2x80xi32, #tpu.memory_space<vmem>> -> memref<1x80xi32, #tpu.memory_space<vmem>>
    %dma_start3A_7 = tpu.memref_squeeze %dma_start3A_6 : memref<1x80xi32, #tpu.memory_space<vmem>> -> memref<80xi32, #tpu.memory_space<vmem>>
    %dma_start3A_8 = tpu.memref_slice %arg3[%multiple_of3A] : memref<320000xi32, #tpu.memory_space<hbm>> -> memref<80xi32, #tpu.memory_space<hbm>>
    %dma_start3A_9 = arith.constant 0 : i32
    %dma_start3A_10 = tpu.memref_slice %arg6[%dma_start3A, %dma_start3A_9] : memref<2x80xi32, #tpu.memory_space<vmem>> -> memref<1x80xi32, #tpu.memory_space<vmem>>
    %dma_start3A_11 = tpu.memref_squeeze %dma_start3A_10 : memref<1x80xi32, #tpu.memory_space<vmem>> -> memref<80xi32, #tpu.memory_space<vmem>>
    %dma_start3A_12 = tpu.memref_slice %arg3[%multiple_of3A] : memref<320000xi32, #tpu.memory_space<hbm>> -> memref<80xi32, #tpu.memory_space<hbm>>
    tpu.enqueue_dma source(%dma_start3A_12 : memref<80xi32, #tpu.memory_space<hbm>>) target(%dma_start3A_11 : memref<80xi32, #tpu.memory_space<vmem>>) target_semaphore(%arg15 : memref<!tpu.dma_semaphore, #tpu.memory_space<semaphore_mem>>)
    %dma_start3A_13 = arith.constant 1 : i32
    %dma_start3A_14 = arith.constant 0 : i32
    %dma_start3A_15 = tpu.memref_slice %arg6[%dma_start3A_13, %dma_start3A_14] : memref<2x80xi32, #tpu.memory_space<vmem>> -> memref<1x80xi32, #tpu.memory_space<vmem>>
    %dma_start3A_16 = tpu.memref_squeeze %dma_start3A_15 : memref<1x80xi32, #tpu.memory_space<vmem>> -> memref<80xi32, #tpu.memory_space<vmem>>
    %dma_start3A_17 = tpu.memref_slice %arg4[%multiple_of3A] : memref<320000xi32, #tpu.memory_space<hbm>> -> memref<80xi32, #tpu.memory_space<hbm>>
    %dma_start3A_18 = arith.constant 0 : i32
    %dma_start3A_19 = tpu.memref_slice %arg6[%dma_start3A_13, %dma_start3A_18] : memref<2x80xi32, #tpu.memory_space<vmem>> -> memref<1x80xi32, #tpu.memory_space<vmem>>
    %dma_start3A_20 = tpu.memref_squeeze %dma_start3A_19 : memref<1x80xi32, #tpu.memory_space<vmem>> -> memref<80xi32, #tpu.memory_space<vmem>>
    %dma_start3A_21 = tpu.memref_slice %arg4[%multiple_of3A] : memref<320000xi32, #tpu.memory_space<hbm>> -> memref<80xi32, #tpu.memory_space<hbm>>
    tpu.enqueue_dma source(%dma_start3A_21 : memref<80xi32, #tpu.memory_space<hbm>>) target(%dma_start3A_20 : memref<80xi32, #tpu.memory_space<vmem>>) target_semaphore(%arg15 : memref<!tpu.dma_semaphore, #tpu.memory_space<semaphore_mem>>)
    %add3A_22 = arith.constant 80 : i32
    %add3A_23 = arith.addi %mul3A_2, %add3A_22 : i32
    %multiple_of3A_24 = tpu.assume_multiple %add3A_23, 8 : i32
    %dma_start3A_25 = arith.constant 0 : i32
    %dma_start3A_26 = arith.constant 0 : i32
    %dma_start3A_27 = tpu.memref_slice %arg7[%dma_start3A_25, %dma_start3A_26] : memref<2x80xi32, #tpu.memory_space<vmem>> -> memref<1x80xi32, #tpu.memory_space<vmem>>
    %dma_start3A_28 = tpu.memref_squeeze %dma_start3A_27 : memref<1x80xi32, #tpu.memory_space<vmem>> -> memref<80xi32, #tpu.memory_space<vmem>>
    %dma_start3A_29 = tpu.memref_slice %arg3[%multiple_of3A_24] : memref<320000xi32, #tpu.memory_space<hbm>> -> memref<80xi32, #tpu.memory_space<hbm>>
    %dma_start3A_30 = arith.constant 0 : i32
    %dma_start3A_31 = tpu.memref_slice %arg7[%dma_start3A_25, %dma_start3A_30] : memref<2x80xi32, #tpu.memory_space<vmem>> -> memref<1x80xi32, #tpu.memory_space<vmem>>
    %dma_start3A_32 = tpu.memref_squeeze %dma_start3A_31 : memref<1x80xi32, #tpu.memory_space<vmem>> -> memref<80xi32, #tpu.memory_space<vmem>>
    %dma_start3A_33 = tpu.memref_slice %arg3[%multiple_of3A_24] : memref<320000xi32, #tpu.memory_space<hbm>> -> memref<80xi32, #tpu.memory_space<hbm>>
    tpu.enqueue_dma source(%dma_start3A_33 : memref<80xi32, #tpu.memory_space<hbm>>) target(%dma_start3A_32 : memref<80xi32, #tpu.memory_space<vmem>>) target_semaphore(%arg16 : memref<!tpu.dma_semaphore, #tpu.memory_space<semaphore_mem>>)
    %dma_start3A_34 = arith.constant 1 : i32
    %dma_start3A_35 = arith.constant 0 : i32
    %dma_start3A_36 = tpu.memref_slice %arg7[%dma_start3A_34, %dma_start3A_35] : memref<2x80xi32, #tpu.memory_space<vmem>> -> memref<1x80xi32, #tpu.memory_space<vmem>>
    %dma_start3A_37 = tpu.memref_squeeze %dma_start3A_36 : memref<1x80xi32, #tpu.memory_space<vmem>> -> memref<80xi32, #tpu.memory_space<vmem>>
    %dma_start3A_38 = tpu.memref_slice %arg4[%multiple_of3A_24] : memref<320000xi32, #tpu.memory_space<hbm>> -> memref<80xi32, #tpu.memory_space<hbm>>
    %dma_start3A_39 = arith.constant 0 : i32
    %dma_start3A_40 = tpu.memref_slice %arg7[%dma_start3A_34, %dma_start3A_39] : memref<2x80xi32, #tpu.memory_space<vmem>> -> memref<1x80xi32, #tpu.memory_space<vmem>>
    %dma_start3A_41 = tpu.memref_squeeze %dma_start3A_40 : memref<1x80xi32, #tpu.memory_space<vmem>> -> memref<80xi32, #tpu.memory_space<vmem>>
    %dma_start3A_42 = tpu.memref_slice %arg4[%multiple_of3A_24] : memref<320000xi32, #tpu.memory_space<hbm>> -> memref<80xi32, #tpu.memory_space<hbm>>
    tpu.enqueue_dma source(%dma_start3A_42 : memref<80xi32, #tpu.memory_space<hbm>>) target(%dma_start3A_41 : memref<80xi32, #tpu.memory_space<vmem>>) target_semaphore(%arg16 : memref<!tpu.dma_semaphore, #tpu.memory_space<semaphore_mem>>)
    %add3A_43 = arith.constant 160 : i32
    %add3A_44 = arith.addi %mul3A_2, %add3A_43 : i32
    %multiple_of3A_45 = tpu.assume_multiple %add3A_44, 8 : i32
    %dma_start3A_46 = arith.constant 0 : i32
    %dma_start3A_47 = arith.constant 0 : i32
    %dma_start3A_48 = tpu.memref_slice %arg8[%dma_start3A_46, %dma_start3A_47] : memref<2x80xi32, #tpu.memory_space<vmem>> -> memref<1x80xi32, #tpu.memory_space<vmem>>
    %dma_start3A_49 = tpu.memref_squeeze %dma_start3A_48 : memref<1x80xi32, #tpu.memory_space<vmem>> -> memref<80xi32, #tpu.memory_space<vmem>>
    %dma_start3A_50 = tpu.memref_slice %arg3[%multiple_of3A_45] : memref<320000xi32, #tpu.memory_space<hbm>> -> memref<80xi32, #tpu.memory_space<hbm>>
    %dma_start3A_51 = arith.constant 0 : i32
    %dma_start3A_52 = tpu.memref_slice %arg8[%dma_start3A_46, %dma_start3A_51] : memref<2x80xi32, #tpu.memory_space<vmem>> -> memref<1x80xi32, #tpu.memory_space<vmem>>
    %dma_start3A_53 = tpu.memref_squeeze %dma_start3A_52 : memref<1x80xi32, #tpu.memory_space<vmem>> -> memref<80xi32, #tpu.memory_space<vmem>>
    %dma_start3A_54 = tpu.memref_slice %arg3[%multiple_of3A_45] : memref<320000xi32, #tpu.memory_space<hbm>> -> memref<80xi32, #tpu.memory_space<hbm>>
    tpu.enqueue_dma source(%dma_start3A_54 : memref<80xi32, #tpu.memory_space<hbm>>) target(%dma_start3A_53 : memref<80xi32, #tpu.memory_space<vmem>>) target_semaphore(%arg17 : memref<!tpu.dma_semaphore, #tpu.memory_space<semaphore_mem>>)
    %dma_start3A_55 = arith.constant 1 : i32
    %dma_start3A_56 = arith.constant 0 : i32
    %dma_start3A_57 = tpu.memref_slice %arg8[%dma_start3A_55, %dma_start3A_56] : memref<2x80xi32, #tpu.memory_space<vmem>> -> memref<1x80xi32, #tpu.memory_space<vmem>>
    %dma_start3A_58 = tpu.memref_squeeze %dma_start3A_57 : memref<1x80xi32, #tpu.memory_space<vmem>> -> memref<80xi32, #tpu.memory_space<vmem>>
    %dma_start3A_59 = tpu.memref_slice %arg4[%multiple_of3A_45] : memref<320000xi32, #tpu.memory_space<hbm>> -> memref<80xi32, #tpu.memory_space<hbm>>
    %dma_start3A_60 = arith.constant 0 : i32
    %dma_start3A_61 = tpu.memref_slice %arg8[%dma_start3A_55, %dma_start3A_60] : memref<2x80xi32, #tpu.memory_space<vmem>> -> memref<1x80xi32, #tpu.memory_space<vmem>>
    %dma_start3A_62 = tpu.memref_squeeze %dma_start3A_61 : memref<1x80xi32, #tpu.memory_space<vmem>> -> memref<80xi32, #tpu.memory_space<vmem>>
    %dma_start3A_63 = tpu.memref_slice %arg4[%multiple_of3A_45] : memref<320000xi32, #tpu.memory_space<hbm>> -> memref<80xi32, #tpu.memory_space<hbm>>
    tpu.enqueue_dma source(%dma_start3A_63 : memref<80xi32, #tpu.memory_space<hbm>>) target(%dma_start3A_62 : memref<80xi32, #tpu.memory_space<vmem>>) target_semaphore(%arg17 : memref<!tpu.dma_semaphore, #tpu.memory_space<semaphore_mem>>)
    %broadcast_in_dim3A = arith.constant 0.000000e+00 : f32
    %broadcast_in_dim3A_64 = vector.broadcast %broadcast_in_dim3A : f32 to vector<16xf32>
    %scan3A = arith.constant 0 : i32
    %scan3A_65 = arith.constant 0 : i32
    %scan3A_66 = arith.constant 80 : i32
    %scan3A_67 = arith.addi %scan3A_65, %scan3A_66 : i32
    %scan3A_68 = arith.constant 1 : i32
    scf.for %scan3A_537 = %scan3A_65 to %scan3A_67 step %scan3A_68  : i32 {
      %swap3A = arith.index_cast %scan3A_537 : i32 to index
      %swap3A_538 = arith.constant 0 : index
      %swap3A_539 = tpu.vector_load %arg11[%swap3A, %swap3A_538] {strides = array<i32>} : memref<80x128xf32, #tpu.memory_space<vmem>>, vector<1x16xf32>,
      %swap3A_540 = vector.shape_cast %swap3A_539 : vector<1x16xf32> to vector<16xf32>
      %swap3A_541 = vector.shape_cast %broadcast_in_dim3A_64 : vector<16xf32> to vector<1x16xf32>
      tpu.vector_store %arg11[%swap3A, %swap3A_538], %swap3A_541 {strides = array<i32>} : memref<80x128xf32, #tpu.memory_space<vmem>>, vector<1x16xf32>,
      %swap3A_542 = arith.index_cast %scan3A_537 : i32 to index
      %swap3A_543 = arith.constant 16 : index
      %swap3A_544 = tpu.vector_load %arg11[%swap3A_542, %swap3A_543] {strides = array<i32>} : memref<80x128xf32, #tpu.memory_space<vmem>>, vector<1x16xf32>,
      %swap3A_545 = vector.shape_cast %swap3A_544 : vector<1x16xf32> to vector<16xf32>
      %swap3A_546 = vector.shape_cast %broadcast_in_dim3A_64 : vector<16xf32> to vector<1x16xf32>
      tpu.vector_store %arg11[%swap3A_542, %swap3A_543], %swap3A_546 {strides = array<i32>} : memref<80x128xf32, #tpu.memory_space<vmem>>, vector<1x16xf32>,
      %swap3A_547 = arith.index_cast %scan3A_537 : i32 to index
      %swap3A_548 = arith.constant 32 : index
      %swap3A_549 = tpu.vector_load %arg11[%swap3A_547, %swap3A_548] {strides = array<i32>} : memref<80x128xf32, #tpu.memory_space<vmem>>, vector<1x16xf32>,
      %swap3A_550 = vector.shape_cast %swap3A_549 : vector<1x16xf32> to vector<16xf32>
      %swap3A_551 = vector.shape_cast %broadcast_in_dim3A_64 : vector<16xf32> to vector<1x16xf32>
      tpu.vector_store %arg11[%swap3A_547, %swap3A_548], %swap3A_551 {strides = array<i32>} : memref<80x128xf32, #tpu.memory_space<vmem>>, vector<1x16xf32>,
      %swap3A_552 = arith.index_cast %scan3A_537 : i32 to index
      %swap3A_553 = arith.constant 48 : index
      %swap3A_554 = tpu.vector_load %arg11[%swap3A_552, %swap3A_553] {strides = array<i32>} : memref<80x128xf32, #tpu.memory_space<vmem>>, vector<1x16xf32>,
      %swap3A_555 = vector.shape_cast %swap3A_554 : vector<1x16xf32> to vector<16xf32>
      %swap3A_556 = vector.shape_cast %broadcast_in_dim3A_64 : vector<16xf32> to vector<1x16xf32>
      tpu.vector_store %arg11[%swap3A_552, %swap3A_553], %swap3A_556 {strides = array<i32>} : memref<80x128xf32, #tpu.memory_space<vmem>>, vector<1x16xf32>,
      %swap3A_557 = arith.index_cast %scan3A_537 : i32 to index
      %swap3A_558 = arith.constant 64 : index
      %swap3A_559 = tpu.vector_load %arg11[%swap3A_557, %swap3A_558] {strides = array<i32>} : memref<80x128xf32, #tpu.memory_space<vmem>>, vector<1x16xf32>,
      %swap3A_560 = vector.shape_cast %swap3A_559 : vector<1x16xf32> to vector<16xf32>
      %swap3A_561 = vector.shape_cast %broadcast_in_dim3A_64 : vector<16xf32> to vector<1x16xf32>
      tpu.vector_store %arg11[%swap3A_557, %swap3A_558], %swap3A_561 {strides = array<i32>} : memref<80x128xf32, #tpu.memory_space<vmem>>, vector<1x16xf32>,
      %swap3A_562 = arith.index_cast %scan3A_537 : i32 to index
      %swap3A_563 = arith.constant 80 : index
      %swap3A_564 = tpu.vector_load %arg11[%swap3A_562, %swap3A_563] {strides = array<i32>} : memref<80x128xf32, #tpu.memory_space<vmem>>, vector<1x16xf32>,
      %swap3A_565 = vector.shape_cast %swap3A_564 : vector<1x16xf32> to vector<16xf32>
      %swap3A_566 = vector.shape_cast %broadcast_in_dim3A_64 : vector<16xf32> to vector<1x16xf32>
      tpu.vector_store %arg11[%swap3A_562, %swap3A_563], %swap3A_566 {strides = array<i32>} : memref<80x128xf32, #tpu.memory_space<vmem>>, vector<1x16xf32>,
      %swap3A_567 = arith.index_cast %scan3A_537 : i32 to index
      %swap3A_568 = arith.constant 96 : index
      %swap3A_569 = tpu.vector_load %arg11[%swap3A_567, %swap3A_568] {strides = array<i32>} : memref<80x128xf32, #tpu.memory_space<vmem>>, vector<1x16xf32>,
      %swap3A_570 = vector.shape_cast %swap3A_569 : vector<1x16xf32> to vector<16xf32>
      %swap3A_571 = vector.shape_cast %broadcast_in_dim3A_64 : vector<16xf32> to vector<1x16xf32>
      tpu.vector_store %arg11[%swap3A_567, %swap3A_568], %swap3A_571 {strides = array<i32>} : memref<80x128xf32, #tpu.memory_space<vmem>>, vector<1x16xf32>,
      %swap3A_572 = arith.index_cast %scan3A_537 : i32 to index
      %swap3A_573 = arith.constant 112 : index
      %swap3A_574 = tpu.vector_load %arg11[%swap3A_572, %swap3A_573] {strides = array<i32>} : memref<80x128xf32, #tpu.memory_space<vmem>>, vector<1x16xf32>,
      %swap3A_575 = vector.shape_cast %swap3A_574 : vector<1x16xf32> to vector<16xf32>
      %swap3A_576 = vector.shape_cast %broadcast_in_dim3A_64 : vector<16xf32> to vector<1x16xf32>
      tpu.vector_store %arg11[%swap3A_572, %swap3A_573], %swap3A_576 {strides = array<i32>} : memref<80x128xf32, #tpu.memory_space<vmem>>, vector<1x16xf32>,
    }
    %scan3A_69 = arith.constant 80 : i32
    %mul3A_70 = arith.constant 624 : i32
    %mul3A_71 = arith.muli %arg1, %mul3A_70 : i32
    %multiple_of3A_72 = tpu.assume_multiple %mul3A_71, 8 : i32
    %add3A_73 = arith.constant 0 : i32
    %add3A_74 = arith.addi %multiple_of3A_72, %add3A_73 : i32
    %dma_start3A_75 = arith.constant 0 : i32
    %dma_start3A_76 = tpu.memref_slice %arg14[%add3A_74, %dma_start3A_75] : memref<10000x128xf32, #tpu.memory_space<vmem_shared>> -> memref<80x128xf32, #tpu.memory_space<vmem_shared>>
    %dma_start3A_77 = arith.constant 0 : i32
    %dma_start3A_78 = tpu.memref_slice %arg14[%add3A_74, %dma_start3A_77] : memref<10000x128xf32, #tpu.memory_space<vmem_shared>> -> memref<80x128xf32, #tpu.memory_space<vmem_shared>>
    tpu.enqueue_dma source(%arg11 : memref<80x128xf32, #tpu.memory_space<vmem>>) target(%dma_start3A_78 : memref<80x128xf32, #tpu.memory_space<vmem_shared>>) target_semaphore(%arg23 : memref<!tpu.dma_semaphore, #tpu.memory_space<semaphore_mem>>)
    %add3A_79 = arith.constant 80 : i32
    %add3A_80 = arith.addi %multiple_of3A_72, %add3A_79 : i32
    %dma_start3A_81 = arith.constant 0 : i32
    %dma_start3A_82 = tpu.memref_slice %arg14[%add3A_80, %dma_start3A_81] : memref<10000x128xf32, #tpu.memory_space<vmem_shared>> -> memref<80x128xf32, #tpu.memory_space<vmem_shared>>
    %dma_start3A_83 = arith.constant 0 : i32
    %dma_start3A_84 = tpu.memref_slice %arg14[%add3A_80, %dma_start3A_83] : memref<10000x128xf32, #tpu.memory_space<vmem_shared>> -> memref<80x128xf32, #tpu.memory_space<vmem_shared>>
    tpu.enqueue_dma source(%arg11 : memref<80x128xf32, #tpu.memory_space<vmem>>) target(%dma_start3A_84 : memref<80x128xf32, #tpu.memory_space<vmem_shared>>) target_semaphore(%arg23 : memref<!tpu.dma_semaphore, #tpu.memory_space<semaphore_mem>>)
    %add3A_85 = arith.constant 160 : i32
    %add3A_86 = arith.addi %multiple_of3A_72, %add3A_85 : i32
    %dma_start3A_87 = arith.constant 0 : i32
    %dma_start3A_88 = tpu.memref_slice %arg14[%add3A_86, %dma_start3A_87] : memref<10000x128xf32, #tpu.memory_space<vmem_shared>> -> memref<80x128xf32, #tpu.memory_space<vmem_shared>>
    %dma_start3A_89 = arith.constant 0 : i32
    %dma_start3A_90 = tpu.memref_slice %arg14[%add3A_86, %dma_start3A_89] : memref<10000x128xf32, #tpu.memory_space<vmem_shared>> -> memref<80x128xf32, #tpu.memory_space<vmem_shared>>
    tpu.enqueue_dma source(%arg11 : memref<80x128xf32, #tpu.memory_space<vmem>>) target(%dma_start3A_90 : memref<80x128xf32, #tpu.memory_space<vmem_shared>>) target_semaphore(%arg23 : memref<!tpu.dma_semaphore, #tpu.memory_space<semaphore_mem>>)
    %add3A_91 = arith.constant 240 : i32
    %add3A_92 = arith.addi %multiple_of3A_72, %add3A_91 : i32
    %dma_start3A_93 = arith.constant 0 : i32
    %dma_start3A_94 = tpu.memref_slice %arg14[%add3A_92, %dma_start3A_93] : memref<10000x128xf32, #tpu.memory_space<vmem_shared>> -> memref<80x128xf32, #tpu.memory_space<vmem_shared>>
    %dma_start3A_95 = arith.constant 0 : i32
    %dma_start3A_96 = tpu.memref_slice %arg14[%add3A_92, %dma_start3A_95] : memref<10000x128xf32, #tpu.memory_space<vmem_shared>> -> memref<80x128xf32, #tpu.memory_space<vmem_shared>>
    tpu.enqueue_dma source(%arg11 : memref<80x128xf32, #tpu.memory_space<vmem>>) target(%dma_start3A_96 : memref<80x128xf32, #tpu.memory_space<vmem_shared>>) target_semaphore(%arg23 : memref<!tpu.dma_semaphore, #tpu.memory_space<semaphore_mem>>)
    %add3A_97 = arith.constant 320 : i32
    %add3A_98 = arith.addi %multiple_of3A_72, %add3A_97 : i32
    %dma_start3A_99 = arith.constant 0 : i32
    %dma_start3A_100 = tpu.memref_slice %arg14[%add3A_98, %dma_start3A_99] : memref<10000x128xf32, #tpu.memory_space<vmem_shared>> -> memref<80x128xf32, #tpu.memory_space<vmem_shared>>
    %dma_start3A_101 = arith.constant 0 : i32
    %dma_start3A_102 = tpu.memref_slice %arg14[%add3A_98, %dma_start3A_101] : memref<10000x128xf32, #tpu.memory_space<vmem_shared>> -> memref<80x128xf32, #tpu.memory_space<vmem_shared>>
    tpu.enqueue_dma source(%arg11 : memref<80x128xf32, #tpu.memory_space<vmem>>) target(%dma_start3A_102 : memref<80x128xf32, #tpu.memory_space<vmem_shared>>) target_semaphore(%arg23 : memref<!tpu.dma_semaphore, #tpu.memory_space<semaphore_mem>>)
    %add3A_103 = arith.constant 400 : i32
    %add3A_104 = arith.addi %multiple_of3A_72, %add3A_103 : i32
    %dma_start3A_105 = arith.constant 0 : i32
    %dma_start3A_106 = tpu.memref_slice %arg14[%add3A_104, %dma_start3A_105] : memref<10000x128xf32, #tpu.memory_space<vmem_shared>> -> memref<80x128xf32, #tpu.memory_space<vmem_shared>>
    %dma_start3A_107 = arith.constant 0 : i32
    %dma_start3A_108 = tpu.memref_slice %arg14[%add3A_104, %dma_start3A_107] : memref<10000x128xf32, #tpu.memory_space<vmem_shared>> -> memref<80x128xf32, #tpu.memory_space<vmem_shared>>
    tpu.enqueue_dma source(%arg11 : memref<80x128xf32, #tpu.memory_space<vmem>>) target(%dma_start3A_108 : memref<80x128xf32, #tpu.memory_space<vmem_shared>>) target_semaphore(%arg23 : memref<!tpu.dma_semaphore, #tpu.memory_space<semaphore_mem>>)
    %add3A_109 = arith.constant 480 : i32
    %add3A_110 = arith.addi %multiple_of3A_72, %add3A_109 : i32
    %dma_start3A_111 = arith.constant 0 : i32
    %dma_start3A_112 = tpu.memref_slice %arg14[%add3A_110, %dma_start3A_111] : memref<10000x128xf32, #tpu.memory_space<vmem_shared>> -> memref<80x128xf32, #tpu.memory_space<vmem_shared>>
    %dma_start3A_113 = arith.constant 0 : i32
    %dma_start3A_114 = tpu.memref_slice %arg14[%add3A_110, %dma_start3A_113] : memref<10000x128xf32, #tpu.memory_space<vmem_shared>> -> memref<80x128xf32, #tpu.memory_space<vmem_shared>>
    tpu.enqueue_dma source(%arg11 : memref<80x128xf32, #tpu.memory_space<vmem>>) target(%dma_start3A_114 : memref<80x128xf32, #tpu.memory_space<vmem_shared>>) target_semaphore(%arg23 : memref<!tpu.dma_semaphore, #tpu.memory_space<semaphore_mem>>)
    %add3A_115 = arith.constant 560 : i32
    %add3A_116 = arith.addi %multiple_of3A_72, %add3A_115 : i32
    %dma_start3A_117 = arith.constant 0 : i32
    %dma_start3A_118 = arith.constant 0 : i32
    %dma_start3A_119 = tpu.memref_slice %arg11[%dma_start3A_117, %dma_start3A_118] : memref<80x128xf32, #tpu.memory_space<vmem>> -> memref<64x128xf32, #tpu.memory_space<vmem>>
    %dma_start3A_120 = arith.constant 0 : i32
    %dma_start3A_121 = tpu.memref_slice %arg14[%add3A_116, %dma_start3A_120] : memref<10000x128xf32, #tpu.memory_space<vmem_shared>> -> memref<64x128xf32, #tpu.memory_space<vmem_shared>>
    %dma_start3A_122 = arith.constant 0 : i32
    %dma_start3A_123 = tpu.memref_slice %arg14[%add3A_116, %dma_start3A_122] : memref<10000x128xf32, #tpu.memory_space<vmem_shared>> -> memref<64x128xf32, #tpu.memory_space<vmem_shared>>
    %dma_start3A_124 = arith.constant 0 : i32
    %dma_start3A_125 = arith.constant 0 : i32
    %dma_start3A_126 = tpu.memref_slice %arg11[%dma_start3A_124, %dma_start3A_125] : memref<80x128xf32, #tpu.memory_space<vmem>> -> memref<64x128xf32, #tpu.memory_space<vmem>>
    tpu.enqueue_dma source(%dma_start3A_126 : memref<64x128xf32, #tpu.memory_space<vmem>>) target(%dma_start3A_123 : memref<64x128xf32, #tpu.memory_space<vmem_shared>>) target_semaphore(%arg23 : memref<!tpu.dma_semaphore, #tpu.memory_space<semaphore_mem>>)
    %eq3A = arith.constant 0 : i32
    %eq3A_127 = arith.cmpi eq, %arg1, %eq3A : i32
    %convert_element_type3A = arith.extui %eq3A_127 : i1 to i32
    %cond3A = arith.constant 0 : i32
    %cond3A_128 = arith.cmpi ne, %convert_element_type3A, %cond3A : i32
    scf.if %cond3A_128 {
      "tpu.region"() ({
        %run_scoped3A = tpu.sem_alloc : memref<!tpu.dma_semaphore, #tpu.memory_space<semaphore_mem>>
        %dma_start3A_537 = arith.constant 0 : i32
        %dma_start3A_538 = arith.constant 0 : i32
        %dma_start3A_539 = tpu.memref_slice %arg11[%dma_start3A_537, %dma_start3A_538] : memref<80x128xf32, #tpu.memory_space<vmem>> -> memref<16x128xf32, #tpu.memory_space<vmem>>
        %dma_start3A_540 = arith.constant 9984 : i32
        %dma_start3A_541 = arith.constant 0 : i32
        %dma_start3A_542 = tpu.memref_slice %arg14[%dma_start3A_540, %dma_start3A_541] : memref<10000x128xf32, #tpu.memory_space<vmem_shared>> -> memref<16x128xf32, #tpu.memory_space<vmem_shared>>
        %dma_start3A_543 = arith.constant 9984 : i32
        %dma_start3A_544 = arith.constant 0 : i32
        %dma_start3A_545 = tpu.memref_slice %arg14[%dma_start3A_543, %dma_start3A_544] : memref<10000x128xf32, #tpu.memory_space<vmem_shared>> -> memref<16x128xf32, #tpu.memory_space<vmem_shared>>
        %dma_start3A_546 = arith.constant 0 : i32
        %dma_start3A_547 = arith.constant 0 : i32
        %dma_start3A_548 = tpu.memref_slice %arg11[%dma_start3A_546, %dma_start3A_547] : memref<80x128xf32, #tpu.memory_space<vmem>> -> memref<16x128xf32, #tpu.memory_space<vmem>>
        tpu.enqueue_dma source(%dma_start3A_548 : memref<16x128xf32, #tpu.memory_space<vmem>>) target(%dma_start3A_545 : memref<16x128xf32, #tpu.memory_space<vmem_shared>>) target_semaphore(%run_scoped3A : memref<!tpu.dma_semaphore, #tpu.memory_space<semaphore_mem>>)
        %dma_wait3A_549 = arith.constant 0 : i32
        %dma_wait3A_550 = arith.constant 0 : i32
        %dma_wait3A_551 = tpu.memref_slice %arg11[%dma_wait3A_549, %dma_wait3A_550] : memref<80x128xf32, #tpu.memory_space<vmem>> -> memref<16x128xf32, #tpu.memory_space<vmem>>
        %dma_wait3A_552 = arith.constant 9984 : i32
        %dma_wait3A_553 = arith.constant 0 : i32
        %dma_wait3A_554 = tpu.memref_slice %arg14[%dma_wait3A_552, %dma_wait3A_553] : memref<10000x128xf32, #tpu.memory_space<vmem_shared>> -> memref<16x128xf32, #tpu.memory_space<vmem_shared>>
        %dma_wait3A_555 = arith.constant 9984 : i32
        %dma_wait3A_556 = arith.constant 0 : i32
        %dma_wait3A_557 = tpu.memref_slice %arg14[%dma_wait3A_555, %dma_wait3A_556] : memref<10000x128xf32, #tpu.memory_space<vmem_shared>> -> memref<16x128xf32, #tpu.memory_space<vmem_shared>>
        %dma_wait3A_558 = arith.constant 0 : i32
        %dma_wait3A_559 = arith.constant 0 : i32
        %dma_wait3A_560 = tpu.memref_slice %arg11[%dma_wait3A_558, %dma_wait3A_559] : memref<80x128xf32, #tpu.memory_space<vmem>> -> memref<16x128xf32, #tpu.memory_space<vmem>>
        tpu.wait_dma2 semaphore(%run_scoped3A : memref<!tpu.dma_semaphore, #tpu.memory_space<semaphore_mem>>) src(%dma_wait3A_560 : memref<16x128xf32, #tpu.memory_space<vmem>>) dst(%dma_wait3A_557 : memref<16x128xf32, #tpu.memory_space<vmem_shared>>)
        tpu.yield
      }) : () -> ()
    } else {
    }
    %dma_wait3A = arith.constant 0 : i32
    %dma_wait3A_129 = arith.constant 0 : i32
    %dma_wait3A_130 = tpu.memref_slice %arg6[%dma_wait3A, %dma_wait3A_129] : memref<2x80xi32, #tpu.memory_space<vmem>> -> memref<1x80xi32, #tpu.memory_space<vmem>>
    %dma_wait3A_131 = tpu.memref_squeeze %dma_wait3A_130 : memref<1x80xi32, #tpu.memory_space<vmem>> -> memref<80xi32, #tpu.memory_space<vmem>>
    %dma_wait3A_132 = arith.constant 0 : i32
    %dma_wait3A_133 = tpu.memref_slice %arg3[%dma_wait3A_132] : memref<320000xi32, #tpu.memory_space<hbm>> -> memref<80xi32, #tpu.memory_space<hbm>>
    %dma_wait3A_134 = arith.constant 0 : i32
    %dma_wait3A_135 = tpu.memref_slice %arg6[%dma_wait3A, %dma_wait3A_134] : memref<2x80xi32, #tpu.memory_space<vmem>> -> memref<1x80xi32, #tpu.memory_space<vmem>>
    %dma_wait3A_136 = tpu.memref_squeeze %dma_wait3A_135 : memref<1x80xi32, #tpu.memory_space<vmem>> -> memref<80xi32, #tpu.memory_space<vmem>>
    %dma_wait3A_137 = arith.constant 0 : i32
    %dma_wait3A_138 = tpu.memref_slice %arg3[%dma_wait3A_137] : memref<320000xi32, #tpu.memory_space<hbm>> -> memref<80xi32, #tpu.memory_space<hbm>>
    tpu.wait_dma2 semaphore(%arg15 : memref<!tpu.dma_semaphore, #tpu.memory_space<semaphore_mem>>) src(%dma_wait3A_138 : memref<80xi32, #tpu.memory_space<hbm>>) dst(%dma_wait3A_136 : memref<80xi32, #tpu.memory_space<vmem>>)
    %dma_wait3A_139 = arith.constant 1 : i32
    %dma_wait3A_140 = arith.constant 0 : i32
    %dma_wait3A_141 = tpu.memref_slice %arg6[%dma_wait3A_139, %dma_wait3A_140] : memref<2x80xi32, #tpu.memory_space<vmem>> -> memref<1x80xi32, #tpu.memory_space<vmem>>
    %dma_wait3A_142 = tpu.memref_squeeze %dma_wait3A_141 : memref<1x80xi32, #tpu.memory_space<vmem>> -> memref<80xi32, #tpu.memory_space<vmem>>
    %dma_wait3A_143 = arith.constant 0 : i32
    %dma_wait3A_144 = tpu.memref_slice %arg4[%dma_wait3A_143] : memref<320000xi32, #tpu.memory_space<hbm>> -> memref<80xi32, #tpu.memory_space<hbm>>
    %dma_wait3A_145 = arith.constant 0 : i32
    %dma_wait3A_146 = tpu.memref_slice %arg6[%dma_wait3A_139, %dma_wait3A_145] : memref<2x80xi32, #tpu.memory_space<vmem>> -> memref<1x80xi32, #tpu.memory_space<vmem>>
    %dma_wait3A_147 = tpu.memref_squeeze %dma_wait3A_146 : memref<1x80xi32, #tpu.memory_space<vmem>> -> memref<80xi32, #tpu.memory_space<vmem>>
    %dma_wait3A_148 = arith.constant 0 : i32
    %dma_wait3A_149 = tpu.memref_slice %arg4[%dma_wait3A_148] : memref<320000xi32, #tpu.memory_space<hbm>> -> memref<80xi32, #tpu.memory_space<hbm>>
    tpu.wait_dma2 semaphore(%arg15 : memref<!tpu.dma_semaphore, #tpu.memory_space<semaphore_mem>>) src(%dma_wait3A_149 : memref<80xi32, #tpu.memory_space<hbm>>) dst(%dma_wait3A_147 : memref<80xi32, #tpu.memory_space<vmem>>)
    %dma_start3A_150 = arith.constant 0 : i32
    %dma_start3A_151 = arith.constant 0 : i32
    %dma_start3A_152 = tpu.memref_slice %arg6[%dma_start3A_150, %dma_start3A_151] : memref<2x80xi32, #tpu.memory_space<vmem>> -> memref<1x80xi32, #tpu.memory_space<vmem>>
    %dma_start3A_153 = tpu.memref_squeeze %dma_start3A_152 : memref<1x80xi32, #tpu.memory_space<vmem>> -> memref<80xi32, #tpu.memory_space<vmem>>
    %dma_start3A_154 = arith.constant 0 : i32
    %dma_start3A_155 = arith.constant 0 : i32
    %dma_start3A_156 = tpu.memref_slice %arg2[%dma_start3A_154, %dma_start3A_155] : memref<10000x128xf32, #tpu.memory_space<hbm>> -> memref<10000x128xf32, #tpu.memory_space<hbm>>
    tpu.enqueue_indirect_dma source(%dma_start3A_156 : memref<10000x128xf32, #tpu.memory_space<hbm>>) target(%arg10 : memref<80x128xf32, #tpu.memory_space<vmem>>) offsets(%dma_start3A_153 : memref<80xi32, #tpu.memory_space<vmem>>) semaphore(%arg19 : memref<!tpu.dma_semaphore, #tpu.memory_space<semaphore_mem>>)
    %add3A_157 = arith.constant 0 : i32
    %add3A_158 = arith.addi %multiple_of3A_72, %add3A_157 : i32
    %dma_wait3A_159 = arith.constant 0 : i32
    %dma_wait3A_160 = tpu.memref_slice %arg14[%add3A_158, %dma_wait3A_159] : memref<10000x128xf32, #tpu.memory_space<vmem_shared>> -> memref<80x128xf32, #tpu.memory_space<vmem_shared>>
    %dma_wait3A_161 = arith.constant 0 : i32
    %dma_wait3A_162 = tpu.memref_slice %arg14[%add3A_158, %dma_wait3A_161] : memref<10000x128xf32, #tpu.memory_space<vmem_shared>> -> memref<80x128xf32, #tpu.memory_space<vmem_shared>>
    tpu.wait_dma2 semaphore(%arg23 : memref<!tpu.dma_semaphore, #tpu.memory_space<semaphore_mem>>) src(%arg11 : memref<80x128xf32, #tpu.memory_space<vmem>>) dst(%dma_wait3A_162 : memref<80x128xf32, #tpu.memory_space<vmem_shared>>)
    %add3A_163 = arith.constant 80 : i32
    %add3A_164 = arith.addi %multiple_of3A_72, %add3A_163 : i32
    %dma_wait3A_165 = arith.constant 0 : i32
    %dma_wait3A_166 = tpu.memref_slice %arg14[%add3A_164, %dma_wait3A_165] : memref<10000x128xf32, #tpu.memory_space<vmem_shared>> -> memref<80x128xf32, #tpu.memory_space<vmem_shared>>
    %dma_wait3A_167 = arith.constant 0 : i32
    %dma_wait3A_168 = tpu.memref_slice %arg14[%add3A_164, %dma_wait3A_167] : memref<10000x128xf32, #tpu.memory_space<vmem_shared>> -> memref<80x128xf32, #tpu.memory_space<vmem_shared>>
    tpu.wait_dma2 semaphore(%arg23 : memref<!tpu.dma_semaphore, #tpu.memory_space<semaphore_mem>>) src(%arg11 : memref<80x128xf32, #tpu.memory_space<vmem>>) dst(%dma_wait3A_168 : memref<80x128xf32, #tpu.memory_space<vmem_shared>>)
    %add3A_169 = arith.constant 160 : i32
    %add3A_170 = arith.addi %multiple_of3A_72, %add3A_169 : i32
    %dma_wait3A_171 = arith.constant 0 : i32
    %dma_wait3A_172 = tpu.memref_slice %arg14[%add3A_170, %dma_wait3A_171] : memref<10000x128xf32, #tpu.memory_space<vmem_shared>> -> memref<80x128xf32, #tpu.memory_space<vmem_shared>>
    %dma_wait3A_173 = arith.constant 0 : i32
    %dma_wait3A_174 = tpu.memref_slice %arg14[%add3A_170, %dma_wait3A_173] : memref<10000x128xf32, #tpu.memory_space<vmem_shared>> -> memref<80x128xf32, #tpu.memory_space<vmem_shared>>
    tpu.wait_dma2 semaphore(%arg23 : memref<!tpu.dma_semaphore, #tpu.memory_space<semaphore_mem>>) src(%arg11 : memref<80x128xf32, #tpu.memory_space<vmem>>) dst(%dma_wait3A_174 : memref<80x128xf32, #tpu.memory_space<vmem_shared>>)
    %add3A_175 = arith.constant 240 : i32
    %add3A_176 = arith.addi %multiple_of3A_72, %add3A_175 : i32
    %dma_wait3A_177 = arith.constant 0 : i32
    %dma_wait3A_178 = tpu.memref_slice %arg14[%add3A_176, %dma_wait3A_177] : memref<10000x128xf32, #tpu.memory_space<vmem_shared>> -> memref<80x128xf32, #tpu.memory_space<vmem_shared>>
    %dma_wait3A_179 = arith.constant 0 : i32
    %dma_wait3A_180 = tpu.memref_slice %arg14[%add3A_176, %dma_wait3A_179] : memref<10000x128xf32, #tpu.memory_space<vmem_shared>> -> memref<80x128xf32, #tpu.memory_space<vmem_shared>>
    tpu.wait_dma2 semaphore(%arg23 : memref<!tpu.dma_semaphore, #tpu.memory_space<semaphore_mem>>) src(%arg11 : memref<80x128xf32, #tpu.memory_space<vmem>>) dst(%dma_wait3A_180 : memref<80x128xf32, #tpu.memory_space<vmem_shared>>)
    %add3A_181 = arith.constant 320 : i32
    %add3A_182 = arith.addi %multiple_of3A_72, %add3A_181 : i32
    %dma_wait3A_183 = arith.constant 0 : i32
    %dma_wait3A_184 = tpu.memref_slice %arg14[%add3A_182, %dma_wait3A_183] : memref<10000x128xf32, #tpu.memory_space<vmem_shared>> -> memref<80x128xf32, #tpu.memory_space<vmem_shared>>
    %dma_wait3A_185 = arith.constant 0 : i32
    %dma_wait3A_186 = tpu.memref_slice %arg14[%add3A_182, %dma_wait3A_185] : memref<10000x128xf32, #tpu.memory_space<vmem_shared>> -> memref<80x128xf32, #tpu.memory_space<vmem_shared>>
    tpu.wait_dma2 semaphore(%arg23 : memref<!tpu.dma_semaphore, #tpu.memory_space<semaphore_mem>>) src(%arg11 : memref<80x128xf32, #tpu.memory_space<vmem>>) dst(%dma_wait3A_186 : memref<80x128xf32, #tpu.memory_space<vmem_shared>>)
    %add3A_187 = arith.constant 400 : i32
    %add3A_188 = arith.addi %multiple_of3A_72, %add3A_187 : i32
    %dma_wait3A_189 = arith.constant 0 : i32
    %dma_wait3A_190 = tpu.memref_slice %arg14[%add3A_188, %dma_wait3A_189] : memref<10000x128xf32, #tpu.memory_space<vmem_shared>> -> memref<80x128xf32, #tpu.memory_space<vmem_shared>>
    %dma_wait3A_191 = arith.constant 0 : i32
    %dma_wait3A_192 = tpu.memref_slice %arg14[%add3A_188, %dma_wait3A_191] : memref<10000x128xf32, #tpu.memory_space<vmem_shared>> -> memref<80x128xf32, #tpu.memory_space<vmem_shared>>
    tpu.wait_dma2 semaphore(%arg23 : memref<!tpu.dma_semaphore, #tpu.memory_space<semaphore_mem>>) src(%arg11 : memref<80x128xf32, #tpu.memory_space<vmem>>) dst(%dma_wait3A_192 : memref<80x128xf32, #tpu.memory_space<vmem_shared>>)
    %add3A_193 = arith.constant 480 : i32
    %add3A_194 = arith.addi %multiple_of3A_72, %add3A_193 : i32
    %dma_wait3A_195 = arith.constant 0 : i32
    %dma_wait3A_196 = tpu.memref_slice %arg14[%add3A_194, %dma_wait3A_195] : memref<10000x128xf32, #tpu.memory_space<vmem_shared>> -> memref<80x128xf32, #tpu.memory_space<vmem_shared>>
    %dma_wait3A_197 = arith.constant 0 : i32
    %dma_wait3A_198 = tpu.memref_slice %arg14[%add3A_194, %dma_wait3A_197] : memref<10000x128xf32, #tpu.memory_space<vmem_shared>> -> memref<80x128xf32, #tpu.memory_space<vmem_shared>>
    tpu.wait_dma2 semaphore(%arg23 : memref<!tpu.dma_semaphore, #tpu.memory_space<semaphore_mem>>) src(%arg11 : memref<80x128xf32, #tpu.memory_space<vmem>>) dst(%dma_wait3A_198 : memref<80x128xf32, #tpu.memory_space<vmem_shared>>)
    %add3A_199 = arith.constant 560 : i32
    %add3A_200 = arith.addi %multiple_of3A_72, %add3A_199 : i32
    %dma_wait3A_201 = arith.constant 0 : i32
    %dma_wait3A_202 = arith.constant 0 : i32
    %dma_wait3A_203 = tpu.memref_slice %arg11[%dma_wait3A_201, %dma_wait3A_202] : memref<80x128xf32, #tpu.memory_space<vmem>> -> memref<64x128xf32, #tpu.memory_space<vmem>>
    %dma_wait3A_204 = arith.constant 0 : i32
    %dma_wait3A_205 = tpu.memref_slice %arg14[%add3A_200, %dma_wait3A_204] : memref<10000x128xf32, #tpu.memory_space<vmem_shared>> -> memref<64x128xf32, #tpu.memory_space<vmem_shared>>
    %dma_wait3A_206 = arith.constant 0 : i32
    %dma_wait3A_207 = tpu.memref_slice %arg14[%add3A_200, %dma_wait3A_206] : memref<10000x128xf32, #tpu.memory_space<vmem_shared>> -> memref<64x128xf32, #tpu.memory_space<vmem_shared>>
    %dma_wait3A_208 = arith.constant 0 : i32
    %dma_wait3A_209 = arith.constant 0 : i32
    %dma_wait3A_210 = tpu.memref_slice %arg11[%dma_wait3A_208, %dma_wait3A_209] : memref<80x128xf32, #tpu.memory_space<vmem>> -> memref<64x128xf32, #tpu.memory_space<vmem>>
    tpu.wait_dma2 semaphore(%arg23 : memref<!tpu.dma_semaphore, #tpu.memory_space<semaphore_mem>>) src(%dma_wait3A_210 : memref<64x128xf32, #tpu.memory_space<vmem>>) dst(%dma_wait3A_207 : memref<64x128xf32, #tpu.memory_space<vmem_shared>>)
    %barrier3A = arith.constant 0 : index
    tpu.barrier barrier_id(%barrier3A)
    %dma_wait3A_211 = arith.constant 0 : i32
    %dma_wait3A_212 = arith.constant 0 : i32
    %dma_wait3A_213 = tpu.memref_slice %arg7[%dma_wait3A_211, %dma_wait3A_212] : memref<2x80xi32, #tpu.memory_space<vmem>> -> memref<1x80xi32, #tpu.memory_space<vmem>>
    %dma_wait3A_214 = tpu.memref_squeeze %dma_wait3A_213 : memref<1x80xi32, #tpu.memory_space<vmem>> -> memref<80xi32, #tpu.memory_space<vmem>>
    %dma_wait3A_215 = arith.constant 0 : i32
    %dma_wait3A_216 = tpu.memref_slice %arg3[%dma_wait3A_215] : memref<320000xi32, #tpu.memory_space<hbm>> -> memref<80xi32, #tpu.memory_space<hbm>>
    %dma_wait3A_217 = arith.constant 0 : i32
    %dma_wait3A_218 = tpu.memref_slice %arg7[%dma_wait3A_211, %dma_wait3A_217] : memref<2x80xi32, #tpu.memory_space<vmem>> -> memref<1x80xi32, #tpu.memory_space<vmem>>
    %dma_wait3A_219 = tpu.memref_squeeze %dma_wait3A_218 : memref<1x80xi32, #tpu.memory_space<vmem>> -> memref<80xi32, #tpu.memory_space<vmem>>
    %dma_wait3A_220 = arith.constant 0 : i32
    %dma_wait3A_221 = tpu.memref_slice %arg3[%dma_wait3A_220] : memref<320000xi32, #tpu.memory_space<hbm>> -> memref<80xi32, #tpu.memory_space<hbm>>
    tpu.wait_dma2 semaphore(%arg16 : memref<!tpu.dma_semaphore, #tpu.memory_space<semaphore_mem>>) src(%dma_wait3A_221 : memref<80xi32, #tpu.memory_space<hbm>>) dst(%dma_wait3A_219 : memref<80xi32, #tpu.memory_space<vmem>>)
    %dma_wait3A_222 = arith.constant 1 : i32
    %dma_wait3A_223 = arith.constant 0 : i32
    %dma_wait3A_224 = tpu.memref_slice %arg7[%dma_wait3A_222, %dma_wait3A_223] : memref<2x80xi32, #tpu.memory_space<vmem>> -> memref<1x80xi32, #tpu.memory_space<vmem>>
    %dma_wait3A_225 = tpu.memref_squeeze %dma_wait3A_224 : memref<1x80xi32, #tpu.memory_space<vmem>> -> memref<80xi32, #tpu.memory_space<vmem>>
    %dma_wait3A_226 = arith.constant 0 : i32
    %dma_wait3A_227 = tpu.memref_slice %arg4[%dma_wait3A_226] : memref<320000xi32, #tpu.memory_space<hbm>> -> memref<80xi32, #tpu.memory_space<hbm>>
    %dma_wait3A_228 = arith.constant 0 : i32
    %dma_wait3A_229 = tpu.memref_slice %arg7[%dma_wait3A_222, %dma_wait3A_228] : memref<2x80xi32, #tpu.memory_space<vmem>> -> memref<1x80xi32, #tpu.memory_space<vmem>>
    %dma_wait3A_230 = tpu.memref_squeeze %dma_wait3A_229 : memref<1x80xi32, #tpu.memory_space<vmem>> -> memref<80xi32, #tpu.memory_space<vmem>>
    %dma_wait3A_231 = arith.constant 0 : i32
    %dma_wait3A_232 = tpu.memref_slice %arg4[%dma_wait3A_231] : memref<320000xi32, #tpu.memory_space<hbm>> -> memref<80xi32, #tpu.memory_space<hbm>>
    tpu.wait_dma2 semaphore(%arg16 : memref<!tpu.dma_semaphore, #tpu.memory_space<semaphore_mem>>) src(%dma_wait3A_232 : memref<80xi32, #tpu.memory_space<hbm>>) dst(%dma_wait3A_230 : memref<80xi32, #tpu.memory_space<vmem>>)
    %dma_start3A_233 = arith.constant 0 : i32
    %dma_start3A_234 = arith.constant 0 : i32
    %dma_start3A_235 = tpu.memref_slice %arg7[%dma_start3A_233, %dma_start3A_234] : memref<2x80xi32, #tpu.memory_space<vmem>> -> memref<1x80xi32, #tpu.memory_space<vmem>>
    %dma_start3A_236 = tpu.memref_squeeze %dma_start3A_235 : memref<1x80xi32, #tpu.memory_space<vmem>> -> memref<80xi32, #tpu.memory_space<vmem>>
    %dma_start3A_237 = arith.constant 0 : i32
    %dma_start3A_238 = arith.constant 0 : i32
    %dma_start3A_239 = tpu.memref_slice %arg2[%dma_start3A_237, %dma_start3A_238] : memref<10000x128xf32, #tpu.memory_space<hbm>> -> memref<10000x128xf32, #tpu.memory_space<hbm>>
    tpu.enqueue_indirect_dma source(%dma_start3A_239 : memref<10000x128xf32, #tpu.memory_space<hbm>>) target(%arg11 : memref<80x128xf32, #tpu.memory_space<vmem>>) offsets(%dma_start3A_236 : memref<80xi32, #tpu.memory_space<vmem>>) semaphore(%arg20 : memref<!tpu.dma_semaphore, #tpu.memory_space<semaphore_mem>>)
    %dma_wait3A_240 = arith.constant 0 : i32
    %dma_wait3A_241 = arith.constant 0 : i32
    %dma_wait3A_242 = tpu.memref_slice %arg6[%dma_wait3A_240, %dma_wait3A_241] : memref<2x80xi32, #tpu.memory_space<vmem>> -> memref<1x80xi32, #tpu.memory_space<vmem>>
    %dma_wait3A_243 = tpu.memref_squeeze %dma_wait3A_242 : memref<1x80xi32, #tpu.memory_space<vmem>> -> memref<80xi32, #tpu.memory_space<vmem>>
    %dma_wait3A_244 = arith.constant 0 : i32
    %dma_wait3A_245 = arith.constant 0 : i32
    %dma_wait3A_246 = tpu.memref_slice %arg2[%dma_wait3A_244, %dma_wait3A_245] : memref<10000x128xf32, #tpu.memory_space<hbm>> -> memref<10000x128xf32, #tpu.memory_space<hbm>>
    tpu.wait_indirect_dma semaphore(%arg19 : memref<!tpu.dma_semaphore, #tpu.memory_space<semaphore_mem>>) src(%dma_wait3A_246 : memref<10000x128xf32, #tpu.memory_space<hbm>>) dst(%arg10 : memref<80x128xf32, #tpu.memory_space<vmem>>)
    %dma_start3A_247 = arith.constant 1 : i32
    %dma_start3A_248 = arith.constant 0 : i32
    %dma_start3A_249 = tpu.memref_slice %arg6[%dma_start3A_247, %dma_start3A_248] : memref<2x80xi32, #tpu.memory_space<vmem>> -> memref<1x80xi32, #tpu.memory_space<vmem>>
    %dma_start3A_250 = tpu.memref_squeeze %dma_start3A_249 : memref<1x80xi32, #tpu.memory_space<vmem>> -> memref<80xi32, #tpu.memory_space<vmem>>
    %dma_start3A_251 = arith.constant 0 : i32
    %dma_start3A_252 = arith.constant 0 : i32
    %dma_start3A_253 = tpu.memref_slice %arg14[%dma_start3A_251, %dma_start3A_252] : memref<10000x128xf32, #tpu.memory_space<vmem_shared>> -> memref<10000x128xf32, #tpu.memory_space<vmem_shared>>
    tpu.enqueue_indirect_dma source(%arg10 : memref<80x128xf32, #tpu.memory_space<vmem>>) target(%dma_start3A_253 : memref<10000x128xf32, #tpu.memory_space<vmem_shared>>) offsets(%dma_start3A_250 : memref<80xi32, #tpu.memory_space<vmem>>) semaphore(%arg23 : memref<!tpu.dma_semaphore, #tpu.memory_space<semaphore_mem>>) {add = true}
    %add3A_254 = arith.constant 240 : i32
    %add3A_255 = arith.addi %mul3A_2, %add3A_254 : i32
    %multiple_of3A_256 = tpu.assume_multiple %add3A_255, 8 : i32
    %dma_start3A_257 = arith.constant 0 : i32
    %dma_start3A_258 = arith.constant 0 : i32
    %dma_start3A_259 = tpu.memref_slice %arg9[%dma_start3A_257, %dma_start3A_258] : memref<2x80xi32, #tpu.memory_space<vmem>> -> memref<1x80xi32, #tpu.memory_space<vmem>>
    %dma_start3A_260 = tpu.memref_squeeze %dma_start3A_259 : memref<1x80xi32, #tpu.memory_space<vmem>> -> memref<80xi32, #tpu.memory_space<vmem>>
    %dma_start3A_261 = tpu.memref_slice %arg3[%multiple_of3A_256] : memref<320000xi32, #tpu.memory_space<hbm>> -> memref<80xi32, #tpu.memory_space<hbm>>
    %dma_start3A_262 = arith.constant 0 : i32
    %dma_start3A_263 = tpu.memref_slice %arg9[%dma_start3A_257, %dma_start3A_262] : memref<2x80xi32, #tpu.memory_space<vmem>> -> memref<1x80xi32, #tpu.memory_space<vmem>>
    %dma_start3A_264 = tpu.memref_squeeze %dma_start3A_263 : memref<1x80xi32, #tpu.memory_space<vmem>> -> memref<80xi32, #tpu.memory_space<vmem>>
    %dma_start3A_265 = tpu.memref_slice %arg3[%multiple_of3A_256] : memref<320000xi32, #tpu.memory_space<hbm>> -> memref<80xi32, #tpu.memory_space<hbm>>
    tpu.enqueue_dma source(%dma_start3A_265 : memref<80xi32, #tpu.memory_space<hbm>>) target(%dma_start3A_264 : memref<80xi32, #tpu.memory_space<vmem>>) target_semaphore(%arg18 : memref<!tpu.dma_semaphore, #tpu.memory_space<semaphore_mem>>)
    %dma_start3A_266 = arith.constant 1 : i32
    %dma_start3A_267 = arith.constant 0 : i32
    %dma_start3A_268 = tpu.memref_slice %arg9[%dma_start3A_266, %dma_start3A_267] : memref<2x80xi32, #tpu.memory_space<vmem>> -> memref<1x80xi32, #tpu.memory_space<vmem>>
    %dma_start3A_269 = tpu.memref_squeeze %dma_start3A_268 : memref<1x80xi32, #tpu.memory_space<vmem>> -> memref<80xi32, #tpu.memory_space<vmem>>
    %dma_start3A_270 = tpu.memref_slice %arg4[%multiple_of3A_256] : memref<320000xi32, #tpu.memory_space<hbm>> -> memref<80xi32, #tpu.memory_space<hbm>>
    %dma_start3A_271 = arith.constant 0 : i32
    %dma_start3A_272 = tpu.memref_slice %arg9[%dma_start3A_266, %dma_start3A_271] : memref<2x80xi32, #tpu.memory_space<vmem>> -> memref<1x80xi32, #tpu.memory_space<vmem>>
    %dma_start3A_273 = tpu.memref_squeeze %dma_start3A_272 : memref<1x80xi32, #tpu.memory_space<vmem>> -> memref<80xi32, #tpu.memory_space<vmem>>
    %dma_start3A_274 = tpu.memref_slice %arg4[%multiple_of3A_256] : memref<320000xi32, #tpu.memory_space<hbm>> -> memref<80xi32, #tpu.memory_space<hbm>>
    tpu.enqueue_dma source(%dma_start3A_274 : memref<80xi32, #tpu.memory_space<hbm>>) target(%dma_start3A_273 : memref<80xi32, #tpu.memory_space<vmem>>) target_semaphore(%arg18 : memref<!tpu.dma_semaphore, #tpu.memory_space<semaphore_mem>>)
    %dma_wait3A_275 = arith.constant 0 : i32
    %dma_wait3A_276 = arith.constant 0 : i32
    %dma_wait3A_277 = tpu.memref_slice %arg8[%dma_wait3A_275, %dma_wait3A_276] : memref<2x80xi32, #tpu.memory_space<vmem>> -> memref<1x80xi32, #tpu.memory_space<vmem>>
    %dma_wait3A_278 = tpu.memref_squeeze %dma_wait3A_277 : memref<1x80xi32, #tpu.memory_space<vmem>> -> memref<80xi32, #tpu.memory_space<vmem>>
    %dma_wait3A_279 = arith.constant 0 : i32
    %dma_wait3A_280 = tpu.memref_slice %arg3[%dma_wait3A_279] : memref<320000xi32, #tpu.memory_space<hbm>> -> memref<80xi32, #tpu.memory_space<hbm>>
    %dma_wait3A_281 = arith.constant 0 : i32
    %dma_wait3A_282 = tpu.memref_slice %arg8[%dma_wait3A_275, %dma_wait3A_281] : memref<2x80xi32, #tpu.memory_space<vmem>> -> memref<1x80xi32, #tpu.memory_space<vmem>>
    %dma_wait3A_283 = tpu.memref_squeeze %dma_wait3A_282 : memref<1x80xi32, #tpu.memory_space<vmem>> -> memref<80xi32, #tpu.memory_space<vmem>>
    %dma_wait3A_284 = arith.constant 0 : i32
    %dma_wait3A_285 = tpu.memref_slice %arg3[%dma_wait3A_284] : memref<320000xi32, #tpu.memory_space<hbm>> -> memref<80xi32, #tpu.memory_space<hbm>>
    tpu.wait_dma2 semaphore(%arg17 : memref<!tpu.dma_semaphore, #tpu.memory_space<semaphore_mem>>) src(%dma_wait3A_285 : memref<80xi32, #tpu.memory_space<hbm>>) dst(%dma_wait3A_283 : memref<80xi32, #tpu.memory_space<vmem>>)
    %dma_wait3A_286 = arith.constant 1 : i32
    %dma_wait3A_287 = arith.constant 0 : i32
    %dma_wait3A_288 = tpu.memref_slice %arg8[%dma_wait3A_286, %dma_wait3A_287] : memref<2x80xi32, #tpu.memory_space<vmem>> -> memref<1x80xi32, #tpu.memory_space<vmem>>
    %dma_wait3A_289 = tpu.memref_squeeze %dma_wait3A_288 : memref<1x80xi32, #tpu.memory_space<vmem>> -> memref<80xi32, #tpu.memory_space<vmem>>
    %dma_wait3A_290 = arith.constant 0 : i32
    %dma_wait3A_291 = tpu.memref_slice %arg4[%dma_wait3A_290] : memref<320000xi32, #tpu.memory_space<hbm>> -> memref<80xi32, #tpu.memory_space<hbm>>
    %dma_wait3A_292 = arith.constant 0 : i32
    %dma_wait3A_293 = tpu.memref_slice %arg8[%dma_wait3A_286, %dma_wait3A_292] : memref<2x80xi32, #tpu.memory_space<vmem>> -> memref<1x80xi32, #tpu.memory_space<vmem>>
    %dma_wait3A_294 = tpu.memref_squeeze %dma_wait3A_293 : memref<1x80xi32, #tpu.memory_space<vmem>> -> memref<80xi32, #tpu.memory_space<vmem>>
    %dma_wait3A_295 = arith.constant 0 : i32
    %dma_wait3A_296 = tpu.memref_slice %arg4[%dma_wait3A_295] : memref<320000xi32, #tpu.memory_space<hbm>> -> memref<80xi32, #tpu.memory_space<hbm>>
    tpu.wait_dma2 semaphore(%arg17 : memref<!tpu.dma_semaphore, #tpu.memory_space<semaphore_mem>>) src(%dma_wait3A_296 : memref<80xi32, #tpu.memory_space<hbm>>) dst(%dma_wait3A_294 : memref<80xi32, #tpu.memory_space<vmem>>)
    %dma_start3A_297 = arith.constant 0 : i32
    %dma_start3A_298 = arith.constant 0 : i32
    %dma_start3A_299 = tpu.memref_slice %arg8[%dma_start3A_297, %dma_start3A_298] : memref<2x80xi32, #tpu.memory_space<vmem>> -> memref<1x80xi32, #tpu.memory_space<vmem>>
    %dma_start3A_300 = tpu.memref_squeeze %dma_start3A_299 : memref<1x80xi32, #tpu.memory_space<vmem>> -> memref<80xi32, #tpu.memory_space<vmem>>
    %dma_start3A_301 = arith.constant 0 : i32
    %dma_start3A_302 = arith.constant 0 : i32
    %dma_start3A_303 = tpu.memref_slice %arg2[%dma_start3A_301, %dma_start3A_302] : memref<10000x128xf32, #tpu.memory_space<hbm>> -> memref<10000x128xf32, #tpu.memory_space<hbm>>
    tpu.enqueue_indirect_dma source(%dma_start3A_303 : memref<10000x128xf32, #tpu.memory_space<hbm>>) target(%arg12 : memref<80x128xf32, #tpu.memory_space<vmem>>) offsets(%dma_start3A_300 : memref<80xi32, #tpu.memory_space<vmem>>) semaphore(%arg21 : memref<!tpu.dma_semaphore, #tpu.memory_space<semaphore_mem>>)
    %dma_wait3A_304 = arith.constant 0 : i32
    %dma_wait3A_305 = arith.constant 0 : i32
    %dma_wait3A_306 = tpu.memref_slice %arg7[%dma_wait3A_304, %dma_wait3A_305] : memref<2x80xi32, #tpu.memory_space<vmem>> -> memref<1x80xi32, #tpu.memory_space<vmem>>
    %dma_wait3A_307 = tpu.memref_squeeze %dma_wait3A_306 : memref<1x80xi32, #tpu.memory_space<vmem>> -> memref<80xi32, #tpu.memory_space<vmem>>
    %dma_wait3A_308 = arith.constant 0 : i32
    %dma_wait3A_309 = arith.constant 0 : i32
    %dma_wait3A_310 = tpu.memref_slice %arg2[%dma_wait3A_308, %dma_wait3A_309] : memref<10000x128xf32, #tpu.memory_space<hbm>> -> memref<10000x128xf32, #tpu.memory_space<hbm>>
    tpu.wait_indirect_dma semaphore(%arg20 : memref<!tpu.dma_semaphore, #tpu.memory_space<semaphore_mem>>) src(%dma_wait3A_310 : memref<10000x128xf32, #tpu.memory_space<hbm>>) dst(%arg11 : memref<80x128xf32, #tpu.memory_space<vmem>>)
    %dma_start3A_311 = arith.constant 1 : i32
    %dma_start3A_312 = arith.constant 0 : i32
    %dma_start3A_313 = tpu.memref_slice %arg7[%dma_start3A_311, %dma_start3A_312] : memref<2x80xi32, #tpu.memory_space<vmem>> -> memref<1x80xi32, #tpu.memory_space<vmem>>
    %dma_start3A_314 = tpu.memref_squeeze %dma_start3A_313 : memref<1x80xi32, #tpu.memory_space<vmem>> -> memref<80xi32, #tpu.memory_space<vmem>>
    %dma_start3A_315 = arith.constant 0 : i32
    %dma_start3A_316 = arith.constant 0 : i32
    %dma_start3A_317 = tpu.memref_slice %arg14[%dma_start3A_315, %dma_start3A_316] : memref<10000x128xf32, #tpu.memory_space<vmem_shared>> -> memref<10000x128xf32, #tpu.memory_space<vmem_shared>>
    tpu.enqueue_indirect_dma source(%arg11 : memref<80x128xf32, #tpu.memory_space<vmem>>) target(%dma_start3A_317 : memref<10000x128xf32, #tpu.memory_space<vmem_shared>>) offsets(%dma_start3A_314 : memref<80xi32, #tpu.memory_space<vmem>>) semaphore(%arg24 : memref<!tpu.dma_semaphore, #tpu.memory_space<semaphore_mem>>) {add = true}
    %dma_wait3A_318 = arith.constant 1 : i32
    %dma_wait3A_319 = arith.constant 0 : i32
    %dma_wait3A_320 = tpu.memref_slice %arg6[%dma_wait3A_318, %dma_wait3A_319] : memref<2x80xi32, #tpu.memory_space<vmem>> -> memref<1x80xi32, #tpu.memory_space<vmem>>
    %dma_wait3A_321 = tpu.memref_squeeze %dma_wait3A_320 : memref<1x80xi32, #tpu.memory_space<vmem>> -> memref<80xi32, #tpu.memory_space<vmem>>
    %dma_wait3A_322 = arith.constant 0 : i32
    %dma_wait3A_323 = arith.constant 0 : i32
    %dma_wait3A_324 = tpu.memref_slice %arg14[%dma_wait3A_322, %dma_wait3A_323] : memref<10000x128xf32, #tpu.memory_space<vmem_shared>> -> memref<10000x128xf32, #tpu.memory_space<vmem_shared>>
    tpu.wait_indirect_dma semaphore(%arg23 : memref<!tpu.dma_semaphore, #tpu.memory_space<semaphore_mem>>) src(%arg10 : memref<80x128xf32, #tpu.memory_space<vmem>>) dst(%dma_wait3A_324 : memref<10000x128xf32, #tpu.memory_space<vmem_shared>>)
    %add3A_325 = arith.constant 320 : i32
    %add3A_326 = arith.addi %mul3A_2, %add3A_325 : i32
    %multiple_of3A_327 = tpu.assume_multiple %add3A_326, 8 : i32
    %dma_start3A_328 = arith.constant 0 : i32
    %dma_start3A_329 = arith.constant 0 : i32
    %dma_start3A_330 = tpu.memref_slice %arg6[%dma_start3A_328, %dma_start3A_329] : memref<2x80xi32, #tpu.memory_space<vmem>> -> memref<1x80xi32, #tpu.memory_space<vmem>>
    %dma_start3A_331 = tpu.memref_squeeze %dma_start3A_330 : memref<1x80xi32, #tpu.memory_space<vmem>> -> memref<80xi32, #tpu.memory_space<vmem>>
    %dma_start3A_332 = tpu.memref_slice %arg3[%multiple_of3A_327] : memref<320000xi32, #tpu.memory_space<hbm>> -> memref<80xi32, #tpu.memory_space<hbm>>
    %dma_start3A_333 = arith.constant 0 : i32
    %dma_start3A_334 = tpu.memref_slice %arg6[%dma_start3A_328, %dma_start3A_333] : memref<2x80xi32, #tpu.memory_space<vmem>> -> memref<1x80xi32, #tpu.memory_space<vmem>>
    %dma_start3A_335 = tpu.memref_squeeze %dma_start3A_334 : memref<1x80xi32, #tpu.memory_space<vmem>> -> memref<80xi32, #tpu.memory_space<vmem>>
    %dma_start3A_336 = tpu.memref_slice %arg3[%multiple_of3A_327] : memref<320000xi32, #tpu.memory_space<hbm>> -> memref<80xi32, #tpu.memory_space<hbm>>
    tpu.enqueue_dma source(%dma_start3A_336 : memref<80xi32, #tpu.memory_space<hbm>>) target(%dma_start3A_335 : memref<80xi32, #tpu.memory_space<vmem>>) target_semaphore(%arg15 : memref<!tpu.dma_semaphore, #tpu.memory_space<semaphore_mem>>)
    %dma_start3A_337 = arith.constant 1 : i32
    %dma_start3A_338 = arith.constant 0 : i32
    %dma_start3A_339 = tpu.memref_slice %arg6[%dma_start3A_337, %dma_start3A_338] : memref<2x80xi32, #tpu.memory_space<vmem>> -> memref<1x80xi32, #tpu.memory_space<vmem>>
    %dma_start3A_340 = tpu.memref_squeeze %dma_start3A_339 : memref<1x80xi32, #tpu.memory_space<vmem>> -> memref<80xi32, #tpu.memory_space<vmem>>
    %dma_start3A_341 = tpu.memref_slice %arg4[%multiple_of3A_327] : memref<320000xi32, #tpu.memory_space<hbm>> -> memref<80xi32, #tpu.memory_space<hbm>>
    %dma_start3A_342 = arith.constant 0 : i32
    %dma_start3A_343 = tpu.memref_slice %arg6[%dma_start3A_337, %dma_start3A_342] : memref<2x80xi32, #tpu.memory_space<vmem>> -> memref<1x80xi32, #tpu.memory_space<vmem>>
    %dma_start3A_344 = tpu.memref_squeeze %dma_start3A_343 : memref<1x80xi32, #tpu.memory_space<vmem>> -> memref<80xi32, #tpu.memory_space<vmem>>
    %dma_start3A_345 = tpu.memref_slice %arg4[%multiple_of3A_327] : memref<320000xi32, #tpu.memory_space<hbm>> -> memref<80xi32, #tpu.memory_space<hbm>>
    tpu.enqueue_dma source(%dma_start3A_345 : memref<80xi32, #tpu.memory_space<hbm>>) target(%dma_start3A_344 : memref<80xi32, #tpu.memory_space<vmem>>) target_semaphore(%arg15 : memref<!tpu.dma_semaphore, #tpu.memory_space<semaphore_mem>>)
    %dma_wait3A_346 = arith.constant 0 : i32
    %dma_wait3A_347 = arith.constant 0 : i32
    %dma_wait3A_348 = tpu.memref_slice %arg9[%dma_wait3A_346, %dma_wait3A_347] : memref<2x80xi32, #tpu.memory_space<vmem>> -> memref<1x80xi32, #tpu.memory_space<vmem>>
    %dma_wait3A_349 = tpu.memref_squeeze %dma_wait3A_348 : memref<1x80xi32, #tpu.memory_space<vmem>> -> memref<80xi32, #tpu.memory_space<vmem>>
    %dma_wait3A_350 = arith.constant 0 : i32
    %dma_wait3A_351 = tpu.memref_slice %arg3[%dma_wait3A_350] : memref<320000xi32, #tpu.memory_space<hbm>> -> memref<80xi32, #tpu.memory_space<hbm>>
    %dma_wait3A_352 = arith.constant 0 : i32
    %dma_wait3A_353 = tpu.memref_slice %arg9[%dma_wait3A_346, %dma_wait3A_352] : memref<2x80xi32, #tpu.memory_space<vmem>> -> memref<1x80xi32, #tpu.memory_space<vmem>>
    %dma_wait3A_354 = tpu.memref_squeeze %dma_wait3A_353 : memref<1x80xi32, #tpu.memory_space<vmem>> -> memref<80xi32, #tpu.memory_space<vmem>>
    %dma_wait3A_355 = arith.constant 0 : i32
    %dma_wait3A_356 = tpu.memref_slice %arg3[%dma_wait3A_355] : memref<320000xi32, #tpu.memory_space<hbm>> -> memref<80xi32, #tpu.memory_space<hbm>>
    tpu.wait_dma2 semaphore(%arg18 : memref<!tpu.dma_semaphore, #tpu.memory_space<semaphore_mem>>) src(%dma_wait3A_356 : memref<80xi32, #tpu.memory_space<hbm>>) dst(%dma_wait3A_354 : memref<80xi32, #tpu.memory_space<vmem>>)
    %dma_wait3A_357 = arith.constant 1 : i32
    %dma_wait3A_358 = arith.constant 0 : i32
    %dma_wait3A_359 = tpu.memref_slice %arg9[%dma_wait3A_357, %dma_wait3A_358] : memref<2x80xi32, #tpu.memory_space<vmem>> -> memref<1x80xi32, #tpu.memory_space<vmem>>
    %dma_wait3A_360 = tpu.memref_squeeze %dma_wait3A_359 : memref<1x80xi32, #tpu.memory_space<vmem>> -> memref<80xi32, #tpu.memory_space<vmem>>
    %dma_wait3A_361 = arith.constant 0 : i32
    %dma_wait3A_362 = tpu.memref_slice %arg4[%dma_wait3A_361] : memref<320000xi32, #tpu.memory_space<hbm>> -> memref<80xi32, #tpu.memory_space<hbm>>
    %dma_wait3A_363 = arith.constant 0 : i32
    %dma_wait3A_364 = tpu.memref_slice %arg9[%dma_wait3A_357, %dma_wait3A_363] : memref<2x80xi32, #tpu.memory_space<vmem>> -> memref<1x80xi32, #tpu.memory_space<vmem>>
    %dma_wait3A_365 = tpu.memref_squeeze %dma_wait3A_364 : memref<1x80xi32, #tpu.memory_space<vmem>> -> memref<80xi32, #tpu.memory_space<vmem>>
    %dma_wait3A_366 = arith.constant 0 : i32
    %dma_wait3A_367 = tpu.memref_slice %arg4[%dma_wait3A_366] : memref<320000xi32, #tpu.memory_space<hbm>> -> memref<80xi32, #tpu.memory_space<hbm>>
    tpu.wait_dma2 semaphore(%arg18 : memref<!tpu.dma_semaphore, #tpu.memory_space<semaphore_mem>>) src(%dma_wait3A_367 : memref<80xi32, #tpu.memory_space<hbm>>) dst(%dma_wait3A_365 : memref<80xi32, #tpu.memory_space<vmem>>)
    %dma_start3A_368 = arith.constant 0 : i32
    %dma_start3A_369 = arith.constant 0 : i32
    %dma_start3A_370 = tpu.memref_slice %arg9[%dma_start3A_368, %dma_start3A_369] : memref<2x80xi32, #tpu.memory_space<vmem>> -> memref<1x80xi32, #tpu.memory_space<vmem>>
    %dma_start3A_371 = tpu.memref_squeeze %dma_start3A_370 : memref<1x80xi32, #tpu.memory_space<vmem>> -> memref<80xi32, #tpu.memory_space<vmem>>
    %dma_start3A_372 = arith.constant 0 : i32
    %dma_start3A_373 = arith.constant 0 : i32
    %dma_start3A_374 = tpu.memref_slice %arg2[%dma_start3A_372, %dma_start3A_373] : memref<10000x128xf32, #tpu.memory_space<hbm>> -> memref<10000x128xf32, #tpu.memory_space<hbm>>
    tpu.enqueue_indirect_dma source(%dma_start3A_374 : memref<10000x128xf32, #tpu.memory_space<hbm>>) target(%arg13 : memref<80x128xf32, #tpu.memory_space<vmem>>) offsets(%dma_start3A_371 : memref<80xi32, #tpu.memory_space<vmem>>) semaphore(%arg22 : memref<!tpu.dma_semaphore, #tpu.memory_space<semaphore_mem>>)
    %dma_wait3A_375 = arith.constant 0 : i32
    %dma_wait3A_376 = arith.constant 0 : i32
    %dma_wait3A_377 = tpu.memref_slice %arg8[%dma_wait3A_375, %dma_wait3A_376] : memref<2x80xi32, #tpu.memory_space<vmem>> -> memref<1x80xi32, #tpu.memory_space<vmem>>
    %dma_wait3A_378 = tpu.memref_squeeze %dma_wait3A_377 : memref<1x80xi32, #tpu.memory_space<vmem>> -> memref<80xi32, #tpu.memory_space<vmem>>
    %dma_wait3A_379 = arith.constant 0 : i32
    %dma_wait3A_380 = arith.constant 0 : i32
    %dma_wait3A_381 = tpu.memref_slice %arg2[%dma_wait3A_379, %dma_wait3A_380] : memref<10000x128xf32, #tpu.memory_space<hbm>> -> memref<10000x128xf32, #tpu.memory_space<hbm>>
    tpu.wait_indirect_dma semaphore(%arg21 : memref<!tpu.dma_semaphore, #tpu.memory_space<semaphore_mem>>) src(%dma_wait3A_381 : memref<10000x128xf32, #tpu.memory_space<hbm>>) dst(%arg12 : memref<80x128xf32, #tpu.memory_space<vmem>>)
    %dma_start3A_382 = arith.constant 1 : i32
    %dma_start3A_383 = arith.constant 0 : i32
    %dma_start3A_384 = tpu.memref_slice %arg8[%dma_start3A_382, %dma_start3A_383] : memref<2x80xi32, #tpu.memory_space<vmem>> -> memref<1x80xi32, #tpu.memory_space<vmem>>
    %dma_start3A_385 = tpu.memref_squeeze %dma_start3A_384 : memref<1x80xi32, #tpu.memory_space<vmem>> -> memref<80xi32, #tpu.memory_space<vmem>>
    %dma_start3A_386 = arith.constant 0 : i32
    %dma_start3A_387 = arith.constant 0 : i32
    %dma_start3A_388 = tpu.memref_slice %arg14[%dma_start3A_386, %dma_start3A_387] : memref<10000x128xf32, #tpu.memory_space<vmem_shared>> -> memref<10000x128xf32, #tpu.memory_space<vmem_shared>>
    tpu.enqueue_indirect_dma source(%arg12 : memref<80x128xf32, #tpu.memory_space<vmem>>) target(%dma_start3A_388 : memref<10000x128xf32, #tpu.memory_space<vmem_shared>>) offsets(%dma_start3A_385 : memref<80xi32, #tpu.memory_space<vmem>>) semaphore(%arg25 : memref<!tpu.dma_semaphore, #tpu.memory_space<semaphore_mem>>) {add = true}
    %dma_wait3A_389 = arith.constant 1 : i32
    %dma_wait3A_390 = arith.constant 0 : i32
    %dma_wait3A_391 = tpu.memref_slice %arg7[%dma_wait3A_389, %dma_wait3A_390] : memref<2x80xi32, #tpu.memory_space<vmem>> -> memref<1x80xi32, #tpu.memory_space<vmem>>
    %dma_wait3A_392 = tpu.memref_squeeze %dma_wait3A_391 : memref<1x80xi32, #tpu.memory_space<vmem>> -> memref<80xi32, #tpu.memory_space<vmem>>
    %dma_wait3A_393 = arith.constant 0 : i32
    %dma_wait3A_394 = arith.constant 0 : i32
    %dma_wait3A_395 = tpu.memref_slice %arg14[%dma_wait3A_393, %dma_wait3A_394] : memref<10000x128xf32, #tpu.memory_space<vmem_shared>> -> memref<10000x128xf32, #tpu.memory_space<vmem_shared>>
    tpu.wait_indirect_dma semaphore(%arg24 : memref<!tpu.dma_semaphore, #tpu.memory_space<semaphore_mem>>) src(%arg11 : memref<80x128xf32, #tpu.memory_space<vmem>>) dst(%dma_wait3A_395 : memref<10000x128xf32, #tpu.memory_space<vmem_shared>>)
    %add3A_396 = arith.constant 400 : i32
    %add3A_397 = arith.addi %mul3A_2, %add3A_396 : i32
    %multiple_of3A_398 = tpu.assume_multiple %add3A_397, 8 : i32
    %dma_start3A_399 = arith.constant 0 : i32
    %dma_start3A_400 = arith.constant 0 : i32
    %dma_start3A_401 = tpu.memref_slice %arg7[%dma_start3A_399, %dma_start3A_400] : memref<2x80xi32, #tpu.memory_space<vmem>> -> memref<1x80xi32, #tpu.memory_space<vmem>>
    %dma_start3A_402 = tpu.memref_squeeze %dma_start3A_401 : memref<1x80xi32, #tpu.memory_space<vmem>> -> memref<80xi32, #tpu.memory_space<vmem>>
    %dma_start3A_403 = tpu.memref_slice %arg3[%multiple_of3A_398] : memref<320000xi32, #tpu.memory_space<hbm>> -> memref<80xi32, #tpu.memory_space<hbm>>
    %dma_start3A_404 = arith.constant 0 : i32
    %dma_start3A_405 = tpu.memref_slice %arg7[%dma_start3A_399, %dma_start3A_404] : memref<2x80xi32, #tpu.memory_space<vmem>> -> memref<1x80xi32, #tpu.memory_space<vmem>>
    %dma_start3A_406 = tpu.memref_squeeze %dma_start3A_405 : memref<1x80xi32, #tpu.memory_space<vmem>> -> memref<80xi32, #tpu.memory_space<vmem>>
    %dma_start3A_407 = tpu.memref_slice %arg3[%multiple_of3A_398] : memref<320000xi32, #tpu.memory_space<hbm>> -> memref<80xi32, #tpu.memory_space<hbm>>
    tpu.enqueue_dma source(%dma_start3A_407 : memref<80xi32, #tpu.memory_space<hbm>>) target(%dma_start3A_406 : memref<80xi32, #tpu.memory_space<vmem>>) target_semaphore(%arg16 : memref<!tpu.dma_semaphore, #tpu.memory_space<semaphore_mem>>)
    %dma_start3A_408 = arith.constant 1 : i32
    %dma_start3A_409 = arith.constant 0 : i32
    %dma_start3A_410 = tpu.memref_slice %arg7[%dma_start3A_408, %dma_start3A_409] : memref<2x80xi32, #tpu.memory_space<vmem>> -> memref<1x80xi32, #tpu.memory_space<vmem>>
    %dma_start3A_411 = tpu.memref_squeeze %dma_start3A_410 : memref<1x80xi32, #tpu.memory_space<vmem>> -> memref<80xi32, #tpu.memory_space<vmem>>
    %dma_start3A_412 = tpu.memref_slice %arg4[%multiple_of3A_398] : memref<320000xi32, #tpu.memory_space<hbm>> -> memref<80xi32, #tpu.memory_space<hbm>>
    %dma_start3A_413 = arith.constant 0 : i32
    %dma_start3A_414 = tpu.memref_slice %arg7[%dma_start3A_408, %dma_start3A_413] : memref<2x80xi32, #tpu.memory_space<vmem>> -> memref<1x80xi32, #tpu.memory_space<vmem>>
    %dma_start3A_415 = tpu.memref_squeeze %dma_start3A_414 : memref<1x80xi32, #tpu.memory_space<vmem>> -> memref<80xi32, #tpu.memory_space<vmem>>
    %dma_start3A_416 = tpu.memref_slice %arg4[%multiple_of3A_398] : memref<320000xi32, #tpu.memory_space<hbm>> -> memref<80xi32, #tpu.memory_space<hbm>>
    tpu.enqueue_dma source(%dma_start3A_416 : memref<80xi32, #tpu.memory_space<hbm>>) target(%dma_start3A_415 : memref<80xi32, #tpu.memory_space<vmem>>) target_semaphore(%arg16 : memref<!tpu.dma_semaphore, #tpu.memory_space<semaphore_mem>>)
    %scan3A_417 = arith.constant 0 : i32
    %scan3A_418 = arith.constant 0 : i32
    %scan3A_419 = arith.constant 1 : i32
    %scan3A_420 = arith.constant 0 : i32
    %scan3A_421 = arith.constant 1 : i32
    %scan3A_422 = arith.constant 1 : i32
    %scan3A_423 = arith.constant 0 : i32
    %scan3A_424 = arith.constant 0 : i32
    %scan3A_425 = arith.constant 1 : i32
    %scan3A_426 = arith.constant 0 : i32
    %scan3A_427 = arith.constant 30 : i32
    %scan3A_428 = arith.addi %scan3A_426, %scan3A_427 : i32
    %scan3A_429 = arith.constant 1 : i32
    scf.for %scan3A_537 = %scan3A_426 to %scan3A_428 step %scan3A_429  : i32 {
      %mul3A_538 = arith.constant 4 : i32
      %mul3A_539 = arith.muli %mul3A_538, %scan3A_537 : i32
      %add3A_540 = arith.constant 3 : i32
      %add3A_541 = arith.addi %add3A_540, %mul3A_539 : i32
      %add3A_542 = arith.constant 0 : i32
      %add3A_543 = arith.addi %add3A_541, %add3A_542 : i32
      %dma_wait3A_544 = arith.constant 0 : i32
      %dma_wait3A_545 = tpu.memref_slice %arg6[%scan3A_418, %dma_wait3A_544] : memref<2x80xi32, #tpu.memory_space<vmem>> -> memref<1x80xi32, #tpu.memory_space<vmem>>
      %dma_wait3A_546 = tpu.memref_squeeze %dma_wait3A_545 : memref<1x80xi32, #tpu.memory_space<vmem>> -> memref<80xi32, #tpu.memory_space<vmem>>
      %dma_wait3A_547 = arith.constant 0 : i32
      %dma_wait3A_548 = tpu.memref_slice %arg3[%dma_wait3A_547] : memref<320000xi32, #tpu.memory_space<hbm>> -> memref<80xi32, #tpu.memory_space<hbm>>
      %dma_wait3A_549 = arith.constant 0 : i32
      %dma_wait3A_550 = tpu.memref_slice %arg6[%scan3A_418, %dma_wait3A_549] : memref<2x80xi32, #tpu.memory_space<vmem>> -> memref<1x80xi32, #tpu.memory_space<vmem>>
      %dma_wait3A_551 = tpu.memref_squeeze %dma_wait3A_550 : memref<1x80xi32, #tpu.memory_space<vmem>> -> memref<80xi32, #tpu.memory_space<vmem>>
      %dma_wait3A_552 = arith.constant 0 : i32
      %dma_wait3A_553 = tpu.memref_slice %arg3[%dma_wait3A_552] : memref<320000xi32, #tpu.memory_space<hbm>> -> memref<80xi32, #tpu.memory_space<hbm>>
      tpu.wait_dma2 semaphore(%arg15 : memref<!tpu.dma_semaphore, #tpu.memory_space<semaphore_mem>>) src(%dma_wait3A_553 : memref<80xi32, #tpu.memory_space<hbm>>) dst(%dma_wait3A_551 : memref<80xi32, #tpu.memory_space<vmem>>)
      %dma_wait3A_554 = arith.constant 0 : i32
      %dma_wait3A_555 = tpu.memref_slice %arg6[%scan3A_419, %dma_wait3A_554] : memref<2x80xi32, #tpu.memory_space<vmem>> -> memref<1x80xi32, #tpu.memory_space<vmem>>
      %dma_wait3A_556 = tpu.memref_squeeze %dma_wait3A_555 : memref<1x80xi32, #tpu.memory_space<vmem>> -> memref<80xi32, #tpu.memory_space<vmem>>
      %dma_wait3A_557 = arith.constant 0 : i32
      %dma_wait3A_558 = tpu.memref_slice %arg4[%dma_wait3A_557] : memref<320000xi32, #tpu.memory_space<hbm>> -> memref<80xi32, #tpu.memory_space<hbm>>
      %dma_wait3A_559 = arith.constant 0 : i32
      %dma_wait3A_560 = tpu.memref_slice %arg6[%scan3A_419, %dma_wait3A_559] : memref<2x80xi32, #tpu.memory_space<vmem>> -> memref<1x80xi32, #tpu.memory_space<vmem>>
      %dma_wait3A_561 = tpu.memref_squeeze %dma_wait3A_560 : memref<1x80xi32, #tpu.memory_space<vmem>> -> memref<80xi32, #tpu.memory_space<vmem>>
      %dma_wait3A_562 = arith.constant 0 : i32
      %dma_wait3A_563 = tpu.memref_slice %arg4[%dma_wait3A_562] : memref<320000xi32, #tpu.memory_space<hbm>> -> memref<80xi32, #tpu.memory_space<hbm>>
      tpu.wait_dma2 semaphore(%arg15 : memref<!tpu.dma_semaphore, #tpu.memory_space<semaphore_mem>>) src(%dma_wait3A_563 : memref<80xi32, #tpu.memory_space<hbm>>) dst(%dma_wait3A_561 : memref<80xi32, #tpu.memory_space<vmem>>)
      %add3A_564 = arith.constant 1 : i32
      %add3A_565 = arith.addi %add3A_543, %add3A_564 : i32
      %dma_start3A_566 = arith.constant 0 : i32
      %dma_start3A_567 = tpu.memref_slice %arg6[%scan3A_418, %dma_start3A_566] : memref<2x80xi32, #tpu.memory_space<vmem>> -> memref<1x80xi32, #tpu.memory_space<vmem>>
      %dma_start3A_568 = tpu.memref_squeeze %dma_start3A_567 : memref<1x80xi32, #tpu.memory_space<vmem>> -> memref<80xi32, #tpu.memory_space<vmem>>
      %dma_start3A_569 = arith.constant 0 : i32
      %dma_start3A_570 = arith.constant 0 : i32
      %dma_start3A_571 = tpu.memref_slice %arg2[%dma_start3A_569, %dma_start3A_570] : memref<10000x128xf32, #tpu.memory_space<hbm>> -> memref<10000x128xf32, #tpu.memory_space<hbm>>
      tpu.enqueue_indirect_dma source(%dma_start3A_571 : memref<10000x128xf32, #tpu.memory_space<hbm>>) target(%arg10 : memref<80x128xf32, #tpu.memory_space<vmem>>) offsets(%dma_start3A_568 : memref<80xi32, #tpu.memory_space<vmem>>) semaphore(%arg19 : memref<!tpu.dma_semaphore, #tpu.memory_space<semaphore_mem>>)
      %dma_wait3A_572 = arith.constant 0 : i32
      %dma_wait3A_573 = tpu.memref_slice %arg9[%scan3A_420, %dma_wait3A_572] : memref<2x80xi32, #tpu.memory_space<vmem>> -> memref<1x80xi32, #tpu.memory_space<vmem>>
      %dma_wait3A_574 = tpu.memref_squeeze %dma_wait3A_573 : memref<1x80xi32, #tpu.memory_space<vmem>> -> memref<80xi32, #tpu.memory_space<vmem>>
      %dma_wait3A_575 = arith.constant 0 : i32
      %dma_wait3A_576 = arith.constant 0 : i32
      %dma_wait3A_577 = tpu.memref_slice %arg2[%dma_wait3A_575, %dma_wait3A_576] : memref<10000x128xf32, #tpu.memory_space<hbm>> -> memref<10000x128xf32, #tpu.memory_space<hbm>>
      tpu.wait_indirect_dma semaphore(%arg22 : memref<!tpu.dma_semaphore, #tpu.memory_space<semaphore_mem>>) src(%dma_wait3A_577 : memref<10000x128xf32, #tpu.memory_space<hbm>>) dst(%arg13 : memref<80x128xf32, #tpu.memory_space<vmem>>)
      %dma_start3A_578 = arith.constant 0 : i32
      %dma_start3A_579 = tpu.memref_slice %arg9[%scan3A_421, %dma_start3A_578] : memref<2x80xi32, #tpu.memory_space<vmem>> -> memref<1x80xi32, #tpu.memory_space<vmem>>
      %dma_start3A_580 = tpu.memref_squeeze %dma_start3A_579 : memref<1x80xi32, #tpu.memory_space<vmem>> -> memref<80xi32, #tpu.memory_space<vmem>>
      %dma_start3A_581 = arith.constant 0 : i32
      %dma_start3A_582 = arith.constant 0 : i32
      %dma_start3A_583 = tpu.memref_slice %arg14[%dma_start3A_581, %dma_start3A_582] : memref<10000x128xf32, #tpu.memory_space<vmem_shared>> -> memref<10000x128xf32, #tpu.memory_space<vmem_shared>>
      tpu.enqueue_indirect_dma source(%arg13 : memref<80x128xf32, #tpu.memory_space<vmem>>) target(%dma_start3A_583 : memref<10000x128xf32, #tpu.memory_space<vmem_shared>>) offsets(%dma_start3A_580 : memref<80xi32, #tpu.memory_space<vmem>>) semaphore(%arg26 : memref<!tpu.dma_semaphore, #tpu.memory_space<semaphore_mem>>) {add = true}
      %dma_wait3A_584 = arith.constant 0 : i32
      %dma_wait3A_585 = tpu.memref_slice %arg8[%scan3A_422, %dma_wait3A_584] : memref<2x80xi32, #tpu.memory_space<vmem>> -> memref<1x80xi32, #tpu.memory_space<vmem>>
      %dma_wait3A_586 = tpu.memref_squeeze %dma_wait3A_585 : memref<1x80xi32, #tpu.memory_space<vmem>> -> memref<80xi32, #tpu.memory_space<vmem>>
      %dma_wait3A_587 = arith.constant 0 : i32
      %dma_wait3A_588 = arith.constant 0 : i32
      %dma_wait3A_589 = tpu.memref_slice %arg14[%dma_wait3A_587, %dma_wait3A_588] : memref<10000x128xf32, #tpu.memory_space<vmem_shared>> -> memref<10000x128xf32, #tpu.memory_space<vmem_shared>>
      tpu.wait_indirect_dma semaphore(%arg25 : memref<!tpu.dma_semaphore, #tpu.memory_space<semaphore_mem>>) src(%arg12 : memref<80x128xf32, #tpu.memory_space<vmem>>) dst(%dma_wait3A_589 : memref<10000x128xf32, #tpu.memory_space<vmem_shared>>)
      %add3A_590 = arith.constant 3 : i32
      %add3A_591 = arith.addi %add3A_543, %add3A_590 : i32
      %min3A = arith.constant 124 : i32
      %min3A_592 = arith.minsi %add3A_591, %min3A : i32
      %mul3A_593 = arith.constant 80 : i32
      %mul3A_594 = arith.muli %min3A_592, %mul3A_593 : i32
      %add3A_595 = arith.addi %mul3A_2, %mul3A_594 : i32
      %multiple_of3A_596 = tpu.assume_multiple %add3A_595, 8 : i32
      %dma_start3A_597 = arith.constant 0 : i32
      %dma_start3A_598 = tpu.memref_slice %arg8[%scan3A_423, %dma_start3A_597] : memref<2x80xi32, #tpu.memory_space<vmem>> -> memref<1x80xi32, #tpu.memory_space<vmem>>
      %dma_start3A_599 = tpu.memref_squeeze %dma_start3A_598 : memref<1x80xi32, #tpu.memory_space<vmem>> -> memref<80xi32, #tpu.memory_space<vmem>>
      %dma_start3A_600 = tpu.memref_slice %arg3[%multiple_of3A_596] : memref<320000xi32, #tpu.memory_space<hbm>> -> memref<80xi32, #tpu.memory_space<hbm>>
      %dma_start3A_601 = arith.constant 0 : i32
      %dma_start3A_602 = tpu.memref_slice %arg8[%scan3A_423, %dma_start3A_601] : memref<2x80xi32, #tpu.memory_space<vmem>> -> memref<1x80xi32, #tpu.memory_space<vmem>>
      %dma_start3A_603 = tpu.memref_squeeze %dma_start3A_602 : memref<1x80xi32, #tpu.memory_space<vmem>> -> memref<80xi32, #tpu.memory_space<vmem>>
      %dma_start3A_604 = tpu.memref_slice %arg3[%multiple_of3A_596] : memref<320000xi32, #tpu.memory_space<hbm>> -> memref<80xi32, #tpu.memory_space<hbm>>
      tpu.enqueue_dma source(%dma_start3A_604 : memref<80xi32, #tpu.memory_space<hbm>>) target(%dma_start3A_603 : memref<80xi32, #tpu.memory_space<vmem>>) target_semaphore(%arg17 : memref<!tpu.dma_semaphore, #tpu.memory_space<semaphore_mem>>)
      %dma_start3A_605 = arith.constant 0 : i32
      %dma_start3A_606 = tpu.memref_slice %arg8[%scan3A_422, %dma_start3A_605] : memref<2x80xi32, #tpu.memory_space<vmem>> -> memref<1x80xi32, #tpu.memory_space<vmem>>
      %dma_start3A_607 = tpu.memref_squeeze %dma_start3A_606 : memref<1x80xi32, #tpu.memory_space<vmem>> -> memref<80xi32, #tpu.memory_space<vmem>>
      %dma_start3A_608 = tpu.memref_slice %arg4[%multiple_of3A_596] : memref<320000xi32, #tpu.memory_space<hbm>> -> memref<80xi32, #tpu.memory_space<hbm>>
      %dma_start3A_609 = arith.constant 0 : i32
      %dma_start3A_610 = tpu.memref_slice %arg8[%scan3A_422, %dma_start3A_609] : memref<2x80xi32, #tpu.memory_space<vmem>> -> memref<1x80xi32, #tpu.memory_space<vmem>>
      %dma_start3A_611 = tpu.memref_squeeze %dma_start3A_610 : memref<1x80xi32, #tpu.memory_space<vmem>> -> memref<80xi32, #tpu.memory_space<vmem>>
      %dma_start3A_612 = tpu.memref_slice %arg4[%multiple_of3A_596] : memref<320000xi32, #tpu.memory_space<hbm>> -> memref<80xi32, #tpu.memory_space<hbm>>
      tpu.enqueue_dma source(%dma_start3A_612 : memref<80xi32, #tpu.memory_space<hbm>>) target(%dma_start3A_611 : memref<80xi32, #tpu.memory_space<vmem>>) target_semaphore(%arg17 : memref<!tpu.dma_semaphore, #tpu.memory_space<semaphore_mem>>)
      %add3A_613 = arith.constant 1 : i32
      %add3A_614 = arith.addi %add3A_541, %add3A_613 : i32
      %dma_wait3A_615 = arith.constant 0 : i32
      %dma_wait3A_616 = tpu.memref_slice %arg7[%scan3A_424, %dma_wait3A_615] : memref<2x80xi32, #tpu.memory_space<vmem>> -> memref<1x80xi32, #tpu.memory_space<vmem>>
      %dma_wait3A_617 = tpu.memref_squeeze %dma_wait3A_616 : memref<1x80xi32, #tpu.memory_space<vmem>> -> memref<80xi32, #tpu.memory_space<vmem>>
      %dma_wait3A_618 = arith.constant 0 : i32
      %dma_wait3A_619 = tpu.memref_slice %arg3[%dma_wait3A_618] : memref<320000xi32, #tpu.memory_space<hbm>> -> memref<80xi32, #tpu.memory_space<hbm>>
      %dma_wait3A_620 = arith.constant 0 : i32
      %dma_wait3A_621 = tpu.memref_slice %arg7[%scan3A_424, %dma_wait3A_620] : memref<2x80xi32, #tpu.memory_space<vmem>> -> memref<1x80xi32, #tpu.memory_space<vmem>>
      %dma_wait3A_622 = tpu.memref_squeeze %dma_wait3A_621 : memref<1x80xi32, #tpu.memory_space<vmem>> -> memref<80xi32, #tpu.memory_space<vmem>>
      %dma_wait3A_623 = arith.constant 0 : i32
      %dma_wait3A_624 = tpu.memref_slice %arg3[%dma_wait3A_623] : memref<320000xi32, #tpu.memory_space<hbm>> -> memref<80xi32, #tpu.memory_space<hbm>>
      tpu.wait_dma2 semaphore(%arg16 : memref<!tpu.dma_semaphore, #tpu.memory_space<semaphore_mem>>) src(%dma_wait3A_624 : memref<80xi32, #tpu.memory_space<hbm>>) dst(%dma_wait3A_622 : memref<80xi32, #tpu.memory_space<vmem>>)
      %dma_wait3A_625 = arith.constant 0 : i32
      %dma_wait3A_626 = tpu.memref_slice %arg7[%scan3A_425, %dma_wait3A_625] : memref<2x80xi32, #tpu.memory_space<vmem>> -> memref<1x80xi32, #tpu.memory_space<vmem>>
      %dma_wait3A_627 = tpu.memref_squeeze %dma_wait3A_626 : memref<1x80xi32, #tpu.memory_space<vmem>> -> memref<80xi32, #tpu.memory_space<vmem>>
      %dma_wait3A_628 = arith.constant 0 : i32
      %dma_wait3A_629 = tpu.memref_slice %arg4[%dma_wait3A_628] : memref<320000xi32, #tpu.memory_space<hbm>> -> memref<80xi32, #tpu.memory_space<hbm>>
      %dma_wait3A_630 = arith.constant 0 : i32
      %dma_wait3A_631 = tpu.memref_slice %arg7[%scan3A_425, %dma_wait3A_630] : memref<2x80xi32, #tpu.memory_space<vmem>> -> memref<1x80xi32, #tpu.memory_space<vmem>>
      %dma_wait3A_632 = tpu.memref_squeeze %dma_wait3A_631 : memref<1x80xi32, #tpu.memory_space<vmem>> -> memref<80xi32, #tpu.memory_space<vmem>>
      %dma_wait3A_633 = arith.constant 0 : i32
      %dma_wait3A_634 = tpu.memref_slice %arg4[%dma_wait3A_633] : memref<320000xi32, #tpu.memory_space<hbm>> -> memref<80xi32, #tpu.memory_space<hbm>>
      tpu.wait_dma2 semaphore(%arg16 : memref<!tpu.dma_semaphore, #tpu.memory_space<semaphore_mem>>) src(%dma_wait3A_634 : memref<80xi32, #tpu.memory_space<hbm>>) dst(%dma_wait3A_632 : memref<80xi32, #tpu.memory_space<vmem>>)
      %add3A_635 = arith.constant 1 : i32
      %add3A_636 = arith.addi %add3A_614, %add3A_635 : i32
      %dma_start3A_637 = arith.constant 0 : i32
      %dma_start3A_638 = tpu.memref_slice %arg7[%scan3A_424, %dma_start3A_637] : memref<2x80xi32, #tpu.memory_space<vmem>> -> memref<1x80xi32, #tpu.memory_space<vmem>>
      %dma_start3A_639 = tpu.memref_squeeze %dma_start3A_638 : memref<1x80xi32, #tpu.memory_space<vmem>> -> memref<80xi32, #tpu.memory_space<vmem>>
      %dma_start3A_640 = arith.constant 0 : i32
      %dma_start3A_641 = arith.constant 0 : i32
      %dma_start3A_642 = tpu.memref_slice %arg2[%dma_start3A_640, %dma_start3A_641] : memref<10000x128xf32, #tpu.memory_space<hbm>> -> memref<10000x128xf32, #tpu.memory_space<hbm>>
      tpu.enqueue_indirect_dma source(%dma_start3A_642 : memref<10000x128xf32, #tpu.memory_space<hbm>>) target(%arg11 : memref<80x128xf32, #tpu.memory_space<vmem>>) offsets(%dma_start3A_639 : memref<80xi32, #tpu.memory_space<vmem>>) semaphore(%arg20 : memref<!tpu.dma_semaphore, #tpu.memory_space<semaphore_mem>>)
      %dma_wait3A_643 = arith.constant 0 : i32
      %dma_wait3A_644 = tpu.memref_slice %arg6[%scan3A_418, %dma_wait3A_643] : memref<2x80xi32, #tpu.memory_space<vmem>> -> memref<1x80xi32, #tpu.memory_space<vmem>>
      %dma_wait3A_645 = tpu.memref_squeeze %dma_wait3A_644 : memref<1x80xi32, #tpu.memory_space<vmem>> -> memref<80xi32, #tpu.memory_space<vmem>>
      %dma_wait3A_646 = arith.constant 0 : i32
      %dma_wait3A_647 = arith.constant 0 : i32
      %dma_wait3A_648 = tpu.memref_slice %arg2[%dma_wait3A_646, %dma_wait3A_647] : memref<10000x128xf32, #tpu.memory_space<hbm>> -> memref<10000x128xf32, #tpu.memory_space<hbm>>
      tpu.wait_indirect_dma semaphore(%arg19 : memref<!tpu.dma_semaphore, #tpu.memory_space<semaphore_mem>>) src(%dma_wait3A_648 : memref<10000x128xf32, #tpu.memory_space<hbm>>) dst(%arg10 : memref<80x128xf32, #tpu.memory_space<vmem>>)
      %dma_start3A_649 = arith.constant 0 : i32
      %dma_start3A_650 = tpu.memref_slice %arg6[%scan3A_419, %dma_start3A_649] : memref<2x80xi32, #tpu.memory_space<vmem>> -> memref<1x80xi32, #tpu.memory_space<vmem>>
      %dma_start3A_651 = tpu.memref_squeeze %dma_start3A_650 : memref<1x80xi32, #tpu.memory_space<vmem>> -> memref<80xi32, #tpu.memory_space<vmem>>
      %dma_start3A_652 = arith.constant 0 : i32
      %dma_start3A_653 = arith.constant 0 : i32
      %dma_start3A_654 = tpu.memref_slice %arg14[%dma_start3A_652, %dma_start3A_653] : memref<10000x128xf32, #tpu.memory_space<vmem_shared>> -> memref<10000x128xf32, #tpu.memory_space<vmem_shared>>
      tpu.enqueue_indirect_dma source(%arg10 : memref<80x128xf32, #tpu.memory_space<vmem>>) target(%dma_start3A_654 : memref<10000x128xf32, #tpu.memory_space<vmem_shared>>) offsets(%dma_start3A_651 : memref<80xi32, #tpu.memory_space<vmem>>) semaphore(%arg23 : memref<!tpu.dma_semaphore, #tpu.memory_space<semaphore_mem>>) {add = true}
      %dma_wait3A_655 = arith.constant 0 : i32
      %dma_wait3A_656 = tpu.memref_slice %arg9[%scan3A_421, %dma_wait3A_655] : memref<2x80xi32, #tpu.memory_space<vmem>> -> memref<1x80xi32, #tpu.memory_space<vmem>>
      %dma_wait3A_657 = tpu.memref_squeeze %dma_wait3A_656 : memref<1x80xi32, #tpu.memory_space<vmem>> -> memref<80xi32, #tpu.memory_space<vmem>>
      %dma_wait3A_658 = arith.constant 0 : i32
      %dma_wait3A_659 = arith.constant 0 : i32
      %dma_wait3A_660 = tpu.memref_slice %arg14[%dma_wait3A_658, %dma_wait3A_659] : memref<10000x128xf32, #tpu.memory_space<vmem_shared>> -> memref<10000x128xf32, #tpu.memory_space<vmem_shared>>
      tpu.wait_indirect_dma semaphore(%arg26 : memref<!tpu.dma_semaphore, #tpu.memory_space<semaphore_mem>>) src(%arg13 : memref<80x128xf32, #tpu.memory_space<vmem>>) dst(%dma_wait3A_660 : memref<10000x128xf32, #tpu.memory_space<vmem_shared>>)
      %add3A_661 = arith.constant 3 : i32
      %add3A_662 = arith.addi %add3A_614, %add3A_661 : i32
      %min3A_663 = arith.constant 124 : i32
      %min3A_664 = arith.minsi %add3A_662, %min3A_663 : i32
      %mul3A_665 = arith.constant 80 : i32
      %mul3A_666 = arith.muli %min3A_664, %mul3A_665 : i32
      %add3A_667 = arith.addi %mul3A_2, %mul3A_666 : i32
      %multiple_of3A_668 = tpu.assume_multiple %add3A_667, 8 : i32
      %dma_start3A_669 = arith.constant 0 : i32
      %dma_start3A_670 = tpu.memref_slice %arg9[%scan3A_420, %dma_start3A_669] : memref<2x80xi32, #tpu.memory_space<vmem>> -> memref<1x80xi32, #tpu.memory_space<vmem>>
      %dma_start3A_671 = tpu.memref_squeeze %dma_start3A_670 : memref<1x80xi32, #tpu.memory_space<vmem>> -> memref<80xi32, #tpu.memory_space<vmem>>
      %dma_start3A_672 = tpu.memref_slice %arg3[%multiple_of3A_668] : memref<320000xi32, #tpu.memory_space<hbm>> -> memref<80xi32, #tpu.memory_space<hbm>>
      %dma_start3A_673 = arith.constant 0 : i32
      %dma_start3A_674 = tpu.memref_slice %arg9[%scan3A_420, %dma_start3A_673] : memref<2x80xi32, #tpu.memory_space<vmem>> -> memref<1x80xi32, #tpu.memory_space<vmem>>
      %dma_start3A_675 = tpu.memref_squeeze %dma_start3A_674 : memref<1x80xi32, #tpu.memory_space<vmem>> -> memref<80xi32, #tpu.memory_space<vmem>>
      %dma_start3A_676 = tpu.memref_slice %arg3[%multiple_of3A_668] : memref<320000xi32, #tpu.memory_space<hbm>> -> memref<80xi32, #tpu.memory_space<hbm>>
      tpu.enqueue_dma source(%dma_start3A_676 : memref<80xi32, #tpu.memory_space<hbm>>) target(%dma_start3A_675 : memref<80xi32, #tpu.memory_space<vmem>>) target_semaphore(%arg18 : memref<!tpu.dma_semaphore, #tpu.memory_space<semaphore_mem>>)
      %dma_start3A_677 = arith.constant 0 : i32
      %dma_start3A_678 = tpu.memref_slice %arg9[%scan3A_421, %dma_start3A_677] : memref<2x80xi32, #tpu.memory_space<vmem>> -> memref<1x80xi32, #tpu.memory_space<vmem>>
      %dma_start3A_679 = tpu.memref_squeeze %dma_start3A_678 : memref<1x80xi32, #tpu.memory_space<vmem>> -> memref<80xi32, #tpu.memory_space<vmem>>
      %dma_start3A_680 = tpu.memref_slice %arg4[%multiple_of3A_668] : memref<320000xi32, #tpu.memory_space<hbm>> -> memref<80xi32, #tpu.memory_space<hbm>>
      %dma_start3A_681 = arith.constant 0 : i32
      %dma_start3A_682 = tpu.memref_slice %arg9[%scan3A_421, %dma_start3A_681] : memref<2x80xi32, #tpu.memory_space<vmem>> -> memref<1x80xi32, #tpu.memory_space<vmem>>
      %dma_start3A_683 = tpu.memref_squeeze %dma_start3A_682 : memref<1x80xi32, #tpu.memory_space<vmem>> -> memref<80xi32, #tpu.memory_space<vmem>>
      %dma_start3A_684 = tpu.memref_slice %arg4[%multiple_of3A_668] : memref<320000xi32, #tpu.memory_space<hbm>> -> memref<80xi32, #tpu.memory_space<hbm>>
      tpu.enqueue_dma source(%dma_start3A_684 : memref<80xi32, #tpu.memory_space<hbm>>) target(%dma_start3A_683 : memref<80xi32, #tpu.memory_space<vmem>>) target_semaphore(%arg18 : memref<!tpu.dma_semaphore, #tpu.memory_space<semaphore_mem>>)
      %add3A_685 = arith.constant 2 : i32
      %add3A_686 = arith.addi %add3A_541, %add3A_685 : i32
      %dma_wait3A_687 = arith.constant 0 : i32
      %dma_wait3A_688 = tpu.memref_slice %arg8[%scan3A_423, %dma_wait3A_687] : memref<2x80xi32, #tpu.memory_space<vmem>> -> memref<1x80xi32, #tpu.memory_space<vmem>>
      %dma_wait3A_689 = tpu.memref_squeeze %dma_wait3A_688 : memref<1x80xi32, #tpu.memory_space<vmem>> -> memref<80xi32, #tpu.memory_space<vmem>>
      %dma_wait3A_690 = arith.constant 0 : i32
      %dma_wait3A_691 = tpu.memref_slice %arg3[%dma_wait3A_690] : memref<320000xi32, #tpu.memory_space<hbm>> -> memref<80xi32, #tpu.memory_space<hbm>>
      %dma_wait3A_692 = arith.constant 0 : i32
      %dma_wait3A_693 = tpu.memref_slice %arg8[%scan3A_423, %dma_wait3A_692] : memref<2x80xi32, #tpu.memory_space<vmem>> -> memref<1x80xi32, #tpu.memory_space<vmem>>
      %dma_wait3A_694 = tpu.memref_squeeze %dma_wait3A_693 : memref<1x80xi32, #tpu.memory_space<vmem>> -> memref<80xi32, #tpu.memory_space<vmem>>
      %dma_wait3A_695 = arith.constant 0 : i32
      %dma_wait3A_696 = tpu.memref_slice %arg3[%dma_wait3A_695] : memref<320000xi32, #tpu.memory_space<hbm>> -> memref<80xi32, #tpu.memory_space<hbm>>
      tpu.wait_dma2 semaphore(%arg17 : memref<!tpu.dma_semaphore, #tpu.memory_space<semaphore_mem>>) src(%dma_wait3A_696 : memref<80xi32, #tpu.memory_space<hbm>>) dst(%dma_wait3A_694 : memref<80xi32, #tpu.memory_space<vmem>>)
      %dma_wait3A_697 = arith.constant 0 : i32
      %dma_wait3A_698 = tpu.memref_slice %arg8[%scan3A_422, %dma_wait3A_697] : memref<2x80xi32, #tpu.memory_space<vmem>> -> memref<1x80xi32, #tpu.memory_space<vmem>>
      %dma_wait3A_699 = tpu.memref_squeeze %dma_wait3A_698 : memref<1x80xi32, #tpu.memory_space<vmem>> -> memref<80xi32, #tpu.memory_space<vmem>>
      %dma_wait3A_700 = arith.constant 0 : i32
      %dma_wait3A_701 = tpu.memref_slice %arg4[%dma_wait3A_700] : memref<320000xi32, #tpu.memory_space<hbm>> -> memref<80xi32, #tpu.memory_space<hbm>>
      %dma_wait3A_702 = arith.constant 0 : i32
      %dma_wait3A_703 = tpu.memref_slice %arg8[%scan3A_422, %dma_wait3A_702] : memref<2x80xi32, #tpu.memory_space<vmem>> -> memref<1x80xi32, #tpu.memory_space<vmem>>
      %dma_wait3A_704 = tpu.memref_squeeze %dma_wait3A_703 : memref<1x80xi32, #tpu.memory_space<vmem>> -> memref<80xi32, #tpu.memory_space<vmem>>
      %dma_wait3A_705 = arith.constant 0 : i32
      %dma_wait3A_706 = tpu.memref_slice %arg4[%dma_wait3A_705] : memref<320000xi32, #tpu.memory_space<hbm>> -> memref<80xi32, #tpu.memory_space<hbm>>
      tpu.wait_dma2 semaphore(%arg17 : memref<!tpu.dma_semaphore, #tpu.memory_space<semaphore_mem>>) src(%dma_wait3A_706 : memref<80xi32, #tpu.memory_space<hbm>>) dst(%dma_wait3A_704 : memref<80xi32, #tpu.memory_space<vmem>>)
      %add3A_707 = arith.constant 1 : i32
      %add3A_708 = arith.addi %add3A_686, %add3A_707 : i32
      %dma_start3A_709 = arith.constant 0 : i32
      %dma_start3A_710 = tpu.memref_slice %arg8[%scan3A_423, %dma_start3A_709] : memref<2x80xi32, #tpu.memory_space<vmem>> -> memref<1x80xi32, #tpu.memory_space<vmem>>
      %dma_start3A_711 = tpu.memref_squeeze %dma_start3A_710 : memref<1x80xi32, #tpu.memory_space<vmem>> -> memref<80xi32, #tpu.memory_space<vmem>>
      %dma_start3A_712 = arith.constant 0 : i32
      %dma_start3A_713 = arith.constant 0 : i32
      %dma_start3A_714 = tpu.memref_slice %arg2[%dma_start3A_712, %dma_start3A_713] : memref<10000x128xf32, #tpu.memory_space<hbm>> -> memref<10000x128xf32, #tpu.memory_space<hbm>>
      tpu.enqueue_indirect_dma source(%dma_start3A_714 : memref<10000x128xf32, #tpu.memory_space<hbm>>) target(%arg12 : memref<80x128xf32, #tpu.memory_space<vmem>>) offsets(%dma_start3A_711 : memref<80xi32, #tpu.memory_space<vmem>>) semaphore(%arg21 : memref<!tpu.dma_semaphore, #tpu.memory_space<semaphore_mem>>)
      %dma_wait3A_715 = arith.constant 0 : i32
      %dma_wait3A_716 = tpu.memref_slice %arg7[%scan3A_424, %dma_wait3A_715] : memref<2x80xi32, #tpu.memory_space<vmem>> -> memref<1x80xi32, #tpu.memory_space<vmem>>
      %dma_wait3A_717 = tpu.memref_squeeze %dma_wait3A_716 : memref<1x80xi32, #tpu.memory_space<vmem>> -> memref<80xi32, #tpu.memory_space<vmem>>
      %dma_wait3A_718 = arith.constant 0 : i32
      %dma_wait3A_719 = arith.constant 0 : i32
      %dma_wait3A_720 = tpu.memref_slice %arg2[%dma_wait3A_718, %dma_wait3A_719] : memref<10000x128xf32, #tpu.memory_space<hbm>> -> memref<10000x128xf32, #tpu.memory_space<hbm>>
      tpu.wait_indirect_dma semaphore(%arg20 : memref<!tpu.dma_semaphore, #tpu.memory_space<semaphore_mem>>) src(%dma_wait3A_720 : memref<10000x128xf32, #tpu.memory_space<hbm>>) dst(%arg11 : memref<80x128xf32, #tpu.memory_space<vmem>>)
      %dma_start3A_721 = arith.constant 0 : i32
      %dma_start3A_722 = tpu.memref_slice %arg7[%scan3A_425, %dma_start3A_721] : memref<2x80xi32, #tpu.memory_space<vmem>> -> memref<1x80xi32, #tpu.memory_space<vmem>>
      %dma_start3A_723 = tpu.memref_squeeze %dma_start3A_722 : memref<1x80xi32, #tpu.memory_space<vmem>> -> memref<80xi32, #tpu.memory_space<vmem>>
      %dma_start3A_724 = arith.constant 0 : i32
      %dma_start3A_725 = arith.constant 0 : i32
      %dma_start3A_726 = tpu.memref_slice %arg14[%dma_start3A_724, %dma_start3A_725] : memref<10000x128xf32, #tpu.memory_space<vmem_shared>> -> memref<10000x128xf32, #tpu.memory_space<vmem_shared>>
      tpu.enqueue_indirect_dma source(%arg11 : memref<80x128xf32, #tpu.memory_space<vmem>>) target(%dma_start3A_726 : memref<10000x128xf32, #tpu.memory_space<vmem_shared>>) offsets(%dma_start3A_723 : memref<80xi32, #tpu.memory_space<vmem>>) semaphore(%arg24 : memref<!tpu.dma_semaphore, #tpu.memory_space<semaphore_mem>>) {add = true}
      %dma_wait3A_727 = arith.constant 0 : i32
      %dma_wait3A_728 = tpu.memref_slice %arg6[%scan3A_419, %dma_wait3A_727] : memref<2x80xi32, #tpu.memory_space<vmem>> -> memref<1x80xi32, #tpu.memory_space<vmem>>
      %dma_wait3A_729 = tpu.memref_squeeze %dma_wait3A_728 : memref<1x80xi32, #tpu.memory_space<vmem>> -> memref<80xi32, #tpu.memory_space<vmem>>
      %dma_wait3A_730 = arith.constant 0 : i32
      %dma_wait3A_731 = arith.constant 0 : i32
      %dma_wait3A_732 = tpu.memref_slice %arg14[%dma_wait3A_730, %dma_wait3A_731] : memref<10000x128xf32, #tpu.memory_space<vmem_shared>> -> memref<10000x128xf32, #tpu.memory_space<vmem_shared>>
      tpu.wait_indirect_dma semaphore(%arg23 : memref<!tpu.dma_semaphore, #tpu.memory_space<semaphore_mem>>) src(%arg10 : memref<80x128xf32, #tpu.memory_space<vmem>>) dst(%dma_wait3A_732 : memref<10000x128xf32, #tpu.memory_space<vmem_shared>>)
      %add3A_733 = arith.constant 3 : i32
      %add3A_734 = arith.addi %add3A_686, %add3A_733 : i32
      %min3A_735 = arith.constant 124 : i32
      %min3A_736 = arith.minsi %add3A_734, %min3A_735 : i32
      %mul3A_737 = arith.constant 80 : i32
      %mul3A_738 = arith.muli %min3A_736, %mul3A_737 : i32
      %add3A_739 = arith.addi %mul3A_2, %mul3A_738 : i32
      %multiple_of3A_740 = tpu.assume_multiple %add3A_739, 8 : i32
      %dma_start3A_741 = arith.constant 0 : i32
      %dma_start3A_742 = tpu.memref_slice %arg6[%scan3A_418, %dma_start3A_741] : memref<2x80xi32, #tpu.memory_space<vmem>> -> memref<1x80xi32, #tpu.memory_space<vmem>>
      %dma_start3A_743 = tpu.memref_squeeze %dma_start3A_742 : memref<1x80xi32, #tpu.memory_space<vmem>> -> memref<80xi32, #tpu.memory_space<vmem>>
      %dma_start3A_744 = tpu.memref_slice %arg3[%multiple_of3A_740] : memref<320000xi32, #tpu.memory_space<hbm>> -> memref<80xi32, #tpu.memory_space<hbm>>
      %dma_start3A_745 = arith.constant 0 : i32
      %dma_start3A_746 = tpu.memref_slice %arg6[%scan3A_418, %dma_start3A_745] : memref<2x80xi32, #tpu.memory_space<vmem>> -> memref<1x80xi32, #tpu.memory_space<vmem>>
      %dma_start3A_747 = tpu.memref_squeeze %dma_start3A_746 : memref<1x80xi32, #tpu.memory_space<vmem>> -> memref<80xi32, #tpu.memory_space<vmem>>
      %dma_start3A_748 = tpu.memref_slice %arg3[%multiple_of3A_740] : memref<320000xi32, #tpu.memory_space<hbm>> -> memref<80xi32, #tpu.memory_space<hbm>>
      tpu.enqueue_dma source(%dma_start3A_748 : memref<80xi32, #tpu.memory_space<hbm>>) target(%dma_start3A_747 : memref<80xi32, #tpu.memory_space<vmem>>) target_semaphore(%arg15 : memref<!tpu.dma_semaphore, #tpu.memory_space<semaphore_mem>>)
      %dma_start3A_749 = arith.constant 0 : i32
      %dma_start3A_750 = tpu.memref_slice %arg6[%scan3A_419, %dma_start3A_749] : memref<2x80xi32, #tpu.memory_space<vmem>> -> memref<1x80xi32, #tpu.memory_space<vmem>>
      %dma_start3A_751 = tpu.memref_squeeze %dma_start3A_750 : memref<1x80xi32, #tpu.memory_space<vmem>> -> memref<80xi32, #tpu.memory_space<vmem>>
      %dma_start3A_752 = tpu.memref_slice %arg4[%multiple_of3A_740] : memref<320000xi32, #tpu.memory_space<hbm>> -> memref<80xi32, #tpu.memory_space<hbm>>
      %dma_start3A_753 = arith.constant 0 : i32
      %dma_start3A_754 = tpu.memref_slice %arg6[%scan3A_419, %dma_start3A_753] : memref<2x80xi32, #tpu.memory_space<vmem>> -> memref<1x80xi32, #tpu.memory_space<vmem>>
      %dma_start3A_755 = tpu.memref_squeeze %dma_start3A_754 : memref<1x80xi32, #tpu.memory_space<vmem>> -> memref<80xi32, #tpu.memory_space<vmem>>
      %dma_start3A_756 = tpu.memref_slice %arg4[%multiple_of3A_740] : memref<320000xi32, #tpu.memory_space<hbm>> -> memref<80xi32, #tpu.memory_space<hbm>>
      tpu.enqueue_dma source(%dma_start3A_756 : memref<80xi32, #tpu.memory_space<hbm>>) target(%dma_start3A_755 : memref<80xi32, #tpu.memory_space<vmem>>) target_semaphore(%arg15 : memref<!tpu.dma_semaphore, #tpu.memory_space<semaphore_mem>>)
      %add3A_757 = arith.constant 3 : i32
      %add3A_758 = arith.addi %add3A_541, %add3A_757 : i32
      %dma_wait3A_759 = arith.constant 0 : i32
      %dma_wait3A_760 = tpu.memref_slice %arg9[%scan3A_420, %dma_wait3A_759] : memref<2x80xi32, #tpu.memory_space<vmem>> -> memref<1x80xi32, #tpu.memory_space<vmem>>
      %dma_wait3A_761 = tpu.memref_squeeze %dma_wait3A_760 : memref<1x80xi32, #tpu.memory_space<vmem>> -> memref<80xi32, #tpu.memory_space<vmem>>
      %dma_wait3A_762 = arith.constant 0 : i32
      %dma_wait3A_763 = tpu.memref_slice %arg3[%dma_wait3A_762] : memref<320000xi32, #tpu.memory_space<hbm>> -> memref<80xi32, #tpu.memory_space<hbm>>
      %dma_wait3A_764 = arith.constant 0 : i32
      %dma_wait3A_765 = tpu.memref_slice %arg9[%scan3A_420, %dma_wait3A_764] : memref<2x80xi32, #tpu.memory_space<vmem>> -> memref<1x80xi32, #tpu.memory_space<vmem>>
      %dma_wait3A_766 = tpu.memref_squeeze %dma_wait3A_765 : memref<1x80xi32, #tpu.memory_space<vmem>> -> memref<80xi32, #tpu.memory_space<vmem>>
      %dma_wait3A_767 = arith.constant 0 : i32
      %dma_wait3A_768 = tpu.memref_slice %arg3[%dma_wait3A_767] : memref<320000xi32, #tpu.memory_space<hbm>> -> memref<80xi32, #tpu.memory_space<hbm>>
      tpu.wait_dma2 semaphore(%arg18 : memref<!tpu.dma_semaphore, #tpu.memory_space<semaphore_mem>>) src(%dma_wait3A_768 : memref<80xi32, #tpu.memory_space<hbm>>) dst(%dma_wait3A_766 : memref<80xi32, #tpu.memory_space<vmem>>)
      %dma_wait3A_769 = arith.constant 0 : i32
      %dma_wait3A_770 = tpu.memref_slice %arg9[%scan3A_421, %dma_wait3A_769] : memref<2x80xi32, #tpu.memory_space<vmem>> -> memref<1x80xi32, #tpu.memory_space<vmem>>
      %dma_wait3A_771 = tpu.memref_squeeze %dma_wait3A_770 : memref<1x80xi32, #tpu.memory_space<vmem>> -> memref<80xi32, #tpu.memory_space<vmem>>
      %dma_wait3A_772 = arith.constant 0 : i32
      %dma_wait3A_773 = tpu.memref_slice %arg4[%dma_wait3A_772] : memref<320000xi32, #tpu.memory_space<hbm>> -> memref<80xi32, #tpu.memory_space<hbm>>
      %dma_wait3A_774 = arith.constant 0 : i32
      %dma_wait3A_775 = tpu.memref_slice %arg9[%scan3A_421, %dma_wait3A_774] : memref<2x80xi32, #tpu.memory_space<vmem>> -> memref<1x80xi32, #tpu.memory_space<vmem>>
      %dma_wait3A_776 = tpu.memref_squeeze %dma_wait3A_775 : memref<1x80xi32, #tpu.memory_space<vmem>> -> memref<80xi32, #tpu.memory_space<vmem>>
      %dma_wait3A_777 = arith.constant 0 : i32
      %dma_wait3A_778 = tpu.memref_slice %arg4[%dma_wait3A_777] : memref<320000xi32, #tpu.memory_space<hbm>> -> memref<80xi32, #tpu.memory_space<hbm>>
      tpu.wait_dma2 semaphore(%arg18 : memref<!tpu.dma_semaphore, #tpu.memory_space<semaphore_mem>>) src(%dma_wait3A_778 : memref<80xi32, #tpu.memory_space<hbm>>) dst(%dma_wait3A_776 : memref<80xi32, #tpu.memory_space<vmem>>)
      %add3A_779 = arith.constant 1 : i32
      %add3A_780 = arith.addi %add3A_758, %add3A_779 : i32
      %dma_start3A_781 = arith.constant 0 : i32
      %dma_start3A_782 = tpu.memref_slice %arg9[%scan3A_420, %dma_start3A_781] : memref<2x80xi32, #tpu.memory_space<vmem>> -> memref<1x80xi32, #tpu.memory_space<vmem>>
      %dma_start3A_783 = tpu.memref_squeeze %dma_start3A_782 : memref<1x80xi32, #tpu.memory_space<vmem>> -> memref<80xi32, #tpu.memory_space<vmem>>
      %dma_start3A_784 = arith.constant 0 : i32
      %dma_start3A_785 = arith.constant 0 : i32
      %dma_start3A_786 = tpu.memref_slice %arg2[%dma_start3A_784, %dma_start3A_785] : memref<10000x128xf32, #tpu.memory_space<hbm>> -> memref<10000x128xf32, #tpu.memory_space<hbm>>
      tpu.enqueue_indirect_dma source(%dma_start3A_786 : memref<10000x128xf32, #tpu.memory_space<hbm>>) target(%arg13 : memref<80x128xf32, #tpu.memory_space<vmem>>) offsets(%dma_start3A_783 : memref<80xi32, #tpu.memory_space<vmem>>) semaphore(%arg22 : memref<!tpu.dma_semaphore, #tpu.memory_space<semaphore_mem>>)
      %dma_wait3A_787 = arith.constant 0 : i32
      %dma_wait3A_788 = tpu.memref_slice %arg8[%scan3A_423, %dma_wait3A_787] : memref<2x80xi32, #tpu.memory_space<vmem>> -> memref<1x80xi32, #tpu.memory_space<vmem>>
      %dma_wait3A_789 = tpu.memref_squeeze %dma_wait3A_788 : memref<1x80xi32, #tpu.memory_space<vmem>> -> memref<80xi32, #tpu.memory_space<vmem>>
      %dma_wait3A_790 = arith.constant 0 : i32
      %dma_wait3A_791 = arith.constant 0 : i32
      %dma_wait3A_792 = tpu.memref_slice %arg2[%dma_wait3A_790, %dma_wait3A_791] : memref<10000x128xf32, #tpu.memory_space<hbm>> -> memref<10000x128xf32, #tpu.memory_space<hbm>>
      tpu.wait_indirect_dma semaphore(%arg21 : memref<!tpu.dma_semaphore, #tpu.memory_space<semaphore_mem>>) src(%dma_wait3A_792 : memref<10000x128xf32, #tpu.memory_space<hbm>>) dst(%arg12 : memref<80x128xf32, #tpu.memory_space<vmem>>)
      %dma_start3A_793 = arith.constant 0 : i32
      %dma_start3A_794 = tpu.memref_slice %arg8[%scan3A_422, %dma_start3A_793] : memref<2x80xi32, #tpu.memory_space<vmem>> -> memref<1x80xi32, #tpu.memory_space<vmem>>
      %dma_start3A_795 = tpu.memref_squeeze %dma_start3A_794 : memref<1x80xi32, #tpu.memory_space<vmem>> -> memref<80xi32, #tpu.memory_space<vmem>>
      %dma_start3A_796 = arith.constant 0 : i32
      %dma_start3A_797 = arith.constant 0 : i32
      %dma_start3A_798 = tpu.memref_slice %arg14[%dma_start3A_796, %dma_start3A_797] : memref<10000x128xf32, #tpu.memory_space<vmem_shared>> -> memref<10000x128xf32, #tpu.memory_space<vmem_shared>>
      tpu.enqueue_indirect_dma source(%arg12 : memref<80x128xf32, #tpu.memory_space<vmem>>) target(%dma_start3A_798 : memref<10000x128xf32, #tpu.memory_space<vmem_shared>>) offsets(%dma_start3A_795 : memref<80xi32, #tpu.memory_space<vmem>>) semaphore(%arg25 : memref<!tpu.dma_semaphore, #tpu.memory_space<semaphore_mem>>) {add = true}
      %dma_wait3A_799 = arith.constant 0 : i32
      %dma_wait3A_800 = tpu.memref_slice %arg7[%scan3A_425, %dma_wait3A_799] : memref<2x80xi32, #tpu.memory_space<vmem>> -> memref<1x80xi32, #tpu.memory_space<vmem>>
      %dma_wait3A_801 = tpu.memref_squeeze %dma_wait3A_800 : memref<1x80xi32, #tpu.memory_space<vmem>> -> memref<80xi32, #tpu.memory_space<vmem>>
      %dma_wait3A_802 = arith.constant 0 : i32
      %dma_wait3A_803 = arith.constant 0 : i32
      %dma_wait3A_804 = tpu.memref_slice %arg14[%dma_wait3A_802, %dma_wait3A_803] : memref<10000x128xf32, #tpu.memory_space<vmem_shared>> -> memref<10000x128xf32, #tpu.memory_space<vmem_shared>>
      tpu.wait_indirect_dma semaphore(%arg24 : memref<!tpu.dma_semaphore, #tpu.memory_space<semaphore_mem>>) src(%arg11 : memref<80x128xf32, #tpu.memory_space<vmem>>) dst(%dma_wait3A_804 : memref<10000x128xf32, #tpu.memory_space<vmem_shared>>)
      %add3A_805 = arith.constant 3 : i32
      %add3A_806 = arith.addi %add3A_758, %add3A_805 : i32
      %min3A_807 = arith.constant 124 : i32
      %min3A_808 = arith.minsi %add3A_806, %min3A_807 : i32
      %mul3A_809 = arith.constant 80 : i32
      %mul3A_810 = arith.muli %min3A_808, %mul3A_809 : i32
      %add3A_811 = arith.addi %mul3A_2, %mul3A_810 : i32
      %multiple_of3A_812 = tpu.assume_multiple %add3A_811, 8 : i32
      %dma_start3A_813 = arith.constant 0 : i32
      %dma_start3A_814 = tpu.memref_slice %arg7[%scan3A_424, %dma_start3A_813] : memref<2x80xi32, #tpu.memory_space<vmem>> -> memref<1x80xi32, #tpu.memory_space<vmem>>
      %dma_start3A_815 = tpu.memref_squeeze %dma_start3A_814 : memref<1x80xi32, #tpu.memory_space<vmem>> -> memref<80xi32, #tpu.memory_space<vmem>>
      %dma_start3A_816 = tpu.memref_slice %arg3[%multiple_of3A_812] : memref<320000xi32, #tpu.memory_space<hbm>> -> memref<80xi32, #tpu.memory_space<hbm>>
      %dma_start3A_817 = arith.constant 0 : i32
      %dma_start3A_818 = tpu.memref_slice %arg7[%scan3A_424, %dma_start3A_817] : memref<2x80xi32, #tpu.memory_space<vmem>> -> memref<1x80xi32, #tpu.memory_space<vmem>>
      %dma_start3A_819 = tpu.memref_squeeze %dma_start3A_818 : memref<1x80xi32, #tpu.memory_space<vmem>> -> memref<80xi32, #tpu.memory_space<vmem>>
      %dma_start3A_820 = tpu.memref_slice %arg3[%multiple_of3A_812] : memref<320000xi32, #tpu.memory_space<hbm>> -> memref<80xi32, #tpu.memory_space<hbm>>
      tpu.enqueue_dma source(%dma_start3A_820 : memref<80xi32, #tpu.memory_space<hbm>>) target(%dma_start3A_819 : memref<80xi32, #tpu.memory_space<vmem>>) target_semaphore(%arg16 : memref<!tpu.dma_semaphore, #tpu.memory_space<semaphore_mem>>)
      %dma_start3A_821 = arith.constant 0 : i32
      %dma_start3A_822 = tpu.memref_slice %arg7[%scan3A_425, %dma_start3A_821] : memref<2x80xi32, #tpu.memory_space<vmem>> -> memref<1x80xi32, #tpu.memory_space<vmem>>
      %dma_start3A_823 = tpu.memref_squeeze %dma_start3A_822 : memref<1x80xi32, #tpu.memory_space<vmem>> -> memref<80xi32, #tpu.memory_space<vmem>>
      %dma_start3A_824 = tpu.memref_slice %arg4[%multiple_of3A_812] : memref<320000xi32, #tpu.memory_space<hbm>> -> memref<80xi32, #tpu.memory_space<hbm>>
      %dma_start3A_825 = arith.constant 0 : i32
      %dma_start3A_826 = tpu.memref_slice %arg7[%scan3A_425, %dma_start3A_825] : memref<2x80xi32, #tpu.memory_space<vmem>> -> memref<1x80xi32, #tpu.memory_space<vmem>>
      %dma_start3A_827 = tpu.memref_squeeze %dma_start3A_826 : memref<1x80xi32, #tpu.memory_space<vmem>> -> memref<80xi32, #tpu.memory_space<vmem>>
      %dma_start3A_828 = tpu.memref_slice %arg4[%multiple_of3A_812] : memref<320000xi32, #tpu.memory_space<hbm>> -> memref<80xi32, #tpu.memory_space<hbm>>
      tpu.enqueue_dma source(%dma_start3A_828 : memref<80xi32, #tpu.memory_space<hbm>>) target(%dma_start3A_827 : memref<80xi32, #tpu.memory_space<vmem>>) target_semaphore(%arg16 : memref<!tpu.dma_semaphore, #tpu.memory_space<semaphore_mem>>)
    }
    %scan3A_430 = arith.constant 30 : i32
    %dma_wait3A_431 = arith.constant 0 : i32
    %dma_wait3A_432 = arith.constant 0 : i32
    %dma_wait3A_433 = tpu.memref_slice %arg6[%dma_wait3A_431, %dma_wait3A_432] : memref<2x80xi32, #tpu.memory_space<vmem>> -> memref<1x80xi32, #tpu.memory_space<vmem>>
    %dma_wait3A_434 = tpu.memref_squeeze %dma_wait3A_433 : memref<1x80xi32, #tpu.memory_space<vmem>> -> memref<80xi32, #tpu.memory_space<vmem>>
    %dma_wait3A_435 = arith.constant 0 : i32
    %dma_wait3A_436 = tpu.memref_slice %arg3[%dma_wait3A_435] : memref<320000xi32, #tpu.memory_space<hbm>> -> memref<80xi32, #tpu.memory_space<hbm>>
    %dma_wait3A_437 = arith.constant 0 : i32
    %dma_wait3A_438 = tpu.memref_slice %arg6[%dma_wait3A_431, %dma_wait3A_437] : memref<2x80xi32, #tpu.memory_space<vmem>> -> memref<1x80xi32, #tpu.memory_space<vmem>>
    %dma_wait3A_439 = tpu.memref_squeeze %dma_wait3A_438 : memref<1x80xi32, #tpu.memory_space<vmem>> -> memref<80xi32, #tpu.memory_space<vmem>>
    %dma_wait3A_440 = arith.constant 0 : i32
    %dma_wait3A_441 = tpu.memref_slice %arg3[%dma_wait3A_440] : memref<320000xi32, #tpu.memory_space<hbm>> -> memref<80xi32, #tpu.memory_space<hbm>>
    tpu.wait_dma2 semaphore(%arg15 : memref<!tpu.dma_semaphore, #tpu.memory_space<semaphore_mem>>) src(%dma_wait3A_441 : memref<80xi32, #tpu.memory_space<hbm>>) dst(%dma_wait3A_439 : memref<80xi32, #tpu.memory_space<vmem>>)
    %dma_wait3A_442 = arith.constant 1 : i32
    %dma_wait3A_443 = arith.constant 0 : i32
    %dma_wait3A_444 = tpu.memref_slice %arg6[%dma_wait3A_442, %dma_wait3A_443] : memref<2x80xi32, #tpu.memory_space<vmem>> -> memref<1x80xi32, #tpu.memory_space<vmem>>
    %dma_wait3A_445 = tpu.memref_squeeze %dma_wait3A_444 : memref<1x80xi32, #tpu.memory_space<vmem>> -> memref<80xi32, #tpu.memory_space<vmem>>
    %dma_wait3A_446 = arith.constant 0 : i32
    %dma_wait3A_447 = tpu.memref_slice %arg4[%dma_wait3A_446] : memref<320000xi32, #tpu.memory_space<hbm>> -> memref<80xi32, #tpu.memory_space<hbm>>
    %dma_wait3A_448 = arith.constant 0 : i32
    %dma_wait3A_449 = tpu.memref_slice %arg6[%dma_wait3A_442, %dma_wait3A_448] : memref<2x80xi32, #tpu.memory_space<vmem>> -> memref<1x80xi32, #tpu.memory_space<vmem>>
    %dma_wait3A_450 = tpu.memref_squeeze %dma_wait3A_449 : memref<1x80xi32, #tpu.memory_space<vmem>> -> memref<80xi32, #tpu.memory_space<vmem>>
    %dma_wait3A_451 = arith.constant 0 : i32
    %dma_wait3A_452 = tpu.memref_slice %arg4[%dma_wait3A_451] : memref<320000xi32, #tpu.memory_space<hbm>> -> memref<80xi32, #tpu.memory_space<hbm>>
    tpu.wait_dma2 semaphore(%arg15 : memref<!tpu.dma_semaphore, #tpu.memory_space<semaphore_mem>>) src(%dma_wait3A_452 : memref<80xi32, #tpu.memory_space<hbm>>) dst(%dma_wait3A_450 : memref<80xi32, #tpu.memory_space<vmem>>)
    %dma_start3A_453 = arith.constant 0 : i32
    %dma_start3A_454 = arith.constant 0 : i32
    %dma_start3A_455 = tpu.memref_slice %arg6[%dma_start3A_453, %dma_start3A_454] : memref<2x80xi32, #tpu.memory_space<vmem>> -> memref<1x80xi32, #tpu.memory_space<vmem>>
    %dma_start3A_456 = tpu.memref_squeeze %dma_start3A_455 : memref<1x80xi32, #tpu.memory_space<vmem>> -> memref<80xi32, #tpu.memory_space<vmem>>
    %dma_start3A_457 = arith.constant 0 : i32
    %dma_start3A_458 = arith.constant 0 : i32
    %dma_start3A_459 = tpu.memref_slice %arg2[%dma_start3A_457, %dma_start3A_458] : memref<10000x128xf32, #tpu.memory_space<hbm>> -> memref<10000x128xf32, #tpu.memory_space<hbm>>
    tpu.enqueue_indirect_dma source(%dma_start3A_459 : memref<10000x128xf32, #tpu.memory_space<hbm>>) target(%arg10 : memref<80x128xf32, #tpu.memory_space<vmem>>) offsets(%dma_start3A_456 : memref<80xi32, #tpu.memory_space<vmem>>) semaphore(%arg19 : memref<!tpu.dma_semaphore, #tpu.memory_space<semaphore_mem>>)
    %dma_wait3A_460 = arith.constant 0 : i32
    %dma_wait3A_461 = arith.constant 0 : i32
    %dma_wait3A_462 = tpu.memref_slice %arg9[%dma_wait3A_460, %dma_wait3A_461] : memref<2x80xi32, #tpu.memory_space<vmem>> -> memref<1x80xi32, #tpu.memory_space<vmem>>
    %dma_wait3A_463 = tpu.memref_squeeze %dma_wait3A_462 : memref<1x80xi32, #tpu.memory_space<vmem>> -> memref<80xi32, #tpu.memory_space<vmem>>
    %dma_wait3A_464 = arith.constant 0 : i32
    %dma_wait3A_465 = arith.constant 0 : i32
    %dma_wait3A_466 = tpu.memref_slice %arg2[%dma_wait3A_464, %dma_wait3A_465] : memref<10000x128xf32, #tpu.memory_space<hbm>> -> memref<10000x128xf32, #tpu.memory_space<hbm>>
    tpu.wait_indirect_dma semaphore(%arg22 : memref<!tpu.dma_semaphore, #tpu.memory_space<semaphore_mem>>) src(%dma_wait3A_466 : memref<10000x128xf32, #tpu.memory_space<hbm>>) dst(%arg13 : memref<80x128xf32, #tpu.memory_space<vmem>>)
    %dma_start3A_467 = arith.constant 1 : i32
    %dma_start3A_468 = arith.constant 0 : i32
    %dma_start3A_469 = tpu.memref_slice %arg9[%dma_start3A_467, %dma_start3A_468] : memref<2x80xi32, #tpu.memory_space<vmem>> -> memref<1x80xi32, #tpu.memory_space<vmem>>
    %dma_start3A_470 = tpu.memref_squeeze %dma_start3A_469 : memref<1x80xi32, #tpu.memory_space<vmem>> -> memref<80xi32, #tpu.memory_space<vmem>>
    %dma_start3A_471 = arith.constant 0 : i32
    %dma_start3A_472 = arith.constant 0 : i32
    %dma_start3A_473 = tpu.memref_slice %arg14[%dma_start3A_471, %dma_start3A_472] : memref<10000x128xf32, #tpu.memory_space<vmem_shared>> -> memref<10000x128xf32, #tpu.memory_space<vmem_shared>>
    tpu.enqueue_indirect_dma source(%arg13 : memref<80x128xf32, #tpu.memory_space<vmem>>) target(%dma_start3A_473 : memref<10000x128xf32, #tpu.memory_space<vmem_shared>>) offsets(%dma_start3A_470 : memref<80xi32, #tpu.memory_space<vmem>>) semaphore(%arg26 : memref<!tpu.dma_semaphore, #tpu.memory_space<semaphore_mem>>) {add = true}
    %dma_wait3A_474 = arith.constant 1 : i32
    %dma_wait3A_475 = arith.constant 0 : i32
    %dma_wait3A_476 = tpu.memref_slice %arg8[%dma_wait3A_474, %dma_wait3A_475] : memref<2x80xi32, #tpu.memory_space<vmem>> -> memref<1x80xi32, #tpu.memory_space<vmem>>
    %dma_wait3A_477 = tpu.memref_squeeze %dma_wait3A_476 : memref<1x80xi32, #tpu.memory_space<vmem>> -> memref<80xi32, #tpu.memory_space<vmem>>
    %dma_wait3A_478 = arith.constant 0 : i32
    %dma_wait3A_479 = arith.constant 0 : i32
    %dma_wait3A_480 = tpu.memref_slice %arg14[%dma_wait3A_478, %dma_wait3A_479] : memref<10000x128xf32, #tpu.memory_space<vmem_shared>> -> memref<10000x128xf32, #tpu.memory_space<vmem_shared>>
    tpu.wait_indirect_dma semaphore(%arg25 : memref<!tpu.dma_semaphore, #tpu.memory_space<semaphore_mem>>) src(%arg12 : memref<80x128xf32, #tpu.memory_space<vmem>>) dst(%dma_wait3A_480 : memref<10000x128xf32, #tpu.memory_space<vmem_shared>>)
    %dma_wait3A_481 = arith.constant 0 : i32
    %dma_wait3A_482 = arith.constant 0 : i32
    %dma_wait3A_483 = tpu.memref_slice %arg6[%dma_wait3A_481, %dma_wait3A_482] : memref<2x80xi32, #tpu.memory_space<vmem>> -> memref<1x80xi32, #tpu.memory_space<vmem>>
    %dma_wait3A_484 = tpu.memref_squeeze %dma_wait3A_483 : memref<1x80xi32, #tpu.memory_space<vmem>> -> memref<80xi32, #tpu.memory_space<vmem>>
    %dma_wait3A_485 = arith.constant 0 : i32
    %dma_wait3A_486 = arith.constant 0 : i32
    %dma_wait3A_487 = tpu.memref_slice %arg2[%dma_wait3A_485, %dma_wait3A_486] : memref<10000x128xf32, #tpu.memory_space<hbm>> -> memref<10000x128xf32, #tpu.memory_space<hbm>>
    tpu.wait_indirect_dma semaphore(%arg19 : memref<!tpu.dma_semaphore, #tpu.memory_space<semaphore_mem>>) src(%dma_wait3A_487 : memref<10000x128xf32, #tpu.memory_space<hbm>>) dst(%arg10 : memref<80x128xf32, #tpu.memory_space<vmem>>)
    %dma_start3A_488 = arith.constant 1 : i32
    %dma_start3A_489 = arith.constant 0 : i32
    %dma_start3A_490 = tpu.memref_slice %arg6[%dma_start3A_488, %dma_start3A_489] : memref<2x80xi32, #tpu.memory_space<vmem>> -> memref<1x80xi32, #tpu.memory_space<vmem>>
    %dma_start3A_491 = tpu.memref_squeeze %dma_start3A_490 : memref<1x80xi32, #tpu.memory_space<vmem>> -> memref<80xi32, #tpu.memory_space<vmem>>
    %dma_start3A_492 = arith.constant 0 : i32
    %dma_start3A_493 = arith.constant 0 : i32
    %dma_start3A_494 = tpu.memref_slice %arg14[%dma_start3A_492, %dma_start3A_493] : memref<10000x128xf32, #tpu.memory_space<vmem_shared>> -> memref<10000x128xf32, #tpu.memory_space<vmem_shared>>
    tpu.enqueue_indirect_dma source(%arg10 : memref<80x128xf32, #tpu.memory_space<vmem>>) target(%dma_start3A_494 : memref<10000x128xf32, #tpu.memory_space<vmem_shared>>) offsets(%dma_start3A_491 : memref<80xi32, #tpu.memory_space<vmem>>) semaphore(%arg23 : memref<!tpu.dma_semaphore, #tpu.memory_space<semaphore_mem>>) {add = true}
    %dma_wait3A_495 = arith.constant 1 : i32
    %dma_wait3A_496 = arith.constant 0 : i32
    %dma_wait3A_497 = tpu.memref_slice %arg9[%dma_wait3A_495, %dma_wait3A_496] : memref<2x80xi32, #tpu.memory_space<vmem>> -> memref<1x80xi32, #tpu.memory_space<vmem>>
    %dma_wait3A_498 = tpu.memref_squeeze %dma_wait3A_497 : memref<1x80xi32, #tpu.memory_space<vmem>> -> memref<80xi32, #tpu.memory_space<vmem>>
    %dma_wait3A_499 = arith.constant 0 : i32
    %dma_wait3A_500 = arith.constant 0 : i32
    %dma_wait3A_501 = tpu.memref_slice %arg14[%dma_wait3A_499, %dma_wait3A_500] : memref<10000x128xf32, #tpu.memory_space<vmem_shared>> -> memref<10000x128xf32, #tpu.memory_space<vmem_shared>>
    tpu.wait_indirect_dma semaphore(%arg26 : memref<!tpu.dma_semaphore, #tpu.memory_space<semaphore_mem>>) src(%arg13 : memref<80x128xf32, #tpu.memory_space<vmem>>) dst(%dma_wait3A_501 : memref<10000x128xf32, #tpu.memory_space<vmem_shared>>)
    %dma_wait3A_502 = arith.constant 1 : i32
    %dma_wait3A_503 = arith.constant 0 : i32
    %dma_wait3A_504 = tpu.memref_slice %arg6[%dma_wait3A_502, %dma_wait3A_503] : memref<2x80xi32, #tpu.memory_space<vmem>> -> memref<1x80xi32, #tpu.memory_space<vmem>>
    %dma_wait3A_505 = tpu.memref_squeeze %dma_wait3A_504 : memref<1x80xi32, #tpu.memory_space<vmem>> -> memref<80xi32, #tpu.memory_space<vmem>>
    %dma_wait3A_506 = arith.constant 0 : i32
    %dma_wait3A_507 = arith.constant 0 : i32
    %dma_wait3A_508 = tpu.memref_slice %arg14[%dma_wait3A_506, %dma_wait3A_507] : memref<10000x128xf32, #tpu.memory_space<vmem_shared>> -> memref<10000x128xf32, #tpu.memory_space<vmem_shared>>
    tpu.wait_indirect_dma semaphore(%arg23 : memref<!tpu.dma_semaphore, #tpu.memory_space<semaphore_mem>>) src(%arg10 : memref<80x128xf32, #tpu.memory_space<vmem>>) dst(%dma_wait3A_508 : memref<10000x128xf32, #tpu.memory_space<vmem_shared>>)
    %dma_wait3A_509 = arith.constant 0 : i32
    %dma_wait3A_510 = arith.constant 0 : i32
    %dma_wait3A_511 = tpu.memref_slice %arg7[%dma_wait3A_509, %dma_wait3A_510] : memref<2x80xi32, #tpu.memory_space<vmem>> -> memref<1x80xi32, #tpu.memory_space<vmem>>
    %dma_wait3A_512 = tpu.memref_squeeze %dma_wait3A_511 : memref<1x80xi32, #tpu.memory_space<vmem>> -> memref<80xi32, #tpu.memory_space<vmem>>
    %dma_wait3A_513 = arith.constant 0 : i32
    %dma_wait3A_514 = tpu.memref_slice %arg3[%dma_wait3A_513] : memref<320000xi32, #tpu.memory_space<hbm>> -> memref<80xi32, #tpu.memory_space<hbm>>
    %dma_wait3A_515 = arith.constant 0 : i32
    %dma_wait3A_516 = tpu.memref_slice %arg7[%dma_wait3A_509, %dma_wait3A_515] : memref<2x80xi32, #tpu.memory_space<vmem>> -> memref<1x80xi32, #tpu.memory_space<vmem>>
    %dma_wait3A_517 = tpu.memref_squeeze %dma_wait3A_516 : memref<1x80xi32, #tpu.memory_space<vmem>> -> memref<80xi32, #tpu.memory_space<vmem>>
    %dma_wait3A_518 = arith.constant 0 : i32
    %dma_wait3A_519 = tpu.memref_slice %arg3[%dma_wait3A_518] : memref<320000xi32, #tpu.memory_space<hbm>> -> memref<80xi32, #tpu.memory_space<hbm>>
    tpu.wait_dma2 semaphore(%arg16 : memref<!tpu.dma_semaphore, #tpu.memory_space<semaphore_mem>>) src(%dma_wait3A_519 : memref<80xi32, #tpu.memory_space<hbm>>) dst(%dma_wait3A_517 : memref<80xi32, #tpu.memory_space<vmem>>)
    %dma_wait3A_520 = arith.constant 1 : i32
    %dma_wait3A_521 = arith.constant 0 : i32
    %dma_wait3A_522 = tpu.memref_slice %arg7[%dma_wait3A_520, %dma_wait3A_521] : memref<2x80xi32, #tpu.memory_space<vmem>> -> memref<1x80xi32, #tpu.memory_space<vmem>>
    %dma_wait3A_523 = tpu.memref_squeeze %dma_wait3A_522 : memref<1x80xi32, #tpu.memory_space<vmem>> -> memref<80xi32, #tpu.memory_space<vmem>>
    %dma_wait3A_524 = arith.constant 0 : i32
    %dma_wait3A_525 = tpu.memref_slice %arg4[%dma_wait3A_524] : memref<320000xi32, #tpu.memory_space<hbm>> -> memref<80xi32, #tpu.memory_space<hbm>>
    %dma_wait3A_526 = arith.constant 0 : i32
    %dma_wait3A_527 = tpu.memref_slice %arg7[%dma_wait3A_520, %dma_wait3A_526] : memref<2x80xi32, #tpu.memory_space<vmem>> -> memref<1x80xi32, #tpu.memory_space<vmem>>
    %dma_wait3A_528 = tpu.memref_squeeze %dma_wait3A_527 : memref<1x80xi32, #tpu.memory_space<vmem>> -> memref<80xi32, #tpu.memory_space<vmem>>
    %dma_wait3A_529 = arith.constant 0 : i32
    %dma_wait3A_530 = tpu.memref_slice %arg4[%dma_wait3A_529] : memref<320000xi32, #tpu.memory_space<hbm>> -> memref<80xi32, #tpu.memory_space<hbm>>
    tpu.wait_dma2 semaphore(%arg16 : memref<!tpu.dma_semaphore, #tpu.memory_space<semaphore_mem>>) src(%dma_wait3A_530 : memref<80xi32, #tpu.memory_space<hbm>>) dst(%dma_wait3A_528 : memref<80xi32, #tpu.memory_space<vmem>>)
    %barrier3A_531 = arith.constant 0 : index
    tpu.barrier barrier_id(%barrier3A_531)
    "tpu.region"() ({
      %run_scoped3A = tpu.sem_alloc : memref<!tpu.dma_semaphore, #tpu.memory_space<semaphore_mem>>
      %dma_start3A_537 = arith.constant 0 : i32
      %dma_start3A_538 = tpu.memref_slice %arg5[%arg0, %multiple_of3A_72, %dma_start3A_537] : memref<2x10000x128xf32, #tpu.memory_space<hbm>> -> memref<1x624x128xf32, #tpu.memory_space<hbm>>
      %dma_start3A_539 = tpu.memref_squeeze %dma_start3A_538 : memref<1x624x128xf32, #tpu.memory_space<hbm>> -> memref<624x128xf32, #tpu.memory_space<hbm>>
      %dma_start3A_540 = arith.constant 0 : i32
      %dma_start3A_541 = tpu.memref_slice %arg14[%multiple_of3A_72, %dma_start3A_540] : memref<10000x128xf32, #tpu.memory_space<vmem_shared>> -> memref<624x128xf32, #tpu.memory_space<vmem_shared>>
      tpu.enqueue_dma source(%dma_start3A_541 : memref<624x128xf32, #tpu.memory_space<vmem_shared>>) target(%dma_start3A_539 : memref<624x128xf32, #tpu.memory_space<hbm>>) target_semaphore(%run_scoped3A : memref<!tpu.dma_semaphore, #tpu.memory_space<semaphore_mem>>)
      %dma_wait3A_542 = arith.constant 0 : i32
      %dma_wait3A_543 = tpu.memref_slice %arg5[%arg0, %multiple_of3A_72, %dma_wait3A_542] : memref<2x10000x128xf32, #tpu.memory_space<hbm>> -> memref<1x624x128xf32, #tpu.memory_space<hbm>>
      %dma_wait3A_544 = tpu.memref_squeeze %dma_wait3A_543 : memref<1x624x128xf32, #tpu.memory_space<hbm>> -> memref<624x128xf32, #tpu.memory_space<hbm>>
      %dma_wait3A_545 = arith.constant 0 : i32
      %dma_wait3A_546 = tpu.memref_slice %arg14[%multiple_of3A_72, %dma_wait3A_545] : memref<10000x128xf32, #tpu.memory_space<vmem_shared>> -> memref<624x128xf32, #tpu.memory_space<vmem_shared>>
      tpu.wait_dma2 semaphore(%run_scoped3A : memref<!tpu.dma_semaphore, #tpu.memory_space<semaphore_mem>>) src(%dma_wait3A_546 : memref<624x128xf32, #tpu.memory_space<vmem_shared>>) dst(%dma_wait3A_544 : memref<624x128xf32, #tpu.memory_space<hbm>>)
      tpu.yield
    }) : () -> ()
    %eq3A_532 = arith.constant 0 : i32
    %eq3A_533 = arith.cmpi eq, %arg1, %eq3A_532 : i32
    %convert_element_type3A_534 = arith.extui %eq3A_533 : i1 to i32
    %cond3A_535 = arith.constant 0 : i32
    %cond3A_536 = arith.cmpi ne, %convert_element_type3A_534, %cond3A_535 : i32
    scf.if %cond3A_536 {
      "tpu.region"() ({
        %run_scoped3A = tpu.sem_alloc : memref<!tpu.dma_semaphore, #tpu.memory_space<semaphore_mem>>
        %dma_start3A_537 = arith.constant 9984 : i32
        %dma_start3A_538 = arith.constant 0 : i32
        %dma_start3A_539 = tpu.memref_slice %arg5[%arg0, %dma_start3A_537, %dma_start3A_538] : memref<2x10000x128xf32, #tpu.memory_space<hbm>> -> memref<1x16x128xf32, #tpu.memory_space<hbm>>
        %dma_start3A_540 = tpu.memref_squeeze %dma_start3A_539 : memref<1x16x128xf32, #tpu.memory_space<hbm>> -> memref<16x128xf32, #tpu.memory_space<hbm>>
        %dma_start3A_541 = arith.constant 9984 : i32
        %dma_start3A_542 = arith.constant 0 : i32
        %dma_start3A_543 = tpu.memref_slice %arg14[%dma_start3A_541, %dma_start3A_542] : memref<10000x128xf32, #tpu.memory_space<vmem_shared>> -> memref<16x128xf32, #tpu.memory_space<vmem_shared>>
        tpu.enqueue_dma source(%dma_start3A_543 : memref<16x128xf32, #tpu.memory_space<vmem_shared>>) target(%dma_start3A_540 : memref<16x128xf32, #tpu.memory_space<hbm>>) target_semaphore(%run_scoped3A : memref<!tpu.dma_semaphore, #tpu.memory_space<semaphore_mem>>)
        %dma_wait3A_544 = arith.constant 9984 : i32
        %dma_wait3A_545 = arith.constant 0 : i32
        %dma_wait3A_546 = tpu.memref_slice %arg5[%arg0, %dma_wait3A_544, %dma_wait3A_545] : memref<2x10000x128xf32, #tpu.memory_space<hbm>> -> memref<1x16x128xf32, #tpu.memory_space<hbm>>
        %dma_wait3A_547 = tpu.memref_squeeze %dma_wait3A_546 : memref<1x16x128xf32, #tpu.memory_space<hbm>> -> memref<16x128xf32, #tpu.memory_space<hbm>>
        %dma_wait3A_548 = arith.constant 9984 : i32
        %dma_wait3A_549 = arith.constant 0 : i32
        %dma_wait3A_550 = tpu.memref_slice %arg14[%dma_wait3A_548, %dma_wait3A_549] : memref<10000x128xf32, #tpu.memory_space<vmem_shared>> -> memref<16x128xf32, #tpu.memory_space<vmem_shared>>
        tpu.wait_dma2 semaphore(%run_scoped3A : memref<!tpu.dma_semaphore, #tpu.memory_space<semaphore_mem>>) src(%dma_wait3A_550 : memref<16x128xf32, #tpu.memory_space<vmem_shared>>) dst(%dma_wait3A_547 : memref<16x128xf32, #tpu.memory_space<hbm>>)
        tpu.yield
      }) : () -> ()
    } else {
    }
    return
  }
}

#map = affine_map<(d0, d1) -> (0, 0)>
#map1 = affine_map<(d0, d1) -> (0)>
#map2 = affine_map<(d0, d1) -> (0, 0, 0)>
module attributes {stable_mosaic.version = 14 : i64} {
  func.func @_sc_scatter_body(%arg0: i32, %arg1: i32, %arg2: memref<10000x128xf32, #tpu.memory_space<hbm>>, %arg3: memref<320000xi32, #tpu.memory_space<hbm>>, %arg4: memref<320000xi32, #tpu.memory_space<hbm>>, %arg5: memref<2x10000x128xf32, #tpu.memory_space<hbm>>, %arg6: memref<2x80xi32, #tpu.memory_space<vmem>>, %arg7: memref<2x80xi32, #tpu.memory_space<vmem>>, %arg8: memref<2x80xi32, #tpu.memory_space<vmem>>, %arg9: memref<2x80xi32, #tpu.memory_space<vmem>>, %arg10: memref<80x128xf32, #tpu.memory_space<vmem>>, %arg11: memref<80x128xf32, #tpu.memory_space<vmem>>, %arg12: memref<80x128xf32, #tpu.memory_space<vmem>>, %arg13: memref<80x128xf32, #tpu.memory_space<vmem>>, %arg14: memref<10000x128xf32, #tpu.memory_space<vmem_shared>>, %arg15: memref<!tpu.dma_semaphore, #tpu.memory_space<semaphore_mem>>, %arg16: memref<!tpu.dma_semaphore, #tpu.memory_space<semaphore_mem>>, %arg17: memref<!tpu.dma_semaphore, #tpu.memory_space<semaphore_mem>>, %arg18: memref<!tpu.dma_semaphore, #tpu.memory_space<semaphore_mem>>, %arg19: memref<!tpu.dma_semaphore, #tpu.memory_space<semaphore_mem>>, %arg20: memref<!tpu.dma_semaphore, #tpu.memory_space<semaphore_mem>>, %arg21: memref<!tpu.dma_semaphore, #tpu.memory_space<semaphore_mem>>, %arg22: memref<!tpu.dma_semaphore, #tpu.memory_space<semaphore_mem>>, %arg23: memref<!tpu.dma_semaphore, #tpu.memory_space<semaphore_mem>>, %arg24: memref<!tpu.dma_semaphore, #tpu.memory_space<semaphore_mem>>, %arg25: memref<!tpu.dma_semaphore, #tpu.memory_space<semaphore_mem>>, %arg26: memref<!tpu.dma_semaphore, #tpu.memory_space<semaphore_mem>>) attributes {dimension_semantics = [#tpu.dimension_semantics<core_parallel>, #tpu.dimension_semantics<subcore_parallel>], iteration_bounds = array<i64: 2, 16>, scalar_prefetch = 0 : i64, scratch_operands = 21 : i64, tpu.core_type = #tpu.core_type<sc_vector_subcore>, window_params = [{transform_indices = #map}, {transform_indices = #map1}, {transform_indices = #map1}, {transform_indices = #map2}]} {
    %mul3A = arith.constant 2 : i32
    %mul3A_0 = arith.muli %arg1, %mul3A : i32
    %add3A = arith.addi %mul3A_0, %arg0 : i32
    %mul3A_1 = arith.constant 10000 : i32
    %mul3A_2 = arith.muli %add3A, %mul3A_1 : i32
    %add3A_3 = arith.constant 0 : i32
    %add3A_4 = arith.addi %mul3A_2, %add3A_3 : i32
    %multiple_of3A = tpu.assume_multiple %add3A_4, 8 : i32
    %dma_start3A = arith.constant 0 : i32
    %dma_start3A_5 = arith.constant 0 : i32
    %dma_start3A_6 = tpu.memref_slice %arg6[%dma_start3A, %dma_start3A_5] : memref<2x80xi32, #tpu.memory_space<vmem>> -> memref<1x80xi32, #tpu.memory_space<vmem>>
    %dma_start3A_7 = tpu.memref_squeeze %dma_start3A_6 : memref<1x80xi32, #tpu.memory_space<vmem>> -> memref<80xi32, #tpu.memory_space<vmem>>
    %dma_start3A_8 = tpu.memref_slice %arg3[%multiple_of3A] : memref<320000xi32, #tpu.memory_space<hbm>> -> memref<80xi32, #tpu.memory_space<hbm>>
    %dma_start3A_9 = arith.constant 0 : i32
    %dma_start3A_10 = tpu.memref_slice %arg6[%dma_start3A, %dma_start3A_9] : memref<2x80xi32, #tpu.memory_space<vmem>> -> memref<1x80xi32, #tpu.memory_space<vmem>>
    %dma_start3A_11 = tpu.memref_squeeze %dma_start3A_10 : memref<1x80xi32, #tpu.memory_space<vmem>> -> memref<80xi32, #tpu.memory_space<vmem>>
    %dma_start3A_12 = tpu.memref_slice %arg3[%multiple_of3A] : memref<320000xi32, #tpu.memory_space<hbm>> -> memref<80xi32, #tpu.memory_space<hbm>>
    tpu.enqueue_dma source(%dma_start3A_12 : memref<80xi32, #tpu.memory_space<hbm>>) target(%dma_start3A_11 : memref<80xi32, #tpu.memory_space<vmem>>) target_semaphore(%arg15 : memref<!tpu.dma_semaphore, #tpu.memory_space<semaphore_mem>>)
    %dma_start3A_13 = arith.constant 1 : i32
    %dma_start3A_14 = arith.constant 0 : i32
    %dma_start3A_15 = tpu.memref_slice %arg6[%dma_start3A_13, %dma_start3A_14] : memref<2x80xi32, #tpu.memory_space<vmem>> -> memref<1x80xi32, #tpu.memory_space<vmem>>
    %dma_start3A_16 = tpu.memref_squeeze %dma_start3A_15 : memref<1x80xi32, #tpu.memory_space<vmem>> -> memref<80xi32, #tpu.memory_space<vmem>>
    %dma_start3A_17 = tpu.memref_slice %arg4[%multiple_of3A] : memref<320000xi32, #tpu.memory_space<hbm>> -> memref<80xi32, #tpu.memory_space<hbm>>
    %dma_start3A_18 = arith.constant 0 : i32
    %dma_start3A_19 = tpu.memref_slice %arg6[%dma_start3A_13, %dma_start3A_18] : memref<2x80xi32, #tpu.memory_space<vmem>> -> memref<1x80xi32, #tpu.memory_space<vmem>>
    %dma_start3A_20 = tpu.memref_squeeze %dma_start3A_19 : memref<1x80xi32, #tpu.memory_space<vmem>> -> memref<80xi32, #tpu.memory_space<vmem>>
    %dma_start3A_21 = tpu.memref_slice %arg4[%multiple_of3A] : memref<320000xi32, #tpu.memory_space<hbm>> -> memref<80xi32, #tpu.memory_space<hbm>>
    tpu.enqueue_dma source(%dma_start3A_21 : memref<80xi32, #tpu.memory_space<hbm>>) target(%dma_start3A_20 : memref<80xi32, #tpu.memory_space<vmem>>) target_semaphore(%arg15 : memref<!tpu.dma_semaphore, #tpu.memory_space<semaphore_mem>>)
    %add3A_22 = arith.constant 80 : i32
    %add3A_23 = arith.addi %mul3A_2, %add3A_22 : i32
    %multiple_of3A_24 = tpu.assume_multiple %add3A_23, 8 : i32
    %dma_start3A_25 = arith.constant 0 : i32
    %dma_start3A_26 = arith.constant 0 : i32
    %dma_start3A_27 = tpu.memref_slice %arg7[%dma_start3A_25, %dma_start3A_26] : memref<2x80xi32, #tpu.memory_space<vmem>> -> memref<1x80xi32, #tpu.memory_space<vmem>>
    %dma_start3A_28 = tpu.memref_squeeze %dma_start3A_27 : memref<1x80xi32, #tpu.memory_space<vmem>> -> memref<80xi32, #tpu.memory_space<vmem>>
    %dma_start3A_29 = tpu.memref_slice %arg3[%multiple_of3A_24] : memref<320000xi32, #tpu.memory_space<hbm>> -> memref<80xi32, #tpu.memory_space<hbm>>
    %dma_start3A_30 = arith.constant 0 : i32
    %dma_start3A_31 = tpu.memref_slice %arg7[%dma_start3A_25, %dma_start3A_30] : memref<2x80xi32, #tpu.memory_space<vmem>> -> memref<1x80xi32, #tpu.memory_space<vmem>>
    %dma_start3A_32 = tpu.memref_squeeze %dma_start3A_31 : memref<1x80xi32, #tpu.memory_space<vmem>> -> memref<80xi32, #tpu.memory_space<vmem>>
    %dma_start3A_33 = tpu.memref_slice %arg3[%multiple_of3A_24] : memref<320000xi32, #tpu.memory_space<hbm>> -> memref<80xi32, #tpu.memory_space<hbm>>
    tpu.enqueue_dma source(%dma_start3A_33 : memref<80xi32, #tpu.memory_space<hbm>>) target(%dma_start3A_32 : memref<80xi32, #tpu.memory_space<vmem>>) target_semaphore(%arg16 : memref<!tpu.dma_semaphore, #tpu.memory_space<semaphore_mem>>)
    %dma_start3A_34 = arith.constant 1 : i32
    %dma_start3A_35 = arith.constant 0 : i32
    %dma_start3A_36 = tpu.memref_slice %arg7[%dma_start3A_34, %dma_start3A_35] : memref<2x80xi32, #tpu.memory_space<vmem>> -> memref<1x80xi32, #tpu.memory_space<vmem>>
    %dma_start3A_37 = tpu.memref_squeeze %dma_start3A_36 : memref<1x80xi32, #tpu.memory_space<vmem>> -> memref<80xi32, #tpu.memory_space<vmem>>
    %dma_start3A_38 = tpu.memref_slice %arg4[%multiple_of3A_24] : memref<320000xi32, #tpu.memory_space<hbm>> -> memref<80xi32, #tpu.memory_space<hbm>>
    %dma_start3A_39 = arith.constant 0 : i32
    %dma_start3A_40 = tpu.memref_slice %arg7[%dma_start3A_34, %dma_start3A_39] : memref<2x80xi32, #tpu.memory_space<vmem>> -> memref<1x80xi32, #tpu.memory_space<vmem>>
    %dma_start3A_41 = tpu.memref_squeeze %dma_start3A_40 : memref<1x80xi32, #tpu.memory_space<vmem>> -> memref<80xi32, #tpu.memory_space<vmem>>
    %dma_start3A_42 = tpu.memref_slice %arg4[%multiple_of3A_24] : memref<320000xi32, #tpu.memory_space<hbm>> -> memref<80xi32, #tpu.memory_space<hbm>>
    tpu.enqueue_dma source(%dma_start3A_42 : memref<80xi32, #tpu.memory_space<hbm>>) target(%dma_start3A_41 : memref<80xi32, #tpu.memory_space<vmem>>) target_semaphore(%arg16 : memref<!tpu.dma_semaphore, #tpu.memory_space<semaphore_mem>>)
    %add3A_43 = arith.constant 160 : i32
    %add3A_44 = arith.addi %mul3A_2, %add3A_43 : i32
    %multiple_of3A_45 = tpu.assume_multiple %add3A_44, 8 : i32
    %dma_start3A_46 = arith.constant 0 : i32
    %dma_start3A_47 = arith.constant 0 : i32
    %dma_start3A_48 = tpu.memref_slice %arg8[%dma_start3A_46, %dma_start3A_47] : memref<2x80xi32, #tpu.memory_space<vmem>> -> memref<1x80xi32, #tpu.memory_space<vmem>>
    %dma_start3A_49 = tpu.memref_squeeze %dma_start3A_48 : memref<1x80xi32, #tpu.memory_space<vmem>> -> memref<80xi32, #tpu.memory_space<vmem>>
    %dma_start3A_50 = tpu.memref_slice %arg3[%multiple_of3A_45] : memref<320000xi32, #tpu.memory_space<hbm>> -> memref<80xi32, #tpu.memory_space<hbm>>
    %dma_start3A_51 = arith.constant 0 : i32
    %dma_start3A_52 = tpu.memref_slice %arg8[%dma_start3A_46, %dma_start3A_51] : memref<2x80xi32, #tpu.memory_space<vmem>> -> memref<1x80xi32, #tpu.memory_space<vmem>>
    %dma_start3A_53 = tpu.memref_squeeze %dma_start3A_52 : memref<1x80xi32, #tpu.memory_space<vmem>> -> memref<80xi32, #tpu.memory_space<vmem>>
    %dma_start3A_54 = tpu.memref_slice %arg3[%multiple_of3A_45] : memref<320000xi32, #tpu.memory_space<hbm>> -> memref<80xi32, #tpu.memory_space<hbm>>
    tpu.enqueue_dma source(%dma_start3A_54 : memref<80xi32, #tpu.memory_space<hbm>>) target(%dma_start3A_53 : memref<80xi32, #tpu.memory_space<vmem>>) target_semaphore(%arg17 : memref<!tpu.dma_semaphore, #tpu.memory_space<semaphore_mem>>)
    %dma_start3A_55 = arith.constant 1 : i32
    %dma_start3A_56 = arith.constant 0 : i32
    %dma_start3A_57 = tpu.memref_slice %arg8[%dma_start3A_55, %dma_start3A_56] : memref<2x80xi32, #tpu.memory_space<vmem>> -> memref<1x80xi32, #tpu.memory_space<vmem>>
    %dma_start3A_58 = tpu.memref_squeeze %dma_start3A_57 : memref<1x80xi32, #tpu.memory_space<vmem>> -> memref<80xi32, #tpu.memory_space<vmem>>
    %dma_start3A_59 = tpu.memref_slice %arg4[%multiple_of3A_45] : memref<320000xi32, #tpu.memory_space<hbm>> -> memref<80xi32, #tpu.memory_space<hbm>>
    %dma_start3A_60 = arith.constant 0 : i32
    %dma_start3A_61 = tpu.memref_slice %arg8[%dma_start3A_55, %dma_start3A_60] : memref<2x80xi32, #tpu.memory_space<vmem>> -> memref<1x80xi32, #tpu.memory_space<vmem>>
    %dma_start3A_62 = tpu.memref_squeeze %dma_start3A_61 : memref<1x80xi32, #tpu.memory_space<vmem>> -> memref<80xi32, #tpu.memory_space<vmem>>
    %dma_start3A_63 = tpu.memref_slice %arg4[%multiple_of3A_45] : memref<320000xi32, #tpu.memory_space<hbm>> -> memref<80xi32, #tpu.memory_space<hbm>>
    tpu.enqueue_dma source(%dma_start3A_63 : memref<80xi32, #tpu.memory_space<hbm>>) target(%dma_start3A_62 : memref<80xi32, #tpu.memory_space<vmem>>) target_semaphore(%arg17 : memref<!tpu.dma_semaphore, #tpu.memory_space<semaphore_mem>>)
    %broadcast_in_dim3A = arith.constant 0.000000e+00 : f32
    %broadcast_in_dim3A_64 = vector.broadcast %broadcast_in_dim3A : f32 to vector<16xf32>
    %scan3A = arith.constant 0 : i32
    %scan3A_65 = arith.constant 0 : i32
    %scan3A_66 = arith.constant 80 : i32
    %scan3A_67 = arith.addi %scan3A_65, %scan3A_66 : i32
    %scan3A_68 = arith.constant 1 : i32
    scf.for %scan3A_537 = %scan3A_65 to %scan3A_67 step %scan3A_68  : i32 {
      %swap3A = arith.index_cast %scan3A_537 : i32 to index
      %swap3A_538 = arith.constant 0 : index
      %swap3A_539 = tpu.vector_load %arg11[%swap3A, %swap3A_538] {strides = array<i32>} : memref<80x128xf32, #tpu.memory_space<vmem>>, vector<1x16xf32>,
      %swap3A_540 = vector.shape_cast %swap3A_539 : vector<1x16xf32> to vector<16xf32>
      %swap3A_541 = vector.shape_cast %broadcast_in_dim3A_64 : vector<16xf32> to vector<1x16xf32>
      tpu.vector_store %arg11[%swap3A, %swap3A_538], %swap3A_541 {strides = array<i32>} : memref<80x128xf32, #tpu.memory_space<vmem>>, vector<1x16xf32>,
      %swap3A_542 = arith.index_cast %scan3A_537 : i32 to index
      %swap3A_543 = arith.constant 16 : index
      %swap3A_544 = tpu.vector_load %arg11[%swap3A_542, %swap3A_543] {strides = array<i32>} : memref<80x128xf32, #tpu.memory_space<vmem>>, vector<1x16xf32>,
      %swap3A_545 = vector.shape_cast %swap3A_544 : vector<1x16xf32> to vector<16xf32>
      %swap3A_546 = vector.shape_cast %broadcast_in_dim3A_64 : vector<16xf32> to vector<1x16xf32>
      tpu.vector_store %arg11[%swap3A_542, %swap3A_543], %swap3A_546 {strides = array<i32>} : memref<80x128xf32, #tpu.memory_space<vmem>>, vector<1x16xf32>,
      %swap3A_547 = arith.index_cast %scan3A_537 : i32 to index
      %swap3A_548 = arith.constant 32 : index
      %swap3A_549 = tpu.vector_load %arg11[%swap3A_547, %swap3A_548] {strides = array<i32>} : memref<80x128xf32, #tpu.memory_space<vmem>>, vector<1x16xf32>,
      %swap3A_550 = vector.shape_cast %swap3A_549 : vector<1x16xf32> to vector<16xf32>
      %swap3A_551 = vector.shape_cast %broadcast_in_dim3A_64 : vector<16xf32> to vector<1x16xf32>
      tpu.vector_store %arg11[%swap3A_547, %swap3A_548], %swap3A_551 {strides = array<i32>} : memref<80x128xf32, #tpu.memory_space<vmem>>, vector<1x16xf32>,
      %swap3A_552 = arith.index_cast %scan3A_537 : i32 to index
      %swap3A_553 = arith.constant 48 : index
      %swap3A_554 = tpu.vector_load %arg11[%swap3A_552, %swap3A_553] {strides = array<i32>} : memref<80x128xf32, #tpu.memory_space<vmem>>, vector<1x16xf32>,
      %swap3A_555 = vector.shape_cast %swap3A_554 : vector<1x16xf32> to vector<16xf32>
      %swap3A_556 = vector.shape_cast %broadcast_in_dim3A_64 : vector<16xf32> to vector<1x16xf32>
      tpu.vector_store %arg11[%swap3A_552, %swap3A_553], %swap3A_556 {strides = array<i32>} : memref<80x128xf32, #tpu.memory_space<vmem>>, vector<1x16xf32>,
      %swap3A_557 = arith.index_cast %scan3A_537 : i32 to index
      %swap3A_558 = arith.constant 64 : index
      %swap3A_559 = tpu.vector_load %arg11[%swap3A_557, %swap3A_558] {strides = array<i32>} : memref<80x128xf32, #tpu.memory_space<vmem>>, vector<1x16xf32>,
      %swap3A_560 = vector.shape_cast %swap3A_559 : vector<1x16xf32> to vector<16xf32>
      %swap3A_561 = vector.shape_cast %broadcast_in_dim3A_64 : vector<16xf32> to vector<1x16xf32>
      tpu.vector_store %arg11[%swap3A_557, %swap3A_558], %swap3A_561 {strides = array<i32>} : memref<80x128xf32, #tpu.memory_space<vmem>>, vector<1x16xf32>,
      %swap3A_562 = arith.index_cast %scan3A_537 : i32 to index
      %swap3A_563 = arith.constant 80 : index
      %swap3A_564 = tpu.vector_load %arg11[%swap3A_562, %swap3A_563] {strides = array<i32>} : memref<80x128xf32, #tpu.memory_space<vmem>>, vector<1x16xf32>,
      %swap3A_565 = vector.shape_cast %swap3A_564 : vector<1x16xf32> to vector<16xf32>
      %swap3A_566 = vector.shape_cast %broadcast_in_dim3A_64 : vector<16xf32> to vector<1x16xf32>
      tpu.vector_store %arg11[%swap3A_562, %swap3A_563], %swap3A_566 {strides = array<i32>} : memref<80x128xf32, #tpu.memory_space<vmem>>, vector<1x16xf32>,
      %swap3A_567 = arith.index_cast %scan3A_537 : i32 to index
      %swap3A_568 = arith.constant 96 : index
      %swap3A_569 = tpu.vector_load %arg11[%swap3A_567, %swap3A_568] {strides = array<i32>} : memref<80x128xf32, #tpu.memory_space<vmem>>, vector<1x16xf32>,
      %swap3A_570 = vector.shape_cast %swap3A_569 : vector<1x16xf32> to vector<16xf32>
      %swap3A_571 = vector.shape_cast %broadcast_in_dim3A_64 : vector<16xf32> to vector<1x16xf32>
      tpu.vector_store %arg11[%swap3A_567, %swap3A_568], %swap3A_571 {strides = array<i32>} : memref<80x128xf32, #tpu.memory_space<vmem>>, vector<1x16xf32>,
      %swap3A_572 = arith.index_cast %scan3A_537 : i32 to index
      %swap3A_573 = arith.constant 112 : index
      %swap3A_574 = tpu.vector_load %arg11[%swap3A_572, %swap3A_573] {strides = array<i32>} : memref<80x128xf32, #tpu.memory_space<vmem>>, vector<1x16xf32>,
      %swap3A_575 = vector.shape_cast %swap3A_574 : vector<1x16xf32> to vector<16xf32>
      %swap3A_576 = vector.shape_cast %broadcast_in_dim3A_64 : vector<16xf32> to vector<1x16xf32>
      tpu.vector_store %arg11[%swap3A_572, %swap3A_573], %swap3A_576 {strides = array<i32>} : memref<80x128xf32, #tpu.memory_space<vmem>>, vector<1x16xf32>,
    }
    %scan3A_69 = arith.constant 80 : i32
    %mul3A_70 = arith.constant 624 : i32
    %mul3A_71 = arith.muli %arg1, %mul3A_70 : i32
    %multiple_of3A_72 = tpu.assume_multiple %mul3A_71, 8 : i32
    %add3A_73 = arith.constant 0 : i32
    %add3A_74 = arith.addi %multiple_of3A_72, %add3A_73 : i32
    %dma_start3A_75 = arith.constant 0 : i32
    %dma_start3A_76 = tpu.memref_slice %arg14[%add3A_74, %dma_start3A_75] : memref<10000x128xf32, #tpu.memory_space<vmem_shared>> -> memref<80x128xf32, #tpu.memory_space<vmem_shared>>
    %dma_start3A_77 = arith.constant 0 : i32
    %dma_start3A_78 = tpu.memref_slice %arg14[%add3A_74, %dma_start3A_77] : memref<10000x128xf32, #tpu.memory_space<vmem_shared>> -> memref<80x128xf32, #tpu.memory_space<vmem_shared>>
    tpu.enqueue_dma source(%arg11 : memref<80x128xf32, #tpu.memory_space<vmem>>) target(%dma_start3A_78 : memref<80x128xf32, #tpu.memory_space<vmem_shared>>) target_semaphore(%arg23 : memref<!tpu.dma_semaphore, #tpu.memory_space<semaphore_mem>>)
    %add3A_79 = arith.constant 80 : i32
    %add3A_80 = arith.addi %multiple_of3A_72, %add3A_79 : i32
    %dma_start3A_81 = arith.constant 0 : i32
    %dma_start3A_82 = tpu.memref_slice %arg14[%add3A_80, %dma_start3A_81] : memref<10000x128xf32, #tpu.memory_space<vmem_shared>> -> memref<80x128xf32, #tpu.memory_space<vmem_shared>>
    %dma_start3A_83 = arith.constant 0 : i32
    %dma_start3A_84 = tpu.memref_slice %arg14[%add3A_80, %dma_start3A_83] : memref<10000x128xf32, #tpu.memory_space<vmem_shared>> -> memref<80x128xf32, #tpu.memory_space<vmem_shared>>
    tpu.enqueue_dma source(%arg11 : memref<80x128xf32, #tpu.memory_space<vmem>>) target(%dma_start3A_84 : memref<80x128xf32, #tpu.memory_space<vmem_shared>>) target_semaphore(%arg23 : memref<!tpu.dma_semaphore, #tpu.memory_space<semaphore_mem>>)
    %add3A_85 = arith.constant 160 : i32
    %add3A_86 = arith.addi %multiple_of3A_72, %add3A_85 : i32
    %dma_start3A_87 = arith.constant 0 : i32
    %dma_start3A_88 = tpu.memref_slice %arg14[%add3A_86, %dma_start3A_87] : memref<10000x128xf32, #tpu.memory_space<vmem_shared>> -> memref<80x128xf32, #tpu.memory_space<vmem_shared>>
    %dma_start3A_89 = arith.constant 0 : i32
    %dma_start3A_90 = tpu.memref_slice %arg14[%add3A_86, %dma_start3A_89] : memref<10000x128xf32, #tpu.memory_space<vmem_shared>> -> memref<80x128xf32, #tpu.memory_space<vmem_shared>>
    tpu.enqueue_dma source(%arg11 : memref<80x128xf32, #tpu.memory_space<vmem>>) target(%dma_start3A_90 : memref<80x128xf32, #tpu.memory_space<vmem_shared>>) target_semaphore(%arg23 : memref<!tpu.dma_semaphore, #tpu.memory_space<semaphore_mem>>)
    %add3A_91 = arith.constant 240 : i32
    %add3A_92 = arith.addi %multiple_of3A_72, %add3A_91 : i32
    %dma_start3A_93 = arith.constant 0 : i32
    %dma_start3A_94 = tpu.memref_slice %arg14[%add3A_92, %dma_start3A_93] : memref<10000x128xf32, #tpu.memory_space<vmem_shared>> -> memref<80x128xf32, #tpu.memory_space<vmem_shared>>
    %dma_start3A_95 = arith.constant 0 : i32
    %dma_start3A_96 = tpu.memref_slice %arg14[%add3A_92, %dma_start3A_95] : memref<10000x128xf32, #tpu.memory_space<vmem_shared>> -> memref<80x128xf32, #tpu.memory_space<vmem_shared>>
    tpu.enqueue_dma source(%arg11 : memref<80x128xf32, #tpu.memory_space<vmem>>) target(%dma_start3A_96 : memref<80x128xf32, #tpu.memory_space<vmem_shared>>) target_semaphore(%arg23 : memref<!tpu.dma_semaphore, #tpu.memory_space<semaphore_mem>>)
    %add3A_97 = arith.constant 320 : i32
    %add3A_98 = arith.addi %multiple_of3A_72, %add3A_97 : i32
    %dma_start3A_99 = arith.constant 0 : i32
    %dma_start3A_100 = tpu.memref_slice %arg14[%add3A_98, %dma_start3A_99] : memref<10000x128xf32, #tpu.memory_space<vmem_shared>> -> memref<80x128xf32, #tpu.memory_space<vmem_shared>>
    %dma_start3A_101 = arith.constant 0 : i32
    %dma_start3A_102 = tpu.memref_slice %arg14[%add3A_98, %dma_start3A_101] : memref<10000x128xf32, #tpu.memory_space<vmem_shared>> -> memref<80x128xf32, #tpu.memory_space<vmem_shared>>
    tpu.enqueue_dma source(%arg11 : memref<80x128xf32, #tpu.memory_space<vmem>>) target(%dma_start3A_102 : memref<80x128xf32, #tpu.memory_space<vmem_shared>>) target_semaphore(%arg23 : memref<!tpu.dma_semaphore, #tpu.memory_space<semaphore_mem>>)
    %add3A_103 = arith.constant 400 : i32
    %add3A_104 = arith.addi %multiple_of3A_72, %add3A_103 : i32
    %dma_start3A_105 = arith.constant 0 : i32
    %dma_start3A_106 = tpu.memref_slice %arg14[%add3A_104, %dma_start3A_105] : memref<10000x128xf32, #tpu.memory_space<vmem_shared>> -> memref<80x128xf32, #tpu.memory_space<vmem_shared>>
    %dma_start3A_107 = arith.constant 0 : i32
    %dma_start3A_108 = tpu.memref_slice %arg14[%add3A_104, %dma_start3A_107] : memref<10000x128xf32, #tpu.memory_space<vmem_shared>> -> memref<80x128xf32, #tpu.memory_space<vmem_shared>>
    tpu.enqueue_dma source(%arg11 : memref<80x128xf32, #tpu.memory_space<vmem>>) target(%dma_start3A_108 : memref<80x128xf32, #tpu.memory_space<vmem_shared>>) target_semaphore(%arg23 : memref<!tpu.dma_semaphore, #tpu.memory_space<semaphore_mem>>)
    %add3A_109 = arith.constant 480 : i32
    %add3A_110 = arith.addi %multiple_of3A_72, %add3A_109 : i32
    %dma_start3A_111 = arith.constant 0 : i32
    %dma_start3A_112 = tpu.memref_slice %arg14[%add3A_110, %dma_start3A_111] : memref<10000x128xf32, #tpu.memory_space<vmem_shared>> -> memref<80x128xf32, #tpu.memory_space<vmem_shared>>
    %dma_start3A_113 = arith.constant 0 : i32
    %dma_start3A_114 = tpu.memref_slice %arg14[%add3A_110, %dma_start3A_113] : memref<10000x128xf32, #tpu.memory_space<vmem_shared>> -> memref<80x128xf32, #tpu.memory_space<vmem_shared>>
    tpu.enqueue_dma source(%arg11 : memref<80x128xf32, #tpu.memory_space<vmem>>) target(%dma_start3A_114 : memref<80x128xf32, #tpu.memory_space<vmem_shared>>) target_semaphore(%arg23 : memref<!tpu.dma_semaphore, #tpu.memory_space<semaphore_mem>>)
    %add3A_115 = arith.constant 560 : i32
    %add3A_116 = arith.addi %multiple_of3A_72, %add3A_115 : i32
    %dma_start3A_117 = arith.constant 0 : i32
    %dma_start3A_118 = arith.constant 0 : i32
    %dma_start3A_119 = tpu.memref_slice %arg11[%dma_start3A_117, %dma_start3A_118] : memref<80x128xf32, #tpu.memory_space<vmem>> -> memref<64x128xf32, #tpu.memory_space<vmem>>
    %dma_start3A_120 = arith.constant 0 : i32
    %dma_start3A_121 = tpu.memref_slice %arg14[%add3A_116, %dma_start3A_120] : memref<10000x128xf32, #tpu.memory_space<vmem_shared>> -> memref<64x128xf32, #tpu.memory_space<vmem_shared>>
    %dma_start3A_122 = arith.constant 0 : i32
    %dma_start3A_123 = tpu.memref_slice %arg14[%add3A_116, %dma_start3A_122] : memref<10000x128xf32, #tpu.memory_space<vmem_shared>> -> memref<64x128xf32, #tpu.memory_space<vmem_shared>>
    %dma_start3A_124 = arith.constant 0 : i32
    %dma_start3A_125 = arith.constant 0 : i32
    %dma_start3A_126 = tpu.memref_slice %arg11[%dma_start3A_124, %dma_start3A_125] : memref<80x128xf32, #tpu.memory_space<vmem>> -> memref<64x128xf32, #tpu.memory_space<vmem>>
    tpu.enqueue_dma source(%dma_start3A_126 : memref<64x128xf32, #tpu.memory_space<vmem>>) target(%dma_start3A_123 : memref<64x128xf32, #tpu.memory_space<vmem_shared>>) target_semaphore(%arg23 : memref<!tpu.dma_semaphore, #tpu.memory_space<semaphore_mem>>)
    %eq3A = arith.constant 0 : i32
    %eq3A_127 = arith.cmpi eq, %arg1, %eq3A : i32
    %convert_element_type3A = arith.extui %eq3A_127 : i1 to i32
    %cond3A = arith.constant 0 : i32
    %cond3A_128 = arith.cmpi ne, %convert_element_type3A, %cond3A : i32
    scf.if %cond3A_128 {
      "tpu.region"() ({
        %run_scoped3A = tpu.sem_alloc : memref<!tpu.dma_semaphore, #tpu.memory_space<semaphore_mem>>
        %dma_start3A_537 = arith.constant 0 : i32
        %dma_start3A_538 = arith.constant 0 : i32
        %dma_start3A_539 = tpu.memref_slice %arg11[%dma_start3A_537, %dma_start3A_538] : memref<80x128xf32, #tpu.memory_space<vmem>> -> memref<16x128xf32, #tpu.memory_space<vmem>>
        %dma_start3A_540 = arith.constant 9984 : i32
        %dma_start3A_541 = arith.constant 0 : i32
        %dma_start3A_542 = tpu.memref_slice %arg14[%dma_start3A_540, %dma_start3A_541] : memref<10000x128xf32, #tpu.memory_space<vmem_shared>> -> memref<16x128xf32, #tpu.memory_space<vmem_shared>>
        %dma_start3A_543 = arith.constant 9984 : i32
        %dma_start3A_544 = arith.constant 0 : i32
        %dma_start3A_545 = tpu.memref_slice %arg14[%dma_start3A_543, %dma_start3A_544] : memref<10000x128xf32, #tpu.memory_space<vmem_shared>> -> memref<16x128xf32, #tpu.memory_space<vmem_shared>>
        %dma_start3A_546 = arith.constant 0 : i32
        %dma_start3A_547 = arith.constant 0 : i32
        %dma_start3A_548 = tpu.memref_slice %arg11[%dma_start3A_546, %dma_start3A_547] : memref<80x128xf32, #tpu.memory_space<vmem>> -> memref<16x128xf32, #tpu.memory_space<vmem>>
        tpu.enqueue_dma source(%dma_start3A_548 : memref<16x128xf32, #tpu.memory_space<vmem>>) target(%dma_start3A_545 : memref<16x128xf32, #tpu.memory_space<vmem_shared>>) target_semaphore(%run_scoped3A : memref<!tpu.dma_semaphore, #tpu.memory_space<semaphore_mem>>)
        %dma_wait3A_549 = arith.constant 0 : i32
        %dma_wait3A_550 = arith.constant 0 : i32
        %dma_wait3A_551 = tpu.memref_slice %arg11[%dma_wait3A_549, %dma_wait3A_550] : memref<80x128xf32, #tpu.memory_space<vmem>> -> memref<16x128xf32, #tpu.memory_space<vmem>>
        %dma_wait3A_552 = arith.constant 9984 : i32
        %dma_wait3A_553 = arith.constant 0 : i32
        %dma_wait3A_554 = tpu.memref_slice %arg14[%dma_wait3A_552, %dma_wait3A_553] : memref<10000x128xf32, #tpu.memory_space<vmem_shared>> -> memref<16x128xf32, #tpu.memory_space<vmem_shared>>
        %dma_wait3A_555 = arith.constant 9984 : i32
        %dma_wait3A_556 = arith.constant 0 : i32
        %dma_wait3A_557 = tpu.memref_slice %arg14[%dma_wait3A_555, %dma_wait3A_556] : memref<10000x128xf32, #tpu.memory_space<vmem_shared>> -> memref<16x128xf32, #tpu.memory_space<vmem_shared>>
        %dma_wait3A_558 = arith.constant 0 : i32
        %dma_wait3A_559 = arith.constant 0 : i32
        %dma_wait3A_560 = tpu.memref_slice %arg11[%dma_wait3A_558, %dma_wait3A_559] : memref<80x128xf32, #tpu.memory_space<vmem>> -> memref<16x128xf32, #tpu.memory_space<vmem>>
        tpu.wait_dma2 semaphore(%run_scoped3A : memref<!tpu.dma_semaphore, #tpu.memory_space<semaphore_mem>>) src(%dma_wait3A_560 : memref<16x128xf32, #tpu.memory_space<vmem>>) dst(%dma_wait3A_557 : memref<16x128xf32, #tpu.memory_space<vmem_shared>>)
        tpu.yield
      }) : () -> ()
    } else {
    }
    %dma_wait3A = arith.constant 0 : i32
    %dma_wait3A_129 = arith.constant 0 : i32
    %dma_wait3A_130 = tpu.memref_slice %arg6[%dma_wait3A, %dma_wait3A_129] : memref<2x80xi32, #tpu.memory_space<vmem>> -> memref<1x80xi32, #tpu.memory_space<vmem>>
    %dma_wait3A_131 = tpu.memref_squeeze %dma_wait3A_130 : memref<1x80xi32, #tpu.memory_space<vmem>> -> memref<80xi32, #tpu.memory_space<vmem>>
    %dma_wait3A_132 = arith.constant 0 : i32
    %dma_wait3A_133 = tpu.memref_slice %arg3[%dma_wait3A_132] : memref<320000xi32, #tpu.memory_space<hbm>> -> memref<80xi32, #tpu.memory_space<hbm>>
    %dma_wait3A_134 = arith.constant 0 : i32
    %dma_wait3A_135 = tpu.memref_slice %arg6[%dma_wait3A, %dma_wait3A_134] : memref<2x80xi32, #tpu.memory_space<vmem>> -> memref<1x80xi32, #tpu.memory_space<vmem>>
    %dma_wait3A_136 = tpu.memref_squeeze %dma_wait3A_135 : memref<1x80xi32, #tpu.memory_space<vmem>> -> memref<80xi32, #tpu.memory_space<vmem>>
    %dma_wait3A_137 = arith.constant 0 : i32
    %dma_wait3A_138 = tpu.memref_slice %arg3[%dma_wait3A_137] : memref<320000xi32, #tpu.memory_space<hbm>> -> memref<80xi32, #tpu.memory_space<hbm>>
    tpu.wait_dma2 semaphore(%arg15 : memref<!tpu.dma_semaphore, #tpu.memory_space<semaphore_mem>>) src(%dma_wait3A_138 : memref<80xi32, #tpu.memory_space<hbm>>) dst(%dma_wait3A_136 : memref<80xi32, #tpu.memory_space<vmem>>)
    %dma_wait3A_139 = arith.constant 1 : i32
    %dma_wait3A_140 = arith.constant 0 : i32
    %dma_wait3A_141 = tpu.memref_slice %arg6[%dma_wait3A_139, %dma_wait3A_140] : memref<2x80xi32, #tpu.memory_space<vmem>> -> memref<1x80xi32, #tpu.memory_space<vmem>>
    %dma_wait3A_142 = tpu.memref_squeeze %dma_wait3A_141 : memref<1x80xi32, #tpu.memory_space<vmem>> -> memref<80xi32, #tpu.memory_space<vmem>>
    %dma_wait3A_143 = arith.constant 0 : i32
    %dma_wait3A_144 = tpu.memref_slice %arg4[%dma_wait3A_143] : memref<320000xi32, #tpu.memory_space<hbm>> -> memref<80xi32, #tpu.memory_space<hbm>>
    %dma_wait3A_145 = arith.constant 0 : i32
    %dma_wait3A_146 = tpu.memref_slice %arg6[%dma_wait3A_139, %dma_wait3A_145] : memref<2x80xi32, #tpu.memory_space<vmem>> -> memref<1x80xi32, #tpu.memory_space<vmem>>
    %dma_wait3A_147 = tpu.memref_squeeze %dma_wait3A_146 : memref<1x80xi32, #tpu.memory_space<vmem>> -> memref<80xi32, #tpu.memory_space<vmem>>
    %dma_wait3A_148 = arith.constant 0 : i32
    %dma_wait3A_149 = tpu.memref_slice %arg4[%dma_wait3A_148] : memref<320000xi32, #tpu.memory_space<hbm>> -> memref<80xi32, #tpu.memory_space<hbm>>
    tpu.wait_dma2 semaphore(%arg15 : memref<!tpu.dma_semaphore, #tpu.memory_space<semaphore_mem>>) src(%dma_wait3A_149 : memref<80xi32, #tpu.memory_space<hbm>>) dst(%dma_wait3A_147 : memref<80xi32, #tpu.memory_space<vmem>>)
    %dma_start3A_150 = arith.constant 0 : i32
    %dma_start3A_151 = arith.constant 0 : i32
    %dma_start3A_152 = tpu.memref_slice %arg6[%dma_start3A_150, %dma_start3A_151] : memref<2x80xi32, #tpu.memory_space<vmem>> -> memref<1x80xi32, #tpu.memory_space<vmem>>
    %dma_start3A_153 = tpu.memref_squeeze %dma_start3A_152 : memref<1x80xi32, #tpu.memory_space<vmem>> -> memref<80xi32, #tpu.memory_space<vmem>>
    %dma_start3A_154 = arith.constant 0 : i32
    %dma_start3A_155 = arith.constant 0 : i32
    %dma_start3A_156 = tpu.memref_slice %arg2[%dma_start3A_154, %dma_start3A_155] : memref<10000x128xf32, #tpu.memory_space<hbm>> -> memref<10000x128xf32, #tpu.memory_space<hbm>>
    tpu.enqueue_indirect_dma source(%dma_start3A_156 : memref<10000x128xf32, #tpu.memory_space<hbm>>) target(%arg10 : memref<80x128xf32, #tpu.memory_space<vmem>>) offsets(%dma_start3A_153 : memref<80xi32, #tpu.memory_space<vmem>>) semaphore(%arg19 : memref<!tpu.dma_semaphore, #tpu.memory_space<semaphore_mem>>)
    %add3A_157 = arith.constant 0 : i32
    %add3A_158 = arith.addi %multiple_of3A_72, %add3A_157 : i32
    %dma_wait3A_159 = arith.constant 0 : i32
    %dma_wait3A_160 = tpu.memref_slice %arg14[%add3A_158, %dma_wait3A_159] : memref<10000x128xf32, #tpu.memory_space<vmem_shared>> -> memref<80x128xf32, #tpu.memory_space<vmem_shared>>
    %dma_wait3A_161 = arith.constant 0 : i32
    %dma_wait3A_162 = tpu.memref_slice %arg14[%add3A_158, %dma_wait3A_161] : memref<10000x128xf32, #tpu.memory_space<vmem_shared>> -> memref<80x128xf32, #tpu.memory_space<vmem_shared>>
    tpu.wait_dma2 semaphore(%arg23 : memref<!tpu.dma_semaphore, #tpu.memory_space<semaphore_mem>>) src(%arg11 : memref<80x128xf32, #tpu.memory_space<vmem>>) dst(%dma_wait3A_162 : memref<80x128xf32, #tpu.memory_space<vmem_shared>>)
    %add3A_163 = arith.constant 80 : i32
    %add3A_164 = arith.addi %multiple_of3A_72, %add3A_163 : i32
    %dma_wait3A_165 = arith.constant 0 : i32
    %dma_wait3A_166 = tpu.memref_slice %arg14[%add3A_164, %dma_wait3A_165] : memref<10000x128xf32, #tpu.memory_space<vmem_shared>> -> memref<80x128xf32, #tpu.memory_space<vmem_shared>>
    %dma_wait3A_167 = arith.constant 0 : i32
    %dma_wait3A_168 = tpu.memref_slice %arg14[%add3A_164, %dma_wait3A_167] : memref<10000x128xf32, #tpu.memory_space<vmem_shared>> -> memref<80x128xf32, #tpu.memory_space<vmem_shared>>
    tpu.wait_dma2 semaphore(%arg23 : memref<!tpu.dma_semaphore, #tpu.memory_space<semaphore_mem>>) src(%arg11 : memref<80x128xf32, #tpu.memory_space<vmem>>) dst(%dma_wait3A_168 : memref<80x128xf32, #tpu.memory_space<vmem_shared>>)
    %add3A_169 = arith.constant 160 : i32
    %add3A_170 = arith.addi %multiple_of3A_72, %add3A_169 : i32
    %dma_wait3A_171 = arith.constant 0 : i32
    %dma_wait3A_172 = tpu.memref_slice %arg14[%add3A_170, %dma_wait3A_171] : memref<10000x128xf32, #tpu.memory_space<vmem_shared>> -> memref<80x128xf32, #tpu.memory_space<vmem_shared>>
    %dma_wait3A_173 = arith.constant 0 : i32
    %dma_wait3A_174 = tpu.memref_slice %arg14[%add3A_170, %dma_wait3A_173] : memref<10000x128xf32, #tpu.memory_space<vmem_shared>> -> memref<80x128xf32, #tpu.memory_space<vmem_shared>>
    tpu.wait_dma2 semaphore(%arg23 : memref<!tpu.dma_semaphore, #tpu.memory_space<semaphore_mem>>) src(%arg11 : memref<80x128xf32, #tpu.memory_space<vmem>>) dst(%dma_wait3A_174 : memref<80x128xf32, #tpu.memory_space<vmem_shared>>)
    %add3A_175 = arith.constant 240 : i32
    %add3A_176 = arith.addi %multiple_of3A_72, %add3A_175 : i32
    %dma_wait3A_177 = arith.constant 0 : i32
    %dma_wait3A_178 = tpu.memref_slice %arg14[%add3A_176, %dma_wait3A_177] : memref<10000x128xf32, #tpu.memory_space<vmem_shared>> -> memref<80x128xf32, #tpu.memory_space<vmem_shared>>
    %dma_wait3A_179 = arith.constant 0 : i32
    %dma_wait3A_180 = tpu.memref_slice %arg14[%add3A_176, %dma_wait3A_179] : memref<10000x128xf32, #tpu.memory_space<vmem_shared>> -> memref<80x128xf32, #tpu.memory_space<vmem_shared>>
    tpu.wait_dma2 semaphore(%arg23 : memref<!tpu.dma_semaphore, #tpu.memory_space<semaphore_mem>>) src(%arg11 : memref<80x128xf32, #tpu.memory_space<vmem>>) dst(%dma_wait3A_180 : memref<80x128xf32, #tpu.memory_space<vmem_shared>>)
    %add3A_181 = arith.constant 320 : i32
    %add3A_182 = arith.addi %multiple_of3A_72, %add3A_181 : i32
    %dma_wait3A_183 = arith.constant 0 : i32
    %dma_wait3A_184 = tpu.memref_slice %arg14[%add3A_182, %dma_wait3A_183] : memref<10000x128xf32, #tpu.memory_space<vmem_shared>> -> memref<80x128xf32, #tpu.memory_space<vmem_shared>>
    %dma_wait3A_185 = arith.constant 0 : i32
    %dma_wait3A_186 = tpu.memref_slice %arg14[%add3A_182, %dma_wait3A_185] : memref<10000x128xf32, #tpu.memory_space<vmem_shared>> -> memref<80x128xf32, #tpu.memory_space<vmem_shared>>
    tpu.wait_dma2 semaphore(%arg23 : memref<!tpu.dma_semaphore, #tpu.memory_space<semaphore_mem>>) src(%arg11 : memref<80x128xf32, #tpu.memory_space<vmem>>) dst(%dma_wait3A_186 : memref<80x128xf32, #tpu.memory_space<vmem_shared>>)
    %add3A_187 = arith.constant 400 : i32
    %add3A_188 = arith.addi %multiple_of3A_72, %add3A_187 : i32
    %dma_wait3A_189 = arith.constant 0 : i32
    %dma_wait3A_190 = tpu.memref_slice %arg14[%add3A_188, %dma_wait3A_189] : memref<10000x128xf32, #tpu.memory_space<vmem_shared>> -> memref<80x128xf32, #tpu.memory_space<vmem_shared>>
    %dma_wait3A_191 = arith.constant 0 : i32
    %dma_wait3A_192 = tpu.memref_slice %arg14[%add3A_188, %dma_wait3A_191] : memref<10000x128xf32, #tpu.memory_space<vmem_shared>> -> memref<80x128xf32, #tpu.memory_space<vmem_shared>>
    tpu.wait_dma2 semaphore(%arg23 : memref<!tpu.dma_semaphore, #tpu.memory_space<semaphore_mem>>) src(%arg11 : memref<80x128xf32, #tpu.memory_space<vmem>>) dst(%dma_wait3A_192 : memref<80x128xf32, #tpu.memory_space<vmem_shared>>)
    %add3A_193 = arith.constant 480 : i32
    %add3A_194 = arith.addi %multiple_of3A_72, %add3A_193 : i32
    %dma_wait3A_195 = arith.constant 0 : i32
    %dma_wait3A_196 = tpu.memref_slice %arg14[%add3A_194, %dma_wait3A_195] : memref<10000x128xf32, #tpu.memory_space<vmem_shared>> -> memref<80x128xf32, #tpu.memory_space<vmem_shared>>
    %dma_wait3A_197 = arith.constant 0 : i32
    %dma_wait3A_198 = tpu.memref_slice %arg14[%add3A_194, %dma_wait3A_197] : memref<10000x128xf32, #tpu.memory_space<vmem_shared>> -> memref<80x128xf32, #tpu.memory_space<vmem_shared>>
    tpu.wait_dma2 semaphore(%arg23 : memref<!tpu.dma_semaphore, #tpu.memory_space<semaphore_mem>>) src(%arg11 : memref<80x128xf32, #tpu.memory_space<vmem>>) dst(%dma_wait3A_198 : memref<80x128xf32, #tpu.memory_space<vmem_shared>>)
    %add3A_199 = arith.constant 560 : i32
    %add3A_200 = arith.addi %multiple_of3A_72, %add3A_199 : i32
    %dma_wait3A_201 = arith.constant 0 : i32
    %dma_wait3A_202 = arith.constant 0 : i32
    %dma_wait3A_203 = tpu.memref_slice %arg11[%dma_wait3A_201, %dma_wait3A_202] : memref<80x128xf32, #tpu.memory_space<vmem>> -> memref<64x128xf32, #tpu.memory_space<vmem>>
    %dma_wait3A_204 = arith.constant 0 : i32
    %dma_wait3A_205 = tpu.memref_slice %arg14[%add3A_200, %dma_wait3A_204] : memref<10000x128xf32, #tpu.memory_space<vmem_shared>> -> memref<64x128xf32, #tpu.memory_space<vmem_shared>>
    %dma_wait3A_206 = arith.constant 0 : i32
    %dma_wait3A_207 = tpu.memref_slice %arg14[%add3A_200, %dma_wait3A_206] : memref<10000x128xf32, #tpu.memory_space<vmem_shared>> -> memref<64x128xf32, #tpu.memory_space<vmem_shared>>
    %dma_wait3A_208 = arith.constant 0 : i32
    %dma_wait3A_209 = arith.constant 0 : i32
    %dma_wait3A_210 = tpu.memref_slice %arg11[%dma_wait3A_208, %dma_wait3A_209] : memref<80x128xf32, #tpu.memory_space<vmem>> -> memref<64x128xf32, #tpu.memory_space<vmem>>
    tpu.wait_dma2 semaphore(%arg23 : memref<!tpu.dma_semaphore, #tpu.memory_space<semaphore_mem>>) src(%dma_wait3A_210 : memref<64x128xf32, #tpu.memory_space<vmem>>) dst(%dma_wait3A_207 : memref<64x128xf32, #tpu.memory_space<vmem_shared>>)
    %barrier3A = arith.constant 0 : index
    tpu.barrier barrier_id(%barrier3A)
    %dma_wait3A_211 = arith.constant 0 : i32
    %dma_wait3A_212 = arith.constant 0 : i32
    %dma_wait3A_213 = tpu.memref_slice %arg7[%dma_wait3A_211, %dma_wait3A_212] : memref<2x80xi32, #tpu.memory_space<vmem>> -> memref<1x80xi32, #tpu.memory_space<vmem>>
    %dma_wait3A_214 = tpu.memref_squeeze %dma_wait3A_213 : memref<1x80xi32, #tpu.memory_space<vmem>> -> memref<80xi32, #tpu.memory_space<vmem>>
    %dma_wait3A_215 = arith.constant 0 : i32
    %dma_wait3A_216 = tpu.memref_slice %arg3[%dma_wait3A_215] : memref<320000xi32, #tpu.memory_space<hbm>> -> memref<80xi32, #tpu.memory_space<hbm>>
    %dma_wait3A_217 = arith.constant 0 : i32
    %dma_wait3A_218 = tpu.memref_slice %arg7[%dma_wait3A_211, %dma_wait3A_217] : memref<2x80xi32, #tpu.memory_space<vmem>> -> memref<1x80xi32, #tpu.memory_space<vmem>>
    %dma_wait3A_219 = tpu.memref_squeeze %dma_wait3A_218 : memref<1x80xi32, #tpu.memory_space<vmem>> -> memref<80xi32, #tpu.memory_space<vmem>>
    %dma_wait3A_220 = arith.constant 0 : i32
    %dma_wait3A_221 = tpu.memref_slice %arg3[%dma_wait3A_220] : memref<320000xi32, #tpu.memory_space<hbm>> -> memref<80xi32, #tpu.memory_space<hbm>>
    tpu.wait_dma2 semaphore(%arg16 : memref<!tpu.dma_semaphore, #tpu.memory_space<semaphore_mem>>) src(%dma_wait3A_221 : memref<80xi32, #tpu.memory_space<hbm>>) dst(%dma_wait3A_219 : memref<80xi32, #tpu.memory_space<vmem>>)
    %dma_wait3A_222 = arith.constant 1 : i32
    %dma_wait3A_223 = arith.constant 0 : i32
    %dma_wait3A_224 = tpu.memref_slice %arg7[%dma_wait3A_222, %dma_wait3A_223] : memref<2x80xi32, #tpu.memory_space<vmem>> -> memref<1x80xi32, #tpu.memory_space<vmem>>
    %dma_wait3A_225 = tpu.memref_squeeze %dma_wait3A_224 : memref<1x80xi32, #tpu.memory_space<vmem>> -> memref<80xi32, #tpu.memory_space<vmem>>
    %dma_wait3A_226 = arith.constant 0 : i32
    %dma_wait3A_227 = tpu.memref_slice %arg4[%dma_wait3A_226] : memref<320000xi32, #tpu.memory_space<hbm>> -> memref<80xi32, #tpu.memory_space<hbm>>
    %dma_wait3A_228 = arith.constant 0 : i32
    %dma_wait3A_229 = tpu.memref_slice %arg7[%dma_wait3A_222, %dma_wait3A_228] : memref<2x80xi32, #tpu.memory_space<vmem>> -> memref<1x80xi32, #tpu.memory_space<vmem>>
    %dma_wait3A_230 = tpu.memref_squeeze %dma_wait3A_229 : memref<1x80xi32, #tpu.memory_space<vmem>> -> memref<80xi32, #tpu.memory_space<vmem>>
    %dma_wait3A_231 = arith.constant 0 : i32
    %dma_wait3A_232 = tpu.memref_slice %arg4[%dma_wait3A_231] : memref<320000xi32, #tpu.memory_space<hbm>> -> memref<80xi32, #tpu.memory_space<hbm>>
    tpu.wait_dma2 semaphore(%arg16 : memref<!tpu.dma_semaphore, #tpu.memory_space<semaphore_mem>>) src(%dma_wait3A_232 : memref<80xi32, #tpu.memory_space<hbm>>) dst(%dma_wait3A_230 : memref<80xi32, #tpu.memory_space<vmem>>)
    %dma_start3A_233 = arith.constant 0 : i32
    %dma_start3A_234 = arith.constant 0 : i32
    %dma_start3A_235 = tpu.memref_slice %arg7[%dma_start3A_233, %dma_start3A_234] : memref<2x80xi32, #tpu.memory_space<vmem>> -> memref<1x80xi32, #tpu.memory_space<vmem>>
    %dma_start3A_236 = tpu.memref_squeeze %dma_start3A_235 : memref<1x80xi32, #tpu.memory_space<vmem>> -> memref<80xi32, #tpu.memory_space<vmem>>
    %dma_start3A_237 = arith.constant 0 : i32
    %dma_start3A_238 = arith.constant 0 : i32
    %dma_start3A_239 = tpu.memref_slice %arg2[%dma_start3A_237, %dma_start3A_238] : memref<10000x128xf32, #tpu.memory_space<hbm>> -> memref<10000x128xf32, #tpu.memory_space<hbm>>
    tpu.enqueue_indirect_dma source(%dma_start3A_239 : memref<10000x128xf32, #tpu.memory_space<hbm>>) target(%arg11 : memref<80x128xf32, #tpu.memory_space<vmem>>) offsets(%dma_start3A_236 : memref<80xi32, #tpu.memory_space<vmem>>) semaphore(%arg20 : memref<!tpu.dma_semaphore, #tpu.memory_space<semaphore_mem>>)
    %dma_wait3A_240 = arith.constant 0 : i32
    %dma_wait3A_241 = arith.constant 0 : i32
    %dma_wait3A_242 = tpu.memref_slice %arg6[%dma_wait3A_240, %dma_wait3A_241] : memref<2x80xi32, #tpu.memory_space<vmem>> -> memref<1x80xi32, #tpu.memory_space<vmem>>
    %dma_wait3A_243 = tpu.memref_squeeze %dma_wait3A_242 : memref<1x80xi32, #tpu.memory_space<vmem>> -> memref<80xi32, #tpu.memory_space<vmem>>
    %dma_wait3A_244 = arith.constant 0 : i32
    %dma_wait3A_245 = arith.constant 0 : i32
    %dma_wait3A_246 = tpu.memref_slice %arg2[%dma_wait3A_244, %dma_wait3A_245] : memref<10000x128xf32, #tpu.memory_space<hbm>> -> memref<10000x128xf32, #tpu.memory_space<hbm>>
    tpu.wait_indirect_dma semaphore(%arg19 : memref<!tpu.dma_semaphore, #tpu.memory_space<semaphore_mem>>) src(%dma_wait3A_246 : memref<10000x128xf32, #tpu.memory_space<hbm>>) dst(%arg10 : memref<80x128xf32, #tpu.memory_space<vmem>>)
    %dma_start3A_247 = arith.constant 1 : i32
    %dma_start3A_248 = arith.constant 0 : i32
    %dma_start3A_249 = tpu.memref_slice %arg6[%dma_start3A_247, %dma_start3A_248] : memref<2x80xi32, #tpu.memory_space<vmem>> -> memref<1x80xi32, #tpu.memory_space<vmem>>
    %dma_start3A_250 = tpu.memref_squeeze %dma_start3A_249 : memref<1x80xi32, #tpu.memory_space<vmem>> -> memref<80xi32, #tpu.memory_space<vmem>>
    %dma_start3A_251 = arith.constant 0 : i32
    %dma_start3A_252 = arith.constant 0 : i32
    %dma_start3A_253 = tpu.memref_slice %arg14[%dma_start3A_251, %dma_start3A_252] : memref<10000x128xf32, #tpu.memory_space<vmem_shared>> -> memref<10000x128xf32, #tpu.memory_space<vmem_shared>>
    tpu.enqueue_indirect_dma source(%arg10 : memref<80x128xf32, #tpu.memory_space<vmem>>) target(%dma_start3A_253 : memref<10000x128xf32, #tpu.memory_space<vmem_shared>>) offsets(%dma_start3A_250 : memref<80xi32, #tpu.memory_space<vmem>>) semaphore(%arg23 : memref<!tpu.dma_semaphore, #tpu.memory_space<semaphore_mem>>) {add = true}
    %add3A_254 = arith.constant 240 : i32
    %add3A_255 = arith.addi %mul3A_2, %add3A_254 : i32
    %multiple_of3A_256 = tpu.assume_multiple %add3A_255, 8 : i32
    %dma_start3A_257 = arith.constant 0 : i32
    %dma_start3A_258 = arith.constant 0 : i32
    %dma_start3A_259 = tpu.memref_slice %arg9[%dma_start3A_257, %dma_start3A_258] : memref<2x80xi32, #tpu.memory_space<vmem>> -> memref<1x80xi32, #tpu.memory_space<vmem>>
    %dma_start3A_260 = tpu.memref_squeeze %dma_start3A_259 : memref<1x80xi32, #tpu.memory_space<vmem>> -> memref<80xi32, #tpu.memory_space<vmem>>
    %dma_start3A_261 = tpu.memref_slice %arg3[%multiple_of3A_256] : memref<320000xi32, #tpu.memory_space<hbm>> -> memref<80xi32, #tpu.memory_space<hbm>>
    %dma_start3A_262 = arith.constant 0 : i32
    %dma_start3A_263 = tpu.memref_slice %arg9[%dma_start3A_257, %dma_start3A_262] : memref<2x80xi32, #tpu.memory_space<vmem>> -> memref<1x80xi32, #tpu.memory_space<vmem>>
    %dma_start3A_264 = tpu.memref_squeeze %dma_start3A_263 : memref<1x80xi32, #tpu.memory_space<vmem>> -> memref<80xi32, #tpu.memory_space<vmem>>
    %dma_start3A_265 = tpu.memref_slice %arg3[%multiple_of3A_256] : memref<320000xi32, #tpu.memory_space<hbm>> -> memref<80xi32, #tpu.memory_space<hbm>>
    tpu.enqueue_dma source(%dma_start3A_265 : memref<80xi32, #tpu.memory_space<hbm>>) target(%dma_start3A_264 : memref<80xi32, #tpu.memory_space<vmem>>) target_semaphore(%arg18 : memref<!tpu.dma_semaphore, #tpu.memory_space<semaphore_mem>>)
    %dma_start3A_266 = arith.constant 1 : i32
    %dma_start3A_267 = arith.constant 0 : i32
    %dma_start3A_268 = tpu.memref_slice %arg9[%dma_start3A_266, %dma_start3A_267] : memref<2x80xi32, #tpu.memory_space<vmem>> -> memref<1x80xi32, #tpu.memory_space<vmem>>
    %dma_start3A_269 = tpu.memref_squeeze %dma_start3A_268 : memref<1x80xi32, #tpu.memory_space<vmem>> -> memref<80xi32, #tpu.memory_space<vmem>>
    %dma_start3A_270 = tpu.memref_slice %arg4[%multiple_of3A_256] : memref<320000xi32, #tpu.memory_space<hbm>> -> memref<80xi32, #tpu.memory_space<hbm>>
    %dma_start3A_271 = arith.constant 0 : i32
    %dma_start3A_272 = tpu.memref_slice %arg9[%dma_start3A_266, %dma_start3A_271] : memref<2x80xi32, #tpu.memory_space<vmem>> -> memref<1x80xi32, #tpu.memory_space<vmem>>
    %dma_start3A_273 = tpu.memref_squeeze %dma_start3A_272 : memref<1x80xi32, #tpu.memory_space<vmem>> -> memref<80xi32, #tpu.memory_space<vmem>>
    %dma_start3A_274 = tpu.memref_slice %arg4[%multiple_of3A_256] : memref<320000xi32, #tpu.memory_space<hbm>> -> memref<80xi32, #tpu.memory_space<hbm>>
    tpu.enqueue_dma source(%dma_start3A_274 : memref<80xi32, #tpu.memory_space<hbm>>) target(%dma_start3A_273 : memref<80xi32, #tpu.memory_space<vmem>>) target_semaphore(%arg18 : memref<!tpu.dma_semaphore, #tpu.memory_space<semaphore_mem>>)
    %dma_wait3A_275 = arith.constant 0 : i32
    %dma_wait3A_276 = arith.constant 0 : i32
    %dma_wait3A_277 = tpu.memref_slice %arg8[%dma_wait3A_275, %dma_wait3A_276] : memref<2x80xi32, #tpu.memory_space<vmem>> -> memref<1x80xi32, #tpu.memory_space<vmem>>
    %dma_wait3A_278 = tpu.memref_squeeze %dma_wait3A_277 : memref<1x80xi32, #tpu.memory_space<vmem>> -> memref<80xi32, #tpu.memory_space<vmem>>
    %dma_wait3A_279 = arith.constant 0 : i32
    %dma_wait3A_280 = tpu.memref_slice %arg3[%dma_wait3A_279] : memref<320000xi32, #tpu.memory_space<hbm>> -> memref<80xi32, #tpu.memory_space<hbm>>
    %dma_wait3A_281 = arith.constant 0 : i32
    %dma_wait3A_282 = tpu.memref_slice %arg8[%dma_wait3A_275, %dma_wait3A_281] : memref<2x80xi32, #tpu.memory_space<vmem>> -> memref<1x80xi32, #tpu.memory_space<vmem>>
    %dma_wait3A_283 = tpu.memref_squeeze %dma_wait3A_282 : memref<1x80xi32, #tpu.memory_space<vmem>> -> memref<80xi32, #tpu.memory_space<vmem>>
    %dma_wait3A_284 = arith.constant 0 : i32
    %dma_wait3A_285 = tpu.memref_slice %arg3[%dma_wait3A_284] : memref<320000xi32, #tpu.memory_space<hbm>> -> memref<80xi32, #tpu.memory_space<hbm>>
    tpu.wait_dma2 semaphore(%arg17 : memref<!tpu.dma_semaphore, #tpu.memory_space<semaphore_mem>>) src(%dma_wait3A_285 : memref<80xi32, #tpu.memory_space<hbm>>) dst(%dma_wait3A_283 : memref<80xi32, #tpu.memory_space<vmem>>)
    %dma_wait3A_286 = arith.constant 1 : i32
    %dma_wait3A_287 = arith.constant 0 : i32
    %dma_wait3A_288 = tpu.memref_slice %arg8[%dma_wait3A_286, %dma_wait3A_287] : memref<2x80xi32, #tpu.memory_space<vmem>> -> memref<1x80xi32, #tpu.memory_space<vmem>>
    %dma_wait3A_289 = tpu.memref_squeeze %dma_wait3A_288 : memref<1x80xi32, #tpu.memory_space<vmem>> -> memref<80xi32, #tpu.memory_space<vmem>>
    %dma_wait3A_290 = arith.constant 0 : i32
    %dma_wait3A_291 = tpu.memref_slice %arg4[%dma_wait3A_290] : memref<320000xi32, #tpu.memory_space<hbm>> -> memref<80xi32, #tpu.memory_space<hbm>>
    %dma_wait3A_292 = arith.constant 0 : i32
    %dma_wait3A_293 = tpu.memref_slice %arg8[%dma_wait3A_286, %dma_wait3A_292] : memref<2x80xi32, #tpu.memory_space<vmem>> -> memref<1x80xi32, #tpu.memory_space<vmem>>
    %dma_wait3A_294 = tpu.memref_squeeze %dma_wait3A_293 : memref<1x80xi32, #tpu.memory_space<vmem>> -> memref<80xi32, #tpu.memory_space<vmem>>
    %dma_wait3A_295 = arith.constant 0 : i32
    %dma_wait3A_296 = tpu.memref_slice %arg4[%dma_wait3A_295] : memref<320000xi32, #tpu.memory_space<hbm>> -> memref<80xi32, #tpu.memory_space<hbm>>
    tpu.wait_dma2 semaphore(%arg17 : memref<!tpu.dma_semaphore, #tpu.memory_space<semaphore_mem>>) src(%dma_wait3A_296 : memref<80xi32, #tpu.memory_space<hbm>>) dst(%dma_wait3A_294 : memref<80xi32, #tpu.memory_space<vmem>>)
    %dma_start3A_297 = arith.constant 0 : i32
    %dma_start3A_298 = arith.constant 0 : i32
    %dma_start3A_299 = tpu.memref_slice %arg8[%dma_start3A_297, %dma_start3A_298] : memref<2x80xi32, #tpu.memory_space<vmem>> -> memref<1x80xi32, #tpu.memory_space<vmem>>
    %dma_start3A_300 = tpu.memref_squeeze %dma_start3A_299 : memref<1x80xi32, #tpu.memory_space<vmem>> -> memref<80xi32, #tpu.memory_space<vmem>>
    %dma_start3A_301 = arith.constant 0 : i32
    %dma_start3A_302 = arith.constant 0 : i32
    %dma_start3A_303 = tpu.memref_slice %arg2[%dma_start3A_301, %dma_start3A_302] : memref<10000x128xf32, #tpu.memory_space<hbm>> -> memref<10000x128xf32, #tpu.memory_space<hbm>>
    tpu.enqueue_indirect_dma source(%dma_start3A_303 : memref<10000x128xf32, #tpu.memory_space<hbm>>) target(%arg12 : memref<80x128xf32, #tpu.memory_space<vmem>>) offsets(%dma_start3A_300 : memref<80xi32, #tpu.memory_space<vmem>>) semaphore(%arg21 : memref<!tpu.dma_semaphore, #tpu.memory_space<semaphore_mem>>)
    %dma_wait3A_304 = arith.constant 0 : i32
    %dma_wait3A_305 = arith.constant 0 : i32
    %dma_wait3A_306 = tpu.memref_slice %arg7[%dma_wait3A_304, %dma_wait3A_305] : memref<2x80xi32, #tpu.memory_space<vmem>> -> memref<1x80xi32, #tpu.memory_space<vmem>>
    %dma_wait3A_307 = tpu.memref_squeeze %dma_wait3A_306 : memref<1x80xi32, #tpu.memory_space<vmem>> -> memref<80xi32, #tpu.memory_space<vmem>>
    %dma_wait3A_308 = arith.constant 0 : i32
    %dma_wait3A_309 = arith.constant 0 : i32
    %dma_wait3A_310 = tpu.memref_slice %arg2[%dma_wait3A_308, %dma_wait3A_309] : memref<10000x128xf32, #tpu.memory_space<hbm>> -> memref<10000x128xf32, #tpu.memory_space<hbm>>
    tpu.wait_indirect_dma semaphore(%arg20 : memref<!tpu.dma_semaphore, #tpu.memory_space<semaphore_mem>>) src(%dma_wait3A_310 : memref<10000x128xf32, #tpu.memory_space<hbm>>) dst(%arg11 : memref<80x128xf32, #tpu.memory_space<vmem>>)
    %dma_start3A_311 = arith.constant 1 : i32
    %dma_start3A_312 = arith.constant 0 : i32
    %dma_start3A_313 = tpu.memref_slice %arg7[%dma_start3A_311, %dma_start3A_312] : memref<2x80xi32, #tpu.memory_space<vmem>> -> memref<1x80xi32, #tpu.memory_space<vmem>>
    %dma_start3A_314 = tpu.memref_squeeze %dma_start3A_313 : memref<1x80xi32, #tpu.memory_space<vmem>> -> memref<80xi32, #tpu.memory_space<vmem>>
    %dma_start3A_315 = arith.constant 0 : i32
    %dma_start3A_316 = arith.constant 0 : i32
    %dma_start3A_317 = tpu.memref_slice %arg14[%dma_start3A_315, %dma_start3A_316] : memref<10000x128xf32, #tpu.memory_space<vmem_shared>> -> memref<10000x128xf32, #tpu.memory_space<vmem_shared>>
    tpu.enqueue_indirect_dma source(%arg11 : memref<80x128xf32, #tpu.memory_space<vmem>>) target(%dma_start3A_317 : memref<10000x128xf32, #tpu.memory_space<vmem_shared>>) offsets(%dma_start3A_314 : memref<80xi32, #tpu.memory_space<vmem>>) semaphore(%arg24 : memref<!tpu.dma_semaphore, #tpu.memory_space<semaphore_mem>>) {add = true}
    %dma_wait3A_318 = arith.constant 1 : i32
    %dma_wait3A_319 = arith.constant 0 : i32
    %dma_wait3A_320 = tpu.memref_slice %arg6[%dma_wait3A_318, %dma_wait3A_319] : memref<2x80xi32, #tpu.memory_space<vmem>> -> memref<1x80xi32, #tpu.memory_space<vmem>>
    %dma_wait3A_321 = tpu.memref_squeeze %dma_wait3A_320 : memref<1x80xi32, #tpu.memory_space<vmem>> -> memref<80xi32, #tpu.memory_space<vmem>>
    %dma_wait3A_322 = arith.constant 0 : i32
    %dma_wait3A_323 = arith.constant 0 : i32
    %dma_wait3A_324 = tpu.memref_slice %arg14[%dma_wait3A_322, %dma_wait3A_323] : memref<10000x128xf32, #tpu.memory_space<vmem_shared>> -> memref<10000x128xf32, #tpu.memory_space<vmem_shared>>
    tpu.wait_indirect_dma semaphore(%arg23 : memref<!tpu.dma_semaphore, #tpu.memory_space<semaphore_mem>>) src(%arg10 : memref<80x128xf32, #tpu.memory_space<vmem>>) dst(%dma_wait3A_324 : memref<10000x128xf32, #tpu.memory_space<vmem_shared>>)
    %add3A_325 = arith.constant 320 : i32
    %add3A_326 = arith.addi %mul3A_2, %add3A_325 : i32
    %multiple_of3A_327 = tpu.assume_multiple %add3A_326, 8 : i32
    %dma_start3A_328 = arith.constant 0 : i32
    %dma_start3A_329 = arith.constant 0 : i32
    %dma_start3A_330 = tpu.memref_slice %arg6[%dma_start3A_328, %dma_start3A_329] : memref<2x80xi32, #tpu.memory_space<vmem>> -> memref<1x80xi32, #tpu.memory_space<vmem>>
    %dma_start3A_331 = tpu.memref_squeeze %dma_start3A_330 : memref<1x80xi32, #tpu.memory_space<vmem>> -> memref<80xi32, #tpu.memory_space<vmem>>
    %dma_start3A_332 = tpu.memref_slice %arg3[%multiple_of3A_327] : memref<320000xi32, #tpu.memory_space<hbm>> -> memref<80xi32, #tpu.memory_space<hbm>>
    %dma_start3A_333 = arith.constant 0 : i32
    %dma_start3A_334 = tpu.memref_slice %arg6[%dma_start3A_328, %dma_start3A_333] : memref<2x80xi32, #tpu.memory_space<vmem>> -> memref<1x80xi32, #tpu.memory_space<vmem>>
    %dma_start3A_335 = tpu.memref_squeeze %dma_start3A_334 : memref<1x80xi32, #tpu.memory_space<vmem>> -> memref<80xi32, #tpu.memory_space<vmem>>
    %dma_start3A_336 = tpu.memref_slice %arg3[%multiple_of3A_327] : memref<320000xi32, #tpu.memory_space<hbm>> -> memref<80xi32, #tpu.memory_space<hbm>>
    tpu.enqueue_dma source(%dma_start3A_336 : memref<80xi32, #tpu.memory_space<hbm>>) target(%dma_start3A_335 : memref<80xi32, #tpu.memory_space<vmem>>) target_semaphore(%arg15 : memref<!tpu.dma_semaphore, #tpu.memory_space<semaphore_mem>>)
    %dma_start3A_337 = arith.constant 1 : i32
    %dma_start3A_338 = arith.constant 0 : i32
    %dma_start3A_339 = tpu.memref_slice %arg6[%dma_start3A_337, %dma_start3A_338] : memref<2x80xi32, #tpu.memory_space<vmem>> -> memref<1x80xi32, #tpu.memory_space<vmem>>
    %dma_start3A_340 = tpu.memref_squeeze %dma_start3A_339 : memref<1x80xi32, #tpu.memory_space<vmem>> -> memref<80xi32, #tpu.memory_space<vmem>>
    %dma_start3A_341 = tpu.memref_slice %arg4[%multiple_of3A_327] : memref<320000xi32, #tpu.memory_space<hbm>> -> memref<80xi32, #tpu.memory_space<hbm>>
    %dma_start3A_342 = arith.constant 0 : i32
    %dma_start3A_343 = tpu.memref_slice %arg6[%dma_start3A_337, %dma_start3A_342] : memref<2x80xi32, #tpu.memory_space<vmem>> -> memref<1x80xi32, #tpu.memory_space<vmem>>
    %dma_start3A_344 = tpu.memref_squeeze %dma_start3A_343 : memref<1x80xi32, #tpu.memory_space<vmem>> -> memref<80xi32, #tpu.memory_space<vmem>>
    %dma_start3A_345 = tpu.memref_slice %arg4[%multiple_of3A_327] : memref<320000xi32, #tpu.memory_space<hbm>> -> memref<80xi32, #tpu.memory_space<hbm>>
    tpu.enqueue_dma source(%dma_start3A_345 : memref<80xi32, #tpu.memory_space<hbm>>) target(%dma_start3A_344 : memref<80xi32, #tpu.memory_space<vmem>>) target_semaphore(%arg15 : memref<!tpu.dma_semaphore, #tpu.memory_space<semaphore_mem>>)
    %dma_wait3A_346 = arith.constant 0 : i32
    %dma_wait3A_347 = arith.constant 0 : i32
    %dma_wait3A_348 = tpu.memref_slice %arg9[%dma_wait3A_346, %dma_wait3A_347] : memref<2x80xi32, #tpu.memory_space<vmem>> -> memref<1x80xi32, #tpu.memory_space<vmem>>
    %dma_wait3A_349 = tpu.memref_squeeze %dma_wait3A_348 : memref<1x80xi32, #tpu.memory_space<vmem>> -> memref<80xi32, #tpu.memory_space<vmem>>
    %dma_wait3A_350 = arith.constant 0 : i32
    %dma_wait3A_351 = tpu.memref_slice %arg3[%dma_wait3A_350] : memref<320000xi32, #tpu.memory_space<hbm>> -> memref<80xi32, #tpu.memory_space<hbm>>
    %dma_wait3A_352 = arith.constant 0 : i32
    %dma_wait3A_353 = tpu.memref_slice %arg9[%dma_wait3A_346, %dma_wait3A_352] : memref<2x80xi32, #tpu.memory_space<vmem>> -> memref<1x80xi32, #tpu.memory_space<vmem>>
    %dma_wait3A_354 = tpu.memref_squeeze %dma_wait3A_353 : memref<1x80xi32, #tpu.memory_space<vmem>> -> memref<80xi32, #tpu.memory_space<vmem>>
    %dma_wait3A_355 = arith.constant 0 : i32
    %dma_wait3A_356 = tpu.memref_slice %arg3[%dma_wait3A_355] : memref<320000xi32, #tpu.memory_space<hbm>> -> memref<80xi32, #tpu.memory_space<hbm>>
    tpu.wait_dma2 semaphore(%arg18 : memref<!tpu.dma_semaphore, #tpu.memory_space<semaphore_mem>>) src(%dma_wait3A_356 : memref<80xi32, #tpu.memory_space<hbm>>) dst(%dma_wait3A_354 : memref<80xi32, #tpu.memory_space<vmem>>)
    %dma_wait3A_357 = arith.constant 1 : i32
    %dma_wait3A_358 = arith.constant 0 : i32
    %dma_wait3A_359 = tpu.memref_slice %arg9[%dma_wait3A_357, %dma_wait3A_358] : memref<2x80xi32, #tpu.memory_space<vmem>> -> memref<1x80xi32, #tpu.memory_space<vmem>>
    %dma_wait3A_360 = tpu.memref_squeeze %dma_wait3A_359 : memref<1x80xi32, #tpu.memory_space<vmem>> -> memref<80xi32, #tpu.memory_space<vmem>>
    %dma_wait3A_361 = arith.constant 0 : i32
    %dma_wait3A_362 = tpu.memref_slice %arg4[%dma_wait3A_361] : memref<320000xi32, #tpu.memory_space<hbm>> -> memref<80xi32, #tpu.memory_space<hbm>>
    %dma_wait3A_363 = arith.constant 0 : i32
    %dma_wait3A_364 = tpu.memref_slice %arg9[%dma_wait3A_357, %dma_wait3A_363] : memref<2x80xi32, #tpu.memory_space<vmem>> -> memref<1x80xi32, #tpu.memory_space<vmem>>
    %dma_wait3A_365 = tpu.memref_squeeze %dma_wait3A_364 : memref<1x80xi32, #tpu.memory_space<vmem>> -> memref<80xi32, #tpu.memory_space<vmem>>
    %dma_wait3A_366 = arith.constant 0 : i32
    %dma_wait3A_367 = tpu.memref_slice %arg4[%dma_wait3A_366] : memref<320000xi32, #tpu.memory_space<hbm>> -> memref<80xi32, #tpu.memory_space<hbm>>
    tpu.wait_dma2 semaphore(%arg18 : memref<!tpu.dma_semaphore, #tpu.memory_space<semaphore_mem>>) src(%dma_wait3A_367 : memref<80xi32, #tpu.memory_space<hbm>>) dst(%dma_wait3A_365 : memref<80xi32, #tpu.memory_space<vmem>>)
    %dma_start3A_368 = arith.constant 0 : i32
    %dma_start3A_369 = arith.constant 0 : i32
    %dma_start3A_370 = tpu.memref_slice %arg9[%dma_start3A_368, %dma_start3A_369] : memref<2x80xi32, #tpu.memory_space<vmem>> -> memref<1x80xi32, #tpu.memory_space<vmem>>
    %dma_start3A_371 = tpu.memref_squeeze %dma_start3A_370 : memref<1x80xi32, #tpu.memory_space<vmem>> -> memref<80xi32, #tpu.memory_space<vmem>>
    %dma_start3A_372 = arith.constant 0 : i32
    %dma_start3A_373 = arith.constant 0 : i32
    %dma_start3A_374 = tpu.memref_slice %arg2[%dma_start3A_372, %dma_start3A_373] : memref<10000x128xf32, #tpu.memory_space<hbm>> -> memref<10000x128xf32, #tpu.memory_space<hbm>>
    tpu.enqueue_indirect_dma source(%dma_start3A_374 : memref<10000x128xf32, #tpu.memory_space<hbm>>) target(%arg13 : memref<80x128xf32, #tpu.memory_space<vmem>>) offsets(%dma_start3A_371 : memref<80xi32, #tpu.memory_space<vmem>>) semaphore(%arg22 : memref<!tpu.dma_semaphore, #tpu.memory_space<semaphore_mem>>)
    %dma_wait3A_375 = arith.constant 0 : i32
    %dma_wait3A_376 = arith.constant 0 : i32
    %dma_wait3A_377 = tpu.memref_slice %arg8[%dma_wait3A_375, %dma_wait3A_376] : memref<2x80xi32, #tpu.memory_space<vmem>> -> memref<1x80xi32, #tpu.memory_space<vmem>>
    %dma_wait3A_378 = tpu.memref_squeeze %dma_wait3A_377 : memref<1x80xi32, #tpu.memory_space<vmem>> -> memref<80xi32, #tpu.memory_space<vmem>>
    %dma_wait3A_379 = arith.constant 0 : i32
    %dma_wait3A_380 = arith.constant 0 : i32
    %dma_wait3A_381 = tpu.memref_slice %arg2[%dma_wait3A_379, %dma_wait3A_380] : memref<10000x128xf32, #tpu.memory_space<hbm>> -> memref<10000x128xf32, #tpu.memory_space<hbm>>
    tpu.wait_indirect_dma semaphore(%arg21 : memref<!tpu.dma_semaphore, #tpu.memory_space<semaphore_mem>>) src(%dma_wait3A_381 : memref<10000x128xf32, #tpu.memory_space<hbm>>) dst(%arg12 : memref<80x128xf32, #tpu.memory_space<vmem>>)
    %dma_start3A_382 = arith.constant 1 : i32
    %dma_start3A_383 = arith.constant 0 : i32
    %dma_start3A_384 = tpu.memref_slice %arg8[%dma_start3A_382, %dma_start3A_383] : memref<2x80xi32, #tpu.memory_space<vmem>> -> memref<1x80xi32, #tpu.memory_space<vmem>>
    %dma_start3A_385 = tpu.memref_squeeze %dma_start3A_384 : memref<1x80xi32, #tpu.memory_space<vmem>> -> memref<80xi32, #tpu.memory_space<vmem>>
    %dma_start3A_386 = arith.constant 0 : i32
    %dma_start3A_387 = arith.constant 0 : i32
    %dma_start3A_388 = tpu.memref_slice %arg14[%dma_start3A_386, %dma_start3A_387] : memref<10000x128xf32, #tpu.memory_space<vmem_shared>> -> memref<10000x128xf32, #tpu.memory_space<vmem_shared>>
    tpu.enqueue_indirect_dma source(%arg12 : memref<80x128xf32, #tpu.memory_space<vmem>>) target(%dma_start3A_388 : memref<10000x128xf32, #tpu.memory_space<vmem_shared>>) offsets(%dma_start3A_385 : memref<80xi32, #tpu.memory_space<vmem>>) semaphore(%arg25 : memref<!tpu.dma_semaphore, #tpu.memory_space<semaphore_mem>>) {add = true}
    %dma_wait3A_389 = arith.constant 1 : i32
    %dma_wait3A_390 = arith.constant 0 : i32
    %dma_wait3A_391 = tpu.memref_slice %arg7[%dma_wait3A_389, %dma_wait3A_390] : memref<2x80xi32, #tpu.memory_space<vmem>> -> memref<1x80xi32, #tpu.memory_space<vmem>>
    %dma_wait3A_392 = tpu.memref_squeeze %dma_wait3A_391 : memref<1x80xi32, #tpu.memory_space<vmem>> -> memref<80xi32, #tpu.memory_space<vmem>>
    %dma_wait3A_393 = arith.constant 0 : i32
    %dma_wait3A_394 = arith.constant 0 : i32
    %dma_wait3A_395 = tpu.memref_slice %arg14[%dma_wait3A_393, %dma_wait3A_394] : memref<10000x128xf32, #tpu.memory_space<vmem_shared>> -> memref<10000x128xf32, #tpu.memory_space<vmem_shared>>
    tpu.wait_indirect_dma semaphore(%arg24 : memref<!tpu.dma_semaphore, #tpu.memory_space<semaphore_mem>>) src(%arg11 : memref<80x128xf32, #tpu.memory_space<vmem>>) dst(%dma_wait3A_395 : memref<10000x128xf32, #tpu.memory_space<vmem_shared>>)
    %add3A_396 = arith.constant 400 : i32
    %add3A_397 = arith.addi %mul3A_2, %add3A_396 : i32
    %multiple_of3A_398 = tpu.assume_multiple %add3A_397, 8 : i32
    %dma_start3A_399 = arith.constant 0 : i32
    %dma_start3A_400 = arith.constant 0 : i32
    %dma_start3A_401 = tpu.memref_slice %arg7[%dma_start3A_399, %dma_start3A_400] : memref<2x80xi32, #tpu.memory_space<vmem>> -> memref<1x80xi32, #tpu.memory_space<vmem>>
    %dma_start3A_402 = tpu.memref_squeeze %dma_start3A_401 : memref<1x80xi32, #tpu.memory_space<vmem>> -> memref<80xi32, #tpu.memory_space<vmem>>
    %dma_start3A_403 = tpu.memref_slice %arg3[%multiple_of3A_398] : memref<320000xi32, #tpu.memory_space<hbm>> -> memref<80xi32, #tpu.memory_space<hbm>>
    %dma_start3A_404 = arith.constant 0 : i32
    %dma_start3A_405 = tpu.memref_slice %arg7[%dma_start3A_399, %dma_start3A_404] : memref<2x80xi32, #tpu.memory_space<vmem>> -> memref<1x80xi32, #tpu.memory_space<vmem>>
    %dma_start3A_406 = tpu.memref_squeeze %dma_start3A_405 : memref<1x80xi32, #tpu.memory_space<vmem>> -> memref<80xi32, #tpu.memory_space<vmem>>
    %dma_start3A_407 = tpu.memref_slice %arg3[%multiple_of3A_398] : memref<320000xi32, #tpu.memory_space<hbm>> -> memref<80xi32, #tpu.memory_space<hbm>>
    tpu.enqueue_dma source(%dma_start3A_407 : memref<80xi32, #tpu.memory_space<hbm>>) target(%dma_start3A_406 : memref<80xi32, #tpu.memory_space<vmem>>) target_semaphore(%arg16 : memref<!tpu.dma_semaphore, #tpu.memory_space<semaphore_mem>>)
    %dma_start3A_408 = arith.constant 1 : i32
    %dma_start3A_409 = arith.constant 0 : i32
    %dma_start3A_410 = tpu.memref_slice %arg7[%dma_start3A_408, %dma_start3A_409] : memref<2x80xi32, #tpu.memory_space<vmem>> -> memref<1x80xi32, #tpu.memory_space<vmem>>
    %dma_start3A_411 = tpu.memref_squeeze %dma_start3A_410 : memref<1x80xi32, #tpu.memory_space<vmem>> -> memref<80xi32, #tpu.memory_space<vmem>>
    %dma_start3A_412 = tpu.memref_slice %arg4[%multiple_of3A_398] : memref<320000xi32, #tpu.memory_space<hbm>> -> memref<80xi32, #tpu.memory_space<hbm>>
    %dma_start3A_413 = arith.constant 0 : i32
    %dma_start3A_414 = tpu.memref_slice %arg7[%dma_start3A_408, %dma_start3A_413] : memref<2x80xi32, #tpu.memory_space<vmem>> -> memref<1x80xi32, #tpu.memory_space<vmem>>
    %dma_start3A_415 = tpu.memref_squeeze %dma_start3A_414 : memref<1x80xi32, #tpu.memory_space<vmem>> -> memref<80xi32, #tpu.memory_space<vmem>>
    %dma_start3A_416 = tpu.memref_slice %arg4[%multiple_of3A_398] : memref<320000xi32, #tpu.memory_space<hbm>> -> memref<80xi32, #tpu.memory_space<hbm>>
    tpu.enqueue_dma source(%dma_start3A_416 : memref<80xi32, #tpu.memory_space<hbm>>) target(%dma_start3A_415 : memref<80xi32, #tpu.memory_space<vmem>>) target_semaphore(%arg16 : memref<!tpu.dma_semaphore, #tpu.memory_space<semaphore_mem>>)
    %scan3A_417 = arith.constant 0 : i32
    %scan3A_418 = arith.constant 0 : i32
    %scan3A_419 = arith.constant 1 : i32
    %scan3A_420 = arith.constant 0 : i32
    %scan3A_421 = arith.constant 1 : i32
    %scan3A_422 = arith.constant 1 : i32
    %scan3A_423 = arith.constant 0 : i32
    %scan3A_424 = arith.constant 0 : i32
    %scan3A_425 = arith.constant 1 : i32
    %scan3A_426 = arith.constant 0 : i32
    %scan3A_427 = arith.constant 30 : i32
    %scan3A_428 = arith.addi %scan3A_426, %scan3A_427 : i32
    %scan3A_429 = arith.constant 1 : i32
    scf.for %scan3A_537 = %scan3A_426 to %scan3A_428 step %scan3A_429  : i32 {
      %mul3A_538 = arith.constant 4 : i32
      %mul3A_539 = arith.muli %mul3A_538, %scan3A_537 : i32
      %add3A_540 = arith.constant 3 : i32
      %add3A_541 = arith.addi %add3A_540, %mul3A_539 : i32
      %add3A_542 = arith.constant 0 : i32
      %add3A_543 = arith.addi %add3A_541, %add3A_542 : i32
      %dma_wait3A_544 = arith.constant 0 : i32
      %dma_wait3A_545 = tpu.memref_slice %arg6[%scan3A_418, %dma_wait3A_544] : memref<2x80xi32, #tpu.memory_space<vmem>> -> memref<1x80xi32, #tpu.memory_space<vmem>>
      %dma_wait3A_546 = tpu.memref_squeeze %dma_wait3A_545 : memref<1x80xi32, #tpu.memory_space<vmem>> -> memref<80xi32, #tpu.memory_space<vmem>>
      %dma_wait3A_547 = arith.constant 0 : i32
      %dma_wait3A_548 = tpu.memref_slice %arg3[%dma_wait3A_547] : memref<320000xi32, #tpu.memory_space<hbm>> -> memref<80xi32, #tpu.memory_space<hbm>>
      %dma_wait3A_549 = arith.constant 0 : i32
      %dma_wait3A_550 = tpu.memref_slice %arg6[%scan3A_418, %dma_wait3A_549] : memref<2x80xi32, #tpu.memory_space<vmem>> -> memref<1x80xi32, #tpu.memory_space<vmem>>
      %dma_wait3A_551 = tpu.memref_squeeze %dma_wait3A_550 : memref<1x80xi32, #tpu.memory_space<vmem>> -> memref<80xi32, #tpu.memory_space<vmem>>
      %dma_wait3A_552 = arith.constant 0 : i32
      %dma_wait3A_553 = tpu.memref_slice %arg3[%dma_wait3A_552] : memref<320000xi32, #tpu.memory_space<hbm>> -> memref<80xi32, #tpu.memory_space<hbm>>
      tpu.wait_dma2 semaphore(%arg15 : memref<!tpu.dma_semaphore, #tpu.memory_space<semaphore_mem>>) src(%dma_wait3A_553 : memref<80xi32, #tpu.memory_space<hbm>>) dst(%dma_wait3A_551 : memref<80xi32, #tpu.memory_space<vmem>>)
      %dma_wait3A_554 = arith.constant 0 : i32
      %dma_wait3A_555 = tpu.memref_slice %arg6[%scan3A_419, %dma_wait3A_554] : memref<2x80xi32, #tpu.memory_space<vmem>> -> memref<1x80xi32, #tpu.memory_space<vmem>>
      %dma_wait3A_556 = tpu.memref_squeeze %dma_wait3A_555 : memref<1x80xi32, #tpu.memory_space<vmem>> -> memref<80xi32, #tpu.memory_space<vmem>>
      %dma_wait3A_557 = arith.constant 0 : i32
      %dma_wait3A_558 = tpu.memref_slice %arg4[%dma_wait3A_557] : memref<320000xi32, #tpu.memory_space<hbm>> -> memref<80xi32, #tpu.memory_space<hbm>>
      %dma_wait3A_559 = arith.constant 0 : i32
      %dma_wait3A_560 = tpu.memref_slice %arg6[%scan3A_419, %dma_wait3A_559] : memref<2x80xi32, #tpu.memory_space<vmem>> -> memref<1x80xi32, #tpu.memory_space<vmem>>
      %dma_wait3A_561 = tpu.memref_squeeze %dma_wait3A_560 : memref<1x80xi32, #tpu.memory_space<vmem>> -> memref<80xi32, #tpu.memory_space<vmem>>
      %dma_wait3A_562 = arith.constant 0 : i32
      %dma_wait3A_563 = tpu.memref_slice %arg4[%dma_wait3A_562] : memref<320000xi32, #tpu.memory_space<hbm>> -> memref<80xi32, #tpu.memory_space<hbm>>
      tpu.wait_dma2 semaphore(%arg15 : memref<!tpu.dma_semaphore, #tpu.memory_space<semaphore_mem>>) src(%dma_wait3A_563 : memref<80xi32, #tpu.memory_space<hbm>>) dst(%dma_wait3A_561 : memref<80xi32, #tpu.memory_space<vmem>>)
      %add3A_564 = arith.constant 1 : i32
      %add3A_565 = arith.addi %add3A_543, %add3A_564 : i32
      %dma_start3A_566 = arith.constant 0 : i32
      %dma_start3A_567 = tpu.memref_slice %arg6[%scan3A_418, %dma_start3A_566] : memref<2x80xi32, #tpu.memory_space<vmem>> -> memref<1x80xi32, #tpu.memory_space<vmem>>
      %dma_start3A_568 = tpu.memref_squeeze %dma_start3A_567 : memref<1x80xi32, #tpu.memory_space<vmem>> -> memref<80xi32, #tpu.memory_space<vmem>>
      %dma_start3A_569 = arith.constant 0 : i32
      %dma_start3A_570 = arith.constant 0 : i32
      %dma_start3A_571 = tpu.memref_slice %arg2[%dma_start3A_569, %dma_start3A_570] : memref<10000x128xf32, #tpu.memory_space<hbm>> -> memref<10000x128xf32, #tpu.memory_space<hbm>>
      tpu.enqueue_indirect_dma source(%dma_start3A_571 : memref<10000x128xf32, #tpu.memory_space<hbm>>) target(%arg10 : memref<80x128xf32, #tpu.memory_space<vmem>>) offsets(%dma_start3A_568 : memref<80xi32, #tpu.memory_space<vmem>>) semaphore(%arg19 : memref<!tpu.dma_semaphore, #tpu.memory_space<semaphore_mem>>)
      %dma_wait3A_572 = arith.constant 0 : i32
      %dma_wait3A_573 = tpu.memref_slice %arg9[%scan3A_420, %dma_wait3A_572] : memref<2x80xi32, #tpu.memory_space<vmem>> -> memref<1x80xi32, #tpu.memory_space<vmem>>
      %dma_wait3A_574 = tpu.memref_squeeze %dma_wait3A_573 : memref<1x80xi32, #tpu.memory_space<vmem>> -> memref<80xi32, #tpu.memory_space<vmem>>
      %dma_wait3A_575 = arith.constant 0 : i32
      %dma_wait3A_576 = arith.constant 0 : i32
      %dma_wait3A_577 = tpu.memref_slice %arg2[%dma_wait3A_575, %dma_wait3A_576] : memref<10000x128xf32, #tpu.memory_space<hbm>> -> memref<10000x128xf32, #tpu.memory_space<hbm>>
      tpu.wait_indirect_dma semaphore(%arg22 : memref<!tpu.dma_semaphore, #tpu.memory_space<semaphore_mem>>) src(%dma_wait3A_577 : memref<10000x128xf32, #tpu.memory_space<hbm>>) dst(%arg13 : memref<80x128xf32, #tpu.memory_space<vmem>>)
      %dma_start3A_578 = arith.constant 0 : i32
      %dma_start3A_579 = tpu.memref_slice %arg9[%scan3A_421, %dma_start3A_578] : memref<2x80xi32, #tpu.memory_space<vmem>> -> memref<1x80xi32, #tpu.memory_space<vmem>>
      %dma_start3A_580 = tpu.memref_squeeze %dma_start3A_579 : memref<1x80xi32, #tpu.memory_space<vmem>> -> memref<80xi32, #tpu.memory_space<vmem>>
      %dma_start3A_581 = arith.constant 0 : i32
      %dma_start3A_582 = arith.constant 0 : i32
      %dma_start3A_583 = tpu.memref_slice %arg14[%dma_start3A_581, %dma_start3A_582] : memref<10000x128xf32, #tpu.memory_space<vmem_shared>> -> memref<10000x128xf32, #tpu.memory_space<vmem_shared>>
      tpu.enqueue_indirect_dma source(%arg13 : memref<80x128xf32, #tpu.memory_space<vmem>>) target(%dma_start3A_583 : memref<10000x128xf32, #tpu.memory_space<vmem_shared>>) offsets(%dma_start3A_580 : memref<80xi32, #tpu.memory_space<vmem>>) semaphore(%arg26 : memref<!tpu.dma_semaphore, #tpu.memory_space<semaphore_mem>>) {add = true}
      %dma_wait3A_584 = arith.constant 0 : i32
      %dma_wait3A_585 = tpu.memref_slice %arg8[%scan3A_422, %dma_wait3A_584] : memref<2x80xi32, #tpu.memory_space<vmem>> -> memref<1x80xi32, #tpu.memory_space<vmem>>
      %dma_wait3A_586 = tpu.memref_squeeze %dma_wait3A_585 : memref<1x80xi32, #tpu.memory_space<vmem>> -> memref<80xi32, #tpu.memory_space<vmem>>
      %dma_wait3A_587 = arith.constant 0 : i32
      %dma_wait3A_588 = arith.constant 0 : i32
      %dma_wait3A_589 = tpu.memref_slice %arg14[%dma_wait3A_587, %dma_wait3A_588] : memref<10000x128xf32, #tpu.memory_space<vmem_shared>> -> memref<10000x128xf32, #tpu.memory_space<vmem_shared>>
      tpu.wait_indirect_dma semaphore(%arg25 : memref<!tpu.dma_semaphore, #tpu.memory_space<semaphore_mem>>) src(%arg12 : memref<80x128xf32, #tpu.memory_space<vmem>>) dst(%dma_wait3A_589 : memref<10000x128xf32, #tpu.memory_space<vmem_shared>>)
      %add3A_590 = arith.constant 3 : i32
      %add3A_591 = arith.addi %add3A_543, %add3A_590 : i32
      %min3A = arith.constant 124 : i32
      %min3A_592 = arith.minsi %add3A_591, %min3A : i32
      %mul3A_593 = arith.constant 80 : i32
      %mul3A_594 = arith.muli %min3A_592, %mul3A_593 : i32
      %add3A_595 = arith.addi %mul3A_2, %mul3A_594 : i32
      %multiple_of3A_596 = tpu.assume_multiple %add3A_595, 8 : i32
      %dma_start3A_597 = arith.constant 0 : i32
      %dma_start3A_598 = tpu.memref_slice %arg8[%scan3A_423, %dma_start3A_597] : memref<2x80xi32, #tpu.memory_space<vmem>> -> memref<1x80xi32, #tpu.memory_space<vmem>>
      %dma_start3A_599 = tpu.memref_squeeze %dma_start3A_598 : memref<1x80xi32, #tpu.memory_space<vmem>> -> memref<80xi32, #tpu.memory_space<vmem>>
      %dma_start3A_600 = tpu.memref_slice %arg3[%multiple_of3A_596] : memref<320000xi32, #tpu.memory_space<hbm>> -> memref<80xi32, #tpu.memory_space<hbm>>
      %dma_start3A_601 = arith.constant 0 : i32
      %dma_start3A_602 = tpu.memref_slice %arg8[%scan3A_423, %dma_start3A_601] : memref<2x80xi32, #tpu.memory_space<vmem>> -> memref<1x80xi32, #tpu.memory_space<vmem>>
      %dma_start3A_603 = tpu.memref_squeeze %dma_start3A_602 : memref<1x80xi32, #tpu.memory_space<vmem>> -> memref<80xi32, #tpu.memory_space<vmem>>
      %dma_start3A_604 = tpu.memref_slice %arg3[%multiple_of3A_596] : memref<320000xi32, #tpu.memory_space<hbm>> -> memref<80xi32, #tpu.memory_space<hbm>>
      tpu.enqueue_dma source(%dma_start3A_604 : memref<80xi32, #tpu.memory_space<hbm>>) target(%dma_start3A_603 : memref<80xi32, #tpu.memory_space<vmem>>) target_semaphore(%arg17 : memref<!tpu.dma_semaphore, #tpu.memory_space<semaphore_mem>>)
      %dma_start3A_605 = arith.constant 0 : i32
      %dma_start3A_606 = tpu.memref_slice %arg8[%scan3A_422, %dma_start3A_605] : memref<2x80xi32, #tpu.memory_space<vmem>> -> memref<1x80xi32, #tpu.memory_space<vmem>>
      %dma_start3A_607 = tpu.memref_squeeze %dma_start3A_606 : memref<1x80xi32, #tpu.memory_space<vmem>> -> memref<80xi32, #tpu.memory_space<vmem>>
      %dma_start3A_608 = tpu.memref_slice %arg4[%multiple_of3A_596] : memref<320000xi32, #tpu.memory_space<hbm>> -> memref<80xi32, #tpu.memory_space<hbm>>
      %dma_start3A_609 = arith.constant 0 : i32
      %dma_start3A_610 = tpu.memref_slice %arg8[%scan3A_422, %dma_start3A_609] : memref<2x80xi32, #tpu.memory_space<vmem>> -> memref<1x80xi32, #tpu.memory_space<vmem>>
      %dma_start3A_611 = tpu.memref_squeeze %dma_start3A_610 : memref<1x80xi32, #tpu.memory_space<vmem>> -> memref<80xi32, #tpu.memory_space<vmem>>
      %dma_start3A_612 = tpu.memref_slice %arg4[%multiple_of3A_596] : memref<320000xi32, #tpu.memory_space<hbm>> -> memref<80xi32, #tpu.memory_space<hbm>>
      tpu.enqueue_dma source(%dma_start3A_612 : memref<80xi32, #tpu.memory_space<hbm>>) target(%dma_start3A_611 : memref<80xi32, #tpu.memory_space<vmem>>) target_semaphore(%arg17 : memref<!tpu.dma_semaphore, #tpu.memory_space<semaphore_mem>>)
      %add3A_613 = arith.constant 1 : i32
      %add3A_614 = arith.addi %add3A_541, %add3A_613 : i32
      %dma_wait3A_615 = arith.constant 0 : i32
      %dma_wait3A_616 = tpu.memref_slice %arg7[%scan3A_424, %dma_wait3A_615] : memref<2x80xi32, #tpu.memory_space<vmem>> -> memref<1x80xi32, #tpu.memory_space<vmem>>
      %dma_wait3A_617 = tpu.memref_squeeze %dma_wait3A_616 : memref<1x80xi32, #tpu.memory_space<vmem>> -> memref<80xi32, #tpu.memory_space<vmem>>
      %dma_wait3A_618 = arith.constant 0 : i32
      %dma_wait3A_619 = tpu.memref_slice %arg3[%dma_wait3A_618] : memref<320000xi32, #tpu.memory_space<hbm>> -> memref<80xi32, #tpu.memory_space<hbm>>
      %dma_wait3A_620 = arith.constant 0 : i32
      %dma_wait3A_621 = tpu.memref_slice %arg7[%scan3A_424, %dma_wait3A_620] : memref<2x80xi32, #tpu.memory_space<vmem>> -> memref<1x80xi32, #tpu.memory_space<vmem>>
      %dma_wait3A_622 = tpu.memref_squeeze %dma_wait3A_621 : memref<1x80xi32, #tpu.memory_space<vmem>> -> memref<80xi32, #tpu.memory_space<vmem>>
      %dma_wait3A_623 = arith.constant 0 : i32
      %dma_wait3A_624 = tpu.memref_slice %arg3[%dma_wait3A_623] : memref<320000xi32, #tpu.memory_space<hbm>> -> memref<80xi32, #tpu.memory_space<hbm>>
      tpu.wait_dma2 semaphore(%arg16 : memref<!tpu.dma_semaphore, #tpu.memory_space<semaphore_mem>>) src(%dma_wait3A_624 : memref<80xi32, #tpu.memory_space<hbm>>) dst(%dma_wait3A_622 : memref<80xi32, #tpu.memory_space<vmem>>)
      %dma_wait3A_625 = arith.constant 0 : i32
      %dma_wait3A_626 = tpu.memref_slice %arg7[%scan3A_425, %dma_wait3A_625] : memref<2x80xi32, #tpu.memory_space<vmem>> -> memref<1x80xi32, #tpu.memory_space<vmem>>
      %dma_wait3A_627 = tpu.memref_squeeze %dma_wait3A_626 : memref<1x80xi32, #tpu.memory_space<vmem>> -> memref<80xi32, #tpu.memory_space<vmem>>
      %dma_wait3A_628 = arith.constant 0 : i32
      %dma_wait3A_629 = tpu.memref_slice %arg4[%dma_wait3A_628] : memref<320000xi32, #tpu.memory_space<hbm>> -> memref<80xi32, #tpu.memory_space<hbm>>
      %dma_wait3A_630 = arith.constant 0 : i32
      %dma_wait3A_631 = tpu.memref_slice %arg7[%scan3A_425, %dma_wait3A_630] : memref<2x80xi32, #tpu.memory_space<vmem>> -> memref<1x80xi32, #tpu.memory_space<vmem>>
      %dma_wait3A_632 = tpu.memref_squeeze %dma_wait3A_631 : memref<1x80xi32, #tpu.memory_space<vmem>> -> memref<80xi32, #tpu.memory_space<vmem>>
      %dma_wait3A_633 = arith.constant 0 : i32
      %dma_wait3A_634 = tpu.memref_slice %arg4[%dma_wait3A_633] : memref<320000xi32, #tpu.memory_space<hbm>> -> memref<80xi32, #tpu.memory_space<hbm>>
      tpu.wait_dma2 semaphore(%arg16 : memref<!tpu.dma_semaphore, #tpu.memory_space<semaphore_mem>>) src(%dma_wait3A_634 : memref<80xi32, #tpu.memory_space<hbm>>) dst(%dma_wait3A_632 : memref<80xi32, #tpu.memory_space<vmem>>)
      %add3A_635 = arith.constant 1 : i32
      %add3A_636 = arith.addi %add3A_614, %add3A_635 : i32
      %dma_start3A_637 = arith.constant 0 : i32
      %dma_start3A_638 = tpu.memref_slice %arg7[%scan3A_424, %dma_start3A_637] : memref<2x80xi32, #tpu.memory_space<vmem>> -> memref<1x80xi32, #tpu.memory_space<vmem>>
      %dma_start3A_639 = tpu.memref_squeeze %dma_start3A_638 : memref<1x80xi32, #tpu.memory_space<vmem>> -> memref<80xi32, #tpu.memory_space<vmem>>
      %dma_start3A_640 = arith.constant 0 : i32
      %dma_start3A_641 = arith.constant 0 : i32
      %dma_start3A_642 = tpu.memref_slice %arg2[%dma_start3A_640, %dma_start3A_641] : memref<10000x128xf32, #tpu.memory_space<hbm>> -> memref<10000x128xf32, #tpu.memory_space<hbm>>
      tpu.enqueue_indirect_dma source(%dma_start3A_642 : memref<10000x128xf32, #tpu.memory_space<hbm>>) target(%arg11 : memref<80x128xf32, #tpu.memory_space<vmem>>) offsets(%dma_start3A_639 : memref<80xi32, #tpu.memory_space<vmem>>) semaphore(%arg20 : memref<!tpu.dma_semaphore, #tpu.memory_space<semaphore_mem>>)
      %dma_wait3A_643 = arith.constant 0 : i32
      %dma_wait3A_644 = tpu.memref_slice %arg6[%scan3A_418, %dma_wait3A_643] : memref<2x80xi32, #tpu.memory_space<vmem>> -> memref<1x80xi32, #tpu.memory_space<vmem>>
      %dma_wait3A_645 = tpu.memref_squeeze %dma_wait3A_644 : memref<1x80xi32, #tpu.memory_space<vmem>> -> memref<80xi32, #tpu.memory_space<vmem>>
      %dma_wait3A_646 = arith.constant 0 : i32
      %dma_wait3A_647 = arith.constant 0 : i32
      %dma_wait3A_648 = tpu.memref_slice %arg2[%dma_wait3A_646, %dma_wait3A_647] : memref<10000x128xf32, #tpu.memory_space<hbm>> -> memref<10000x128xf32, #tpu.memory_space<hbm>>
      tpu.wait_indirect_dma semaphore(%arg19 : memref<!tpu.dma_semaphore, #tpu.memory_space<semaphore_mem>>) src(%dma_wait3A_648 : memref<10000x128xf32, #tpu.memory_space<hbm>>) dst(%arg10 : memref<80x128xf32, #tpu.memory_space<vmem>>)
      %dma_start3A_649 = arith.constant 0 : i32
      %dma_start3A_650 = tpu.memref_slice %arg6[%scan3A_419, %dma_start3A_649] : memref<2x80xi32, #tpu.memory_space<vmem>> -> memref<1x80xi32, #tpu.memory_space<vmem>>
      %dma_start3A_651 = tpu.memref_squeeze %dma_start3A_650 : memref<1x80xi32, #tpu.memory_space<vmem>> -> memref<80xi32, #tpu.memory_space<vmem>>
      %dma_start3A_652 = arith.constant 0 : i32
      %dma_start3A_653 = arith.constant 0 : i32
      %dma_start3A_654 = tpu.memref_slice %arg14[%dma_start3A_652, %dma_start3A_653] : memref<10000x128xf32, #tpu.memory_space<vmem_shared>> -> memref<10000x128xf32, #tpu.memory_space<vmem_shared>>
      tpu.enqueue_indirect_dma source(%arg10 : memref<80x128xf32, #tpu.memory_space<vmem>>) target(%dma_start3A_654 : memref<10000x128xf32, #tpu.memory_space<vmem_shared>>) offsets(%dma_start3A_651 : memref<80xi32, #tpu.memory_space<vmem>>) semaphore(%arg23 : memref<!tpu.dma_semaphore, #tpu.memory_space<semaphore_mem>>) {add = true}
      %dma_wait3A_655 = arith.constant 0 : i32
      %dma_wait3A_656 = tpu.memref_slice %arg9[%scan3A_421, %dma_wait3A_655] : memref<2x80xi32, #tpu.memory_space<vmem>> -> memref<1x80xi32, #tpu.memory_space<vmem>>
      %dma_wait3A_657 = tpu.memref_squeeze %dma_wait3A_656 : memref<1x80xi32, #tpu.memory_space<vmem>> -> memref<80xi32, #tpu.memory_space<vmem>>
      %dma_wait3A_658 = arith.constant 0 : i32
      %dma_wait3A_659 = arith.constant 0 : i32
      %dma_wait3A_660 = tpu.memref_slice %arg14[%dma_wait3A_658, %dma_wait3A_659] : memref<10000x128xf32, #tpu.memory_space<vmem_shared>> -> memref<10000x128xf32, #tpu.memory_space<vmem_shared>>
      tpu.wait_indirect_dma semaphore(%arg26 : memref<!tpu.dma_semaphore, #tpu.memory_space<semaphore_mem>>) src(%arg13 : memref<80x128xf32, #tpu.memory_space<vmem>>) dst(%dma_wait3A_660 : memref<10000x128xf32, #tpu.memory_space<vmem_shared>>)
      %add3A_661 = arith.constant 3 : i32
      %add3A_662 = arith.addi %add3A_614, %add3A_661 : i32
      %min3A_663 = arith.constant 124 : i32
      %min3A_664 = arith.minsi %add3A_662, %min3A_663 : i32
      %mul3A_665 = arith.constant 80 : i32
      %mul3A_666 = arith.muli %min3A_664, %mul3A_665 : i32
      %add3A_667 = arith.addi %mul3A_2, %mul3A_666 : i32
      %multiple_of3A_668 = tpu.assume_multiple %add3A_667, 8 : i32
      %dma_start3A_669 = arith.constant 0 : i32
      %dma_start3A_670 = tpu.memref_slice %arg9[%scan3A_420, %dma_start3A_669] : memref<2x80xi32, #tpu.memory_space<vmem>> -> memref<1x80xi32, #tpu.memory_space<vmem>>
      %dma_start3A_671 = tpu.memref_squeeze %dma_start3A_670 : memref<1x80xi32, #tpu.memory_space<vmem>> -> memref<80xi32, #tpu.memory_space<vmem>>
      %dma_start3A_672 = tpu.memref_slice %arg3[%multiple_of3A_668] : memref<320000xi32, #tpu.memory_space<hbm>> -> memref<80xi32, #tpu.memory_space<hbm>>
      %dma_start3A_673 = arith.constant 0 : i32
      %dma_start3A_674 = tpu.memref_slice %arg9[%scan3A_420, %dma_start3A_673] : memref<2x80xi32, #tpu.memory_space<vmem>> -> memref<1x80xi32, #tpu.memory_space<vmem>>
      %dma_start3A_675 = tpu.memref_squeeze %dma_start3A_674 : memref<1x80xi32, #tpu.memory_space<vmem>> -> memref<80xi32, #tpu.memory_space<vmem>>
      %dma_start3A_676 = tpu.memref_slice %arg3[%multiple_of3A_668] : memref<320000xi32, #tpu.memory_space<hbm>> -> memref<80xi32, #tpu.memory_space<hbm>>
      tpu.enqueue_dma source(%dma_start3A_676 : memref<80xi32, #tpu.memory_space<hbm>>) target(%dma_start3A_675 : memref<80xi32, #tpu.memory_space<vmem>>) target_semaphore(%arg18 : memref<!tpu.dma_semaphore, #tpu.memory_space<semaphore_mem>>)
      %dma_start3A_677 = arith.constant 0 : i32
      %dma_start3A_678 = tpu.memref_slice %arg9[%scan3A_421, %dma_start3A_677] : memref<2x80xi32, #tpu.memory_space<vmem>> -> memref<1x80xi32, #tpu.memory_space<vmem>>
      %dma_start3A_679 = tpu.memref_squeeze %dma_start3A_678 : memref<1x80xi32, #tpu.memory_space<vmem>> -> memref<80xi32, #tpu.memory_space<vmem>>
      %dma_start3A_680 = tpu.memref_slice %arg4[%multiple_of3A_668] : memref<320000xi32, #tpu.memory_space<hbm>> -> memref<80xi32, #tpu.memory_space<hbm>>
      %dma_start3A_681 = arith.constant 0 : i32
      %dma_start3A_682 = tpu.memref_slice %arg9[%scan3A_421, %dma_start3A_681] : memref<2x80xi32, #tpu.memory_space<vmem>> -> memref<1x80xi32, #tpu.memory_space<vmem>>
      %dma_start3A_683 = tpu.memref_squeeze %dma_start3A_682 : memref<1x80xi32, #tpu.memory_space<vmem>> -> memref<80xi32, #tpu.memory_space<vmem>>
      %dma_start3A_684 = tpu.memref_slice %arg4[%multiple_of3A_668] : memref<320000xi32, #tpu.memory_space<hbm>> -> memref<80xi32, #tpu.memory_space<hbm>>
      tpu.enqueue_dma source(%dma_start3A_684 : memref<80xi32, #tpu.memory_space<hbm>>) target(%dma_start3A_683 : memref<80xi32, #tpu.memory_space<vmem>>) target_semaphore(%arg18 : memref<!tpu.dma_semaphore, #tpu.memory_space<semaphore_mem>>)
      %add3A_685 = arith.constant 2 : i32
      %add3A_686 = arith.addi %add3A_541, %add3A_685 : i32
      %dma_wait3A_687 = arith.constant 0 : i32
      %dma_wait3A_688 = tpu.memref_slice %arg8[%scan3A_423, %dma_wait3A_687] : memref<2x80xi32, #tpu.memory_space<vmem>> -> memref<1x80xi32, #tpu.memory_space<vmem>>
      %dma_wait3A_689 = tpu.memref_squeeze %dma_wait3A_688 : memref<1x80xi32, #tpu.memory_space<vmem>> -> memref<80xi32, #tpu.memory_space<vmem>>
      %dma_wait3A_690 = arith.constant 0 : i32
      %dma_wait3A_691 = tpu.memref_slice %arg3[%dma_wait3A_690] : memref<320000xi32, #tpu.memory_space<hbm>> -> memref<80xi32, #tpu.memory_space<hbm>>
      %dma_wait3A_692 = arith.constant 0 : i32
      %dma_wait3A_693 = tpu.memref_slice %arg8[%scan3A_423, %dma_wait3A_692] : memref<2x80xi32, #tpu.memory_space<vmem>> -> memref<1x80xi32, #tpu.memory_space<vmem>>
      %dma_wait3A_694 = tpu.memref_squeeze %dma_wait3A_693 : memref<1x80xi32, #tpu.memory_space<vmem>> -> memref<80xi32, #tpu.memory_space<vmem>>
      %dma_wait3A_695 = arith.constant 0 : i32
      %dma_wait3A_696 = tpu.memref_slice %arg3[%dma_wait3A_695] : memref<320000xi32, #tpu.memory_space<hbm>> -> memref<80xi32, #tpu.memory_space<hbm>>
      tpu.wait_dma2 semaphore(%arg17 : memref<!tpu.dma_semaphore, #tpu.memory_space<semaphore_mem>>) src(%dma_wait3A_696 : memref<80xi32, #tpu.memory_space<hbm>>) dst(%dma_wait3A_694 : memref<80xi32, #tpu.memory_space<vmem>>)
      %dma_wait3A_697 = arith.constant 0 : i32
      %dma_wait3A_698 = tpu.memref_slice %arg8[%scan3A_422, %dma_wait3A_697] : memref<2x80xi32, #tpu.memory_space<vmem>> -> memref<1x80xi32, #tpu.memory_space<vmem>>
      %dma_wait3A_699 = tpu.memref_squeeze %dma_wait3A_698 : memref<1x80xi32, #tpu.memory_space<vmem>> -> memref<80xi32, #tpu.memory_space<vmem>>
      %dma_wait3A_700 = arith.constant 0 : i32
      %dma_wait3A_701 = tpu.memref_slice %arg4[%dma_wait3A_700] : memref<320000xi32, #tpu.memory_space<hbm>> -> memref<80xi32, #tpu.memory_space<hbm>>
      %dma_wait3A_702 = arith.constant 0 : i32
      %dma_wait3A_703 = tpu.memref_slice %arg8[%scan3A_422, %dma_wait3A_702] : memref<2x80xi32, #tpu.memory_space<vmem>> -> memref<1x80xi32, #tpu.memory_space<vmem>>
      %dma_wait3A_704 = tpu.memref_squeeze %dma_wait3A_703 : memref<1x80xi32, #tpu.memory_space<vmem>> -> memref<80xi32, #tpu.memory_space<vmem>>
      %dma_wait3A_705 = arith.constant 0 : i32
      %dma_wait3A_706 = tpu.memref_slice %arg4[%dma_wait3A_705] : memref<320000xi32, #tpu.memory_space<hbm>> -> memref<80xi32, #tpu.memory_space<hbm>>
      tpu.wait_dma2 semaphore(%arg17 : memref<!tpu.dma_semaphore, #tpu.memory_space<semaphore_mem>>) src(%dma_wait3A_706 : memref<80xi32, #tpu.memory_space<hbm>>) dst(%dma_wait3A_704 : memref<80xi32, #tpu.memory_space<vmem>>)
      %add3A_707 = arith.constant 1 : i32
      %add3A_708 = arith.addi %add3A_686, %add3A_707 : i32
      %dma_start3A_709 = arith.constant 0 : i32
      %dma_start3A_710 = tpu.memref_slice %arg8[%scan3A_423, %dma_start3A_709] : memref<2x80xi32, #tpu.memory_space<vmem>> -> memref<1x80xi32, #tpu.memory_space<vmem>>
      %dma_start3A_711 = tpu.memref_squeeze %dma_start3A_710 : memref<1x80xi32, #tpu.memory_space<vmem>> -> memref<80xi32, #tpu.memory_space<vmem>>
      %dma_start3A_712 = arith.constant 0 : i32
      %dma_start3A_713 = arith.constant 0 : i32
      %dma_start3A_714 = tpu.memref_slice %arg2[%dma_start3A_712, %dma_start3A_713] : memref<10000x128xf32, #tpu.memory_space<hbm>> -> memref<10000x128xf32, #tpu.memory_space<hbm>>
      tpu.enqueue_indirect_dma source(%dma_start3A_714 : memref<10000x128xf32, #tpu.memory_space<hbm>>) target(%arg12 : memref<80x128xf32, #tpu.memory_space<vmem>>) offsets(%dma_start3A_711 : memref<80xi32, #tpu.memory_space<vmem>>) semaphore(%arg21 : memref<!tpu.dma_semaphore, #tpu.memory_space<semaphore_mem>>)
      %dma_wait3A_715 = arith.constant 0 : i32
      %dma_wait3A_716 = tpu.memref_slice %arg7[%scan3A_424, %dma_wait3A_715] : memref<2x80xi32, #tpu.memory_space<vmem>> -> memref<1x80xi32, #tpu.memory_space<vmem>>
      %dma_wait3A_717 = tpu.memref_squeeze %dma_wait3A_716 : memref<1x80xi32, #tpu.memory_space<vmem>> -> memref<80xi32, #tpu.memory_space<vmem>>
      %dma_wait3A_718 = arith.constant 0 : i32
      %dma_wait3A_719 = arith.constant 0 : i32
      %dma_wait3A_720 = tpu.memref_slice %arg2[%dma_wait3A_718, %dma_wait3A_719] : memref<10000x128xf32, #tpu.memory_space<hbm>> -> memref<10000x128xf32, #tpu.memory_space<hbm>>
      tpu.wait_indirect_dma semaphore(%arg20 : memref<!tpu.dma_semaphore, #tpu.memory_space<semaphore_mem>>) src(%dma_wait3A_720 : memref<10000x128xf32, #tpu.memory_space<hbm>>) dst(%arg11 : memref<80x128xf32, #tpu.memory_space<vmem>>)
      %dma_start3A_721 = arith.constant 0 : i32
      %dma_start3A_722 = tpu.memref_slice %arg7[%scan3A_425, %dma_start3A_721] : memref<2x80xi32, #tpu.memory_space<vmem>> -> memref<1x80xi32, #tpu.memory_space<vmem>>
      %dma_start3A_723 = tpu.memref_squeeze %dma_start3A_722 : memref<1x80xi32, #tpu.memory_space<vmem>> -> memref<80xi32, #tpu.memory_space<vmem>>
      %dma_start3A_724 = arith.constant 0 : i32
      %dma_start3A_725 = arith.constant 0 : i32
      %dma_start3A_726 = tpu.memref_slice %arg14[%dma_start3A_724, %dma_start3A_725] : memref<10000x128xf32, #tpu.memory_space<vmem_shared>> -> memref<10000x128xf32, #tpu.memory_space<vmem_shared>>
      tpu.enqueue_indirect_dma source(%arg11 : memref<80x128xf32, #tpu.memory_space<vmem>>) target(%dma_start3A_726 : memref<10000x128xf32, #tpu.memory_space<vmem_shared>>) offsets(%dma_start3A_723 : memref<80xi32, #tpu.memory_space<vmem>>) semaphore(%arg24 : memref<!tpu.dma_semaphore, #tpu.memory_space<semaphore_mem>>) {add = true}
      %dma_wait3A_727 = arith.constant 0 : i32
      %dma_wait3A_728 = tpu.memref_slice %arg6[%scan3A_419, %dma_wait3A_727] : memref<2x80xi32, #tpu.memory_space<vmem>> -> memref<1x80xi32, #tpu.memory_space<vmem>>
      %dma_wait3A_729 = tpu.memref_squeeze %dma_wait3A_728 : memref<1x80xi32, #tpu.memory_space<vmem>> -> memref<80xi32, #tpu.memory_space<vmem>>
      %dma_wait3A_730 = arith.constant 0 : i32
      %dma_wait3A_731 = arith.constant 0 : i32
      %dma_wait3A_732 = tpu.memref_slice %arg14[%dma_wait3A_730, %dma_wait3A_731] : memref<10000x128xf32, #tpu.memory_space<vmem_shared>> -> memref<10000x128xf32, #tpu.memory_space<vmem_shared>>
      tpu.wait_indirect_dma semaphore(%arg23 : memref<!tpu.dma_semaphore, #tpu.memory_space<semaphore_mem>>) src(%arg10 : memref<80x128xf32, #tpu.memory_space<vmem>>) dst(%dma_wait3A_732 : memref<10000x128xf32, #tpu.memory_space<vmem_shared>>)
      %add3A_733 = arith.constant 3 : i32
      %add3A_734 = arith.addi %add3A_686, %add3A_733 : i32
      %min3A_735 = arith.constant 124 : i32
      %min3A_736 = arith.minsi %add3A_734, %min3A_735 : i32
      %mul3A_737 = arith.constant 80 : i32
      %mul3A_738 = arith.muli %min3A_736, %mul3A_737 : i32
      %add3A_739 = arith.addi %mul3A_2, %mul3A_738 : i32
      %multiple_of3A_740 = tpu.assume_multiple %add3A_739, 8 : i32
      %dma_start3A_741 = arith.constant 0 : i32
      %dma_start3A_742 = tpu.memref_slice %arg6[%scan3A_418, %dma_start3A_741] : memref<2x80xi32, #tpu.memory_space<vmem>> -> memref<1x80xi32, #tpu.memory_space<vmem>>
      %dma_start3A_743 = tpu.memref_squeeze %dma_start3A_742 : memref<1x80xi32, #tpu.memory_space<vmem>> -> memref<80xi32, #tpu.memory_space<vmem>>
      %dma_start3A_744 = tpu.memref_slice %arg3[%multiple_of3A_740] : memref<320000xi32, #tpu.memory_space<hbm>> -> memref<80xi32, #tpu.memory_space<hbm>>
      %dma_start3A_745 = arith.constant 0 : i32
      %dma_start3A_746 = tpu.memref_slice %arg6[%scan3A_418, %dma_start3A_745] : memref<2x80xi32, #tpu.memory_space<vmem>> -> memref<1x80xi32, #tpu.memory_space<vmem>>
      %dma_start3A_747 = tpu.memref_squeeze %dma_start3A_746 : memref<1x80xi32, #tpu.memory_space<vmem>> -> memref<80xi32, #tpu.memory_space<vmem>>
      %dma_start3A_748 = tpu.memref_slice %arg3[%multiple_of3A_740] : memref<320000xi32, #tpu.memory_space<hbm>> -> memref<80xi32, #tpu.memory_space<hbm>>
      tpu.enqueue_dma source(%dma_start3A_748 : memref<80xi32, #tpu.memory_space<hbm>>) target(%dma_start3A_747 : memref<80xi32, #tpu.memory_space<vmem>>) target_semaphore(%arg15 : memref<!tpu.dma_semaphore, #tpu.memory_space<semaphore_mem>>)
      %dma_start3A_749 = arith.constant 0 : i32
      %dma_start3A_750 = tpu.memref_slice %arg6[%scan3A_419, %dma_start3A_749] : memref<2x80xi32, #tpu.memory_space<vmem>> -> memref<1x80xi32, #tpu.memory_space<vmem>>
      %dma_start3A_751 = tpu.memref_squeeze %dma_start3A_750 : memref<1x80xi32, #tpu.memory_space<vmem>> -> memref<80xi32, #tpu.memory_space<vmem>>
      %dma_start3A_752 = tpu.memref_slice %arg4[%multiple_of3A_740] : memref<320000xi32, #tpu.memory_space<hbm>> -> memref<80xi32, #tpu.memory_space<hbm>>
      %dma_start3A_753 = arith.constant 0 : i32
      %dma_start3A_754 = tpu.memref_slice %arg6[%scan3A_419, %dma_start3A_753] : memref<2x80xi32, #tpu.memory_space<vmem>> -> memref<1x80xi32, #tpu.memory_space<vmem>>
      %dma_start3A_755 = tpu.memref_squeeze %dma_start3A_754 : memref<1x80xi32, #tpu.memory_space<vmem>> -> memref<80xi32, #tpu.memory_space<vmem>>
      %dma_start3A_756 = tpu.memref_slice %arg4[%multiple_of3A_740] : memref<320000xi32, #tpu.memory_space<hbm>> -> memref<80xi32, #tpu.memory_space<hbm>>
      tpu.enqueue_dma source(%dma_start3A_756 : memref<80xi32, #tpu.memory_space<hbm>>) target(%dma_start3A_755 : memref<80xi32, #tpu.memory_space<vmem>>) target_semaphore(%arg15 : memref<!tpu.dma_semaphore, #tpu.memory_space<semaphore_mem>>)
      %add3A_757 = arith.constant 3 : i32
      %add3A_758 = arith.addi %add3A_541, %add3A_757 : i32
      %dma_wait3A_759 = arith.constant 0 : i32
      %dma_wait3A_760 = tpu.memref_slice %arg9[%scan3A_420, %dma_wait3A_759] : memref<2x80xi32, #tpu.memory_space<vmem>> -> memref<1x80xi32, #tpu.memory_space<vmem>>
      %dma_wait3A_761 = tpu.memref_squeeze %dma_wait3A_760 : memref<1x80xi32, #tpu.memory_space<vmem>> -> memref<80xi32, #tpu.memory_space<vmem>>
      %dma_wait3A_762 = arith.constant 0 : i32
      %dma_wait3A_763 = tpu.memref_slice %arg3[%dma_wait3A_762] : memref<320000xi32, #tpu.memory_space<hbm>> -> memref<80xi32, #tpu.memory_space<hbm>>
      %dma_wait3A_764 = arith.constant 0 : i32
      %dma_wait3A_765 = tpu.memref_slice %arg9[%scan3A_420, %dma_wait3A_764] : memref<2x80xi32, #tpu.memory_space<vmem>> -> memref<1x80xi32, #tpu.memory_space<vmem>>
      %dma_wait3A_766 = tpu.memref_squeeze %dma_wait3A_765 : memref<1x80xi32, #tpu.memory_space<vmem>> -> memref<80xi32, #tpu.memory_space<vmem>>
      %dma_wait3A_767 = arith.constant 0 : i32
      %dma_wait3A_768 = tpu.memref_slice %arg3[%dma_wait3A_767] : memref<320000xi32, #tpu.memory_space<hbm>> -> memref<80xi32, #tpu.memory_space<hbm>>
      tpu.wait_dma2 semaphore(%arg18 : memref<!tpu.dma_semaphore, #tpu.memory_space<semaphore_mem>>) src(%dma_wait3A_768 : memref<80xi32, #tpu.memory_space<hbm>>) dst(%dma_wait3A_766 : memref<80xi32, #tpu.memory_space<vmem>>)
      %dma_wait3A_769 = arith.constant 0 : i32
      %dma_wait3A_770 = tpu.memref_slice %arg9[%scan3A_421, %dma_wait3A_769] : memref<2x80xi32, #tpu.memory_space<vmem>> -> memref<1x80xi32, #tpu.memory_space<vmem>>
      %dma_wait3A_771 = tpu.memref_squeeze %dma_wait3A_770 : memref<1x80xi32, #tpu.memory_space<vmem>> -> memref<80xi32, #tpu.memory_space<vmem>>
      %dma_wait3A_772 = arith.constant 0 : i32
      %dma_wait3A_773 = tpu.memref_slice %arg4[%dma_wait3A_772] : memref<320000xi32, #tpu.memory_space<hbm>> -> memref<80xi32, #tpu.memory_space<hbm>>
      %dma_wait3A_774 = arith.constant 0 : i32
      %dma_wait3A_775 = tpu.memref_slice %arg9[%scan3A_421, %dma_wait3A_774] : memref<2x80xi32, #tpu.memory_space<vmem>> -> memref<1x80xi32, #tpu.memory_space<vmem>>
      %dma_wait3A_776 = tpu.memref_squeeze %dma_wait3A_775 : memref<1x80xi32, #tpu.memory_space<vmem>> -> memref<80xi32, #tpu.memory_space<vmem>>
      %dma_wait3A_777 = arith.constant 0 : i32
      %dma_wait3A_778 = tpu.memref_slice %arg4[%dma_wait3A_777] : memref<320000xi32, #tpu.memory_space<hbm>> -> memref<80xi32, #tpu.memory_space<hbm>>
      tpu.wait_dma2 semaphore(%arg18 : memref<!tpu.dma_semaphore, #tpu.memory_space<semaphore_mem>>) src(%dma_wait3A_778 : memref<80xi32, #tpu.memory_space<hbm>>) dst(%dma_wait3A_776 : memref<80xi32, #tpu.memory_space<vmem>>)
      %add3A_779 = arith.constant 1 : i32
      %add3A_780 = arith.addi %add3A_758, %add3A_779 : i32
      %dma_start3A_781 = arith.constant 0 : i32
      %dma_start3A_782 = tpu.memref_slice %arg9[%scan3A_420, %dma_start3A_781] : memref<2x80xi32, #tpu.memory_space<vmem>> -> memref<1x80xi32, #tpu.memory_space<vmem>>
      %dma_start3A_783 = tpu.memref_squeeze %dma_start3A_782 : memref<1x80xi32, #tpu.memory_space<vmem>> -> memref<80xi32, #tpu.memory_space<vmem>>
      %dma_start3A_784 = arith.constant 0 : i32
      %dma_start3A_785 = arith.constant 0 : i32
      %dma_start3A_786 = tpu.memref_slice %arg2[%dma_start3A_784, %dma_start3A_785] : memref<10000x128xf32, #tpu.memory_space<hbm>> -> memref<10000x128xf32, #tpu.memory_space<hbm>>
      tpu.enqueue_indirect_dma source(%dma_start3A_786 : memref<10000x128xf32, #tpu.memory_space<hbm>>) target(%arg13 : memref<80x128xf32, #tpu.memory_space<vmem>>) offsets(%dma_start3A_783 : memref<80xi32, #tpu.memory_space<vmem>>) semaphore(%arg22 : memref<!tpu.dma_semaphore, #tpu.memory_space<semaphore_mem>>)
      %dma_wait3A_787 = arith.constant 0 : i32
      %dma_wait3A_788 = tpu.memref_slice %arg8[%scan3A_423, %dma_wait3A_787] : memref<2x80xi32, #tpu.memory_space<vmem>> -> memref<1x80xi32, #tpu.memory_space<vmem>>
      %dma_wait3A_789 = tpu.memref_squeeze %dma_wait3A_788 : memref<1x80xi32, #tpu.memory_space<vmem>> -> memref<80xi32, #tpu.memory_space<vmem>>
      %dma_wait3A_790 = arith.constant 0 : i32
      %dma_wait3A_791 = arith.constant 0 : i32
      %dma_wait3A_792 = tpu.memref_slice %arg2[%dma_wait3A_790, %dma_wait3A_791] : memref<10000x128xf32, #tpu.memory_space<hbm>> -> memref<10000x128xf32, #tpu.memory_space<hbm>>
      tpu.wait_indirect_dma semaphore(%arg21 : memref<!tpu.dma_semaphore, #tpu.memory_space<semaphore_mem>>) src(%dma_wait3A_792 : memref<10000x128xf32, #tpu.memory_space<hbm>>) dst(%arg12 : memref<80x128xf32, #tpu.memory_space<vmem>>)
      %dma_start3A_793 = arith.constant 0 : i32
      %dma_start3A_794 = tpu.memref_slice %arg8[%scan3A_422, %dma_start3A_793] : memref<2x80xi32, #tpu.memory_space<vmem>> -> memref<1x80xi32, #tpu.memory_space<vmem>>
      %dma_start3A_795 = tpu.memref_squeeze %dma_start3A_794 : memref<1x80xi32, #tpu.memory_space<vmem>> -> memref<80xi32, #tpu.memory_space<vmem>>
      %dma_start3A_796 = arith.constant 0 : i32
      %dma_start3A_797 = arith.constant 0 : i32
      %dma_start3A_798 = tpu.memref_slice %arg14[%dma_start3A_796, %dma_start3A_797] : memref<10000x128xf32, #tpu.memory_space<vmem_shared>> -> memref<10000x128xf32, #tpu.memory_space<vmem_shared>>
      tpu.enqueue_indirect_dma source(%arg12 : memref<80x128xf32, #tpu.memory_space<vmem>>) target(%dma_start3A_798 : memref<10000x128xf32, #tpu.memory_space<vmem_shared>>) offsets(%dma_start3A_795 : memref<80xi32, #tpu.memory_space<vmem>>) semaphore(%arg25 : memref<!tpu.dma_semaphore, #tpu.memory_space<semaphore_mem>>) {add = true}
      %dma_wait3A_799 = arith.constant 0 : i32
      %dma_wait3A_800 = tpu.memref_slice %arg7[%scan3A_425, %dma_wait3A_799] : memref<2x80xi32, #tpu.memory_space<vmem>> -> memref<1x80xi32, #tpu.memory_space<vmem>>
      %dma_wait3A_801 = tpu.memref_squeeze %dma_wait3A_800 : memref<1x80xi32, #tpu.memory_space<vmem>> -> memref<80xi32, #tpu.memory_space<vmem>>
      %dma_wait3A_802 = arith.constant 0 : i32
      %dma_wait3A_803 = arith.constant 0 : i32
      %dma_wait3A_804 = tpu.memref_slice %arg14[%dma_wait3A_802, %dma_wait3A_803] : memref<10000x128xf32, #tpu.memory_space<vmem_shared>> -> memref<10000x128xf32, #tpu.memory_space<vmem_shared>>
      tpu.wait_indirect_dma semaphore(%arg24 : memref<!tpu.dma_semaphore, #tpu.memory_space<semaphore_mem>>) src(%arg11 : memref<80x128xf32, #tpu.memory_space<vmem>>) dst(%dma_wait3A_804 : memref<10000x128xf32, #tpu.memory_space<vmem_shared>>)
      %add3A_805 = arith.constant 3 : i32
      %add3A_806 = arith.addi %add3A_758, %add3A_805 : i32
      %min3A_807 = arith.constant 124 : i32
      %min3A_808 = arith.minsi %add3A_806, %min3A_807 : i32
      %mul3A_809 = arith.constant 80 : i32
      %mul3A_810 = arith.muli %min3A_808, %mul3A_809 : i32
      %add3A_811 = arith.addi %mul3A_2, %mul3A_810 : i32
      %multiple_of3A_812 = tpu.assume_multiple %add3A_811, 8 : i32
      %dma_start3A_813 = arith.constant 0 : i32
      %dma_start3A_814 = tpu.memref_slice %arg7[%scan3A_424, %dma_start3A_813] : memref<2x80xi32, #tpu.memory_space<vmem>> -> memref<1x80xi32, #tpu.memory_space<vmem>>
      %dma_start3A_815 = tpu.memref_squeeze %dma_start3A_814 : memref<1x80xi32, #tpu.memory_space<vmem>> -> memref<80xi32, #tpu.memory_space<vmem>>
      %dma_start3A_816 = tpu.memref_slice %arg3[%multiple_of3A_812] : memref<320000xi32, #tpu.memory_space<hbm>> -> memref<80xi32, #tpu.memory_space<hbm>>
      %dma_start3A_817 = arith.constant 0 : i32
      %dma_start3A_818 = tpu.memref_slice %arg7[%scan3A_424, %dma_start3A_817] : memref<2x80xi32, #tpu.memory_space<vmem>> -> memref<1x80xi32, #tpu.memory_space<vmem>>
      %dma_start3A_819 = tpu.memref_squeeze %dma_start3A_818 : memref<1x80xi32, #tpu.memory_space<vmem>> -> memref<80xi32, #tpu.memory_space<vmem>>
      %dma_start3A_820 = tpu.memref_slice %arg3[%multiple_of3A_812] : memref<320000xi32, #tpu.memory_space<hbm>> -> memref<80xi32, #tpu.memory_space<hbm>>
      tpu.enqueue_dma source(%dma_start3A_820 : memref<80xi32, #tpu.memory_space<hbm>>) target(%dma_start3A_819 : memref<80xi32, #tpu.memory_space<vmem>>) target_semaphore(%arg16 : memref<!tpu.dma_semaphore, #tpu.memory_space<semaphore_mem>>)
      %dma_start3A_821 = arith.constant 0 : i32
      %dma_start3A_822 = tpu.memref_slice %arg7[%scan3A_425, %dma_start3A_821] : memref<2x80xi32, #tpu.memory_space<vmem>> -> memref<1x80xi32, #tpu.memory_space<vmem>>
      %dma_start3A_823 = tpu.memref_squeeze %dma_start3A_822 : memref<1x80xi32, #tpu.memory_space<vmem>> -> memref<80xi32, #tpu.memory_space<vmem>>
      %dma_start3A_824 = tpu.memref_slice %arg4[%multiple_of3A_812] : memref<320000xi32, #tpu.memory_space<hbm>> -> memref<80xi32, #tpu.memory_space<hbm>>
      %dma_start3A_825 = arith.constant 0 : i32
      %dma_start3A_826 = tpu.memref_slice %arg7[%scan3A_425, %dma_start3A_825] : memref<2x80xi32, #tpu.memory_space<vmem>> -> memref<1x80xi32, #tpu.memory_space<vmem>>
      %dma_start3A_827 = tpu.memref_squeeze %dma_start3A_826 : memref<1x80xi32, #tpu.memory_space<vmem>> -> memref<80xi32, #tpu.memory_space<vmem>>
      %dma_start3A_828 = tpu.memref_slice %arg4[%multiple_of3A_812] : memref<320000xi32, #tpu.memory_space<hbm>> -> memref<80xi32, #tpu.memory_space<hbm>>
      tpu.enqueue_dma source(%dma_start3A_828 : memref<80xi32, #tpu.memory_space<hbm>>) target(%dma_start3A_827 : memref<80xi32, #tpu.memory_space<vmem>>) target_semaphore(%arg16 : memref<!tpu.dma_semaphore, #tpu.memory_space<semaphore_mem>>)
    }
    %scan3A_430 = arith.constant 30 : i32
    %dma_wait3A_431 = arith.constant 0 : i32
    %dma_wait3A_432 = arith.constant 0 : i32
    %dma_wait3A_433 = tpu.memref_slice %arg6[%dma_wait3A_431, %dma_wait3A_432] : memref<2x80xi32, #tpu.memory_space<vmem>> -> memref<1x80xi32, #tpu.memory_space<vmem>>
    %dma_wait3A_434 = tpu.memref_squeeze %dma_wait3A_433 : memref<1x80xi32, #tpu.memory_space<vmem>> -> memref<80xi32, #tpu.memory_space<vmem>>
    %dma_wait3A_435 = arith.constant 0 : i32
    %dma_wait3A_436 = tpu.memref_slice %arg3[%dma_wait3A_435] : memref<320000xi32, #tpu.memory_space<hbm>> -> memref<80xi32, #tpu.memory_space<hbm>>
    %dma_wait3A_437 = arith.constant 0 : i32
    %dma_wait3A_438 = tpu.memref_slice %arg6[%dma_wait3A_431, %dma_wait3A_437] : memref<2x80xi32, #tpu.memory_space<vmem>> -> memref<1x80xi32, #tpu.memory_space<vmem>>
    %dma_wait3A_439 = tpu.memref_squeeze %dma_wait3A_438 : memref<1x80xi32, #tpu.memory_space<vmem>> -> memref<80xi32, #tpu.memory_space<vmem>>
    %dma_wait3A_440 = arith.constant 0 : i32
    %dma_wait3A_441 = tpu.memref_slice %arg3[%dma_wait3A_440] : memref<320000xi32, #tpu.memory_space<hbm>> -> memref<80xi32, #tpu.memory_space<hbm>>
    tpu.wait_dma2 semaphore(%arg15 : memref<!tpu.dma_semaphore, #tpu.memory_space<semaphore_mem>>) src(%dma_wait3A_441 : memref<80xi32, #tpu.memory_space<hbm>>) dst(%dma_wait3A_439 : memref<80xi32, #tpu.memory_space<vmem>>)
    %dma_wait3A_442 = arith.constant 1 : i32
    %dma_wait3A_443 = arith.constant 0 : i32
    %dma_wait3A_444 = tpu.memref_slice %arg6[%dma_wait3A_442, %dma_wait3A_443] : memref<2x80xi32, #tpu.memory_space<vmem>> -> memref<1x80xi32, #tpu.memory_space<vmem>>
    %dma_wait3A_445 = tpu.memref_squeeze %dma_wait3A_444 : memref<1x80xi32, #tpu.memory_space<vmem>> -> memref<80xi32, #tpu.memory_space<vmem>>
    %dma_wait3A_446 = arith.constant 0 : i32
    %dma_wait3A_447 = tpu.memref_slice %arg4[%dma_wait3A_446] : memref<320000xi32, #tpu.memory_space<hbm>> -> memref<80xi32, #tpu.memory_space<hbm>>
    %dma_wait3A_448 = arith.constant 0 : i32
    %dma_wait3A_449 = tpu.memref_slice %arg6[%dma_wait3A_442, %dma_wait3A_448] : memref<2x80xi32, #tpu.memory_space<vmem>> -> memref<1x80xi32, #tpu.memory_space<vmem>>
    %dma_wait3A_450 = tpu.memref_squeeze %dma_wait3A_449 : memref<1x80xi32, #tpu.memory_space<vmem>> -> memref<80xi32, #tpu.memory_space<vmem>>
    %dma_wait3A_451 = arith.constant 0 : i32
    %dma_wait3A_452 = tpu.memref_slice %arg4[%dma_wait3A_451] : memref<320000xi32, #tpu.memory_space<hbm>> -> memref<80xi32, #tpu.memory_space<hbm>>
    tpu.wait_dma2 semaphore(%arg15 : memref<!tpu.dma_semaphore, #tpu.memory_space<semaphore_mem>>) src(%dma_wait3A_452 : memref<80xi32, #tpu.memory_space<hbm>>) dst(%dma_wait3A_450 : memref<80xi32, #tpu.memory_space<vmem>>)
    %dma_start3A_453 = arith.constant 0 : i32
    %dma_start3A_454 = arith.constant 0 : i32
    %dma_start3A_455 = tpu.memref_slice %arg6[%dma_start3A_453, %dma_start3A_454] : memref<2x80xi32, #tpu.memory_space<vmem>> -> memref<1x80xi32, #tpu.memory_space<vmem>>
    %dma_start3A_456 = tpu.memref_squeeze %dma_start3A_455 : memref<1x80xi32, #tpu.memory_space<vmem>> -> memref<80xi32, #tpu.memory_space<vmem>>
    %dma_start3A_457 = arith.constant 0 : i32
    %dma_start3A_458 = arith.constant 0 : i32
    %dma_start3A_459 = tpu.memref_slice %arg2[%dma_start3A_457, %dma_start3A_458] : memref<10000x128xf32, #tpu.memory_space<hbm>> -> memref<10000x128xf32, #tpu.memory_space<hbm>>
    tpu.enqueue_indirect_dma source(%dma_start3A_459 : memref<10000x128xf32, #tpu.memory_space<hbm>>) target(%arg10 : memref<80x128xf32, #tpu.memory_space<vmem>>) offsets(%dma_start3A_456 : memref<80xi32, #tpu.memory_space<vmem>>) semaphore(%arg19 : memref<!tpu.dma_semaphore, #tpu.memory_space<semaphore_mem>>)
    %dma_wait3A_460 = arith.constant 0 : i32
    %dma_wait3A_461 = arith.constant 0 : i32
    %dma_wait3A_462 = tpu.memref_slice %arg9[%dma_wait3A_460, %dma_wait3A_461] : memref<2x80xi32, #tpu.memory_space<vmem>> -> memref<1x80xi32, #tpu.memory_space<vmem>>
    %dma_wait3A_463 = tpu.memref_squeeze %dma_wait3A_462 : memref<1x80xi32, #tpu.memory_space<vmem>> -> memref<80xi32, #tpu.memory_space<vmem>>
    %dma_wait3A_464 = arith.constant 0 : i32
    %dma_wait3A_465 = arith.constant 0 : i32
    %dma_wait3A_466 = tpu.memref_slice %arg2[%dma_wait3A_464, %dma_wait3A_465] : memref<10000x128xf32, #tpu.memory_space<hbm>> -> memref<10000x128xf32, #tpu.memory_space<hbm>>
    tpu.wait_indirect_dma semaphore(%arg22 : memref<!tpu.dma_semaphore, #tpu.memory_space<semaphore_mem>>) src(%dma_wait3A_466 : memref<10000x128xf32, #tpu.memory_space<hbm>>) dst(%arg13 : memref<80x128xf32, #tpu.memory_space<vmem>>)
    %dma_start3A_467 = arith.constant 1 : i32
    %dma_start3A_468 = arith.constant 0 : i32
    %dma_start3A_469 = tpu.memref_slice %arg9[%dma_start3A_467, %dma_start3A_468] : memref<2x80xi32, #tpu.memory_space<vmem>> -> memref<1x80xi32, #tpu.memory_space<vmem>>
    %dma_start3A_470 = tpu.memref_squeeze %dma_start3A_469 : memref<1x80xi32, #tpu.memory_space<vmem>> -> memref<80xi32, #tpu.memory_space<vmem>>
    %dma_start3A_471 = arith.constant 0 : i32
    %dma_start3A_472 = arith.constant 0 : i32
    %dma_start3A_473 = tpu.memref_slice %arg14[%dma_start3A_471, %dma_start3A_472] : memref<10000x128xf32, #tpu.memory_space<vmem_shared>> -> memref<10000x128xf32, #tpu.memory_space<vmem_shared>>
    tpu.enqueue_indirect_dma source(%arg13 : memref<80x128xf32, #tpu.memory_space<vmem>>) target(%dma_start3A_473 : memref<10000x128xf32, #tpu.memory_space<vmem_shared>>) offsets(%dma_start3A_470 : memref<80xi32, #tpu.memory_space<vmem>>) semaphore(%arg26 : memref<!tpu.dma_semaphore, #tpu.memory_space<semaphore_mem>>) {add = true}
    %dma_wait3A_474 = arith.constant 1 : i32
    %dma_wait3A_475 = arith.constant 0 : i32
    %dma_wait3A_476 = tpu.memref_slice %arg8[%dma_wait3A_474, %dma_wait3A_475] : memref<2x80xi32, #tpu.memory_space<vmem>> -> memref<1x80xi32, #tpu.memory_space<vmem>>
    %dma_wait3A_477 = tpu.memref_squeeze %dma_wait3A_476 : memref<1x80xi32, #tpu.memory_space<vmem>> -> memref<80xi32, #tpu.memory_space<vmem>>
    %dma_wait3A_478 = arith.constant 0 : i32
    %dma_wait3A_479 = arith.constant 0 : i32
    %dma_wait3A_480 = tpu.memref_slice %arg14[%dma_wait3A_478, %dma_wait3A_479] : memref<10000x128xf32, #tpu.memory_space<vmem_shared>> -> memref<10000x128xf32, #tpu.memory_space<vmem_shared>>
    tpu.wait_indirect_dma semaphore(%arg25 : memref<!tpu.dma_semaphore, #tpu.memory_space<semaphore_mem>>) src(%arg12 : memref<80x128xf32, #tpu.memory_space<vmem>>) dst(%dma_wait3A_480 : memref<10000x128xf32, #tpu.memory_space<vmem_shared>>)
    %dma_wait3A_481 = arith.constant 0 : i32
    %dma_wait3A_482 = arith.constant 0 : i32
    %dma_wait3A_483 = tpu.memref_slice %arg6[%dma_wait3A_481, %dma_wait3A_482] : memref<2x80xi32, #tpu.memory_space<vmem>> -> memref<1x80xi32, #tpu.memory_space<vmem>>
    %dma_wait3A_484 = tpu.memref_squeeze %dma_wait3A_483 : memref<1x80xi32, #tpu.memory_space<vmem>> -> memref<80xi32, #tpu.memory_space<vmem>>
    %dma_wait3A_485 = arith.constant 0 : i32
    %dma_wait3A_486 = arith.constant 0 : i32
    %dma_wait3A_487 = tpu.memref_slice %arg2[%dma_wait3A_485, %dma_wait3A_486] : memref<10000x128xf32, #tpu.memory_space<hbm>> -> memref<10000x128xf32, #tpu.memory_space<hbm>>
    tpu.wait_indirect_dma semaphore(%arg19 : memref<!tpu.dma_semaphore, #tpu.memory_space<semaphore_mem>>) src(%dma_wait3A_487 : memref<10000x128xf32, #tpu.memory_space<hbm>>) dst(%arg10 : memref<80x128xf32, #tpu.memory_space<vmem>>)
    %dma_start3A_488 = arith.constant 1 : i32
    %dma_start3A_489 = arith.constant 0 : i32
    %dma_start3A_490 = tpu.memref_slice %arg6[%dma_start3A_488, %dma_start3A_489] : memref<2x80xi32, #tpu.memory_space<vmem>> -> memref<1x80xi32, #tpu.memory_space<vmem>>
    %dma_start3A_491 = tpu.memref_squeeze %dma_start3A_490 : memref<1x80xi32, #tpu.memory_space<vmem>> -> memref<80xi32, #tpu.memory_space<vmem>>
    %dma_start3A_492 = arith.constant 0 : i32
    %dma_start3A_493 = arith.constant 0 : i32
    %dma_start3A_494 = tpu.memref_slice %arg14[%dma_start3A_492, %dma_start3A_493] : memref<10000x128xf32, #tpu.memory_space<vmem_shared>> -> memref<10000x128xf32, #tpu.memory_space<vmem_shared>>
    tpu.enqueue_indirect_dma source(%arg10 : memref<80x128xf32, #tpu.memory_space<vmem>>) target(%dma_start3A_494 : memref<10000x128xf32, #tpu.memory_space<vmem_shared>>) offsets(%dma_start3A_491 : memref<80xi32, #tpu.memory_space<vmem>>) semaphore(%arg23 : memref<!tpu.dma_semaphore, #tpu.memory_space<semaphore_mem>>) {add = true}
    %dma_wait3A_495 = arith.constant 1 : i32
    %dma_wait3A_496 = arith.constant 0 : i32
    %dma_wait3A_497 = tpu.memref_slice %arg9[%dma_wait3A_495, %dma_wait3A_496] : memref<2x80xi32, #tpu.memory_space<vmem>> -> memref<1x80xi32, #tpu.memory_space<vmem>>
    %dma_wait3A_498 = tpu.memref_squeeze %dma_wait3A_497 : memref<1x80xi32, #tpu.memory_space<vmem>> -> memref<80xi32, #tpu.memory_space<vmem>>
    %dma_wait3A_499 = arith.constant 0 : i32
    %dma_wait3A_500 = arith.constant 0 : i32
    %dma_wait3A_501 = tpu.memref_slice %arg14[%dma_wait3A_499, %dma_wait3A_500] : memref<10000x128xf32, #tpu.memory_space<vmem_shared>> -> memref<10000x128xf32, #tpu.memory_space<vmem_shared>>
    tpu.wait_indirect_dma semaphore(%arg26 : memref<!tpu.dma_semaphore, #tpu.memory_space<semaphore_mem>>) src(%arg13 : memref<80x128xf32, #tpu.memory_space<vmem>>) dst(%dma_wait3A_501 : memref<10000x128xf32, #tpu.memory_space<vmem_shared>>)
    %dma_wait3A_502 = arith.constant 1 : i32
    %dma_wait3A_503 = arith.constant 0 : i32
    %dma_wait3A_504 = tpu.memref_slice %arg6[%dma_wait3A_502, %dma_wait3A_503] : memref<2x80xi32, #tpu.memory_space<vmem>> -> memref<1x80xi32, #tpu.memory_space<vmem>>
    %dma_wait3A_505 = tpu.memref_squeeze %dma_wait3A_504 : memref<1x80xi32, #tpu.memory_space<vmem>> -> memref<80xi32, #tpu.memory_space<vmem>>
    %dma_wait3A_506 = arith.constant 0 : i32
    %dma_wait3A_507 = arith.constant 0 : i32
    %dma_wait3A_508 = tpu.memref_slice %arg14[%dma_wait3A_506, %dma_wait3A_507] : memref<10000x128xf32, #tpu.memory_space<vmem_shared>> -> memref<10000x128xf32, #tpu.memory_space<vmem_shared>>
    tpu.wait_indirect_dma semaphore(%arg23 : memref<!tpu.dma_semaphore, #tpu.memory_space<semaphore_mem>>) src(%arg10 : memref<80x128xf32, #tpu.memory_space<vmem>>) dst(%dma_wait3A_508 : memref<10000x128xf32, #tpu.memory_space<vmem_shared>>)
    %dma_wait3A_509 = arith.constant 0 : i32
    %dma_wait3A_510 = arith.constant 0 : i32
    %dma_wait3A_511 = tpu.memref_slice %arg7[%dma_wait3A_509, %dma_wait3A_510] : memref<2x80xi32, #tpu.memory_space<vmem>> -> memref<1x80xi32, #tpu.memory_space<vmem>>
    %dma_wait3A_512 = tpu.memref_squeeze %dma_wait3A_511 : memref<1x80xi32, #tpu.memory_space<vmem>> -> memref<80xi32, #tpu.memory_space<vmem>>
    %dma_wait3A_513 = arith.constant 0 : i32
    %dma_wait3A_514 = tpu.memref_slice %arg3[%dma_wait3A_513] : memref<320000xi32, #tpu.memory_space<hbm>> -> memref<80xi32, #tpu.memory_space<hbm>>
    %dma_wait3A_515 = arith.constant 0 : i32
    %dma_wait3A_516 = tpu.memref_slice %arg7[%dma_wait3A_509, %dma_wait3A_515] : memref<2x80xi32, #tpu.memory_space<vmem>> -> memref<1x80xi32, #tpu.memory_space<vmem>>
    %dma_wait3A_517 = tpu.memref_squeeze %dma_wait3A_516 : memref<1x80xi32, #tpu.memory_space<vmem>> -> memref<80xi32, #tpu.memory_space<vmem>>
    %dma_wait3A_518 = arith.constant 0 : i32
    %dma_wait3A_519 = tpu.memref_slice %arg3[%dma_wait3A_518] : memref<320000xi32, #tpu.memory_space<hbm>> -> memref<80xi32, #tpu.memory_space<hbm>>
    tpu.wait_dma2 semaphore(%arg16 : memref<!tpu.dma_semaphore, #tpu.memory_space<semaphore_mem>>) src(%dma_wait3A_519 : memref<80xi32, #tpu.memory_space<hbm>>) dst(%dma_wait3A_517 : memref<80xi32, #tpu.memory_space<vmem>>)
    %dma_wait3A_520 = arith.constant 1 : i32
    %dma_wait3A_521 = arith.constant 0 : i32
    %dma_wait3A_522 = tpu.memref_slice %arg7[%dma_wait3A_520, %dma_wait3A_521] : memref<2x80xi32, #tpu.memory_space<vmem>> -> memref<1x80xi32, #tpu.memory_space<vmem>>
    %dma_wait3A_523 = tpu.memref_squeeze %dma_wait3A_522 : memref<1x80xi32, #tpu.memory_space<vmem>> -> memref<80xi32, #tpu.memory_space<vmem>>
    %dma_wait3A_524 = arith.constant 0 : i32
    %dma_wait3A_525 = tpu.memref_slice %arg4[%dma_wait3A_524] : memref<320000xi32, #tpu.memory_space<hbm>> -> memref<80xi32, #tpu.memory_space<hbm>>
    %dma_wait3A_526 = arith.constant 0 : i32
    %dma_wait3A_527 = tpu.memref_slice %arg7[%dma_wait3A_520, %dma_wait3A_526] : memref<2x80xi32, #tpu.memory_space<vmem>> -> memref<1x80xi32, #tpu.memory_space<vmem>>
    %dma_wait3A_528 = tpu.memref_squeeze %dma_wait3A_527 : memref<1x80xi32, #tpu.memory_space<vmem>> -> memref<80xi32, #tpu.memory_space<vmem>>
    %dma_wait3A_529 = arith.constant 0 : i32
    %dma_wait3A_530 = tpu.memref_slice %arg4[%dma_wait3A_529] : memref<320000xi32, #tpu.memory_space<hbm>> -> memref<80xi32, #tpu.memory_space<hbm>>
    tpu.wait_dma2 semaphore(%arg16 : memref<!tpu.dma_semaphore, #tpu.memory_space<semaphore_mem>>) src(%dma_wait3A_530 : memref<80xi32, #tpu.memory_space<hbm>>) dst(%dma_wait3A_528 : memref<80xi32, #tpu.memory_space<vmem>>)
    %barrier3A_531 = arith.constant 0 : index
    tpu.barrier barrier_id(%barrier3A_531)
    "tpu.region"() ({
      %run_scoped3A = tpu.sem_alloc : memref<!tpu.dma_semaphore, #tpu.memory_space<semaphore_mem>>
      %dma_start3A_537 = arith.constant 0 : i32
      %dma_start3A_538 = tpu.memref_slice %arg5[%arg0, %multiple_of3A_72, %dma_start3A_537] : memref<2x10000x128xf32, #tpu.memory_space<hbm>> -> memref<1x624x128xf32, #tpu.memory_space<hbm>>
      %dma_start3A_539 = tpu.memref_squeeze %dma_start3A_538 : memref<1x624x128xf32, #tpu.memory_space<hbm>> -> memref<624x128xf32, #tpu.memory_space<hbm>>
      %dma_start3A_540 = arith.constant 0 : i32
      %dma_start3A_541 = tpu.memref_slice %arg14[%multiple_of3A_72, %dma_start3A_540] : memref<10000x128xf32, #tpu.memory_space<vmem_shared>> -> memref<624x128xf32, #tpu.memory_space<vmem_shared>>
      tpu.enqueue_dma source(%dma_start3A_541 : memref<624x128xf32, #tpu.memory_space<vmem_shared>>) target(%dma_start3A_539 : memref<624x128xf32, #tpu.memory_space<hbm>>) target_semaphore(%run_scoped3A : memref<!tpu.dma_semaphore, #tpu.memory_space<semaphore_mem>>)
      %dma_wait3A_542 = arith.constant 0 : i32
      %dma_wait3A_543 = tpu.memref_slice %arg5[%arg0, %multiple_of3A_72, %dma_wait3A_542] : memref<2x10000x128xf32, #tpu.memory_space<hbm>> -> memref<1x624x128xf32, #tpu.memory_space<hbm>>
      %dma_wait3A_544 = tpu.memref_squeeze %dma_wait3A_543 : memref<1x624x128xf32, #tpu.memory_space<hbm>> -> memref<624x128xf32, #tpu.memory_space<hbm>>
      %dma_wait3A_545 = arith.constant 0 : i32
      %dma_wait3A_546 = tpu.memref_slice %arg14[%multiple_of3A_72, %dma_wait3A_545] : memref<10000x128xf32, #tpu.memory_space<vmem_shared>> -> memref<624x128xf32, #tpu.memory_space<vmem_shared>>
      tpu.wait_dma2 semaphore(%run_scoped3A : memref<!tpu.dma_semaphore, #tpu.memory_space<semaphore_mem>>) src(%dma_wait3A_546 : memref<624x128xf32, #tpu.memory_space<vmem_shared>>) dst(%dma_wait3A_544 : memref<624x128xf32, #tpu.memory_space<hbm>>)
      tpu.yield
    }) : () -> ()
    %eq3A_532 = arith.constant 0 : i32
    %eq3A_533 = arith.cmpi eq, %arg1, %eq3A_532 : i32
    %convert_element_type3A_534 = arith.extui %eq3A_533 : i1 to i32
    %cond3A_535 = arith.constant 0 : i32
    %cond3A_536 = arith.cmpi ne, %convert_element_type3A_534, %cond3A_535 : i32
    scf.if %cond3A_536 {
      "tpu.region"() ({
        %run_scoped3A = tpu.sem_alloc : memref<!tpu.dma_semaphore, #tpu.memory_space<semaphore_mem>>
        %dma_start3A_537 = arith.constant 9984 : i32
        %dma_start3A_538 = arith.constant 0 : i32
        %dma_start3A_539 = tpu.memref_slice %arg5[%arg0, %dma_start3A_537, %dma_start3A_538] : memref<2x10000x128xf32, #tpu.memory_space<hbm>> -> memref<1x16x128xf32, #tpu.memory_space<hbm>>
        %dma_start3A_540 = tpu.memref_squeeze %dma_start3A_539 : memref<1x16x128xf32, #tpu.memory_space<hbm>> -> memref<16x128xf32, #tpu.memory_space<hbm>>
        %dma_start3A_541 = arith.constant 9984 : i32
        %dma_start3A_542 = arith.constant 0 : i32
        %dma_start3A_543 = tpu.memref_slice %arg14[%dma_start3A_541, %dma_start3A_542] : memref<10000x128xf32, #tpu.memory_space<vmem_shared>> -> memref<16x128xf32, #tpu.memory_space<vmem_shared>>
        tpu.enqueue_dma source(%dma_start3A_543 : memref<16x128xf32, #tpu.memory_space<vmem_shared>>) target(%dma_start3A_540 : memref<16x128xf32, #tpu.memory_space<hbm>>) target_semaphore(%run_scoped3A : memref<!tpu.dma_semaphore, #tpu.memory_space<semaphore_mem>>)
        %dma_wait3A_544 = arith.constant 9984 : i32
        %dma_wait3A_545 = arith.constant 0 : i32
        %dma_wait3A_546 = tpu.memref_slice %arg5[%arg0, %dma_wait3A_544, %dma_wait3A_545] : memref<2x10000x128xf32, #tpu.memory_space<hbm>> -> memref<1x16x128xf32, #tpu.memory_space<hbm>>
        %dma_wait3A_547 = tpu.memref_squeeze %dma_wait3A_546 : memref<1x16x128xf32, #tpu.memory_space<hbm>> -> memref<16x128xf32, #tpu.memory_space<hbm>>
        %dma_wait3A_548 = arith.constant 9984 : i32
        %dma_wait3A_549 = arith.constant 0 : i32
        %dma_wait3A_550 = tpu.memref_slice %arg14[%dma_wait3A_548, %dma_wait3A_549] : memref<10000x128xf32, #tpu.memory_space<vmem_shared>> -> memref<16x128xf32, #tpu.memory_space<vmem_shared>>
        tpu.wait_dma2 semaphore(%run_scoped3A : memref<!tpu.dma_semaphore, #tpu.memory_space<semaphore_mem>>) src(%dma_wait3A_550 : memref<16x128xf32, #tpu.memory_space<vmem_shared>>) dst(%dma_wait3A_547 : memref<16x128xf32, #tpu.memory_space<hbm>>)
        tpu.yield
      }) : () -> ()
    } else {
    }
    return
  }
}

module attributes {stable_mosaic.version = 14 : i64} {
  func.func @_mlp_body(%arg0: memref<10000x128xf32, #tpu.memory_space<vmem>>, %arg1: memref<2x10000x128xf32, #tpu.memory_space<vmem>>, %arg2: memref<1xf32, #tpu.memory_space<smem>>, %arg3: memref<128x128xf32, #tpu.memory_space<vmem>>, %arg4: memref<1x128xf32, #tpu.memory_space<vmem>>, %arg5: memref<1x128xf32, #tpu.memory_space<vmem>>, %arg6: memref<1x128xf32, #tpu.memory_space<vmem>>, %arg7: memref<128x128xf32, #tpu.memory_space<vmem>>, %arg8: memref<1x128xf32, #tpu.memory_space<vmem>>, %arg9: memref<1x128xf32, #tpu.memory_space<vmem>>, %arg10: memref<1x128xf32, #tpu.memory_space<vmem>>, %arg11: memref<10000x128xf32, #tpu.memory_space<vmem>>) attributes {dimension_semantics = [], scalar_prefetch = 0 : i64, scratch_operands = 0 : i64, tpu.core_type = #tpu.core_type<tc>} {
    %get3A = arith.constant 0 : index
    %get3A_0 = memref.load %arg2[%get3A] : memref<1xf32, #tpu.memory_space<smem>>
    %add3A = arith.constant 1.000000e+00 : f32
    %add3A_1 = arith.addf %add3A, %get3A_0 : f32
    %get3A_2 = arith.constant 0 : index
    %get3A_3 = arith.constant 0 : index
    %get3A_4 = vector.load %arg0[%get3A_2, %get3A_3] : memref<10000x128xf32, #tpu.memory_space<vmem>>, vector<10000x128xf32>
    %mul3A = vector.broadcast %add3A_1 : f32 to vector<10000x128xf32>
    %mul3A_5 = arith.mulf %mul3A, %get3A_4 : vector<10000x128xf32>
    %get3A_6 = arith.constant 0 : index
    %get3A_7 = arith.constant 0 : index
    %get3A_8 = arith.constant 0 : index
    %get3A_9 = vector.load %arg1[%get3A_6, %get3A_7, %get3A_8] : memref<2x10000x128xf32, #tpu.memory_space<vmem>>, vector<1x10000x128xf32>
    %get3A_10 = vector.shape_cast %get3A_9 : vector<1x10000x128xf32> to vector<10000x128xf32>
    %get3A_11 = arith.constant 1 : index
    %get3A_12 = arith.constant 0 : index
    %get3A_13 = arith.constant 0 : index
    %get3A_14 = vector.load %arg1[%get3A_11, %get3A_12, %get3A_13] : memref<2x10000x128xf32, #tpu.memory_space<vmem>>, vector<1x10000x128xf32>
    %get3A_15 = vector.shape_cast %get3A_14 : vector<1x10000x128xf32> to vector<10000x128xf32>
    %add3A_16 = arith.addf %get3A_10, %get3A_15 : vector<10000x128xf32>
    %add3A_17 = arith.addf %mul3A_5, %add3A_16 : vector<10000x128xf32>
    %get3A_18 = arith.constant 0 : index
    %get3A_19 = arith.constant 0 : index
    %get3A_20 = vector.load %arg3[%get3A_18, %get3A_19] : memref<128x128xf32, #tpu.memory_space<vmem>>, vector<128x128xf32>
    %dot_general3A = arith.constant dense<0.000000e+00> : vector<10000x128xf32>
    %dot_general3A_21 = tpu.matmul %add3A_17, %get3A_20, %dot_general3A {dimension_numbers = #tpu.dot_dimension_numbers<[1], [0], [0], [1], [0, 0, 1, 1], [], []>, transpose_lhs_hint = false} : vector<10000x128xf32>, vector<128x128xf32>, vector<10000x128xf32> -> vector<10000x128xf32>
    %get3A_22 = arith.constant 0 : index
    %get3A_23 = arith.constant 0 : index
    %get3A_24 = vector.load %arg4[%get3A_22, %get3A_23] : memref<1x128xf32, #tpu.memory_space<vmem>>, vector<1x128xf32>
    %add3A_25 = vector.broadcast %get3A_24 : vector<1x128xf32> to vector<10000x128xf32>
    %add3A_26 = arith.addf %dot_general3A_21, %add3A_25 : vector<10000x128xf32>
    %reduce_sum3A = arith.constant dense<0.000000e+00> : vector<128xf32>
    %reduce_sum3A_27 = vector.multi_reduction <add>, %add3A_26, %reduce_sum3A [0] : vector<10000x128xf32> to vector<128xf32>
    %broadcast_in_dim3A = vector.shape_cast %reduce_sum3A_27 : vector<128xf32> to vector<1x128xf32>
    %div3A = arith.constant 1.000000e+04 : f32
    %div3A_28 = vector.broadcast %div3A : f32 to vector<1x128xf32>
    %div3A_29 = arith.divf %broadcast_in_dim3A, %div3A_28 : vector<1x128xf32>
    %sub3A = vector.broadcast %div3A_29 : vector<1x128xf32> to vector<10000x128xf32>
    %sub3A_30 = arith.subf %add3A_26, %sub3A : vector<10000x128xf32>
    %integer_pow3A = arith.mulf %sub3A_30, %sub3A_30 : vector<10000x128xf32>
    %reduce_sum3A_31 = arith.constant dense<0.000000e+00> : vector<128xf32>
    %reduce_sum3A_32 = vector.multi_reduction <add>, %integer_pow3A, %reduce_sum3A_31 [0] : vector<10000x128xf32> to vector<128xf32>
    %broadcast_in_dim3A_33 = vector.shape_cast %reduce_sum3A_32 : vector<128xf32> to vector<1x128xf32>
    %div3A_34 = arith.constant 1.000000e+04 : f32
    %div3A_35 = vector.broadcast %div3A_34 : f32 to vector<1x128xf32>
    %div3A_36 = arith.divf %broadcast_in_dim3A_33, %div3A_35 : vector<1x128xf32>
    %sub3A_37 = vector.broadcast %div3A_29 : vector<1x128xf32> to vector<10000x128xf32>
    %sub3A_38 = arith.subf %add3A_26, %sub3A_37 : vector<10000x128xf32>
    %add3A_39 = arith.constant 9.99999974E-6 : f32
    %add3A_40 = vector.broadcast %add3A_39 : f32 to vector<1x128xf32>
    %add3A_41 = arith.addf %div3A_36, %add3A_40 : vector<1x128xf32>
    %rsqrt3A = math.rsqrt %add3A_41 : vector<1x128xf32>
    %mul3A_42 = vector.broadcast %rsqrt3A : vector<1x128xf32> to vector<10000x128xf32>
    %mul3A_43 = arith.mulf %sub3A_38, %mul3A_42 : vector<10000x128xf32>
    %get3A_44 = arith.constant 0 : index
    %get3A_45 = arith.constant 0 : index
    %get3A_46 = vector.load %arg5[%get3A_44, %get3A_45] : memref<1x128xf32, #tpu.memory_space<vmem>>, vector<1x128xf32>
    %mul3A_47 = vector.broadcast %get3A_46 : vector<1x128xf32> to vector<10000x128xf32>
    %mul3A_48 = arith.mulf %mul3A_43, %mul3A_47 : vector<10000x128xf32>
    %get3A_49 = arith.constant 0 : index
    %get3A_50 = arith.constant 0 : index
    %get3A_51 = vector.load %arg6[%get3A_49, %get3A_50] : memref<1x128xf32, #tpu.memory_space<vmem>>, vector<1x128xf32>
    %add3A_52 = vector.broadcast %get3A_51 : vector<1x128xf32> to vector<10000x128xf32>
    %add3A_53 = arith.addf %mul3A_48, %add3A_52 : vector<10000x128xf32>
    %max3A = arith.constant 0.000000e+00 : f32
    %max3A_54 = vector.broadcast %max3A : f32 to vector<10000x128xf32>
    %max3A_55 = arith.maximumf %add3A_53, %max3A_54 : vector<10000x128xf32>
    %get3A_56 = arith.constant 0 : index
    %get3A_57 = arith.constant 0 : index
    %get3A_58 = vector.load %arg7[%get3A_56, %get3A_57] : memref<128x128xf32, #tpu.memory_space<vmem>>, vector<128x128xf32>
    %dot_general3A_59 = arith.constant dense<0.000000e+00> : vector<10000x128xf32>
    %dot_general3A_60 = tpu.matmul %max3A_55, %get3A_58, %dot_general3A_59 {dimension_numbers = #tpu.dot_dimension_numbers<[1], [0], [0], [1], [0, 0, 1, 1], [], []>, transpose_lhs_hint = false} : vector<10000x128xf32>, vector<128x128xf32>, vector<10000x128xf32> -> vector<10000x128xf32>
    %get3A_61 = arith.constant 0 : index
    %get3A_62 = arith.constant 0 : index
    %get3A_63 = vector.load %arg8[%get3A_61, %get3A_62] : memref<1x128xf32, #tpu.memory_space<vmem>>, vector<1x128xf32>
    %add3A_64 = vector.broadcast %get3A_63 : vector<1x128xf32> to vector<10000x128xf32>
    %add3A_65 = arith.addf %dot_general3A_60, %add3A_64 : vector<10000x128xf32>
    %reduce_sum3A_66 = arith.constant dense<0.000000e+00> : vector<128xf32>
    %reduce_sum3A_67 = vector.multi_reduction <add>, %add3A_65, %reduce_sum3A_66 [0] : vector<10000x128xf32> to vector<128xf32>
    %broadcast_in_dim3A_68 = vector.shape_cast %reduce_sum3A_67 : vector<128xf32> to vector<1x128xf32>
    %div3A_69 = arith.constant 1.000000e+04 : f32
    %div3A_70 = vector.broadcast %div3A_69 : f32 to vector<1x128xf32>
    %div3A_71 = arith.divf %broadcast_in_dim3A_68, %div3A_70 : vector<1x128xf32>
    %sub3A_72 = vector.broadcast %div3A_71 : vector<1x128xf32> to vector<10000x128xf32>
    %sub3A_73 = arith.subf %add3A_65, %sub3A_72 : vector<10000x128xf32>
    %integer_pow3A_74 = arith.mulf %sub3A_73, %sub3A_73 : vector<10000x128xf32>
    %reduce_sum3A_75 = arith.constant dense<0.000000e+00> : vector<128xf32>
    %reduce_sum3A_76 = vector.multi_reduction <add>, %integer_pow3A_74, %reduce_sum3A_75 [0] : vector<10000x128xf32> to vector<128xf32>
    %broadcast_in_dim3A_77 = vector.shape_cast %reduce_sum3A_76 : vector<128xf32> to vector<1x128xf32>
    %div3A_78 = arith.constant 1.000000e+04 : f32
    %div3A_79 = vector.broadcast %div3A_78 : f32 to vector<1x128xf32>
    %div3A_80 = arith.divf %broadcast_in_dim3A_77, %div3A_79 : vector<1x128xf32>
    %sub3A_81 = vector.broadcast %div3A_71 : vector<1x128xf32> to vector<10000x128xf32>
    %sub3A_82 = arith.subf %add3A_65, %sub3A_81 : vector<10000x128xf32>
    %add3A_83 = arith.constant 9.99999974E-6 : f32
    %add3A_84 = vector.broadcast %add3A_83 : f32 to vector<1x128xf32>
    %add3A_85 = arith.addf %div3A_80, %add3A_84 : vector<1x128xf32>
    %rsqrt3A_86 = math.rsqrt %add3A_85 : vector<1x128xf32>
    %mul3A_87 = vector.broadcast %rsqrt3A_86 : vector<1x128xf32> to vector<10000x128xf32>
    %mul3A_88 = arith.mulf %sub3A_82, %mul3A_87 : vector<10000x128xf32>
    %get3A_89 = arith.constant 0 : index
    %get3A_90 = arith.constant 0 : index
    %get3A_91 = vector.load %arg9[%get3A_89, %get3A_90] : memref<1x128xf32, #tpu.memory_space<vmem>>, vector<1x128xf32>
    %mul3A_92 = vector.broadcast %get3A_91 : vector<1x128xf32> to vector<10000x128xf32>
    %mul3A_93 = arith.mulf %mul3A_88, %mul3A_92 : vector<10000x128xf32>
    %get3A_94 = arith.constant 0 : index
    %get3A_95 = arith.constant 0 : index
    %get3A_96 = vector.load %arg10[%get3A_94, %get3A_95] : memref<1x128xf32, #tpu.memory_space<vmem>>, vector<1x128xf32>
    %add3A_97 = vector.broadcast %get3A_96 : vector<1x128xf32> to vector<10000x128xf32>
    %add3A_98 = arith.addf %mul3A_93, %add3A_97 : vector<10000x128xf32>
    %swap3A = arith.constant 0 : index
    %swap3A_99 = arith.constant 0 : index
    %swap3A_100 = vector.load %arg11[%swap3A, %swap3A_99] : memref<10000x128xf32, #tpu.memory_space<vmem>>, vector<10000x128xf32>
    tpu.vector_store %arg11[%swap3A, %swap3A_99], %add3A_98 {strides = array<i32>} : memref<10000x128xf32, #tpu.memory_space<vmem>>, vector<10000x128xf32>,
    return
  }
}

module attributes {stable_mosaic.version = 14 : i64} {
  func.func @_split_body(%arg0: memref<2x320000xi32, #tpu.memory_space<vmem>>, %arg1: memref<320000xi32, #tpu.memory_space<vmem>>, %arg2: memref<320000xi32, #tpu.memory_space<vmem>>) attributes {dimension_semantics = [], scalar_prefetch = 0 : i64, scratch_operands = 0 : i64, tpu.core_type = #tpu.core_type<tc>} {
    %get3A = arith.constant 0 : index
    %get3A_0 = arith.constant 0 : index
    %get3A_1 = vector.load %arg0[%get3A, %get3A_0] : memref<2x320000xi32, #tpu.memory_space<vmem>>, vector<1x320000xi32>
    %get3A_2 = vector.shape_cast %get3A_1 : vector<1x320000xi32> to vector<320000xi32>
    %swap3A = arith.constant 0 : index
    %swap3A_3 = vector.load %arg1[%swap3A] : memref<320000xi32, #tpu.memory_space<vmem>>, vector<320000xi32>
    tpu.vector_store %arg1[%swap3A], %get3A_2 {strides = array<i32>} : memref<320000xi32, #tpu.memory_space<vmem>>, vector<320000xi32>,
    %get3A_4 = arith.constant 1 : index
    %get3A_5 = arith.constant 0 : index
    %get3A_6 = vector.load %arg0[%get3A_4, %get3A_5] : memref<2x320000xi32, #tpu.memory_space<vmem>>, vector<1x320000xi32>
    %get3A_7 = vector.shape_cast %get3A_6 : vector<1x320000xi32> to vector<320000xi32>
    %swap3A_8 = arith.constant 0 : index
    %swap3A_9 = vector.load %arg2[%swap3A_8] : memref<320000xi32, #tpu.memory_space<vmem>>, vector<320000xi32>
    tpu.vector_store %arg2[%swap3A_8], %get3A_7 {strides = array<i32>} : memref<320000xi32, #tpu.memory_space<vmem>>, vector<320000xi32>,
    return
  }
}

module attributes {stable_mosaic.version = 14 : i64} {
  func.func @_relu_body(%arg0: i32, %arg1: memref<1000x128xf32, #tpu.memory_space<vmem>>, %arg2: memref<1000x128xf32, #tpu.memory_space<vmem>>) attributes {dimension_semantics = [#tpu.dimension_semantics<arbitrary>], iteration_bounds = array<i64: 10>, scalar_prefetch = 0 : i64, scratch_operands = 0 : i64, tpu.core_type = #tpu.core_type<tc>, window_params = [{transform_indices = @transform_0, window_bounds = array<i64: 1000, 128>}, {transform_indices = @transform_1, window_bounds = array<i64: 1000, 128>}]} {
    %get3A = arith.constant 0 : index
    %get3A_0 = arith.constant 0 : index
    %get3A_1 = vector.load %arg1[%get3A, %get3A_0] : memref<1000x128xf32, #tpu.memory_space<vmem>>, vector<1000x128xf32>
    %max3A = arith.constant 0.000000e+00 : f32
    %max3A_2 = vector.broadcast %max3A : f32 to vector<1000x128xf32>
    %max3A_3 = arith.maximumf %get3A_1, %max3A_2 : vector<1000x128xf32>
    %swap3A = arith.constant 0 : index
    %swap3A_4 = arith.constant 0 : index
    %swap3A_5 = vector.load %arg2[%swap3A, %swap3A_4] : memref<1000x128xf32, #tpu.memory_space<vmem>>, vector<1000x128xf32>
    tpu.vector_store %arg2[%swap3A, %swap3A_4], %max3A_3 {strides = array<i32>} : memref<1000x128xf32, #tpu.memory_space<vmem>>, vector<1000x128xf32>,
    return
  }
  func.func @transform_0(%arg0: i32) -> (i32, i32) {
    %c0_i32 = arith.constant 0 : i32
    %c0_i32_0 = arith.constant 0 : i32
    return %arg0, %c0_i32 : i32, i32
  }
  func.func @transform_1(%arg0: i32) -> (i32, i32) {
    %c0_i32 = arith.constant 0 : i32
    %c0_i32_0 = arith.constant 0 : i32
    return %arg0, %c0_i32 : i32, i32
  }
}

module attributes {stable_mosaic.version = 14 : i64} {
  func.func @_mlp_body(%arg0: memref<10000x128xf32, #tpu.memory_space<vmem>>, %arg1: memref<2x10000x128xf32, #tpu.memory_space<vmem>>, %arg2: memref<1xf32, #tpu.memory_space<smem>>, %arg3: memref<128x128xf32, #tpu.memory_space<vmem>>, %arg4: memref<1x128xf32, #tpu.memory_space<vmem>>, %arg5: memref<1x128xf32, #tpu.memory_space<vmem>>, %arg6: memref<1x128xf32, #tpu.memory_space<vmem>>, %arg7: memref<128x128xf32, #tpu.memory_space<vmem>>, %arg8: memref<1x128xf32, #tpu.memory_space<vmem>>, %arg9: memref<1x128xf32, #tpu.memory_space<vmem>>, %arg10: memref<1x128xf32, #tpu.memory_space<vmem>>, %arg11: memref<10000x128xf32, #tpu.memory_space<vmem>>) attributes {dimension_semantics = [], scalar_prefetch = 0 : i64, scratch_operands = 0 : i64, tpu.core_type = #tpu.core_type<tc>} {
    %get3A = arith.constant 0 : index
    %get3A_0 = memref.load %arg2[%get3A] : memref<1xf32, #tpu.memory_space<smem>>
    %add3A = arith.constant 1.000000e+00 : f32
    %add3A_1 = arith.addf %add3A, %get3A_0 : f32
    %get3A_2 = arith.constant 0 : index
    %get3A_3 = arith.constant 0 : index
    %get3A_4 = vector.load %arg0[%get3A_2, %get3A_3] : memref<10000x128xf32, #tpu.memory_space<vmem>>, vector<10000x128xf32>
    %mul3A = vector.broadcast %add3A_1 : f32 to vector<10000x128xf32>
    %mul3A_5 = arith.mulf %mul3A, %get3A_4 : vector<10000x128xf32>
    %get3A_6 = arith.constant 0 : index
    %get3A_7 = arith.constant 0 : index
    %get3A_8 = arith.constant 0 : index
    %get3A_9 = vector.load %arg1[%get3A_6, %get3A_7, %get3A_8] : memref<2x10000x128xf32, #tpu.memory_space<vmem>>, vector<1x10000x128xf32>
    %get3A_10 = vector.shape_cast %get3A_9 : vector<1x10000x128xf32> to vector<10000x128xf32>
    %get3A_11 = arith.constant 1 : index
    %get3A_12 = arith.constant 0 : index
    %get3A_13 = arith.constant 0 : index
    %get3A_14 = vector.load %arg1[%get3A_11, %get3A_12, %get3A_13] : memref<2x10000x128xf32, #tpu.memory_space<vmem>>, vector<1x10000x128xf32>
    %get3A_15 = vector.shape_cast %get3A_14 : vector<1x10000x128xf32> to vector<10000x128xf32>
    %add3A_16 = arith.addf %get3A_10, %get3A_15 : vector<10000x128xf32>
    %add3A_17 = arith.addf %mul3A_5, %add3A_16 : vector<10000x128xf32>
    %get3A_18 = arith.constant 0 : index
    %get3A_19 = arith.constant 0 : index
    %get3A_20 = vector.load %arg3[%get3A_18, %get3A_19] : memref<128x128xf32, #tpu.memory_space<vmem>>, vector<128x128xf32>
    %dot_general3A = arith.constant dense<0.000000e+00> : vector<10000x128xf32>
    %dot_general3A_21 = tpu.matmul %add3A_17, %get3A_20, %dot_general3A {dimension_numbers = #tpu.dot_dimension_numbers<[1], [0], [0], [1], [0, 0, 1, 1], [], []>, transpose_lhs_hint = false} : vector<10000x128xf32>, vector<128x128xf32>, vector<10000x128xf32> -> vector<10000x128xf32>
    %get3A_22 = arith.constant 0 : index
    %get3A_23 = arith.constant 0 : index
    %get3A_24 = vector.load %arg4[%get3A_22, %get3A_23] : memref<1x128xf32, #tpu.memory_space<vmem>>, vector<1x128xf32>
    %add3A_25 = vector.broadcast %get3A_24 : vector<1x128xf32> to vector<10000x128xf32>
    %add3A_26 = arith.addf %dot_general3A_21, %add3A_25 : vector<10000x128xf32>
    %reduce_sum3A = arith.constant dense<0.000000e+00> : vector<128xf32>
    %reduce_sum3A_27 = vector.multi_reduction <add>, %add3A_26, %reduce_sum3A [0] : vector<10000x128xf32> to vector<128xf32>
    %broadcast_in_dim3A = vector.shape_cast %reduce_sum3A_27 : vector<128xf32> to vector<1x128xf32>
    %div3A = arith.constant 1.000000e+04 : f32
    %div3A_28 = vector.broadcast %div3A : f32 to vector<1x128xf32>
    %div3A_29 = arith.divf %broadcast_in_dim3A, %div3A_28 : vector<1x128xf32>
    %sub3A = vector.broadcast %div3A_29 : vector<1x128xf32> to vector<10000x128xf32>
    %sub3A_30 = arith.subf %add3A_26, %sub3A : vector<10000x128xf32>
    %integer_pow3A = arith.mulf %sub3A_30, %sub3A_30 : vector<10000x128xf32>
    %reduce_sum3A_31 = arith.constant dense<0.000000e+00> : vector<128xf32>
    %reduce_sum3A_32 = vector.multi_reduction <add>, %integer_pow3A, %reduce_sum3A_31 [0] : vector<10000x128xf32> to vector<128xf32>
    %broadcast_in_dim3A_33 = vector.shape_cast %reduce_sum3A_32 : vector<128xf32> to vector<1x128xf32>
    %div3A_34 = arith.constant 1.000000e+04 : f32
    %div3A_35 = vector.broadcast %div3A_34 : f32 to vector<1x128xf32>
    %div3A_36 = arith.divf %broadcast_in_dim3A_33, %div3A_35 : vector<1x128xf32>
    %sub3A_37 = vector.broadcast %div3A_29 : vector<1x128xf32> to vector<10000x128xf32>
    %sub3A_38 = arith.subf %add3A_26, %sub3A_37 : vector<10000x128xf32>
    %add3A_39 = arith.constant 9.99999974E-6 : f32
    %add3A_40 = vector.broadcast %add3A_39 : f32 to vector<1x128xf32>
    %add3A_41 = arith.addf %div3A_36, %add3A_40 : vector<1x128xf32>
    %rsqrt3A = math.rsqrt %add3A_41 : vector<1x128xf32>
    %mul3A_42 = vector.broadcast %rsqrt3A : vector<1x128xf32> to vector<10000x128xf32>
    %mul3A_43 = arith.mulf %sub3A_38, %mul3A_42 : vector<10000x128xf32>
    %get3A_44 = arith.constant 0 : index
    %get3A_45 = arith.constant 0 : index
    %get3A_46 = vector.load %arg5[%get3A_44, %get3A_45] : memref<1x128xf32, #tpu.memory_space<vmem>>, vector<1x128xf32>
    %mul3A_47 = vector.broadcast %get3A_46 : vector<1x128xf32> to vector<10000x128xf32>
    %mul3A_48 = arith.mulf %mul3A_43, %mul3A_47 : vector<10000x128xf32>
    %get3A_49 = arith.constant 0 : index
    %get3A_50 = arith.constant 0 : index
    %get3A_51 = vector.load %arg6[%get3A_49, %get3A_50] : memref<1x128xf32, #tpu.memory_space<vmem>>, vector<1x128xf32>
    %add3A_52 = vector.broadcast %get3A_51 : vector<1x128xf32> to vector<10000x128xf32>
    %add3A_53 = arith.addf %mul3A_48, %add3A_52 : vector<10000x128xf32>
    %max3A = arith.constant 0.000000e+00 : f32
    %max3A_54 = vector.broadcast %max3A : f32 to vector<10000x128xf32>
    %max3A_55 = arith.maximumf %add3A_53, %max3A_54 : vector<10000x128xf32>
    %get3A_56 = arith.constant 0 : index
    %get3A_57 = arith.constant 0 : index
    %get3A_58 = vector.load %arg7[%get3A_56, %get3A_57] : memref<128x128xf32, #tpu.memory_space<vmem>>, vector<128x128xf32>
    %dot_general3A_59 = arith.constant dense<0.000000e+00> : vector<10000x128xf32>
    %dot_general3A_60 = tpu.matmul %max3A_55, %get3A_58, %dot_general3A_59 {dimension_numbers = #tpu.dot_dimension_numbers<[1], [0], [0], [1], [0, 0, 1, 1], [], []>, transpose_lhs_hint = false} : vector<10000x128xf32>, vector<128x128xf32>, vector<10000x128xf32> -> vector<10000x128xf32>
    %get3A_61 = arith.constant 0 : index
    %get3A_62 = arith.constant 0 : index
    %get3A_63 = vector.load %arg8[%get3A_61, %get3A_62] : memref<1x128xf32, #tpu.memory_space<vmem>>, vector<1x128xf32>
    %add3A_64 = vector.broadcast %get3A_63 : vector<1x128xf32> to vector<10000x128xf32>
    %add3A_65 = arith.addf %dot_general3A_60, %add3A_64 : vector<10000x128xf32>
    %reduce_sum3A_66 = arith.constant dense<0.000000e+00> : vector<128xf32>
    %reduce_sum3A_67 = vector.multi_reduction <add>, %add3A_65, %reduce_sum3A_66 [0] : vector<10000x128xf32> to vector<128xf32>
    %broadcast_in_dim3A_68 = vector.shape_cast %reduce_sum3A_67 : vector<128xf32> to vector<1x128xf32>
    %div3A_69 = arith.constant 1.000000e+04 : f32
    %div3A_70 = vector.broadcast %div3A_69 : f32 to vector<1x128xf32>
    %div3A_71 = arith.divf %broadcast_in_dim3A_68, %div3A_70 : vector<1x128xf32>
    %sub3A_72 = vector.broadcast %div3A_71 : vector<1x128xf32> to vector<10000x128xf32>
    %sub3A_73 = arith.subf %add3A_65, %sub3A_72 : vector<10000x128xf32>
    %integer_pow3A_74 = arith.mulf %sub3A_73, %sub3A_73 : vector<10000x128xf32>
    %reduce_sum3A_75 = arith.constant dense<0.000000e+00> : vector<128xf32>
    %reduce_sum3A_76 = vector.multi_reduction <add>, %integer_pow3A_74, %reduce_sum3A_75 [0] : vector<10000x128xf32> to vector<128xf32>
    %broadcast_in_dim3A_77 = vector.shape_cast %reduce_sum3A_76 : vector<128xf32> to vector<1x128xf32>
    %div3A_78 = arith.constant 1.000000e+04 : f32
    %div3A_79 = vector.broadcast %div3A_78 : f32 to vector<1x128xf32>
    %div3A_80 = arith.divf %broadcast_in_dim3A_77, %div3A_79 : vector<1x128xf32>
    %sub3A_81 = vector.broadcast %div3A_71 : vector<1x128xf32> to vector<10000x128xf32>
    %sub3A_82 = arith.subf %add3A_65, %sub3A_81 : vector<10000x128xf32>
    %add3A_83 = arith.constant 9.99999974E-6 : f32
    %add3A_84 = vector.broadcast %add3A_83 : f32 to vector<1x128xf32>
    %add3A_85 = arith.addf %div3A_80, %add3A_84 : vector<1x128xf32>
    %rsqrt3A_86 = math.rsqrt %add3A_85 : vector<1x128xf32>
    %mul3A_87 = vector.broadcast %rsqrt3A_86 : vector<1x128xf32> to vector<10000x128xf32>
    %mul3A_88 = arith.mulf %sub3A_82, %mul3A_87 : vector<10000x128xf32>
    %get3A_89 = arith.constant 0 : index
    %get3A_90 = arith.constant 0 : index
    %get3A_91 = vector.load %arg9[%get3A_89, %get3A_90] : memref<1x128xf32, #tpu.memory_space<vmem>>, vector<1x128xf32>
    %mul3A_92 = vector.broadcast %get3A_91 : vector<1x128xf32> to vector<10000x128xf32>
    %mul3A_93 = arith.mulf %mul3A_88, %mul3A_92 : vector<10000x128xf32>
    %get3A_94 = arith.constant 0 : index
    %get3A_95 = arith.constant 0 : index
    %get3A_96 = vector.load %arg10[%get3A_94, %get3A_95] : memref<1x128xf32, #tpu.memory_space<vmem>>, vector<1x128xf32>
    %add3A_97 = vector.broadcast %get3A_96 : vector<1x128xf32> to vector<10000x128xf32>
    %add3A_98 = arith.addf %mul3A_93, %add3A_97 : vector<10000x128xf32>
    %max3A_99 = arith.constant 0.000000e+00 : f32
    %max3A_100 = vector.broadcast %max3A_99 : f32 to vector<10000x128xf32>
    %max3A_101 = arith.maximumf %add3A_98, %max3A_100 : vector<10000x128xf32>
    %swap3A = arith.constant 0 : index
    %swap3A_102 = arith.constant 0 : index
    %swap3A_103 = vector.load %arg11[%swap3A, %swap3A_102] : memref<10000x128xf32, #tpu.memory_space<vmem>>, vector<10000x128xf32>
    tpu.vector_store %arg11[%swap3A, %swap3A_102], %max3A_101 {strides = array<i32>} : memref<10000x128xf32, #tpu.memory_space<vmem>>, vector<10000x128xf32>,
    return
  }
}

</mosaic_0001>

<sc_bundles>
// kernel: kernel.11.cloned.1.call-start
scs
__scs_entry_jumppad:
0x0: {  	(pc) =	sbr.rel $0x88, $3  }
0x1: {  	(tag) =	ssettag $0x0;
	lr =	simm.s32 $0x1  }
0x2: {  	[smem:$0x3F8D] =	sst lr;
	_ =	strace $0xD0000000  }
0x3: {  	_ = 	snop  }
0x4: {  	_ = 	snop  }
0x5: {  	_ = 	snop  }
0x6: {  	_ = 	snop  }
0x7: {  	_ = 	snop  }
__scs_overlays_trampoline_lowered:
0x8: {  	[smem:$0x3F9C] =	sst s0  }
0x9: {  	[smem:$0x3F9D] =	sst s1  }
0xa: {  	[smem:$0x3F9E] =	sst s2  }
0xb: {  	[smem:$0x3F9F] =	sst s3  }
0xc: {  	[smem:$0x3FA0] =	sst s4  }
0xd: {  	[smem:$0x3FA1] =	sst s5  }
0xe: {  	[smem:$0x3FA2] =	sst s6  }
0xf: {  	[smem:$0x3FA3] =	sst s7  }
0x10: {  	[smem:$0x3FA4] =	sst s8  }
0x11: {  	[smem:$0x3FA5] =	sst s9;
	s0 =	simm.s32 @!p0 $0x0  }
0x12: {  	s1 =	sld [smem:$0x3F8B];
	s0 =	simm.s32 @p0 $0x1  }
0x13: {  	[smem:$0x3FA6] =	sst s0;
	s0 =	simm.s32 @!p1 $0x0  }
0x14: {  	s2 =	sld [smem:$0x3F8A];
	s0 =	simm.s32 @p1 $0x1  }
0x15: {  	[smem:$0x3FA7] =	sst s0;
	s0 =	simm.s32 @!p2 $0x0  }
0x16: {  	s3 =	sld [smem:$0x3FDB];
	s0 =	simm.s32 @p2 $0x1  }
0x17: {  	s4 =	simm.s32 $0x1BF5;
	[smem:$0x3FA9] =	sst s0  }
0x18: {  	s0 =	sld [smem:$0x3F8C];
	_ =	swait.ge [sflag:s4], $0x0  }
0x19: {  	s7 =	sld [smem:$0x3F8D]  }
0x1a: {  	s8 =	sadd.s32 $0xFFFFE003, lr  }
0x1b: {  	s9 =	sadd.s32 $0xFFFFFEF7, lr;
	s5 =	simm.s32 $0xFFFFFFFF;
	p2 =	slt.u32 s8, $0xFFFFF086  }
0x1c: {  	p1 =	slt.u32 s9, $0xF7A;
	s5 =	simm.s32 @!p2 $0x0  }
0x1d: {  	s5 =	simm.s32 @p1 $0x1;
	p0 =	seq.s32 s7, s2  }
0x1e: {  	s7 =	smul.u32 @!p0 $0xF7A, s2;
	p2 =	seq.s32 @!p0 s5, $0x0  }
0x1f: {  	s9 =	smul.u32 $0xF7A, s1;
	s8 =	simm.s32 @!p0 $0x1BF5;
	p2 =	por !p2, p0  }
0x20: {  	[sflag:s8] =	ssyncset.s32 @!p0 $0xFFFFF086;
	s6 =	sadd.s32 @!p0 s3, s7;
	s7 =	simm.s32 @!p0 $0x108  }
0x21: {  	s3 =	sadd.s32 s3, s9;
	s6 =	sadd.s32 @!p0 $0x88, s6;
	s7 =	simm.s32 @p2 $0x1082  }
0x22: {  	[simem:s7], [sflag:s8] =	dma.local @!p0 [hbm:s6], $0xF7A  }
0x23: {  	s9 =	sor.u32 $0xD0000000, s2;
	s6 =	simm.s32 $0x108;
	_ =	swait.ge @!p0 [sflag:s8], $0x0  }
0x24: {  	s3 =	sadd.s32 $0x88, s3;
	s6 =	simm.s32 @!p1 $0x1082;
	[sflag:s4] =	ssyncset.s32 $0xFFFFF086  }
0x25: {  	[simem:s6], [sflag:s4] =	dma.local [hbm:s3], $0xF7A  }
0x26: {  	[smem:$0x3F8D] =	sst s1;
	(tag) =	ssettag s2;
	_ =	strace s9  }
0x27: {  	s1 =	sld [smem:$0x3F9D]  }
0x28: {  	s2 =	sld [smem:$0x3F9E]  }
0x29: {  	s4 =	sld [smem:$0x3FA0]  }
0x2a: {  	p0 =	seq.s32 s5, $0x0;
	s5 =	sld [smem:$0x3FA1]  }
0x2b: {  	s6 =	sld [smem:$0x3FA2]  }
0x2c: {  	s7 =	sld [smem:$0x3FA3]  }
0x2d: {  	s3 =	simm.s32 $0x108;
	s8 =	sld [smem:$0x3FA4]  }
0x2e: {  	s3 =	simm.s32 @!p0 $0x1082;
	s9 =	sld [smem:$0x3FA5]  }
0x2f: {  	lr =	sadd.s32 s0, s3;
	s0 =	sld [smem:$0x3F9C]  }
0x30: {  	s3 =	sld [smem:$0x3F9F]  }
0x31: {  	[smem:$0x3FA8] =	sst s10  }
0x32: {  	s10 =	sld [smem:$0x3FA6];
	_ =	sdelay $0x3  }
0x33: {  	p0 =	seq.s32 s10, $0x1;
	s10 =	sld [smem:$0x3FA8];
	_ =	sdelay $0x3  }
0x34: {  	[smem:$0x3FA8] =	sst s10  }
0x35: {  	s10 =	sld [smem:$0x3FA7];
	_ =	sdelay $0x3  }
0x36: {  	p1 =	seq.s32 s10, $0x1;
	s10 =	sld [smem:$0x3FA8];
	_ =	sdelay $0x3  }
0x37: {  	[smem:$0x3FA8] =	sst s10  }
0x38: {  	s10 =	sld [smem:$0x3FA9]  }
0x39: {  	_ = 	snop;
	(pc) =	sbr.ind lr, $3  }
0x3a: {  	_ = 	snop  }
0x3b: {  	_ = 	snop  }
0x3c: {  	p2 =	seq.s32 s10, $0x1;
	s10 =	sld [smem:$0x3FA8]  }
0x3d: {  	_ =	shalt  }
0x3e: {  	_ =	shalt  }
0x3f: {  	_ =	shalt  }
0x40: {  	_ =	shalt  }
0x41: {  	_ =	shalt  }
0x42: {  	_ =	shalt  }
0x43: {  	_ =	shalt  }
0x44: {  	_ =	shalt  }
0x45: {  	_ =	shalt  }
0x46: {  	_ =	shalt  }
0x47: {  	_ =	shalt  }
0x48: {  	_ =	shalt  }
0x49: {  	_ =	shalt  }
0x4a: {  	_ =	shalt  }
0x4b: {  	_ =	shalt  }
0x4c: {  	_ =	shalt  }
0x4d: {  	_ =	shalt  }
0x4e: {  	_ =	shalt  }
0x4f: {  	_ =	shalt  }
0x50: {  	_ =	shalt  }
0x51: {  	_ =	shalt  }
0x52: {  	_ =	shalt  }
0x53: {  	_ =	shalt  }
0x54: {  	_ =	shalt  }
0x55: {  	_ =	shalt  }
0x56: {  	_ =	shalt  }
0x57: {  	_ =	shalt  }
0x58: {  	_ =	shalt  }
0x59: {  	_ =	shalt  }
0x5a: {  	_ =	shalt  }
0x5b: {  	_ =	shalt  }
0x5c: {  	_ =	shalt  }
0x5d: {  	_ =	shalt  }
0x5e: {  	_ =	shalt  }
0x5f: {  	_ =	shalt  }
0x60: {  	_ =	shalt  }
0x61: {  	_ =	shalt  }
0x62: {  	_ =	shalt  }
0x63: {  	_ =	shalt  }
0x64: {  	_ =	shalt  }
0x65: {  	_ =	shalt  }
0x66: {  	_ =	shalt  }
0x67: {  	_ =	shalt  }
0x68: {  	_ =	shalt  }
0x69: {  	_ =	shalt  }
0x6a: {  	_ =	shalt  }
0x6b: {  	_ =	shalt  }
0x6c: {  	_ =	shalt  }
0x6d: {  	_ =	shalt  }
0x6e: {  	_ =	shalt  }
0x6f: {  	_ =	shalt  }
0x70: {  	_ =	shalt  }
0x71: {  	_ =	shalt  }
0x72: {  	_ =	shalt  }
0x73: {  	_ =	shalt  }
0x74: {  	_ =	shalt  }
0x75: {  	_ =	shalt  }
0x76: {  	_ =	shalt  }
0x77: {  	_ =	shalt  }
0x78: {  	_ =	shalt  }
0x79: {  	_ =	shalt  }
0x7a: {  	_ =	shalt  }
0x7b: {  	_ =	shalt  }
0x7c: {  	_ =	shalt  }
0x7d: {  	_ =	shalt  }
0x7e: {  	_ =	shalt  }
0x7f: {  	_ =	shalt  }
0x80: {  	_ =	shalt  }
0x81: {  	_ =	shalt  }
0x82: {  	_ =	shalt  }
0x83: {  	_ =	shalt  }
0x84: {  	_ =	shalt  }
0x85: {  	_ =	shalt  }
0x86: {  	_ =	shalt  }
0x87: {  	_ =	shalt  }
.Lfunc_end0:
.L_simem_size_0:
called_computation.1_lowered:
.L_overlay_start_0:
0x88: {  	s2 =	sld [smem:$0x3FD9]  }
0x89: {  	s3 =	sld [smem:$0x3FFE];
	_ =	sdelay $0x1  }
0x8a: {  	s1 =	srdreg.scid  }
0x8b: {  	s0 =	sand.u32 $0x1, s1  }
0x8c: {  	s17 =	sshll.u32 s0, $0xA;
	s2 =	sadd.s32 s3, s2  }
0x8d: {  	s2 =	sadd.s32 s2, s17  }
0x8e: {  	[smem:$0x3FB4] =	sst s2  }
0x8f: {  	_ = 	snop  }
0x90: {  	s2 =	sld [smem:$0x3FD0];
	(tm) =	ssettm $0x1  }
0x91: {  	s18 =	sld [smem:$0x3FFB];
	_ =	sdelay $0x3  }
0x92: {  	_ =	strace s18  }
0x93: {  	s3 =	sld [smem:$0x3FFC];
	_ =	sdelay $0x3  }
0x94: {  	_ =	strace s3  }
0x95: {  	s3 =	sld [smem:$0x3FFD];
	_ =	sdelay $0x3  }
0x96: {  	_ =	strace s3  }
0x97: {  	_ =	strace $0x8FFFFFFF  }
0x98: {  	s19 =	sld [smem:$0x3FDB];
	_ =	sdelay $0x1  }
0x99: {  	s4 =	simm.s32 $_scs_section_size  }
0x9a: {  	s5 =	simm.s32 $_size__tile_overlayer_lowered;
	s6 =	simm.s32 $_tile_overlayer_lowered  }
0x9b: {  	s22 =	simm.s32 $0x1BFF;
	s21 =	sshll.u32 s6, $0x1;
	s3 =	sadd.s32 s4, s19  }
0x9c: {  	s7 =	simm.s32 $0x0;
	s20 =	sshll.u32 s5, $0x1;
	s5 =	sadd.s32 s21, s3  }
0x9d: {  	[timem:s7], [sflag:s22] =	dma.local [hbm:s5], s20  }
0x9e: {  	_ =	swait.ge [sflag:s22], s20  }
0x9f: {  	s4 =	ssub.s32 $0x0, s20;
	[sflag:s22] =	ssyncset.done $0x0  }
0xa0: {  	[sflag:s22] =	ssyncadd.s32 s4;
	_ =	sdelay $0x1  }
0xa1: {  	s23 =	simm.s32 $0x1B8B  }
0xa2: {  	_ =	swait.ge [sflag:s23], $0x1  }
0xa3: {  	[sflag:s23] =	ssyncset.done $0x0  }
0xa4: {  	s25 =	simm.s32 $0x1B8E;
	s24 =	sld [smem:$0x3FFE];
	[sflag:s23] =	ssyncadd.s32 $0xFFFFFFFF  }
0xa5: {  	s26 =	simm.s32 $execute0_lowered;
	[smem:$0x3FD2] =	sst s25  }
0xa6: {  	s5 =	sshll.u32 s26, $0x1;
	_ =	strace $0x80000049;
	[dreg:$0x1] =	wrdreg $0xFFFFFFFF  }
0xa7: {  	s28 =	simm.s32 $_size_execute0_lowered;
	s3 =	sadd.s32 s3, s5;
	[dreg:$0x0] =	wrdreg $0x0  }
0xa8: {  	s5 =	sshll.u32 s28, $0x1;
	[dreg:$0x2] =	wrdreg s3  }
0xa9: {  	[dreg:$0x3] =	wrdreg s5  }
0xaa: {  	[dreg:$0x4] =	wrdreg $0xC0  }
0xab: {  	_ =	task [dreg:s7], $0x5FFFF  }
0xac: {  	[dreg:$0x1] =	wrdreg $0xFFFFFFFF  }
0xad: {  	[dreg:$0x0] =	wrdreg $0x60  }
0xae: {  	[dreg:$0x2] =	wrdreg s2  }
0xaf: {  	[dreg:$0x3] =	wrdreg s24  }
0xb0: {  	[dreg:$0x4] =	wrdreg $0xA4000  }
0xb1: {  	[dreg:$0x5] =	wrdreg $0x9  }
0xb2: {  	_ =	task.clear_ibuf [dreg:s7], $0x6FFFF;
	_ =	strace $0x90000049  }
0xb3: {  	s29 =	simm.s32 $0x9;
	_ =	strace $0x8000004B  }
0xb4: {  	_ =	swait.ge [sflag:s29], $0x1  }
0xb5: {  	[sflag:s29] =	ssyncadd.s32 $0xFFFFFFFF  }
0xb6: {  	_ =	strace $0x9000004B  }
0xb7: {  	_ =	sfence  }
0xb8: {  	s30 =	sld [smem:$0x0];
	_ =	sdelay $0x2  }
0xb9: {  	s31 =	sshll.u32 s1, $0xD;
	s1 =	sshrl.u32 s1, $0x2  }
0xba: {  	s3 =	sand.u32 $0x4000, s31;
	s1 =	sadd.s32 s1, s30  }
0xbb: {  	s0 =	sor.u32 s3, s0;
	s1 =	sshll.u32 s1, $0x11  }
0xbc: {  	s0 =	sor.u32 s1, s0  }
0xbd: {  	s0 =	sadd.s32 $0x8F2B, s0  }
0xbe: {  	[sflag:s0] =	ssyncadd.remote.s32 $0x1  }
0xbf: {  	_ =	sfence.sel $0xFFFF  }
0xc0: {  	[dreg:$0x0] =	wrdreg $0xFFFFFFFF;
	(pc) =	sbr.abs _section_cstart, $3  }
0xc1: {  	[dreg:$0x1] =	wrdreg $0xFFFFFFFF  }
0xc2: {  	_ =	task.clear_ibuf [dreg:s7], $0x2FFFF;
	_ =	strace $0x9FFFFFFF  }
0xc3: {  	(tm) =	ssettm $0x7FFFFFFF  }
tec
execute0_lowered:
.L_overlay_start_1:
0x0: {  	(tag) =	ssettag $0x1  }
0x1: {  	s29 =	rddreg [dreg:$0x0]  }
0x2: {  	s0 =	rddreg [dreg:$0x1]  }
0x3: {  	s2 =	rddreg [dreg:$0x2];
	s3 =	srdreg.scid  }
0x4: {  	s6 =	stileid.u32;
	s4 =	simm.s32 $0x0;
	s28 =	simm.s32 $0x9  }
0x5: {  	s30 =	simm.s32 $0xB;
	s3 =	sand.u32 $0x1, s3;
	s5 =	sshll.u32 s6, $0x1  }
0x6: {  	[smem:$0x7FF] =	sst s4;
	s13 =	sadd.s32 $0x4400, s0;
	s10 =	smul.u32 $0x4E000, s6  }
0x7: {  	s14 =	sadd.s32 $0xE200, s0;
	s0 =	sadd.s32 $0x18000, s0;
	s16 =	smul.u32 $0x4E20, s6  }
0x8: {  	s20 =	smul.u32 $0x13800, s6;
	p0 =	sne.s32 s6, $0x0;
	s6 =	sadd.s32 $0x138000, s2  }
0x9: {  	s5 =	sor.u32 s3, s5;
	_ =	strace $0x8000004A;
	[dreg:$0xb] =	wrdreg s13  }
0xa: {  	s7 =	ssub.s32 $0x2, s3;
	s15 =	smul.u32 $0x138800, s3;
	[dreg:$0xc] =	wrdreg s14  }
0xb: {  	s3 =	smul.u32 $0x2710, s3;
	[smem:$0x7FD] =	sst s6;
	s8 =	sshrl.u32 s7, $0x1  }
0xc: {  	s5 =	smul.u32 $0x2710, s5;
	s10 =	sshrl.u32 s10, $0x2;
	s7 =	ssub.s32 s7, s8  }
0xd: {  	s31 =	sadd.s32 s10, s2;
	s3 =	sadd.s32 s3, s16;
	s22 =	sadd.s32 s20, s15  }
0xe: {  	s24 =	sshrl.u32 s15, $0x3;
	s10 =	simm.s32 $0x280;
	s8 =	sshrl.u32 s5, $0x3  }
0xf: {  	s17 =	sadd.s32 $0x2800, s31;
	s18 =	sadd.s32 $0x5000, s31;
	[dreg:$0x12] =	wrdreg s31  }
0x10: {  	s19 =	sadd.s32 $0x7800, s31;
	s5 =	sadd.s32 $0x2D0, s5;
	[dreg:$0x14] =	wrdreg s17  }
0x11: {  	s23 =	sadd.s32 $0x280, s3;
	s9 =	sadd.s32 s13, s8;
	[dreg:$0x15] =	wrdreg s18  }
0x12: {  	s26 =	sadd.s32 $0xA, s8;
	s11 =	sadd.s32 s14, s8;
	[dreg:$0x16] =	wrdreg s19  }
0x13: {  	s21 =	sadd.s32 $0x1E, s8;
	[dreg:$0x4] =	wrdreg s5;
	s5 =	sshrl.u32 s22, $0x3  }
0x14: {  	s15 =	sadd.s32 $0x28, s8;
	s19 =	sadd.s32 $0x32, s8;
	[dreg:$0xd] =	wrdreg s9  }
0x15: {  	s22 =	smax.u32 s7, $0x1;
	s7 =	simm.s32 $0x100;
	[dreg:$0xe] =	wrdreg s11  }
0x16: {  	s1 =	sadd.s32 s13, s26;
	s9 =	sadd.s32 s14, s26;
	[dreg:$0x1f] =	wrdreg s22  }
0x17: {  	s11 =	sadd.s32 $0x14, s8;
	s5 =	sadd.s32 s0, s5;
	[dreg:$0xf] =	wrdreg s1  }
0x18: {  	s0 =	sadd.s32 s0, s24;
	s26 =	sadd.s32 s13, s21;
	[dreg:$0x10] =	wrdreg s9  }
0x19: {  	s17 =	sadd.s32 s13, s15;
	s18 =	sadd.s32 s14, s15;
	[dreg:$0x17] =	wrdreg s5  }
0x1a: {  	s20 =	sadd.s32 s13, s19;
	s24 =	sadd.s32 $0xC800, s31;
	[dreg:$0x18] =	wrdreg s26  }
0x1b: {  	s8 =	simm.s32 $0x180;
	s15 =	simm.s32 $0x5;
	[dreg:$0x1a] =	wrdreg s17  }
0x1c: {  	s22 =	simm.s32 $0x6;
	s12 =	sadd.s32 s13, s11;
	[dreg:$0x1b] =	wrdreg s18  }
0x1d: {  	s9 =	sadd.s32 s14, s11;
	s1 =	sadd.s32 $0x230, s3;
	[dreg:$0x1c] =	wrdreg s20  }
0x1e: {  	s11 =	sadd.s32 s14, s21;
	s3 =	sadd.s32 $0x1E0, s3;
	[smem:$0x7FA] =	sst s24  }
0x1f: {  	s21 =	sadd.s32 s14, s19;
	s0 =	sadd.s32 $0x27000, s0;
	[dreg:$0x11] =	wrdreg s12  }
0x20: {  	s26 =	sadd.s32 $0x11800, s31;
	s18 =	simm.s32 $0x400;
	[dreg:$0x13] =	wrdreg s9  }
0x21: {  	s19 =	simm.s32 $0x300;
	s20 =	simm.s32 $0x3;
	[dreg:$0x19] =	wrdreg s11  }
0x22: {  	s24 =	simm.s32 $0x5400;
	s17 =	simm.s32 $0x7C00;
	[dreg:$0x1d] =	wrdreg s21  }
0x23: {  	s9 =	sshrl.u32 s23, $0x3;
	s5 =	sshrl.u32 s1, $0x3;
	[dreg:$0x1e] =	wrdreg s0  }
0x24: {  	s3 =	sshrl.u32 s3, $0x3;
	s23 =	sadd.s32 $0xA000, s31;
	[smem:$0x7FC] =	sst s26  }
0x25: {  	s11 =	simm.s32 $0x1;
	s25 =	sadd.s32 s9, s14;
	[smem:$0x7F9] =	sst s23  }
0x26: {  	s21 =	simm.s32 $0x380;
	s9 =	sadd.s32 s9, s13;
	[dreg:$0x5] =	wrdreg s25  }
0x27: {  	s26 =	simm.s32 $0xA;
	s12 =	sadd.s32 s5, s14;
	[dreg:$0x6] =	wrdreg s9  }
0x28: {  	s1 =	simm.s32 $0x8;
	s5 =	sadd.s32 s5, s13;
	[dreg:$0x7] =	wrdreg s12  }
0x29: {  	s16 =	sadd.s32 s3, s14;
	s3 =	sadd.s32 s3, s13;
	[dreg:$0x8] =	wrdreg s5  }
0x2a: {  	s14 =	simm.s32 $0x2C00;
	s13 =	simm.s32 $0x50;
	[dreg:$0x9] =	wrdreg s16  }
0x2b: {  	s23 =	simm.s32 $0x4;
	[dreg:$0xa] =	wrdreg s3;
	s25 =	sadd.s32 $0xF000, s31  }
0x2c: {  	s3 =	simm.s32 $0x80;
	s9 =	simm.s32 $0x200;
	s16 =	simm.s32 $0x2  }
0x2d: {  	v0 =	vimm.f32 $0.0e+00;
	s5 =	simm.s32 $0x0;
	[smem:$0x7FB] =	sst s25;
	s25 =	simm.s32 $0x7  }
.LBB2_1:
0x2e: {  	[smem:$0x7F8] =	sst s5  }
0x2f: {  	s0 =	rddreg [dreg:$0xd]  }
0x30: {  	[tilespmem:s4], [sflag:$0x1] =	stream.linear.gather [hbm4b:s0+s4], $0x50, $0x38;
	[tilespmem:$0x1DC80] =	vst v63  }
0x31: {  	s12 =	rddreg [dreg:$0xe]  }
0x32: {  	[tilespmem:s3], [sflag:$0x1] =	stream.linear.gather [hbm4b:s12+s4], $0x50, $0x38;
	[tilespmem:$0x1DC80] =	vst v63  }
0x33: {  	s5 =	rddreg [dreg:$0xf]  }
0x34: {  	[tilespmem:s7], [sflag:$0x2] =	stream.linear.gather [hbm4b:s5+s4], $0x50, $0x38;
	[tilespmem:$0x1DC80] =	vst v63  }
0x35: {  	s12 =	rddreg [dreg:$0x10]  }
0x36: {  	[tilespmem:s8], [sflag:$0x2] =	stream.linear.gather [hbm4b:s12+s4], $0x50, $0x38;
	[tilespmem:$0x1DC80] =	vst v63  }
0x37: {  	s5 =	rddreg [dreg:$0x11]  }
0x38: {  	[tilespmem:s9], [sflag:$0x3] =	stream.linear.gather [hbm4b:s5+s4], $0x50, $0x38;
	[tilespmem:$0x1DC80] =	vst v63  }
0x39: {  	s12 =	rddreg [dreg:$0x13]  }
0x3a: {  	[tilespmem:s10], [sflag:$0x3] =	stream.linear.gather [hbm4b:s12+s4], $0x50, $0x38;
	[tilespmem:$0x1DC80] =	vst v63  }
0x3b: {  	s5 =	simm.s32 $0x0;
	s12 =	simm.s32 $0x200  }
.LBB2_2:
0x3c: {  	p1 =	sne.s32 s12, $0x9E00;
	[tilespmem:s5+$0x2C70] =	vst v0  }
0x3d: {  	[tilespmem:s5+$0x2C00] =	vst v0  }
0x3e: {  	[tilespmem:s5+$0x2C10] =	vst v0  }
.Ltmp0:
0x3f: {  	[tilespmem:s5+$0x2C20] =	vst v0;
	(pc) =	sbr.rel @p1 .LBB2_2-.Ltmp0, $4  }
0x40: {  	[tilespmem:s5+$0x2C30] =	vst v0  }
0x41: {  	[tilespmem:s5+$0x2C40] =	vst v0  }
0x42: {  	[tilespmem:s5+$0x2C50] =	vst v0  }
0x43: {  	[tilespmem:s5+$0x2C60] =	vst v0;
	s5 =	sshra.s32 s12, $0x2;
	s12 =	sadd.s32 $0x200, s12  }
0x44: {  	[tilespmem:s5+$0x2C70] =	vst v0  }
0x45: {  	[tilespmem:s5+$0x2C00] =	vst v0  }
0x46: {  	[tilespmem:s5+$0x2C10] =	vst v0  }
0x47: {  	[tilespmem:s5+$0x2C20] =	vst v0  }
0x48: {  	[tilespmem:s5+$0x2C30] =	vst v0  }
0x49: {  	[tilespmem:s5+$0x2C40] =	vst v0  }
0x4a: {  	[tilespmem:s5+$0x2C50] =	vst v0  }
0x4b: {  	[tilespmem:s5+$0x2C60] =	vst v0;
	s0 =	rddreg [dreg:$0x14]  }
0x4c: {  	[spmem:s31] =	stream.linear.scatter [tilespmem:s14], [sflag:$0x9], $0x2800, $0x38;
	[tilespmem:$0x1DC80] =	vst v63  }
0x4d: {  	s12 =	rddreg [dreg:$0x15]  }
0x4e: {  	[spmem:s0] =	stream.linear.scatter [tilespmem:s14], [sflag:$0x9], $0x2800, $0x38;
	[tilespmem:$0x1DC80] =	vst v63  }
0x4f: {  	s5 =	rddreg [dreg:$0x16]  }
0x50: {  	[spmem:s12] =	stream.linear.scatter [tilespmem:s14], [sflag:$0x9], $0x2800, $0x38;
	[tilespmem:$0x1DC80] =	vst v63  }
0x51: {  	s12 =	sld [smem:$0x7F9]  }
0x52: {  	[spmem:s5] =	stream.linear.scatter [tilespmem:s14], [sflag:$0x9], $0x2800, $0x38;
	[tilespmem:$0x1DC80] =	vst v63  }
0x53: {  	s5 =	sld [smem:$0x7FA]  }
0x54: {  	[spmem:s12] =	stream.linear.scatter [tilespmem:s14], [sflag:$0x9], $0x2800, $0x38;
	[tilespmem:$0x1DC80] =	vst v63  }
0x55: {  	s12 =	sld [smem:$0x7FB]  }
0x56: {  	[spmem:s5] =	stream.linear.scatter [tilespmem:s14], [sflag:$0x9], $0x2800, $0x38;
	[tilespmem:$0x1DC80] =	vst v63  }
0x57: {  	s5 =	sld [smem:$0x7FC]  }
0x58: {  	[spmem:s12] =	stream.linear.scatter [tilespmem:s14], [sflag:$0x9], $0x2800, $0x38;
	[tilespmem:$0x1DC80] =	vst v63  }
0x59: {  	_ = 	snop  }
0x5a: {  	[spmem:s5] =	stream.linear.scatter [tilespmem:s14], [sflag:$0x9], $0x2000, $0x38;
	[tilespmem:$0x1DC80] =	vst v63  }
0x5b: {  	s5 =	simm.s32 @!p0 $0x2C00  }
0x5c: {  	[spmem:s6] =	stream.linear.scatter @!p0 [tilespmem:s5], [sflag:$0xD], $0x800, $0x38;
	[tilespmem:$0x1DC80] =	vst v63  }
0x5d: {  	s5 =	simm.s32 @!p0 $0xD  }
0x5e: {  	_ =	swait.ge @!p0 [sflag:s5], $0x800  }
0x5f: {  	[sflag:s5] =	ssyncset.done @!p0 $0x0  }
0x60: {  	[sflag:s5] =	ssyncadd.s32 @!p0 $0xFFFFF800  }
0x61: {  	_ =	swait.ge [sflag:s11], $0x50  }
0x62: {  	[sflag:s11] =	ssyncset.done $0x0  }
0x63: {  	[sflag:s11] =	ssyncadd.s32 $0xFFFFFFB0  }
0x64: {  	_ =	swait.ge [sflag:s11], $0x50  }
0x65: {  	[sflag:s11] =	ssyncset.done $0x0  }
0x66: {  	s12 =	simm.s32 $0x0;
	[sflag:s11] =	ssyncadd.s32 $0xFFFFFFB0  }
0x67: {  	[tilespmem:s18], [sflag:$0x5] =	stream.indirect.gather [hbm4b:s29+s13], $0x80, s12, s13, $0xb8;
	[tilespmem:$0x1DC80] =	vst v63  }
0x68: {  	_ =	swait.ge [sflag:s28], $0x2800  }
0x69: {  	[sflag:s28] =	ssyncset.done $0x0  }
0x6a: {  	[sflag:s28] =	ssyncadd.s32 $0xFFFFD800  }
0x6b: {  	_ =	swait.ge [sflag:s28], $0x2800  }
0x6c: {  	[sflag:s28] =	ssyncset.done $0x0  }
0x6d: {  	[sflag:s28] =	ssyncadd.s32 $0xFFFFD800  }
0x6e: {  	_ =	swait.ge [sflag:s28], $0x2800  }
0x6f: {  	[sflag:s28] =	ssyncset.done $0x0  }
0x70: {  	[sflag:s28] =	ssyncadd.s32 $0xFFFFD800  }
0x71: {  	_ =	swait.ge [sflag:s28], $0x2800  }
0x72: {  	[sflag:s28] =	ssyncset.done $0x0  }
0x73: {  	[sflag:s28] =	ssyncadd.s32 $0xFFFFD800  }
0x74: {  	_ =	swait.ge [sflag:s28], $0x2800  }
0x75: {  	[sflag:s28] =	ssyncset.done $0x0  }
0x76: {  	[sflag:s28] =	ssyncadd.s32 $0xFFFFD800  }
0x77: {  	_ =	swait.ge [sflag:s28], $0x2800  }
0x78: {  	[sflag:s28] =	ssyncset.done $0x0  }
0x79: {  	[sflag:s28] =	ssyncadd.s32 $0xFFFFD800  }
0x7a: {  	_ =	swait.ge [sflag:s28], $0x2800  }
0x7b: {  	[sflag:s28] =	ssyncset.done $0x0  }
0x7c: {  	[sflag:s28] =	ssyncadd.s32 $0xFFFFD800  }
0x7d: {  	_ =	swait.ge [sflag:s28], $0x2000  }
0x7e: {  	[sflag:s28] =	ssyncset.done $0x0  }
0x7f: {  	[sflag:s28] =	ssyncadd.s32 $0xFFFFE000  }
0x80: {  	[bflag:$0x0] =	sbarrier.arrive $0xFFFF  }
0x81: {  	_ =	swait.ge [sflag:s16], $0x50  }
0x82: {  	[sflag:s16] =	ssyncset.done $0x0  }
0x83: {  	[sflag:s16] =	ssyncadd.s32 $0xFFFFFFB0  }
0x84: {  	_ =	swait.ge [sflag:s16], $0x50  }
0x85: {  	[sflag:s16] =	ssyncset.done $0x0  }
0x86: {  	[sflag:s16] =	ssyncadd.s32 $0xFFFFFFB0  }
0x87: {  	[tilespmem:s14], [sflag:$0x6] =	stream.indirect.gather [hbm4b:s29+s13], $0x80, s7, s13, $0xb8;
	[tilespmem:$0x1DC80] =	vst v63  }
0x88: {  	_ =	swait.ge [sflag:s15], $0x2800  }
0x89: {  	[sflag:s15] =	ssyncset.done $0x0  }
0x8a: {  	[sflag:s15] =	ssyncadd.s32 $0xFFFFD800  }
0x8b: {  	[spmem:s2] =	stream.indirect.scatter.add.f32 [tilespmem:s18], [sflag:$0x9], $0x80, s3, s13, $0xb8;
	[tilespmem:$0x1DC80] =	vst v63  }
0x8c: {  	s6 =	rddreg [dreg:$0x18]  }
0x8d: {  	[tilespmem:s19], [sflag:$0x4] =	stream.linear.gather [hbm4b:s6+s12], $0x50, $0x38;
	[tilespmem:$0x1DC80] =	vst v63  }
0x8e: {  	s5 =	rddreg [dreg:$0x19]  }
0x8f: {  	[tilespmem:s21], [sflag:$0x4] =	stream.linear.gather [hbm4b:s5+s12], $0x50, $0x38;
	[tilespmem:$0x1DC80] =	vst v63  }
0x90: {  	_ =	swait.ge [sflag:s20], $0x50  }
0x91: {  	[sflag:s20] =	ssyncset.done $0x0  }
0x92: {  	[sflag:s20] =	ssyncadd.s32 $0xFFFFFFB0  }
0x93: {  	_ =	swait.ge [sflag:s20], $0x50  }
0x94: {  	[sflag:s20] =	ssyncset.done $0x0  }
0x95: {  	[sflag:s20] =	ssyncadd.s32 $0xFFFFFFB0  }
0x96: {  	[tilespmem:s24], [sflag:$0x7] =	stream.indirect.gather [hbm4b:s29+s13], $0x80, s9, s13, $0xb8;
	[tilespmem:$0x1DC80] =	vst v63  }
0x97: {  	_ =	swait.ge [sflag:s22], $0x2800  }
0x98: {  	[sflag:s22] =	ssyncset.done $0x0  }
0x99: {  	[sflag:s22] =	ssyncadd.s32 $0xFFFFD800  }
0x9a: {  	[spmem:s2] =	stream.indirect.scatter.add.f32 [tilespmem:s14], [sflag:$0xA], $0x80, s8, s13, $0xb8;
	[tilespmem:$0x1DC80] =	vst v63  }
0x9b: {  	_ =	swait.ge [sflag:s28], $0x2800  }
0x9c: {  	[sflag:s28] =	ssyncset.done $0x0  }
0x9d: {  	s6 =	rddreg [dreg:$0x1a];
	[sflag:s28] =	ssyncadd.s32 $0xFFFFD800  }
0x9e: {  	[tilespmem:s12], [sflag:$0x1] =	stream.linear.gather [hbm4b:s6+s12], $0x50, $0x38;
	[tilespmem:$0x1DC80] =	vst v63  }
0x9f: {  	s5 =	rddreg [dreg:$0x1b]  }
0xa0: {  	[tilespmem:s3], [sflag:$0x1] =	stream.linear.gather [hbm4b:s5+s12], $0x50, $0x38;
	[tilespmem:$0x1DC80] =	vst v63  }
0xa1: {  	_ =	swait.ge [sflag:s23], $0x50  }
0xa2: {  	[sflag:s23] =	ssyncset.done $0x0  }
0xa3: {  	[sflag:s23] =	ssyncadd.s32 $0xFFFFFFB0  }
0xa4: {  	_ =	swait.ge [sflag:s23], $0x50  }
0xa5: {  	[sflag:s23] =	ssyncset.done $0x0  }
0xa6: {  	[sflag:s23] =	ssyncadd.s32 $0xFFFFFFB0  }
0xa7: {  	[tilespmem:s17], [sflag:$0x8] =	stream.indirect.gather [hbm4b:s29+s13], $0x80, s19, s13, $0xb8;
	[tilespmem:$0x1DC80] =	vst v63  }
0xa8: {  	_ =	swait.ge [sflag:s25], $0x2800  }
0xa9: {  	[sflag:s25] =	ssyncset.done $0x0  }
0xaa: {  	[sflag:s25] =	ssyncadd.s32 $0xFFFFD800  }
0xab: {  	[spmem:s2] =	stream.indirect.scatter.add.f32 [tilespmem:s24], [sflag:$0xB], $0x80, s10, s13, $0xb8;
	[tilespmem:$0x1DC80] =	vst v63  }
0xac: {  	_ =	swait.ge [sflag:s26], $0x2800  }
0xad: {  	[sflag:s26] =	ssyncset.done $0x0  }
0xae: {  	s6 =	rddreg [dreg:$0x1c];
	[sflag:s26] =	ssyncadd.s32 $0xFFFFD800  }
0xaf: {  	[tilespmem:s7], [sflag:$0x2] =	stream.linear.gather [hbm4b:s6+s12], $0x50, $0x38;
	[tilespmem:$0x1DC80] =	vst v63  }
0xb0: {  	s5 =	rddreg [dreg:$0x1d]  }
0xb1: {  	[tilespmem:s8], [sflag:$0x2] =	stream.linear.gather [hbm4b:s5+s12], $0x50, $0x38;
	[tilespmem:$0x1DC80] =	vst v63  }
0xb2: {  	_ =	swait.ge [sflag:s11], $0x50  }
0xb3: {  	[sflag:s11] =	ssyncset.done $0x0  }
0xb4: {  	[sflag:s11] =	ssyncadd.s32 $0xFFFFFFB0  }
0xb5: {  	_ =	swait.ge [sflag:s11], $0x50  }
0xb6: {  	[sflag:s11] =	ssyncset.done $0x0  }
0xb7: {  	[sflag:s11] =	ssyncadd.s32 $0xFFFFFFB0  }
0xb8: {  	[tilespmem:s18], [sflag:$0x5] =	stream.indirect.gather [hbm4b:s29+s13], $0x80, s4, s13, $0xb8;
	[tilespmem:$0x1DC80] =	vst v63  }
0xb9: {  	_ =	swait.ge [sflag:s1], $0x2800  }
0xba: {  	[sflag:s1] =	ssyncset.done $0x0  }
0xbb: {  	[sflag:s1] =	ssyncadd.s32 $0xFFFFD800  }
0xbc: {  	[spmem:s2] =	stream.indirect.scatter.add.f32 [tilespmem:s17], [sflag:$0xC], $0x80, s21, s13, $0xb8;
	[tilespmem:$0x1DC80] =	vst v63  }
0xbd: {  	_ =	swait.ge [sflag:s30], $0x2800  }
0xbe: {  	s6 =	rddreg [dreg:$0xa];
	[sflag:s30] =	ssyncset.done $0x0  }
0xbf: {  	s31 =	rddreg [dreg:$0x9];
	[sflag:s30] =	ssyncadd.s32 $0xFFFFD800;
	s5 =	sadd.s32 $0x0, s6  }
0xc0: {  	[tilespmem:s9], [sflag:$0x3] =	stream.linear.gather [hbm4b:s5+s4], $0x50, $0x38;
	[tilespmem:$0x1DC80] =	vst v63  }
0xc1: {  	s17 =	sadd.s32 $0x0, s31  }
0xc2: {  	[tilespmem:s10], [sflag:$0x3] =	stream.linear.gather [hbm4b:s17+s4], $0x50, $0x38;
	[tilespmem:$0x1DC80] =	vst v63  }
0xc3: {  	_ =	swait.ge [sflag:s16], $0x50  }
0xc4: {  	[sflag:s16] =	ssyncset.done $0x0  }
0xc5: {  	[sflag:s16] =	ssyncadd.s32 $0xFFFFFFB0  }
0xc6: {  	_ =	swait.ge [sflag:s16], $0x50  }
0xc7: {  	[sflag:s16] =	ssyncset.done $0x0  }
0xc8: {  	[sflag:s16] =	ssyncadd.s32 $0xFFFFFFB0  }
0xc9: {  	[tilespmem:s14], [sflag:$0x6] =	stream.indirect.gather [hbm4b:s29+s13], $0x80, s7, s13, $0xb8;
	[tilespmem:$0x1DC80] =	vst v63  }
0xca: {  	_ =	swait.ge [sflag:s15], $0x2800  }
0xcb: {  	[sflag:s15] =	ssyncset.done $0x0  }
0xcc: {  	s6 =	simm.s32 $0xC;
	[sflag:s15] =	ssyncadd.s32 $0xFFFFD800  }
0xcd: {  	[spmem:s2] =	stream.indirect.scatter.add.f32 [tilespmem:s18], [sflag:$0x9], $0x80, s3, s13, $0xb8;
	[tilespmem:$0x1DC80] =	vst v63  }
0xce: {  	_ =	swait.ge [sflag:s6], $0x2800  }
0xcf: {  	s15 =	rddreg [dreg:$0x8];
	[sflag:s6] =	ssyncset.done $0x0  }
0xd0: {  	s31 =	rddreg [dreg:$0x7];
	[sflag:s6] =	ssyncadd.s32 $0xFFFFD800;
	s5 =	sadd.s32 $0x0, s15  }
0xd1: {  	[tilespmem:s19], [sflag:$0x4] =	stream.linear.gather [hbm4b:s5+s4], $0x50, $0x38;
	[tilespmem:$0x1DC80] =	vst v63  }
0xd2: {  	s17 =	sadd.s32 $0x0, s31  }
0xd3: {  	[tilespmem:s21], [sflag:$0x4] =	stream.linear.gather [hbm4b:s17+s4], $0x50, $0x38;
	[tilespmem:$0x1DC80] =	vst v63  }
0xd4: {  	_ =	swait.ge [sflag:s20], $0x50  }
0xd5: {  	[sflag:s20] =	ssyncset.done $0x0  }
0xd6: {  	[sflag:s20] =	ssyncadd.s32 $0xFFFFFFB0  }
0xd7: {  	_ =	swait.ge [sflag:s20], $0x50  }
0xd8: {  	[sflag:s20] =	ssyncset.done $0x0  }
0xd9: {  	[sflag:s20] =	ssyncadd.s32 $0xFFFFFFB0  }
0xda: {  	[tilespmem:s24], [sflag:$0x7] =	stream.indirect.gather [hbm4b:s29+s13], $0x80, s9, s13, $0xb8;
	[tilespmem:$0x1DC80] =	vst v63  }
0xdb: {  	_ =	swait.ge [sflag:s22], $0x2800  }
0xdc: {  	[sflag:s22] =	ssyncset.done $0x0  }
0xdd: {  	[sflag:s22] =	ssyncadd.s32 $0xFFFFD800  }
0xde: {  	[spmem:s2] =	stream.indirect.scatter.add.f32 [tilespmem:s14], [sflag:$0xA], $0x80, s8, s13, $0xb8;
	[tilespmem:$0x1DC80] =	vst v63  }
0xdf: {  	_ =	swait.ge [sflag:s28], $0x2800  }
0xe0: {  	s18 =	rddreg [dreg:$0x6];
	[sflag:s28] =	ssyncset.done $0x0  }
0xe1: {  	s31 =	rddreg [dreg:$0x5];
	[sflag:s28] =	ssyncadd.s32 $0xFFFFD800;
	s5 =	sadd.s32 $0x0, s18  }
0xe2: {  	[tilespmem:s4], [sflag:$0x1] =	stream.linear.gather [hbm4b:s5+s4], $0x50, $0x38;
	[tilespmem:$0x1DC80] =	vst v63  }
0xe3: {  	s21 =	sadd.s32 $0x0, s31  }
0xe4: {  	[tilespmem:s3], [sflag:$0x1] =	stream.linear.gather [hbm4b:s21+s4], $0x50, $0x38;
	[tilespmem:$0x1DC80] =	vst v63  }
0xe5: {  	_ =	swait.ge [sflag:s23], $0x50  }
0xe6: {  	[sflag:s23] =	ssyncset.done $0x0  }
0xe7: {  	[sflag:s23] =	ssyncadd.s32 $0xFFFFFFB0  }
0xe8: {  	_ =	swait.ge [sflag:s23], $0x50  }
0xe9: {  	[sflag:s23] =	ssyncset.done $0x0  }
0xea: {  	s30 =	simm.s32 $0x7C00;
	[sflag:s23] =	ssyncadd.s32 $0xFFFFFFB0  }
0xeb: {  	[tilespmem:s30], [sflag:$0x8] =	stream.indirect.gather [hbm4b:s29+s13], $0x80, s19, s13, $0xb8;
	[tilespmem:$0x1DC80] =	vst v63  }
0xec: {  	s1 =	simm.s32 $0x8;
	s15 =	simm.s32 $0x5;
	_ =	swait.ge [sflag:s25], $0x2800  }
0xed: {  	s22 =	smin.u32 s12, $0x73;
	s12 =	simm.s32 $0x28;
	[sflag:s25] =	ssyncset.done $0x0  }
0xee: {  	s8 =	simm.s32 $0xA;
	s28 =	simm.s32 $0x7;
	[sflag:s25] =	ssyncadd.s32 $0xFFFFD800  }
0xef: {  	[spmem:s2] =	stream.indirect.scatter.add.f32 [tilespmem:s24], [sflag:$0xB], $0x80, s10, s13, $0xb8;
	[tilespmem:$0x1DC80] =	vst v63  }
0xf0: {  	s31 =	simm.s32 $0x4;
	s5 =	smul.u32 $0x50, s22;
	_ =	swait.ge [sflag:s26], $0x2800  }
0xf1: {  	s22 =	simm.s32 $0x9;
	s21 =	simm.s32 $0xB;
	s24 =	rddreg [dreg:$0x4]  }
0xf2: {  	[sflag:s26] =	ssyncset.done $0x0;
	s25 =	rddreg [dreg:$0xb];
	s5 =	sadd.s32 s5, s24  }
0xf3: {  	s30 =	rddreg [dreg:$0xc];
	[sflag:s26] =	ssyncadd.s32 $0xFFFFD800;
	s5 =	sshrl.u32 s5, $0x3  }
0xf4: {  	s26 =	sadd.s32 s25, s5;
	s25 =	simm.s32 $0x6;
	s5 =	sadd.s32 s30, s5  }
0xf5: {  	[tilespmem:s7], [sflag:$0x2] =	stream.linear.gather [hbm4b:s26+s4], $0x50, $0x38;
	[tilespmem:$0x1DC80] =	vst v63  }
.LBB2_4:
0xf6: {  	s14 =	simm.s32 $0x180  }
0xf7: {  	[tilespmem:s14], [sflag:$0x2] =	stream.linear.gather [hbm4b:s5+s4], $0x50, $0x38;
	[tilespmem:$0x1DC80] =	vst v63  }
0xf8: {  	_ =	swait.ge [sflag:s11], $0x50  }
0xf9: {  	[sflag:s11] =	ssyncset.done $0x0  }
0xfa: {  	[sflag:s11] =	ssyncadd.s32 $0xFFFFFFB0  }
0xfb: {  	_ =	swait.ge [sflag:s11], $0x50  }
0xfc: {  	[sflag:s11] =	ssyncset.done $0x0  }
0xfd: {  	s10 =	simm.s32 $0x400;
	[sflag:s11] =	ssyncadd.s32 $0xFFFFFFB0  }
0xfe: {  	[tilespmem:s10], [sflag:$0x5] =	stream.indirect.gather [hbm4b:s29+s13], $0x80, s4, s13, $0xb8;
	[tilespmem:$0x1DC80] =	vst v63  }
0xff: {  	_ =	swait.ge [sflag:s1], $0x2800  }
0x100: {  	[sflag:s1] =	ssyncset.done $0x0  }
0x101: {  	s3 =	simm.s32 $0x7C00;
	s18 =	simm.s32 $0x380;
	[sflag:s1] =	ssyncadd.s32 $0xFFFFD800  }
0x102: {  	[spmem:s2] =	stream.indirect.scatter.add.f32 [tilespmem:s3], [sflag:$0xC], $0x80, s18, s13, $0xb8;
	[tilespmem:$0x1DC80] =	vst v63  }
0x103: {  	s26 =	simm.s32 $0x200;
	_ =	swait.ge [sflag:s21], $0x2800  }
0x104: {  	s5 =	smov.u32 s12;
	s6 =	rddreg [dreg:$0xa];
	[sflag:s21] =	ssyncset.done $0x0  }
0x105: {  	s0 =	rddreg [dreg:$0x9];
	[sflag:s21] =	ssyncadd.s32 $0xFFFFD800;
	s6 =	sadd.s32 s5, s6  }
0x106: {  	[tilespmem:s26], [sflag:$0x3] =	stream.linear.gather [hbm4b:s6+s4], $0x50, $0x38;
	[tilespmem:$0x1DC80] =	vst v63  }
0x107: {  	s19 =	simm.s32 $0x280;
	s0 =	sadd.s32 s5, s0  }
0x108: {  	[tilespmem:s19], [sflag:$0x3] =	stream.linear.gather [hbm4b:s0+s4], $0x50, $0x38;
	[tilespmem:$0x1DC80] =	vst v63  }
0x109: {  	_ =	swait.ge [sflag:s16], $0x50  }
0x10a: {  	[sflag:s16] =	ssyncset.done $0x0  }
0x10b: {  	[sflag:s16] =	ssyncadd.s32 $0xFFFFFFB0  }
0x10c: {  	_ =	swait.ge [sflag:s16], $0x50  }
0x10d: {  	[sflag:s16] =	ssyncset.done $0x0  }
0x10e: {  	s24 =	simm.s32 $0x2C00;
	s11 =	simm.s32 $0x100;
	[sflag:s16] =	ssyncadd.s32 $0xFFFFFFB0  }
0x10f: {  	[tilespmem:s24], [sflag:$0x6] =	stream.indirect.gather [hbm4b:s29+s13], $0x80, s11, s13, $0xb8;
	[tilespmem:$0x1DC80] =	vst v63  }
0x110: {  	_ =	swait.ge [sflag:s15], $0x2800  }
0x111: {  	[sflag:s15] =	ssyncset.done $0x0  }
0x112: {  	s30 =	simm.s32 $0x80;
	s7 =	simm.s32 $0xC;
	[sflag:s15] =	ssyncadd.s32 $0xFFFFD800  }
0x113: {  	[spmem:s2] =	stream.indirect.scatter.add.f32 [tilespmem:s10], [sflag:$0x9], $0x80, s30, s13, $0xb8;
	[tilespmem:$0x1DC80] =	vst v63  }
0x114: {  	_ =	swait.ge [sflag:s7], $0x2800  }
0x115: {  	s9 =	rddreg [dreg:$0x8]  }
0x116: {  	[sflag:s7] =	ssyncset.done $0x0;
	s10 =	rddreg [dreg:$0x7]  }
0x117: {  	[sflag:s7] =	ssyncadd.s32 $0xFFFFD800;
	s0 =	sadd.s32 s5, s9;
	s7 =	simm.s32 $0x300  }
0x118: {  	[tilespmem:s7], [sflag:$0x4] =	stream.linear.gather [hbm4b:s0+s4], $0x50, $0x38;
	[tilespmem:$0x1DC80] =	vst v63  }
0x119: {  	s17 =	sadd.s32 s5, s10  }
0x11a: {  	[tilespmem:s18], [sflag:$0x4] =	stream.linear.gather [hbm4b:s17+s4], $0x50, $0x38;
	[tilespmem:$0x1DC80] =	vst v63  }
0x11b: {  	_ =	swait.ge [sflag:s20], $0x50  }
0x11c: {  	[sflag:s20] =	ssyncset.done $0x0  }
0x11d: {  	[sflag:s20] =	ssyncadd.s32 $0xFFFFFFB0  }
0x11e: {  	_ =	swait.ge [sflag:s20], $0x50  }
0x11f: {  	[sflag:s20] =	ssyncset.done $0x0  }
0x120: {  	s17 =	simm.s32 $0x5400;
	[sflag:s20] =	ssyncadd.s32 $0xFFFFFFB0  }
0x121: {  	[tilespmem:s17], [sflag:$0x7] =	stream.indirect.gather [hbm4b:s29+s13], $0x80, s26, s13, $0xb8;
	[tilespmem:$0x1DC80] =	vst v63  }
0x122: {  	_ =	swait.ge [sflag:s25], $0x2800  }
0x123: {  	[sflag:s25] =	ssyncset.done $0x0  }
0x124: {  	[sflag:s25] =	ssyncadd.s32 $0xFFFFD800  }
0x125: {  	[spmem:s2] =	stream.indirect.scatter.add.f32 [tilespmem:s24], [sflag:$0xA], $0x80, s14, s13, $0xb8;
	[tilespmem:$0x1DC80] =	vst v63  }
0x126: {  	_ =	swait.ge [sflag:s22], $0x2800  }
0x127: {  	s6 =	rddreg [dreg:$0x6];
	[sflag:s22] =	ssyncset.done $0x0  }
0x128: {  	s10 =	rddreg [dreg:$0x5];
	[sflag:s22] =	ssyncadd.s32 $0xFFFFD800;
	s0 =	sadd.s32 s5, s6  }
0x129: {  	[tilespmem:s4], [sflag:$0x1] =	stream.linear.gather [hbm4b:s0+s4], $0x50, $0x38;
	[tilespmem:$0x1DC80] =	vst v63  }
0x12a: {  	s14 =	sadd.s32 s5, s10  }
0x12b: {  	[tilespmem:s30], [sflag:$0x1] =	stream.linear.gather [hbm4b:s14+s4], $0x50, $0x38;
	[tilespmem:$0x1DC80] =	vst v63  }
0x12c: {  	_ =	swait.ge [sflag:s23], $0x50  }
0x12d: {  	[sflag:s23] =	ssyncset.done $0x0  }
0x12e: {  	[sflag:s23] =	ssyncadd.s32 $0xFFFFFFB0  }
0x12f: {  	_ =	swait.ge [sflag:s23], $0x50  }
0x130: {  	[sflag:s23] =	ssyncset.done $0x0  }
0x131: {  	[sflag:s23] =	ssyncadd.s32 $0xFFFFFFB0  }
0x132: {  	[tilespmem:s3], [sflag:$0x8] =	stream.indirect.gather [hbm4b:s29+s13], $0x80, s7, s13, $0xb8;
	[tilespmem:$0x1DC80] =	vst v63  }
0x133: {  	_ =	swait.ge [sflag:s28], $0x2800  }
0x134: {  	[sflag:s28] =	ssyncset.done $0x0  }
0x135: {  	[sflag:s28] =	ssyncadd.s32 $0xFFFFD800  }
0x136: {  	[spmem:s2] =	stream.indirect.scatter.add.f32 [tilespmem:s17], [sflag:$0xB], $0x80, s19, s13, $0xb8;
	[tilespmem:$0x1DC80] =	vst v63  }
0x137: {  	p1 =	sne.s32 s12, $0x488;
	s12 =	sadd.s32 $0x28, s12;
	s17 =	smin.u32 s31, $0x73  }
0x138: {  	s9 =	simm.s32 $0x380;
	_ =	swait.ge [sflag:s8], $0x2800;
	s0 =	smul.u32 $0x50, s17  }
0x139: {  	s18 =	simm.s32 $0x180;
	s6 =	simm.s32 $0x80;
	s19 =	rddreg [dreg:$0x4]  }
.Ltmp1:
0x13a: {  	s10 =	simm.s32 $0x7C00;
	s0 =	sadd.s32 s0, s19;
	(pc) =	sbr.rel @p1 .LBB2_4-.Ltmp1, $4  }
0x13b: {  	[sflag:s8] =	ssyncset.done $0x0;
	s24 =	rddreg [dreg:$0xb];
	s0 =	sshrl.u32 s0, $0x3  }
0x13c: {  	s30 =	rddreg [dreg:$0xc];
	[sflag:s8] =	ssyncadd.s32 $0xFFFFD800;
	s26 =	sadd.s32 s24, s0  }
0x13d: {  	[tilespmem:s11], [sflag:$0x2] =	stream.linear.gather [hbm4b:s26+s4], $0x50, $0x38;
	[tilespmem:$0x1DC80] =	vst v63  }
0x13e: {  	s31 =	sadd.s32 $0x4, s31;
	s5 =	sadd.s32 s30, s0;
	s11 =	simm.s32 $0x1  }
0x13f: {  	[tilespmem:s18], [sflag:$0x2] =	stream.linear.gather [hbm4b:s5+s4], $0x50, $0x38;
	[tilespmem:$0x1DC80] =	vst v63  }
0x140: {  	_ =	swait.ge [sflag:s11], $0x50  }
0x141: {  	[sflag:s11] =	ssyncset.done $0x0  }
0x142: {  	[sflag:s11] =	ssyncadd.s32 $0xFFFFFFB0  }
0x143: {  	_ =	swait.ge [sflag:s11], $0x50  }
0x144: {  	[sflag:s11] =	ssyncset.done $0x0  }
0x145: {  	s0 =	simm.s32 $0x400;
	[sflag:s11] =	ssyncadd.s32 $0xFFFFFFB0  }
0x146: {  	[tilespmem:s0], [sflag:$0x5] =	stream.indirect.gather [hbm4b:s29+s13], $0x80, s4, s13, $0xb8;
	[tilespmem:$0x1DC80] =	vst v63  }
0x147: {  	_ =	swait.ge [sflag:s1], $0x2800  }
0x148: {  	[sflag:s1] =	ssyncset.done $0x0  }
0x149: {  	[sflag:s1] =	ssyncadd.s32 $0xFFFFD800  }
0x14a: {  	[spmem:s2] =	stream.indirect.scatter.add.f32 [tilespmem:s10], [sflag:$0xC], $0x80, s9, s13, $0xb8;
	[tilespmem:$0x1DC80] =	vst v63  }
0x14b: {  	_ =	swait.ge [sflag:s21], $0x2800  }
0x14c: {  	[sflag:s21] =	ssyncset.done $0x0  }
0x14d: {  	[sflag:s21] =	ssyncadd.s32 $0xFFFFD800  }
0x14e: {  	_ =	swait.ge [sflag:s15], $0x2800  }
0x14f: {  	[sflag:s15] =	ssyncset.done $0x0  }
0x150: {  	s19 =	simm.s32 $0xC;
	[sflag:s15] =	ssyncadd.s32 $0xFFFFD800  }
0x151: {  	[spmem:s2] =	stream.indirect.scatter.add.f32 [tilespmem:s0], [sflag:$0x9], $0x80, s6, s13, $0xb8;
	[tilespmem:$0x1DC80] =	vst v63  }
0x152: {  	_ =	swait.ge [sflag:s19], $0x2800  }
0x153: {  	[sflag:s19] =	ssyncset.done $0x0  }
0x154: {  	[sflag:s19] =	ssyncadd.s32 $0xFFFFD800  }
0x155: {  	_ =	swait.ge [sflag:s22], $0x2800  }
0x156: {  	[sflag:s22] =	ssyncset.done $0x0  }
0x157: {  	[sflag:s22] =	ssyncadd.s32 $0xFFFFD800  }
0x158: {  	_ =	swait.ge [sflag:s16], $0x50  }
0x159: {  	[sflag:s16] =	ssyncset.done $0x0  }
0x15a: {  	[sflag:s16] =	ssyncadd.s32 $0xFFFFFFB0  }
0x15b: {  	_ =	swait.ge [sflag:s16], $0x50  }
0x15c: {  	[sflag:s16] =	ssyncset.done $0x0  }
0x15d: {  	[sflag:s16] =	ssyncadd.s32 $0xFFFFFFB0  }
0x15e: {  	s21 =	stileid.u32;
	[bflag:$0x0] =	sbarrier.arrive $0xFFFF  }
0x15f: {  	s24 =	simm.s32 $0xD;
	s0 =	sshll.u32 s21, $0x6;
	s31 =	rddreg [dreg:$0x12]  }
0x160: {  	s0 =	sor.u32 $0x1C0D, s0;
	s3 =	rddreg [dreg:$0x17];
	s22 =	sshrl.u32 s31, $0x3  }
0x161: {  	[hbm:s3], [sflag:s0] =	dma.local [spmem:s22], $0x2700  }
0x162: {  	_ =	swait.ge [sflag:s24], $0x2700  }
0x163: {  	s6 =	sld [smem:$0x7FD];
	_ =	sdelay $0x1  }
0x164: {  	[sflag:s24] =	ssyncset.done $0x0  }
0x165: {  	s3 =	rddreg [dreg:$0x1e];
	[sflag:s24] =	ssyncadd.s32 $0xFFFFD900;
	s5 =	sshrl.u32 @!p0 s6, $0x3  }
0x166: {  	[hbm:s3], [sflag:s0] =	dma.local @!p0 [spmem:s5], $0x100  }
0x167: {  	s0 =	simm.s32 @!p0 $0xD  }
0x168: {  	_ =	swait.ge @!p0 [sflag:s0], $0x100  }
0x169: {  	s25 =	sld [smem:$0x7F8];
	_ =	sdelay $0x1  }
0x16a: {  	s7 =	simm.s32 $0x100;
	s8 =	simm.s32 $0x180;
	s14 =	simm.s32 $0x2C00  }
0x16b: {  	s18 =	simm.s32 $0x400;
	s26 =	rddreg [dreg:$0x1f];
	s5 =	sadd.s32 $0x1, s25  }
0x16c: {  	s28 =	simm.s32 $0x9;
	s17 =	simm.s32 $0x7C00;
	p1 =	sne.s32 s5, s26  }
.Ltmp2:
0x16d: {  	s30 =	simm.s32 $0xB;
	s1 =	simm.s32 $0x8;
	(pc) =	sbr.rel @p1 .LBB2_1-.Ltmp2, $4  }
0x16e: {  	s9 =	simm.s32 $0x200;
	s10 =	simm.s32 $0x280;
	s15 =	simm.s32 $0x5  }
0x16f: {  	s21 =	simm.s32 $0x380;
	s19 =	simm.s32 $0x300;
	s22 =	simm.s32 $0x6  }
0x170: {  	s24 =	simm.s32 $0x5400;
	s3 =	simm.s32 $0x80;
	[sflag:s0] =	ssyncset.done @!p0 $0x0  }
0x171: {  	[sflag:s0] =	ssyncadd.s32 @!p0 $0xFFFFFF00;
	s25 =	simm.s32 $0x7;
	s26 =	simm.s32 $0xA  }
0x172: {  	_ =	sfence.sel $0x180000  }
0x173: {  	[bflag:$0x0] =	sbarrier.arrive $0xFFFF  }
0x174: {  	_ =	strace $0x9000004A  }
0x175: {  	[bflag:$0x2] =	sbarrier.arrive $0xFFFF  }
0x176: {  	s0 =	rddreg [dreg:$0x3]  }
0x177: {  	s0 =	sadd.s32 @!p0 $0x100000, s0  }
0x178: {  	[sflag:s0] =	ssyncadd.tile.s32 @!p0 $0x1;
	_ =	shalt  }
.Lfunc_end2:
_tile_overlayer_lowered:
.L_overlay_start_2:
0x179: {  	(tag) =	ssettag $0x2  }
0x17a: {  	s0 =	rddreg [dreg:$0x0];
	s2 =	stileid.u32  }
0x17b: {  	s1 =	rddreg [dreg:$0x1];
	p0 =	sne.s32 s2, $0x0  }
0x17c: {  	s3 =	rddreg [dreg:$0x2];
	[bflag:$0x3] =	sbarrier.arrive $0xFFFF;
	s2 =	simm.s32 @!p0 $0x1C0D  }
0x17d: {  	[timem:s3], [sflag:s2] =	dma.local @!p0 [hbm:s0], s1  }
0x17e: {  	s0 =	simm.s32 @!p0 $0xD  }
0x17f: {  	_ =	swait.ge @!p0 [sflag:s0], s1  }
0x180: {  	s1 =	ssub.s32 @!p0 $0x0, s1;
	[sflag:s0] =	ssyncset.done @!p0 $0x0  }
0x181: {  	[sflag:s0] =	ssyncadd.s32 @!p0 s1  }
0x182: {  	[bflag:$0x3] =	sbarrier.arrive $0xFFFF  }
0x183: {  	_ =	shalt  }

// kernel: kernel.8.cloned.1.call-start
scs
__scs_entry_jumppad:
0x0: {  	(pc) =	sbr.rel $0x88, $3  }
0x1: {  	(tag) =	ssettag $0x0;
	lr =	simm.s32 $0x1  }
0x2: {  	[smem:$0x3F8D] =	sst lr;
	_ =	strace $0xD0000000  }
0x3: {  	_ = 	snop  }
0x4: {  	_ = 	snop  }
0x5: {  	_ = 	snop  }
0x6: {  	_ = 	snop  }
0x7: {  	_ = 	snop  }
__scs_overlays_trampoline_lowered:
0x8: {  	[smem:$0x3F9C] =	sst s0  }
0x9: {  	[smem:$0x3F9D] =	sst s1  }
0xa: {  	[smem:$0x3F9E] =	sst s2  }
0xb: {  	[smem:$0x3F9F] =	sst s3  }
0xc: {  	[smem:$0x3FA0] =	sst s4  }
0xd: {  	[smem:$0x3FA1] =	sst s5  }
0xe: {  	[smem:$0x3FA2] =	sst s6  }
0xf: {  	[smem:$0x3FA3] =	sst s7  }
0x10: {  	[smem:$0x3FA4] =	sst s8  }
0x11: {  	[smem:$0x3FA5] =	sst s9;
	s0 =	simm.s32 @!p0 $0x0  }
0x12: {  	s1 =	sld [smem:$0x3F8B];
	s0 =	simm.s32 @p0 $0x1  }
0x13: {  	[smem:$0x3FA6] =	sst s0;
	s0 =	simm.s32 @!p1 $0x0  }
0x14: {  	s2 =	sld [smem:$0x3F8A];
	s0 =	simm.s32 @p1 $0x1  }
0x15: {  	[smem:$0x3FA7] =	sst s0;
	s0 =	simm.s32 @!p2 $0x0  }
0x16: {  	s3 =	sld [smem:$0x3FDB];
	s0 =	simm.s32 @p2 $0x1  }
0x17: {  	s4 =	simm.s32 $0x1BF5;
	[smem:$0x3FA9] =	sst s0  }
0x18: {  	s0 =	sld [smem:$0x3F8C];
	_ =	swait.ge [sflag:s4], $0x0  }
0x19: {  	s7 =	sld [smem:$0x3F8D]  }
0x1a: {  	s8 =	sadd.s32 $0xFFFFE003, lr  }
0x1b: {  	s9 =	sadd.s32 $0xFFFFFEF7, lr;
	s5 =	simm.s32 $0xFFFFFFFF;
	p2 =	slt.u32 s8, $0xFFFFF086  }
0x1c: {  	p1 =	slt.u32 s9, $0xF7A;
	s5 =	simm.s32 @!p2 $0x0  }
0x1d: {  	s5 =	simm.s32 @p1 $0x1;
	p0 =	seq.s32 s7, s2  }
0x1e: {  	s7 =	smul.u32 @!p0 $0xF7A, s2;
	p2 =	seq.s32 @!p0 s5, $0x0  }
0x1f: {  	s9 =	smul.u32 $0xF7A, s1;
	s8 =	simm.s32 @!p0 $0x1BF5;
	p2 =	por !p2, p0  }
0x20: {  	[sflag:s8] =	ssyncset.s32 @!p0 $0xFFFFF086;
	s6 =	sadd.s32 @!p0 s3, s7;
	s7 =	simm.s32 @!p0 $0x108  }
0x21: {  	s3 =	sadd.s32 s3, s9;
	s6 =	sadd.s32 @!p0 $0x88, s6;
	s7 =	simm.s32 @p2 $0x1082  }
0x22: {  	[simem:s7], [sflag:s8] =	dma.local @!p0 [hbm:s6], $0xF7A  }
0x23: {  	s9 =	sor.u32 $0xD0000000, s2;
	s6 =	simm.s32 $0x108;
	_ =	swait.ge @!p0 [sflag:s8], $0x0  }
0x24: {  	s3 =	sadd.s32 $0x88, s3;
	s6 =	simm.s32 @!p1 $0x1082;
	[sflag:s4] =	ssyncset.s32 $0xFFFFF086  }
0x25: {  	[simem:s6], [sflag:s4] =	dma.local [hbm:s3], $0xF7A  }
0x26: {  	[smem:$0x3F8D] =	sst s1;
	(tag) =	ssettag s2;
	_ =	strace s9  }
0x27: {  	s1 =	sld [smem:$0x3F9D]  }
0x28: {  	s2 =	sld [smem:$0x3F9E]  }
0x29: {  	s4 =	sld [smem:$0x3FA0]  }
0x2a: {  	p0 =	seq.s32 s5, $0x0;
	s5 =	sld [smem:$0x3FA1]  }
0x2b: {  	s6 =	sld [smem:$0x3FA2]  }
0x2c: {  	s7 =	sld [smem:$0x3FA3]  }
0x2d: {  	s3 =	simm.s32 $0x108;
	s8 =	sld [smem:$0x3FA4]  }
0x2e: {  	s3 =	simm.s32 @!p0 $0x1082;
	s9 =	sld [smem:$0x3FA5]  }
0x2f: {  	lr =	sadd.s32 s0, s3;
	s0 =	sld [smem:$0x3F9C]  }
0x30: {  	s3 =	sld [smem:$0x3F9F]  }
0x31: {  	[smem:$0x3FA8] =	sst s10  }
0x32: {  	s10 =	sld [smem:$0x3FA6];
	_ =	sdelay $0x3  }
0x33: {  	p0 =	seq.s32 s10, $0x1;
	s10 =	sld [smem:$0x3FA8];
	_ =	sdelay $0x3  }
0x34: {  	[smem:$0x3FA8] =	sst s10  }
0x35: {  	s10 =	sld [smem:$0x3FA7];
	_ =	sdelay $0x3  }
0x36: {  	p1 =	seq.s32 s10, $0x1;
	s10 =	sld [smem:$0x3FA8];
	_ =	sdelay $0x3  }
0x37: {  	[smem:$0x3FA8] =	sst s10  }
0x38: {  	s10 =	sld [smem:$0x3FA9]  }
0x39: {  	_ = 	snop;
	(pc) =	sbr.ind lr, $3  }
0x3a: {  	_ = 	snop  }
0x3b: {  	_ = 	snop  }
0x3c: {  	p2 =	seq.s32 s10, $0x1;
	s10 =	sld [smem:$0x3FA8]  }
0x3d: {  	_ =	shalt  }
0x3e: {  	_ =	shalt  }
0x3f: {  	_ =	shalt  }
0x40: {  	_ =	shalt  }
0x41: {  	_ =	shalt  }
0x42: {  	_ =	shalt  }
0x43: {  	_ =	shalt  }
0x44: {  	_ =	shalt  }
0x45: {  	_ =	shalt  }
0x46: {  	_ =	shalt  }
0x47: {  	_ =	shalt  }
0x48: {  	_ =	shalt  }
0x49: {  	_ =	shalt  }
0x4a: {  	_ =	shalt  }
0x4b: {  	_ =	shalt  }
0x4c: {  	_ =	shalt  }
0x4d: {  	_ =	shalt  }
0x4e: {  	_ =	shalt  }
0x4f: {  	_ =	shalt  }
0x50: {  	_ =	shalt  }
0x51: {  	_ =	shalt  }
0x52: {  	_ =	shalt  }
0x53: {  	_ =	shalt  }
0x54: {  	_ =	shalt  }
0x55: {  	_ =	shalt  }
0x56: {  	_ =	shalt  }
0x57: {  	_ =	shalt  }
0x58: {  	_ =	shalt  }
0x59: {  	_ =	shalt  }
0x5a: {  	_ =	shalt  }
0x5b: {  	_ =	shalt  }
0x5c: {  	_ =	shalt  }
0x5d: {  	_ =	shalt  }
0x5e: {  	_ =	shalt  }
0x5f: {  	_ =	shalt  }
0x60: {  	_ =	shalt  }
0x61: {  	_ =	shalt  }
0x62: {  	_ =	shalt  }
0x63: {  	_ =	shalt  }
0x64: {  	_ =	shalt  }
0x65: {  	_ =	shalt  }
0x66: {  	_ =	shalt  }
0x67: {  	_ =	shalt  }
0x68: {  	_ =	shalt  }
0x69: {  	_ =	shalt  }
0x6a: {  	_ =	shalt  }
0x6b: {  	_ =	shalt  }
0x6c: {  	_ =	shalt  }
0x6d: {  	_ =	shalt  }
0x6e: {  	_ =	shalt  }
0x6f: {  	_ =	shalt  }
0x70: {  	_ =	shalt  }
0x71: {  	_ =	shalt  }
0x72: {  	_ =	shalt  }
0x73: {  	_ =	shalt  }
0x74: {  	_ =	shalt  }
0x75: {  	_ =	shalt  }
0x76: {  	_ =	shalt  }
0x77: {  	_ =	shalt  }
0x78: {  	_ =	shalt  }
0x79: {  	_ =	shalt  }
0x7a: {  	_ =	shalt  }
0x7b: {  	_ =	shalt  }
0x7c: {  	_ =	shalt  }
0x7d: {  	_ =	shalt  }
0x7e: {  	_ =	shalt  }
0x7f: {  	_ =	shalt  }
0x80: {  	_ =	shalt  }
0x81: {  	_ =	shalt  }
0x82: {  	_ =	shalt  }
0x83: {  	_ =	shalt  }
0x84: {  	_ =	shalt  }
0x85: {  	_ =	shalt  }
0x86: {  	_ =	shalt  }
0x87: {  	_ =	shalt  }
.Lfunc_end0:
.L_simem_size_0:
called_computation_lowered:
.L_overlay_start_0:
0x88: {  	s2 =	sld [smem:$0x3FD9]  }
0x89: {  	s3 =	sld [smem:$0x3FFE];
	_ =	sdelay $0x1  }
0x8a: {  	s1 =	srdreg.scid  }
0x8b: {  	s0 =	sand.u32 $0x1, s1  }
0x8c: {  	s17 =	sshll.u32 s0, $0xA;
	s2 =	sadd.s32 s3, s2  }
0x8d: {  	s2 =	sadd.s32 s2, s17  }
0x8e: {  	[smem:$0x3FB4] =	sst s2  }
0x8f: {  	_ = 	snop  }
0x90: {  	s2 =	sld [smem:$0x3FD0];
	(tm) =	ssettm $0x1  }
0x91: {  	s18 =	sld [smem:$0x3FFB];
	_ =	sdelay $0x3  }
0x92: {  	_ =	strace s18  }
0x93: {  	s3 =	sld [smem:$0x3FFC];
	_ =	sdelay $0x3  }
0x94: {  	_ =	strace s3  }
0x95: {  	s3 =	sld [smem:$0x3FFD];
	_ =	sdelay $0x3  }
0x96: {  	_ =	strace s3  }
0x97: {  	_ =	strace $0x8FFFFFFF  }
0x98: {  	s19 =	sld [smem:$0x3FDB];
	_ =	sdelay $0x1  }
0x99: {  	s4 =	simm.s32 $_scs_section_size  }
0x9a: {  	s5 =	simm.s32 $_size__tile_overlayer_lowered;
	s6 =	simm.s32 $_tile_overlayer_lowered  }
0x9b: {  	s22 =	simm.s32 $0x1BFF;
	s21 =	sshll.u32 s6, $0x1;
	s3 =	sadd.s32 s4, s19  }
0x9c: {  	s7 =	simm.s32 $0x0;
	s20 =	sshll.u32 s5, $0x1;
	s5 =	sadd.s32 s21, s3  }
0x9d: {  	[timem:s7], [sflag:s22] =	dma.local [hbm:s5], s20  }
0x9e: {  	_ =	swait.ge [sflag:s22], s20  }
0x9f: {  	s4 =	ssub.s32 $0x0, s20;
	[sflag:s22] =	ssyncset.done $0x0  }
0xa0: {  	[sflag:s22] =	ssyncadd.s32 s4;
	_ =	sdelay $0x1  }
0xa1: {  	s23 =	simm.s32 $0x1B8B  }
0xa2: {  	_ =	swait.ge [sflag:s23], $0x1  }
0xa3: {  	[sflag:s23] =	ssyncset.done $0x0  }
0xa4: {  	s25 =	simm.s32 $0x1B8E;
	s24 =	sld [smem:$0x3FFE];
	[sflag:s23] =	ssyncadd.s32 $0xFFFFFFFF  }
0xa5: {  	s26 =	simm.s32 $execute0_lowered;
	[smem:$0x3FD2] =	sst s25  }
0xa6: {  	s5 =	sshll.u32 s26, $0x1;
	_ =	strace $0x80000046;
	[dreg:$0x1] =	wrdreg $0xFFFFFFFF  }
0xa7: {  	s28 =	simm.s32 $_size_execute0_lowered;
	s3 =	sadd.s32 s3, s5;
	[dreg:$0x0] =	wrdreg $0x0  }
0xa8: {  	s5 =	sshll.u32 s28, $0x1;
	[dreg:$0x2] =	wrdreg s3  }
0xa9: {  	[dreg:$0x3] =	wrdreg s5  }
0xaa: {  	[dreg:$0x4] =	wrdreg $0xC0  }
0xab: {  	_ =	task [dreg:s7], $0x5FFFF  }
0xac: {  	[dreg:$0x1] =	wrdreg $0xFFFFFFFF  }
0xad: {  	[dreg:$0x0] =	wrdreg $0x60  }
0xae: {  	[dreg:$0x2] =	wrdreg s2  }
0xaf: {  	[dreg:$0x3] =	wrdreg s24  }
0xb0: {  	[dreg:$0x4] =	wrdreg $0xA4000  }
0xb1: {  	[dreg:$0x5] =	wrdreg $0x9  }
0xb2: {  	_ =	task.clear_ibuf [dreg:s7], $0x6FFFF;
	_ =	strace $0x90000046  }
0xb3: {  	s29 =	simm.s32 $0x9;
	_ =	strace $0x80000048  }
0xb4: {  	_ =	swait.ge [sflag:s29], $0x1  }
0xb5: {  	[sflag:s29] =	ssyncadd.s32 $0xFFFFFFFF  }
0xb6: {  	_ =	strace $0x90000048  }
0xb7: {  	_ =	sfence  }
0xb8: {  	s30 =	sld [smem:$0x0];
	_ =	sdelay $0x2  }
0xb9: {  	s31 =	sshll.u32 s1, $0xD;
	s1 =	sshrl.u32 s1, $0x2  }
0xba: {  	s3 =	sand.u32 $0x4000, s31;
	s1 =	sadd.s32 s1, s30  }
0xbb: {  	s0 =	sor.u32 s3, s0;
	s1 =	sshll.u32 s1, $0x11  }
0xbc: {  	s0 =	sor.u32 s1, s0  }
0xbd: {  	s0 =	sadd.s32 $0x8F2B, s0  }
0xbe: {  	[sflag:s0] =	ssyncadd.remote.s32 $0x1  }
0xbf: {  	_ =	sfence.sel $0xFFFF  }
0xc0: {  	[dreg:$0x0] =	wrdreg $0xFFFFFFFF;
	(pc) =	sbr.abs _section_cstart, $3  }
0xc1: {  	[dreg:$0x1] =	wrdreg $0xFFFFFFFF  }
0xc2: {  	_ =	task.clear_ibuf [dreg:s7], $0x2FFFF;
	_ =	strace $0x9FFFFFFF  }
0xc3: {  	(tm) =	ssettm $0x7FFFFFFF  }
tec
execute0_lowered:
.L_overlay_start_1:
0x0: {  	(tag) =	ssettag $0x1  }
0x1: {  	s29 =	rddreg [dreg:$0x0]  }
0x2: {  	s0 =	rddreg [dreg:$0x1]  }
0x3: {  	s2 =	rddreg [dreg:$0x2];
	s3 =	srdreg.scid  }
0x4: {  	s6 =	stileid.u32;
	s4 =	simm.s32 $0x0;
	s28 =	simm.s32 $0x9  }
0x5: {  	s30 =	simm.s32 $0xB;
	s3 =	sand.u32 $0x1, s3;
	s5 =	sshll.u32 s6, $0x1  }
0x6: {  	[smem:$0x7FF] =	sst s4;
	s13 =	sadd.s32 $0x4400, s0;
	s10 =	smul.u32 $0x4E000, s6  }
0x7: {  	s14 =	sadd.s32 $0xE200, s0;
	s0 =	sadd.s32 $0x18000, s0;
	s16 =	smul.u32 $0x4E20, s6  }
0x8: {  	s20 =	smul.u32 $0x13800, s6;
	p0 =	sne.s32 s6, $0x0;
	s6 =	sadd.s32 $0x138000, s2  }
0x9: {  	s5 =	sor.u32 s3, s5;
	_ =	strace $0x80000047;
	[dreg:$0xb] =	wrdreg s13  }
0xa: {  	s7 =	ssub.s32 $0x2, s3;
	s15 =	smul.u32 $0x138800, s3;
	[dreg:$0xc] =	wrdreg s14  }
0xb: {  	s3 =	smul.u32 $0x2710, s3;
	[smem:$0x7FD] =	sst s6;
	s8 =	sshrl.u32 s7, $0x1  }
0xc: {  	s5 =	smul.u32 $0x2710, s5;
	s10 =	sshrl.u32 s10, $0x2;
	s7 =	ssub.s32 s7, s8  }
0xd: {  	s31 =	sadd.s32 s10, s2;
	s3 =	sadd.s32 s3, s16;
	s22 =	sadd.s32 s20, s15  }
0xe: {  	s24 =	sshrl.u32 s15, $0x3;
	s10 =	simm.s32 $0x280;
	s8 =	sshrl.u32 s5, $0x3  }
0xf: {  	s17 =	sadd.s32 $0x2800, s31;
	s18 =	sadd.s32 $0x5000, s31;
	[dreg:$0x12] =	wrdreg s31  }
0x10: {  	s19 =	sadd.s32 $0x7800, s31;
	s5 =	sadd.s32 $0x2D0, s5;
	[dreg:$0x14] =	wrdreg s17  }
0x11: {  	s23 =	sadd.s32 $0x280, s3;
	s9 =	sadd.s32 s13, s8;
	[dreg:$0x15] =	wrdreg s18  }
0x12: {  	s26 =	sadd.s32 $0xA, s8;
	s11 =	sadd.s32 s14, s8;
	[dreg:$0x16] =	wrdreg s19  }
0x13: {  	s21 =	sadd.s32 $0x1E, s8;
	[dreg:$0x4] =	wrdreg s5;
	s5 =	sshrl.u32 s22, $0x3  }
0x14: {  	s15 =	sadd.s32 $0x28, s8;
	s19 =	sadd.s32 $0x32, s8;
	[dreg:$0xd] =	wrdreg s9  }
0x15: {  	s22 =	smax.u32 s7, $0x1;
	s7 =	simm.s32 $0x100;
	[dreg:$0xe] =	wrdreg s11  }
0x16: {  	s1 =	sadd.s32 s13, s26;
	s9 =	sadd.s32 s14, s26;
	[dreg:$0x1f] =	wrdreg s22  }
0x17: {  	s11 =	sadd.s32 $0x14, s8;
	s5 =	sadd.s32 s0, s5;
	[dreg:$0xf] =	wrdreg s1  }
0x18: {  	s0 =	sadd.s32 s0, s24;
	s26 =	sadd.s32 s13, s21;
	[dreg:$0x10] =	wrdreg s9  }
0x19: {  	s17 =	sadd.s32 s13, s15;
	s18 =	sadd.s32 s14, s15;
	[dreg:$0x17] =	wrdreg s5  }
0x1a: {  	s20 =	sadd.s32 s13, s19;
	s24 =	sadd.s32 $0xC800, s31;
	[dreg:$0x18] =	wrdreg s26  }
0x1b: {  	s8 =	simm.s32 $0x180;
	s15 =	simm.s32 $0x5;
	[dreg:$0x1a] =	wrdreg s17  }
0x1c: {  	s22 =	simm.s32 $0x6;
	s12 =	sadd.s32 s13, s11;
	[dreg:$0x1b] =	wrdreg s18  }
0x1d: {  	s9 =	sadd.s32 s14, s11;
	s1 =	sadd.s32 $0x230, s3;
	[dreg:$0x1c] =	wrdreg s20  }
0x1e: {  	s11 =	sadd.s32 s14, s21;
	s3 =	sadd.s32 $0x1E0, s3;
	[smem:$0x7FA] =	sst s24  }
0x1f: {  	s21 =	sadd.s32 s14, s19;
	s0 =	sadd.s32 $0x27000, s0;
	[dreg:$0x11] =	wrdreg s12  }
0x20: {  	s26 =	sadd.s32 $0x11800, s31;
	s18 =	simm.s32 $0x400;
	[dreg:$0x13] =	wrdreg s9  }
0x21: {  	s19 =	simm.s32 $0x300;
	s20 =	simm.s32 $0x3;
	[dreg:$0x19] =	wrdreg s11  }
0x22: {  	s24 =	simm.s32 $0x5400;
	s17 =	simm.s32 $0x7C00;
	[dreg:$0x1d] =	wrdreg s21  }
0x23: {  	s9 =	sshrl.u32 s23, $0x3;
	s5 =	sshrl.u32 s1, $0x3;
	[dreg:$0x1e] =	wrdreg s0  }
0x24: {  	s3 =	sshrl.u32 s3, $0x3;
	s23 =	sadd.s32 $0xA000, s31;
	[smem:$0x7FC] =	sst s26  }
0x25: {  	s11 =	simm.s32 $0x1;
	s25 =	sadd.s32 s9, s14;
	[smem:$0x7F9] =	sst s23  }
0x26: {  	s21 =	simm.s32 $0x380;
	s9 =	sadd.s32 s9, s13;
	[dreg:$0x5] =	wrdreg s25  }
0x27: {  	s26 =	simm.s32 $0xA;
	s12 =	sadd.s32 s5, s14;
	[dreg:$0x6] =	wrdreg s9  }
0x28: {  	s1 =	simm.s32 $0x8;
	s5 =	sadd.s32 s5, s13;
	[dreg:$0x7] =	wrdreg s12  }
0x29: {  	s16 =	sadd.s32 s3, s14;
	s3 =	sadd.s32 s3, s13;
	[dreg:$0x8] =	wrdreg s5  }
0x2a: {  	s14 =	simm.s32 $0x2C00;
	s13 =	simm.s32 $0x50;
	[dreg:$0x9] =	wrdreg s16  }
0x2b: {  	s23 =	simm.s32 $0x4;
	[dreg:$0xa] =	wrdreg s3;
	s25 =	sadd.s32 $0xF000, s31  }
0x2c: {  	s3 =	simm.s32 $0x80;
	s9 =	simm.s32 $0x200;
	s16 =	simm.s32 $0x2  }
0x2d: {  	v0 =	vimm.f32 $0.0e+00;
	s5 =	simm.s32 $0x0;
	[smem:$0x7FB] =	sst s25;
	s25 =	simm.s32 $0x7  }
.LBB2_1:
0x2e: {  	[smem:$0x7F8] =	sst s5  }
0x2f: {  	s0 =	rddreg [dreg:$0xd]  }
0x30: {  	[tilespmem:s4], [sflag:$0x1] =	stream.linear.gather [hbm4b:s0+s4], $0x50, $0x38;
	[tilespmem:$0x1DC80] =	vst v63  }
0x31: {  	s12 =	rddreg [dreg:$0xe]  }
0x32: {  	[tilespmem:s3], [sflag:$0x1] =	stream.linear.gather [hbm4b:s12+s4], $0x50, $0x38;
	[tilespmem:$0x1DC80] =	vst v63  }
0x33: {  	s5 =	rddreg [dreg:$0xf]  }
0x34: {  	[tilespmem:s7], [sflag:$0x2] =	stream.linear.gather [hbm4b:s5+s4], $0x50, $0x38;
	[tilespmem:$0x1DC80] =	vst v63  }
0x35: {  	s12 =	rddreg [dreg:$0x10]  }
0x36: {  	[tilespmem:s8], [sflag:$0x2] =	stream.linear.gather [hbm4b:s12+s4], $0x50, $0x38;
	[tilespmem:$0x1DC80] =	vst v63  }
0x37: {  	s5 =	rddreg [dreg:$0x11]  }
0x38: {  	[tilespmem:s9], [sflag:$0x3] =	stream.linear.gather [hbm4b:s5+s4], $0x50, $0x38;
	[tilespmem:$0x1DC80] =	vst v63  }
0x39: {  	s12 =	rddreg [dreg:$0x13]  }
0x3a: {  	[tilespmem:s10], [sflag:$0x3] =	stream.linear.gather [hbm4b:s12+s4], $0x50, $0x38;
	[tilespmem:$0x1DC80] =	vst v63  }
0x3b: {  	s5 =	simm.s32 $0x0;
	s12 =	simm.s32 $0x200  }
.LBB2_2:
0x3c: {  	p1 =	sne.s32 s12, $0x9E00;
	[tilespmem:s5+$0x2C70] =	vst v0  }
0x3d: {  	[tilespmem:s5+$0x2C00] =	vst v0  }
0x3e: {  	[tilespmem:s5+$0x2C10] =	vst v0  }
.Ltmp0:
0x3f: {  	[tilespmem:s5+$0x2C20] =	vst v0;
	(pc) =	sbr.rel @p1 .LBB2_2-.Ltmp0, $4  }
0x40: {  	[tilespmem:s5+$0x2C30] =	vst v0  }
0x41: {  	[tilespmem:s5+$0x2C40] =	vst v0  }
0x42: {  	[tilespmem:s5+$0x2C50] =	vst v0  }
0x43: {  	[tilespmem:s5+$0x2C60] =	vst v0;
	s5 =	sshra.s32 s12, $0x2;
	s12 =	sadd.s32 $0x200, s12  }
0x44: {  	[tilespmem:s5+$0x2C70] =	vst v0  }
0x45: {  	[tilespmem:s5+$0x2C00] =	vst v0  }
0x46: {  	[tilespmem:s5+$0x2C10] =	vst v0  }
0x47: {  	[tilespmem:s5+$0x2C20] =	vst v0  }
0x48: {  	[tilespmem:s5+$0x2C30] =	vst v0  }
0x49: {  	[tilespmem:s5+$0x2C40] =	vst v0  }
0x4a: {  	[tilespmem:s5+$0x2C50] =	vst v0  }
0x4b: {  	[tilespmem:s5+$0x2C60] =	vst v0;
	s0 =	rddreg [dreg:$0x14]  }
0x4c: {  	[spmem:s31] =	stream.linear.scatter [tilespmem:s14], [sflag:$0x9], $0x2800, $0x38;
	[tilespmem:$0x1DC80] =	vst v63  }
0x4d: {  	s12 =	rddreg [dreg:$0x15]  }
0x4e: {  	[spmem:s0] =	stream.linear.scatter [tilespmem:s14], [sflag:$0x9], $0x2800, $0x38;
	[tilespmem:$0x1DC80] =	vst v63  }
0x4f: {  	s5 =	rddreg [dreg:$0x16]  }
0x50: {  	[spmem:s12] =	stream.linear.scatter [tilespmem:s14], [sflag:$0x9], $0x2800, $0x38;
	[tilespmem:$0x1DC80] =	vst v63  }
0x51: {  	s12 =	sld [smem:$0x7F9]  }
0x52: {  	[spmem:s5] =	stream.linear.scatter [tilespmem:s14], [sflag:$0x9], $0x2800, $0x38;
	[tilespmem:$0x1DC80] =	vst v63  }
0x53: {  	s5 =	sld [smem:$0x7FA]  }
0x54: {  	[spmem:s12] =	stream.linear.scatter [tilespmem:s14], [sflag:$0x9], $0x2800, $0x38;
	[tilespmem:$0x1DC80] =	vst v63  }
0x55: {  	s12 =	sld [smem:$0x7FB]  }
0x56: {  	[spmem:s5] =	stream.linear.scatter [tilespmem:s14], [sflag:$0x9], $0x2800, $0x38;
	[tilespmem:$0x1DC80] =	vst v63  }
0x57: {  	s5 =	sld [smem:$0x7FC]  }
0x58: {  	[spmem:s12] =	stream.linear.scatter [tilespmem:s14], [sflag:$0x9], $0x2800, $0x38;
	[tilespmem:$0x1DC80] =	vst v63  }
0x59: {  	_ = 	snop  }
0x5a: {  	[spmem:s5] =	stream.linear.scatter [tilespmem:s14], [sflag:$0x9], $0x2000, $0x38;
	[tilespmem:$0x1DC80] =	vst v63  }
0x5b: {  	s5 =	simm.s32 @!p0 $0x2C00  }
0x5c: {  	[spmem:s6] =	stream.linear.scatter @!p0 [tilespmem:s5], [sflag:$0xD], $0x800, $0x38;
	[tilespmem:$0x1DC80] =	vst v63  }
0x5d: {  	s5 =	simm.s32 @!p0 $0xD  }
0x5e: {  	_ =	swait.ge @!p0 [sflag:s5], $0x800  }
0x5f: {  	[sflag:s5] =	ssyncset.done @!p0 $0x0  }
0x60: {  	[sflag:s5] =	ssyncadd.s32 @!p0 $0xFFFFF800  }
0x61: {  	_ =	swait.ge [sflag:s11], $0x50  }
0x62: {  	[sflag:s11] =	ssyncset.done $0x0  }
0x63: {  	[sflag:s11] =	ssyncadd.s32 $0xFFFFFFB0  }
0x64: {  	_ =	swait.ge [sflag:s11], $0x50  }
0x65: {  	[sflag:s11] =	ssyncset.done $0x0  }
0x66: {  	s12 =	simm.s32 $0x0;
	[sflag:s11] =	ssyncadd.s32 $0xFFFFFFB0  }
0x67: {  	[tilespmem:s18], [sflag:$0x5] =	stream.indirect.gather [hbm4b:s29+s13], $0x80, s12, s13, $0xb8;
	[tilespmem:$0x1DC80] =	vst v63  }
0x68: {  	_ =	swait.ge [sflag:s28], $0x2800  }
0x69: {  	[sflag:s28] =	ssyncset.done $0x0  }
0x6a: {  	[sflag:s28] =	ssyncadd.s32 $0xFFFFD800  }
0x6b: {  	_ =	swait.ge [sflag:s28], $0x2800  }
0x6c: {  	[sflag:s28] =	ssyncset.done $0x0  }
0x6d: {  	[sflag:s28] =	ssyncadd.s32 $0xFFFFD800  }
0x6e: {  	_ =	swait.ge [sflag:s28], $0x2800  }
0x6f: {  	[sflag:s28] =	ssyncset.done $0x0  }
0x70: {  	[sflag:s28] =	ssyncadd.s32 $0xFFFFD800  }
0x71: {  	_ =	swait.ge [sflag:s28], $0x2800  }
0x72: {  	[sflag:s28] =	ssyncset.done $0x0  }
0x73: {  	[sflag:s28] =	ssyncadd.s32 $0xFFFFD800  }
0x74: {  	_ =	swait.ge [sflag:s28], $0x2800  }
0x75: {  	[sflag:s28] =	ssyncset.done $0x0  }
0x76: {  	[sflag:s28] =	ssyncadd.s32 $0xFFFFD800  }
0x77: {  	_ =	swait.ge [sflag:s28], $0x2800  }
0x78: {  	[sflag:s28] =	ssyncset.done $0x0  }
0x79: {  	[sflag:s28] =	ssyncadd.s32 $0xFFFFD800  }
0x7a: {  	_ =	swait.ge [sflag:s28], $0x2800  }
0x7b: {  	[sflag:s28] =	ssyncset.done $0x0  }
0x7c: {  	[sflag:s28] =	ssyncadd.s32 $0xFFFFD800  }
0x7d: {  	_ =	swait.ge [sflag:s28], $0x2000  }
0x7e: {  	[sflag:s28] =	ssyncset.done $0x0  }
0x7f: {  	[sflag:s28] =	ssyncadd.s32 $0xFFFFE000  }
0x80: {  	[bflag:$0x0] =	sbarrier.arrive $0xFFFF  }
0x81: {  	_ =	swait.ge [sflag:s16], $0x50  }
0x82: {  	[sflag:s16] =	ssyncset.done $0x0  }
0x83: {  	[sflag:s16] =	ssyncadd.s32 $0xFFFFFFB0  }
0x84: {  	_ =	swait.ge [sflag:s16], $0x50  }
0x85: {  	[sflag:s16] =	ssyncset.done $0x0  }
0x86: {  	[sflag:s16] =	ssyncadd.s32 $0xFFFFFFB0  }
0x87: {  	[tilespmem:s14], [sflag:$0x6] =	stream.indirect.gather [hbm4b:s29+s13], $0x80, s7, s13, $0xb8;
	[tilespmem:$0x1DC80] =	vst v63  }
0x88: {  	_ =	swait.ge [sflag:s15], $0x2800  }
0x89: {  	[sflag:s15] =	ssyncset.done $0x0  }
0x8a: {  	[sflag:s15] =	ssyncadd.s32 $0xFFFFD800  }
0x8b: {  	[spmem:s2] =	stream.indirect.scatter.add.f32 [tilespmem:s18], [sflag:$0x9], $0x80, s3, s13, $0xb8;
	[tilespmem:$0x1DC80] =	vst v63  }
0x8c: {  	s6 =	rddreg [dreg:$0x18]  }
0x8d: {  	[tilespmem:s19], [sflag:$0x4] =	stream.linear.gather [hbm4b:s6+s12], $0x50, $0x38;
	[tilespmem:$0x1DC80] =	vst v63  }
0x8e: {  	s5 =	rddreg [dreg:$0x19]  }
0x8f: {  	[tilespmem:s21], [sflag:$0x4] =	stream.linear.gather [hbm4b:s5+s12], $0x50, $0x38;
	[tilespmem:$0x1DC80] =	vst v63  }
0x90: {  	_ =	swait.ge [sflag:s20], $0x50  }
0x91: {  	[sflag:s20] =	ssyncset.done $0x0  }
0x92: {  	[sflag:s20] =	ssyncadd.s32 $0xFFFFFFB0  }
0x93: {  	_ =	swait.ge [sflag:s20], $0x50  }
0x94: {  	[sflag:s20] =	ssyncset.done $0x0  }
0x95: {  	[sflag:s20] =	ssyncadd.s32 $0xFFFFFFB0  }
0x96: {  	[tilespmem:s24], [sflag:$0x7] =	stream.indirect.gather [hbm4b:s29+s13], $0x80, s9, s13, $0xb8;
	[tilespmem:$0x1DC80] =	vst v63  }
0x97: {  	_ =	swait.ge [sflag:s22], $0x2800  }
0x98: {  	[sflag:s22] =	ssyncset.done $0x0  }
0x99: {  	[sflag:s22] =	ssyncadd.s32 $0xFFFFD800  }
0x9a: {  	[spmem:s2] =	stream.indirect.scatter.add.f32 [tilespmem:s14], [sflag:$0xA], $0x80, s8, s13, $0xb8;
	[tilespmem:$0x1DC80] =	vst v63  }
0x9b: {  	_ =	swait.ge [sflag:s28], $0x2800  }
0x9c: {  	[sflag:s28] =	ssyncset.done $0x0  }
0x9d: {  	s6 =	rddreg [dreg:$0x1a];
	[sflag:s28] =	ssyncadd.s32 $0xFFFFD800  }
0x9e: {  	[tilespmem:s12], [sflag:$0x1] =	stream.linear.gather [hbm4b:s6+s12], $0x50, $0x38;
	[tilespmem:$0x1DC80] =	vst v63  }
0x9f: {  	s5 =	rddreg [dreg:$0x1b]  }
0xa0: {  	[tilespmem:s3], [sflag:$0x1] =	stream.linear.gather [hbm4b:s5+s12], $0x50, $0x38;
	[tilespmem:$0x1DC80] =	vst v63  }
0xa1: {  	_ =	swait.ge [sflag:s23], $0x50  }
0xa2: {  	[sflag:s23] =	ssyncset.done $0x0  }
0xa3: {  	[sflag:s23] =	ssyncadd.s32 $0xFFFFFFB0  }
0xa4: {  	_ =	swait.ge [sflag:s23], $0x50  }
0xa5: {  	[sflag:s23] =	ssyncset.done $0x0  }
0xa6: {  	[sflag:s23] =	ssyncadd.s32 $0xFFFFFFB0  }
0xa7: {  	[tilespmem:s17], [sflag:$0x8] =	stream.indirect.gather [hbm4b:s29+s13], $0x80, s19, s13, $0xb8;
	[tilespmem:$0x1DC80] =	vst v63  }
0xa8: {  	_ =	swait.ge [sflag:s25], $0x2800  }
0xa9: {  	[sflag:s25] =	ssyncset.done $0x0  }
0xaa: {  	[sflag:s25] =	ssyncadd.s32 $0xFFFFD800  }
0xab: {  	[spmem:s2] =	stream.indirect.scatter.add.f32 [tilespmem:s24], [sflag:$0xB], $0x80, s10, s13, $0xb8;
	[tilespmem:$0x1DC80] =	vst v63  }
0xac: {  	_ =	swait.ge [sflag:s26], $0x2800  }
0xad: {  	[sflag:s26] =	ssyncset.done $0x0  }
0xae: {  	s6 =	rddreg [dreg:$0x1c];
	[sflag:s26] =	ssyncadd.s32 $0xFFFFD800  }
0xaf: {  	[tilespmem:s7], [sflag:$0x2] =	stream.linear.gather [hbm4b:s6+s12], $0x50, $0x38;
	[tilespmem:$0x1DC80] =	vst v63  }
0xb0: {  	s5 =	rddreg [dreg:$0x1d]  }
0xb1: {  	[tilespmem:s8], [sflag:$0x2] =	stream.linear.gather [hbm4b:s5+s12], $0x50, $0x38;
	[tilespmem:$0x1DC80] =	vst v63  }
0xb2: {  	_ =	swait.ge [sflag:s11], $0x50  }
0xb3: {  	[sflag:s11] =	ssyncset.done $0x0  }
0xb4: {  	[sflag:s11] =	ssyncadd.s32 $0xFFFFFFB0  }
0xb5: {  	_ =	swait.ge [sflag:s11], $0x50  }
0xb6: {  	[sflag:s11] =	ssyncset.done $0x0  }
0xb7: {  	[sflag:s11] =	ssyncadd.s32 $0xFFFFFFB0  }
0xb8: {  	[tilespmem:s18], [sflag:$0x5] =	stream.indirect.gather [hbm4b:s29+s13], $0x80, s4, s13, $0xb8;
	[tilespmem:$0x1DC80] =	vst v63  }
0xb9: {  	_ =	swait.ge [sflag:s1], $0x2800  }
0xba: {  	[sflag:s1] =	ssyncset.done $0x0  }
0xbb: {  	[sflag:s1] =	ssyncadd.s32 $0xFFFFD800  }
0xbc: {  	[spmem:s2] =	stream.indirect.scatter.add.f32 [tilespmem:s17], [sflag:$0xC], $0x80, s21, s13, $0xb8;
	[tilespmem:$0x1DC80] =	vst v63  }
0xbd: {  	_ =	swait.ge [sflag:s30], $0x2800  }
0xbe: {  	s6 =	rddreg [dreg:$0xa];
	[sflag:s30] =	ssyncset.done $0x0  }
0xbf: {  	s31 =	rddreg [dreg:$0x9];
	[sflag:s30] =	ssyncadd.s32 $0xFFFFD800;
	s5 =	sadd.s32 $0x0, s6  }
0xc0: {  	[tilespmem:s9], [sflag:$0x3] =	stream.linear.gather [hbm4b:s5+s4], $0x50, $0x38;
	[tilespmem:$0x1DC80] =	vst v63  }
0xc1: {  	s17 =	sadd.s32 $0x0, s31  }
0xc2: {  	[tilespmem:s10], [sflag:$0x3] =	stream.linear.gather [hbm4b:s17+s4], $0x50, $0x38;
	[tilespmem:$0x1DC80] =	vst v63  }
0xc3: {  	_ =	swait.ge [sflag:s16], $0x50  }
0xc4: {  	[sflag:s16] =	ssyncset.done $0x0  }
0xc5: {  	[sflag:s16] =	ssyncadd.s32 $0xFFFFFFB0  }
0xc6: {  	_ =	swait.ge [sflag:s16], $0x50  }
0xc7: {  	[sflag:s16] =	ssyncset.done $0x0  }
0xc8: {  	[sflag:s16] =	ssyncadd.s32 $0xFFFFFFB0  }
0xc9: {  	[tilespmem:s14], [sflag:$0x6] =	stream.indirect.gather [hbm4b:s29+s13], $0x80, s7, s13, $0xb8;
	[tilespmem:$0x1DC80] =	vst v63  }
0xca: {  	_ =	swait.ge [sflag:s15], $0x2800  }
0xcb: {  	[sflag:s15] =	ssyncset.done $0x0  }
0xcc: {  	s6 =	simm.s32 $0xC;
	[sflag:s15] =	ssyncadd.s32 $0xFFFFD800  }
0xcd: {  	[spmem:s2] =	stream.indirect.scatter.add.f32 [tilespmem:s18], [sflag:$0x9], $0x80, s3, s13, $0xb8;
	[tilespmem:$0x1DC80] =	vst v63  }
0xce: {  	_ =	swait.ge [sflag:s6], $0x2800  }
0xcf: {  	s15 =	rddreg [dreg:$0x8];
	[sflag:s6] =	ssyncset.done $0x0  }
0xd0: {  	s31 =	rddreg [dreg:$0x7];
	[sflag:s6] =	ssyncadd.s32 $0xFFFFD800;
	s5 =	sadd.s32 $0x0, s15  }
0xd1: {  	[tilespmem:s19], [sflag:$0x4] =	stream.linear.gather [hbm4b:s5+s4], $0x50, $0x38;
	[tilespmem:$0x1DC80] =	vst v63  }
0xd2: {  	s17 =	sadd.s32 $0x0, s31  }
0xd3: {  	[tilespmem:s21], [sflag:$0x4] =	stream.linear.gather [hbm4b:s17+s4], $0x50, $0x38;
	[tilespmem:$0x1DC80] =	vst v63  }
0xd4: {  	_ =	swait.ge [sflag:s20], $0x50  }
0xd5: {  	[sflag:s20] =	ssyncset.done $0x0  }
0xd6: {  	[sflag:s20] =	ssyncadd.s32 $0xFFFFFFB0  }
0xd7: {  	_ =	swait.ge [sflag:s20], $0x50  }
0xd8: {  	[sflag:s20] =	ssyncset.done $0x0  }
0xd9: {  	[sflag:s20] =	ssyncadd.s32 $0xFFFFFFB0  }
0xda: {  	[tilespmem:s24], [sflag:$0x7] =	stream.indirect.gather [hbm4b:s29+s13], $0x80, s9, s13, $0xb8;
	[tilespmem:$0x1DC80] =	vst v63  }
0xdb: {  	_ =	swait.ge [sflag:s22], $0x2800  }
0xdc: {  	[sflag:s22] =	ssyncset.done $0x0  }
0xdd: {  	[sflag:s22] =	ssyncadd.s32 $0xFFFFD800  }
0xde: {  	[spmem:s2] =	stream.indirect.scatter.add.f32 [tilespmem:s14], [sflag:$0xA], $0x80, s8, s13, $0xb8;
	[tilespmem:$0x1DC80] =	vst v63  }
0xdf: {  	_ =	swait.ge [sflag:s28], $0x2800  }
0xe0: {  	s18 =	rddreg [dreg:$0x6];
	[sflag:s28] =	ssyncset.done $0x0  }
0xe1: {  	s31 =	rddreg [dreg:$0x5];
	[sflag:s28] =	ssyncadd.s32 $0xFFFFD800;
	s5 =	sadd.s32 $0x0, s18  }
0xe2: {  	[tilespmem:s4], [sflag:$0x1] =	stream.linear.gather [hbm4b:s5+s4], $0x50, $0x38;
	[tilespmem:$0x1DC80] =	vst v63  }
0xe3: {  	s21 =	sadd.s32 $0x0, s31  }
0xe4: {  	[tilespmem:s3], [sflag:$0x1] =	stream.linear.gather [hbm4b:s21+s4], $0x50, $0x38;
	[tilespmem:$0x1DC80] =	vst v63  }
0xe5: {  	_ =	swait.ge [sflag:s23], $0x50  }
0xe6: {  	[sflag:s23] =	ssyncset.done $0x0  }
0xe7: {  	[sflag:s23] =	ssyncadd.s32 $0xFFFFFFB0  }
0xe8: {  	_ =	swait.ge [sflag:s23], $0x50  }
0xe9: {  	[sflag:s23] =	ssyncset.done $0x0  }
0xea: {  	s30 =	simm.s32 $0x7C00;
	[sflag:s23] =	ssyncadd.s32 $0xFFFFFFB0  }
0xeb: {  	[tilespmem:s30], [sflag:$0x8] =	stream.indirect.gather [hbm4b:s29+s13], $0x80, s19, s13, $0xb8;
	[tilespmem:$0x1DC80] =	vst v63  }
0xec: {  	s1 =	simm.s32 $0x8;
	s15 =	simm.s32 $0x5;
	_ =	swait.ge [sflag:s25], $0x2800  }
0xed: {  	s22 =	smin.u32 s12, $0x73;
	s12 =	simm.s32 $0x28;
	[sflag:s25] =	ssyncset.done $0x0  }
0xee: {  	s8 =	simm.s32 $0xA;
	s28 =	simm.s32 $0x7;
	[sflag:s25] =	ssyncadd.s32 $0xFFFFD800  }
0xef: {  	[spmem:s2] =	stream.indirect.scatter.add.f32 [tilespmem:s24], [sflag:$0xB], $0x80, s10, s13, $0xb8;
	[tilespmem:$0x1DC80] =	vst v63  }
0xf0: {  	s31 =	simm.s32 $0x4;
	s5 =	smul.u32 $0x50, s22;
	_ =	swait.ge [sflag:s26], $0x2800  }
0xf1: {  	s22 =	simm.s32 $0x9;
	s21 =	simm.s32 $0xB;
	s24 =	rddreg [dreg:$0x4]  }
0xf2: {  	[sflag:s26] =	ssyncset.done $0x0;
	s25 =	rddreg [dreg:$0xb];
	s5 =	sadd.s32 s5, s24  }
0xf3: {  	s30 =	rddreg [dreg:$0xc];
	[sflag:s26] =	ssyncadd.s32 $0xFFFFD800;
	s5 =	sshrl.u32 s5, $0x3  }
0xf4: {  	s26 =	sadd.s32 s25, s5;
	s25 =	simm.s32 $0x6;
	s5 =	sadd.s32 s30, s5  }
0xf5: {  	[tilespmem:s7], [sflag:$0x2] =	stream.linear.gather [hbm4b:s26+s4], $0x50, $0x38;
	[tilespmem:$0x1DC80] =	vst v63  }
.LBB2_4:
0xf6: {  	s14 =	simm.s32 $0x180  }
0xf7: {  	[tilespmem:s14], [sflag:$0x2] =	stream.linear.gather [hbm4b:s5+s4], $0x50, $0x38;
	[tilespmem:$0x1DC80] =	vst v63  }
0xf8: {  	_ =	swait.ge [sflag:s11], $0x50  }
0xf9: {  	[sflag:s11] =	ssyncset.done $0x0  }
0xfa: {  	[sflag:s11] =	ssyncadd.s32 $0xFFFFFFB0  }
0xfb: {  	_ =	swait.ge [sflag:s11], $0x50  }
0xfc: {  	[sflag:s11] =	ssyncset.done $0x0  }
0xfd: {  	s10 =	simm.s32 $0x400;
	[sflag:s11] =	ssyncadd.s32 $0xFFFFFFB0  }
0xfe: {  	[tilespmem:s10], [sflag:$0x5] =	stream.indirect.gather [hbm4b:s29+s13], $0x80, s4, s13, $0xb8;
	[tilespmem:$0x1DC80] =	vst v63  }
0xff: {  	_ =	swait.ge [sflag:s1], $0x2800  }
0x100: {  	[sflag:s1] =	ssyncset.done $0x0  }
0x101: {  	s3 =	simm.s32 $0x7C00;
	s18 =	simm.s32 $0x380;
	[sflag:s1] =	ssyncadd.s32 $0xFFFFD800  }
0x102: {  	[spmem:s2] =	stream.indirect.scatter.add.f32 [tilespmem:s3], [sflag:$0xC], $0x80, s18, s13, $0xb8;
	[tilespmem:$0x1DC80] =	vst v63  }
0x103: {  	s26 =	simm.s32 $0x200;
	_ =	swait.ge [sflag:s21], $0x2800  }
0x104: {  	s5 =	smov.u32 s12;
	s6 =	rddreg [dreg:$0xa];
	[sflag:s21] =	ssyncset.done $0x0  }
0x105: {  	s0 =	rddreg [dreg:$0x9];
	[sflag:s21] =	ssyncadd.s32 $0xFFFFD800;
	s6 =	sadd.s32 s5, s6  }
0x106: {  	[tilespmem:s26], [sflag:$0x3] =	stream.linear.gather [hbm4b:s6+s4], $0x50, $0x38;
	[tilespmem:$0x1DC80] =	vst v63  }
0x107: {  	s19 =	simm.s32 $0x280;
	s0 =	sadd.s32 s5, s0  }
0x108: {  	[tilespmem:s19], [sflag:$0x3] =	stream.linear.gather [hbm4b:s0+s4], $0x50, $0x38;
	[tilespmem:$0x1DC80] =	vst v63  }
0x109: {  	_ =	swait.ge [sflag:s16], $0x50  }
0x10a: {  	[sflag:s16] =	ssyncset.done $0x0  }
0x10b: {  	[sflag:s16] =	ssyncadd.s32 $0xFFFFFFB0  }
0x10c: {  	_ =	swait.ge [sflag:s16], $0x50  }
0x10d: {  	[sflag:s16] =	ssyncset.done $0x0  }
0x10e: {  	s24 =	simm.s32 $0x2C00;
	s11 =	simm.s32 $0x100;
	[sflag:s16] =	ssyncadd.s32 $0xFFFFFFB0  }
0x10f: {  	[tilespmem:s24], [sflag:$0x6] =	stream.indirect.gather [hbm4b:s29+s13], $0x80, s11, s13, $0xb8;
	[tilespmem:$0x1DC80] =	vst v63  }
0x110: {  	_ =	swait.ge [sflag:s15], $0x2800  }
0x111: {  	[sflag:s15] =	ssyncset.done $0x0  }
0x112: {  	s30 =	simm.s32 $0x80;
	s7 =	simm.s32 $0xC;
	[sflag:s15] =	ssyncadd.s32 $0xFFFFD800  }
0x113: {  	[spmem:s2] =	stream.indirect.scatter.add.f32 [tilespmem:s10], [sflag:$0x9], $0x80, s30, s13, $0xb8;
	[tilespmem:$0x1DC80] =	vst v63  }
0x114: {  	_ =	swait.ge [sflag:s7], $0x2800  }
0x115: {  	s9 =	rddreg [dreg:$0x8]  }
0x116: {  	[sflag:s7] =	ssyncset.done $0x0;
	s10 =	rddreg [dreg:$0x7]  }
0x117: {  	[sflag:s7] =	ssyncadd.s32 $0xFFFFD800;
	s0 =	sadd.s32 s5, s9;
	s7 =	simm.s32 $0x300  }
0x118: {  	[tilespmem:s7], [sflag:$0x4] =	stream.linear.gather [hbm4b:s0+s4], $0x50, $0x38;
	[tilespmem:$0x1DC80] =	vst v63  }
0x119: {  	s17 =	sadd.s32 s5, s10  }
0x11a: {  	[tilespmem:s18], [sflag:$0x4] =	stream.linear.gather [hbm4b:s17+s4], $0x50, $0x38;
	[tilespmem:$0x1DC80] =	vst v63  }
0x11b: {  	_ =	swait.ge [sflag:s20], $0x50  }
0x11c: {  	[sflag:s20] =	ssyncset.done $0x0  }
0x11d: {  	[sflag:s20] =	ssyncadd.s32 $0xFFFFFFB0  }
0x11e: {  	_ =	swait.ge [sflag:s20], $0x50  }
0x11f: {  	[sflag:s20] =	ssyncset.done $0x0  }
0x120: {  	s17 =	simm.s32 $0x5400;
	[sflag:s20] =	ssyncadd.s32 $0xFFFFFFB0  }
0x121: {  	[tilespmem:s17], [sflag:$0x7] =	stream.indirect.gather [hbm4b:s29+s13], $0x80, s26, s13, $0xb8;
	[tilespmem:$0x1DC80] =	vst v63  }
0x122: {  	_ =	swait.ge [sflag:s25], $0x2800  }
0x123: {  	[sflag:s25] =	ssyncset.done $0x0  }
0x124: {  	[sflag:s25] =	ssyncadd.s32 $0xFFFFD800  }
0x125: {  	[spmem:s2] =	stream.indirect.scatter.add.f32 [tilespmem:s24], [sflag:$0xA], $0x80, s14, s13, $0xb8;
	[tilespmem:$0x1DC80] =	vst v63  }
0x126: {  	_ =	swait.ge [sflag:s22], $0x2800  }
0x127: {  	s6 =	rddreg [dreg:$0x6];
	[sflag:s22] =	ssyncset.done $0x0  }
0x128: {  	s10 =	rddreg [dreg:$0x5];
	[sflag:s22] =	ssyncadd.s32 $0xFFFFD800;
	s0 =	sadd.s32 s5, s6  }
0x129: {  	[tilespmem:s4], [sflag:$0x1] =	stream.linear.gather [hbm4b:s0+s4], $0x50, $0x38;
	[tilespmem:$0x1DC80] =	vst v63  }
0x12a: {  	s14 =	sadd.s32 s5, s10  }
0x12b: {  	[tilespmem:s30], [sflag:$0x1] =	stream.linear.gather [hbm4b:s14+s4], $0x50, $0x38;
	[tilespmem:$0x1DC80] =	vst v63  }
0x12c: {  	_ =	swait.ge [sflag:s23], $0x50  }
0x12d: {  	[sflag:s23] =	ssyncset.done $0x0  }
0x12e: {  	[sflag:s23] =	ssyncadd.s32 $0xFFFFFFB0  }
0x12f: {  	_ =	swait.ge [sflag:s23], $0x50  }
0x130: {  	[sflag:s23] =	ssyncset.done $0x0  }
0x131: {  	[sflag:s23] =	ssyncadd.s32 $0xFFFFFFB0  }
0x132: {  	[tilespmem:s3], [sflag:$0x8] =	stream.indirect.gather [hbm4b:s29+s13], $0x80, s7, s13, $0xb8;
	[tilespmem:$0x1DC80] =	vst v63  }
0x133: {  	_ =	swait.ge [sflag:s28], $0x2800  }
0x134: {  	[sflag:s28] =	ssyncset.done $0x0  }
0x135: {  	[sflag:s28] =	ssyncadd.s32 $0xFFFFD800  }
0x136: {  	[spmem:s2] =	stream.indirect.scatter.add.f32 [tilespmem:s17], [sflag:$0xB], $0x80, s19, s13, $0xb8;
	[tilespmem:$0x1DC80] =	vst v63  }
0x137: {  	p1 =	sne.s32 s12, $0x488;
	s12 =	sadd.s32 $0x28, s12;
	s17 =	smin.u32 s31, $0x73  }
0x138: {  	s9 =	simm.s32 $0x380;
	_ =	swait.ge [sflag:s8], $0x2800;
	s0 =	smul.u32 $0x50, s17  }
0x139: {  	s18 =	simm.s32 $0x180;
	s6 =	simm.s32 $0x80;
	s19 =	rddreg [dreg:$0x4]  }
.Ltmp1:
0x13a: {  	s10 =	simm.s32 $0x7C00;
	s0 =	sadd.s32 s0, s19;
	(pc) =	sbr.rel @p1 .LBB2_4-.Ltmp1, $4  }
0x13b: {  	[sflag:s8] =	ssyncset.done $0x0;
	s24 =	rddreg [dreg:$0xb];
	s0 =	sshrl.u32 s0, $0x3  }
0x13c: {  	s30 =	rddreg [dreg:$0xc];
	[sflag:s8] =	ssyncadd.s32 $0xFFFFD800;
	s26 =	sadd.s32 s24, s0  }
0x13d: {  	[tilespmem:s11], [sflag:$0x2] =	stream.linear.gather [hbm4b:s26+s4], $0x50, $0x38;
	[tilespmem:$0x1DC80] =	vst v63  }
0x13e: {  	s31 =	sadd.s32 $0x4, s31;
	s5 =	sadd.s32 s30, s0;
	s11 =	simm.s32 $0x1  }
0x13f: {  	[tilespmem:s18], [sflag:$0x2] =	stream.linear.gather [hbm4b:s5+s4], $0x50, $0x38;
	[tilespmem:$0x1DC80] =	vst v63  }
0x140: {  	_ =	swait.ge [sflag:s11], $0x50  }
0x141: {  	[sflag:s11] =	ssyncset.done $0x0  }
0x142: {  	[sflag:s11] =	ssyncadd.s32 $0xFFFFFFB0  }
0x143: {  	_ =	swait.ge [sflag:s11], $0x50  }
0x144: {  	[sflag:s11] =	ssyncset.done $0x0  }
0x145: {  	s0 =	simm.s32 $0x400;
	[sflag:s11] =	ssyncadd.s32 $0xFFFFFFB0  }
0x146: {  	[tilespmem:s0], [sflag:$0x5] =	stream.indirect.gather [hbm4b:s29+s13], $0x80, s4, s13, $0xb8;
	[tilespmem:$0x1DC80] =	vst v63  }
0x147: {  	_ =	swait.ge [sflag:s1], $0x2800  }
0x148: {  	[sflag:s1] =	ssyncset.done $0x0  }
0x149: {  	[sflag:s1] =	ssyncadd.s32 $0xFFFFD800  }
0x14a: {  	[spmem:s2] =	stream.indirect.scatter.add.f32 [tilespmem:s10], [sflag:$0xC], $0x80, s9, s13, $0xb8;
	[tilespmem:$0x1DC80] =	vst v63  }
0x14b: {  	_ =	swait.ge [sflag:s21], $0x2800  }
0x14c: {  	[sflag:s21] =	ssyncset.done $0x0  }
0x14d: {  	[sflag:s21] =	ssyncadd.s32 $0xFFFFD800  }
0x14e: {  	_ =	swait.ge [sflag:s15], $0x2800  }
0x14f: {  	[sflag:s15] =	ssyncset.done $0x0  }
0x150: {  	s19 =	simm.s32 $0xC;
	[sflag:s15] =	ssyncadd.s32 $0xFFFFD800  }
0x151: {  	[spmem:s2] =	stream.indirect.scatter.add.f32 [tilespmem:s0], [sflag:$0x9], $0x80, s6, s13, $0xb8;
	[tilespmem:$0x1DC80] =	vst v63  }
0x152: {  	_ =	swait.ge [sflag:s19], $0x2800  }
0x153: {  	[sflag:s19] =	ssyncset.done $0x0  }
0x154: {  	[sflag:s19] =	ssyncadd.s32 $0xFFFFD800  }
0x155: {  	_ =	swait.ge [sflag:s22], $0x2800  }
0x156: {  	[sflag:s22] =	ssyncset.done $0x0  }
0x157: {  	[sflag:s22] =	ssyncadd.s32 $0xFFFFD800  }
0x158: {  	_ =	swait.ge [sflag:s16], $0x50  }
0x159: {  	[sflag:s16] =	ssyncset.done $0x0  }
0x15a: {  	[sflag:s16] =	ssyncadd.s32 $0xFFFFFFB0  }
0x15b: {  	_ =	swait.ge [sflag:s16], $0x50  }
0x15c: {  	[sflag:s16] =	ssyncset.done $0x0  }
0x15d: {  	[sflag:s16] =	ssyncadd.s32 $0xFFFFFFB0  }
0x15e: {  	s21 =	stileid.u32;
	[bflag:$0x0] =	sbarrier.arrive $0xFFFF  }
0x15f: {  	s24 =	simm.s32 $0xD;
	s0 =	sshll.u32 s21, $0x6;
	s31 =	rddreg [dreg:$0x12]  }
0x160: {  	s0 =	sor.u32 $0x1C0D, s0;
	s3 =	rddreg [dreg:$0x17];
	s22 =	sshrl.u32 s31, $0x3  }
0x161: {  	[hbm:s3], [sflag:s0] =	dma.local [spmem:s22], $0x2700  }
0x162: {  	_ =	swait.ge [sflag:s24], $0x2700  }
0x163: {  	s6 =	sld [smem:$0x7FD];
	_ =	sdelay $0x1  }
0x164: {  	[sflag:s24] =	ssyncset.done $0x0  }
0x165: {  	s3 =	rddreg [dreg:$0x1e];
	[sflag:s24] =	ssyncadd.s32 $0xFFFFD900;
	s5 =	sshrl.u32 @!p0 s6, $0x3  }
0x166: {  	[hbm:s3], [sflag:s0] =	dma.local @!p0 [spmem:s5], $0x100  }
0x167: {  	s0 =	simm.s32 @!p0 $0xD  }
0x168: {  	_ =	swait.ge @!p0 [sflag:s0], $0x100  }
0x169: {  	s25 =	sld [smem:$0x7F8];
	_ =	sdelay $0x1  }
0x16a: {  	s7 =	simm.s32 $0x100;
	s8 =	simm.s32 $0x180;
	s14 =	simm.s32 $0x2C00  }
0x16b: {  	s18 =	simm.s32 $0x400;
	s26 =	rddreg [dreg:$0x1f];
	s5 =	sadd.s32 $0x1, s25  }
0x16c: {  	s28 =	simm.s32 $0x9;
	s17 =	simm.s32 $0x7C00;
	p1 =	sne.s32 s5, s26  }
.Ltmp2:
0x16d: {  	s30 =	simm.s32 $0xB;
	s1 =	simm.s32 $0x8;
	(pc) =	sbr.rel @p1 .LBB2_1-.Ltmp2, $4  }
0x16e: {  	s9 =	simm.s32 $0x200;
	s10 =	simm.s32 $0x280;
	s15 =	simm.s32 $0x5  }
0x16f: {  	s21 =	simm.s32 $0x380;
	s19 =	simm.s32 $0x300;
	s22 =	simm.s32 $0x6  }
0x170: {  	s24 =	simm.s32 $0x5400;
	s3 =	simm.s32 $0x80;
	[sflag:s0] =	ssyncset.done @!p0 $0x0  }
0x171: {  	[sflag:s0] =	ssyncadd.s32 @!p0 $0xFFFFFF00;
	s25 =	simm.s32 $0x7;
	s26 =	simm.s32 $0xA  }
0x172: {  	_ =	sfence.sel $0x180000  }
0x173: {  	[bflag:$0x0] =	sbarrier.arrive $0xFFFF  }
0x174: {  	_ =	strace $0x90000047  }
0x175: {  	[bflag:$0x2] =	sbarrier.arrive $0xFFFF  }
0x176: {  	s0 =	rddreg [dreg:$0x3]  }
0x177: {  	s0 =	sadd.s32 @!p0 $0x100000, s0  }
0x178: {  	[sflag:s0] =	ssyncadd.tile.s32 @!p0 $0x1;
	_ =	shalt  }
.Lfunc_end2:
_tile_overlayer_lowered:
.L_overlay_start_2:
0x179: {  	(tag) =	ssettag $0x2  }
0x17a: {  	s0 =	rddreg [dreg:$0x0];
	s2 =	stileid.u32  }
0x17b: {  	s1 =	rddreg [dreg:$0x1];
	p0 =	sne.s32 s2, $0x0  }
0x17c: {  	s3 =	rddreg [dreg:$0x2];
	[bflag:$0x3] =	sbarrier.arrive $0xFFFF;
	s2 =	simm.s32 @!p0 $0x1C0D  }
0x17d: {  	[timem:s3], [sflag:s2] =	dma.local @!p0 [hbm:s0], s1  }
0x17e: {  	s0 =	simm.s32 @!p0 $0xD  }
0x17f: {  	_ =	swait.ge @!p0 [sflag:s0], s1  }
0x180: {  	s1 =	ssub.s32 @!p0 $0x0, s1;
	[sflag:s0] =	ssyncset.done @!p0 $0x0  }
0x181: {  	[sflag:s0] =	ssyncadd.s32 @!p0 s1  }
0x182: {  	[bflag:$0x3] =	sbarrier.arrive $0xFFFF  }
0x183: {  	_ =	shalt  }

</sc_bundles>
